<compile_context>
chip_gen: v7x
topology: tpu7x:2x2x1
jax: 0.10.2.dev20260603
libtpu: 0.0.44.dev20260713+nightly
codegen_flags: <defaults>
</compile_context>

<pallas_src>
import functools

import jax
import jax.numpy as jnp
from jax import lax
from jax.experimental import pallas as pl
from jax.experimental.pallas import tpu as pltpu
from jax.experimental.pallas import tpu_sc as plsc

NC = 2
NS = 16
NW = NC * NS
CHUNK = 128


def _sc_mesh():
    return plsc.VectorSubcoreMesh(
        core_axis_name="c", subcore_axis_name="s", num_cores=NC, num_subcores=NS
    )


def _make_gather(n, d, c_lo, c_hi):
    dp = d // 2
    ncr = c_hi - c_lo

    @functools.partial(
        pl.kernel,
        mesh=_sc_mesh(),
        out_type=jax.ShapeDtypeStruct((ncr * CHUNK, d), jnp.int32),
        scratch_types=[
            pltpu.VMEM((CHUNK,), jnp.int32),
            pltpu.VMEM((CHUNK,), jnp.int32),
            pltpu.VMEM((CHUNK, dp), jnp.int32),
            pltpu.VMEM((CHUNK, dp), jnp.int32),
            pltpu.SemaphoreType.DMA,
            pltpu.SemaphoreType.DMA,
        ],
        compiler_params=pltpu.CompilerParams(use_tc_tiling_on_sc=False),
    )
    def gather_k(x_hbm, src_hbm, dst_hbm, xg_out, sidx, didx, srows, drows, s1, s2):
        cid = lax.axis_index("c")
        sid = lax.axis_index("s")
        wid = sid * NC + cid
        w0 = (ncr * wid) // NW
        w1 = (ncr * (wid + 1)) // NW

        def body(c, _):
            base = (c_lo + c) * CHUNK
            pltpu.sync_copy(src_hbm.at[pl.ds(base, CHUNK)], sidx)
            pltpu.sync_copy(dst_hbm.at[pl.ds(base, CHUNK)], didx)
            cp1 = pltpu.async_copy(x_hbm.at[sidx], srows, s1)
            cp2 = pltpu.async_copy(x_hbm.at[didx], drows, s2)
            cp1.wait()
            cp2.wait()
            pltpu.sync_copy(srows, xg_out.at[pl.ds(c * CHUNK, CHUNK), pl.ds(0, dp)])
            pltpu.sync_copy(drows, xg_out.at[pl.ds(c * CHUNK, CHUNK), pl.ds(dp, dp)])
            return 0

        lax.fori_loop(w0, w1, body, 0)

    return gather_k


def _make_scatter(n_pad, d, c_lo, c_hi):
    rows_per_tile = n_pad // NS
    ncr = c_hi - c_lo

    @functools.partial(
        pl.kernel,
        mesh=_sc_mesh(),
        out_type=jax.ShapeDtypeStruct((NC, n_pad, d), jnp.float32),
        scratch_types=[
            pltpu.VMEM_SHARED((n_pad, d), jnp.float32),
            pltpu.VMEM((CHUNK,), jnp.int32),
            pltpu.VMEM((CHUNK, d), jnp.float32),
        ],
    )
    def scatter_k(m_hbm, dst_hbm, zero_hbm, acc_out, acc, didx, mrows):
        cid = lax.axis_index("c")
        sid = lax.axis_index("s")
        wid = sid * NC + cid
        w0 = (ncr * wid) // NW
        w1 = (ncr * (wid + 1)) // NW

        r0 = sid * rows_per_tile
        pltpu.sync_copy(zero_hbm.at[pl.ds(r0, rows_per_tile)], acc.at[pl.ds(r0, rows_per_tile)])
        plsc.subcore_barrier()

        def body(c, _):
            pltpu.sync_copy(dst_hbm.at[pl.ds((c_lo + c) * CHUNK, CHUNK)], didx)
            pltpu.sync_copy(m_hbm.at[pl.ds(c * CHUNK, CHUNK)], mrows)
            pltpu.sync_copy(mrows, acc.at[didx], add=True)
            return 0

        lax.fori_loop(w0, w1, body, 0)
        plsc.subcore_barrier()
        pltpu.sync_copy(acc.at[pl.ds(r0, rows_per_tile)], acc_out.at[cid, pl.ds(r0, rows_per_tile)])

    return scatter_k


def _mlp_body(nrows, be, mask_from, xg_ref, e_ref,
              awlo_ref, awhi_ref, aw1e_ref, ab1_ref, aw2_ref, ab2_ref, aw3_ref, ab3_ref,
              mwlo_ref, mwhi_ref, mw1e_ref, mb1_ref, mw2_ref, mb2_ref, out_ref):
    xg = xg_ref[...]
    lo = jax.lax.bitcast_convert_type(xg << 16, jnp.float32).astype(jnp.bfloat16)
    hi = jax.lax.bitcast_convert_type(xg & jnp.int32(-65536), jnp.float32).astype(jnp.bfloat16)
    e = e_ref[...].astype(jnp.bfloat16)
    dot = functools.partial(jnp.dot, preferred_element_type=jnp.float32)
    t = dot(lo, awlo_ref[...]) + dot(hi, awhi_ref[...]) + dot(e, aw1e_ref[...]) + ab1_ref[...]
    t = jnp.maximum(t, 0.0).astype(jnp.bfloat16)
    t = jnp.maximum(dot(t, aw2_ref[...]) + ab2_ref[...], 0.0)
    a = dot(t.astype(jnp.bfloat16), aw3_ref[...]) + ab3_ref[...]
    h = dot(lo, mwlo_ref[...]) + dot(hi, mwhi_ref[...]) + dot(e, mw1e_ref[...]) + mb1_ref[...]
    h = jnp.maximum(h, 0.0).astype(jnp.bfloat16)
    m = dot(h, mw2_ref[...]) + mb2_ref[...]
    msg = jax.nn.sigmoid(a) * m
    if mask_from is not None:
        row = pl.program_id(0) * be + lax.broadcasted_iota(jnp.int32, msg.shape, 0)
        msg = jnp.where(row < mask_from, msg, 0.0)
    out_ref[...] = msg


def _combine_body(x_ref, *refs):
    arefs = refs[:-1]
    out_ref = refs[-1]
    acc = x_ref[...]
    for a_ref in arefs:
        acc = acc + a_ref[0] + a_ref[1]
    out_ref[...] = acc


def kernel(X, E, emb_nodes, emb_edges, edge_index,
           att_W1, att_b1, att_W2, att_b2, att_W3, att_b3,
           msg_W1, msg_b1, msg_W2, msg_b2):
    n, d = X.shape
    ne = E.shape[0]
    tch = -(-ne // CHUNK)
    ne_c = tch * CHUNK
    pad = ne_c - ne

    if pad:
        src = jnp.concatenate([edge_index[0], jnp.zeros((pad,), jnp.int32)])
        dst = jnp.concatenate([edge_index[1], jnp.zeros((pad,), jnp.int32)])
        e_in = jnp.concatenate([E, jnp.zeros((pad, d), jnp.float32)], axis=0)
    else:
        src = edge_index[0]
        dst = edge_index[1]
        e_in = E
    e_ret = jnp.copy(E)

    xb = X.astype(jnp.bfloat16)
    lo16 = jax.lax.bitcast_convert_type(xb[:, : d // 2], jnp.uint16).astype(jnp.uint32)
    hi16 = jax.lax.bitcast_convert_type(xb[:, d // 2:], jnp.uint16).astype(jnp.uint32)
    xpack = jax.lax.bitcast_convert_type((hi16 << 16) | lo16, jnp.int32)

    half = d // 2

    def wlo(w):
        return jnp.concatenate([w[:half], w[d:d + half]], axis=0).astype(jnp.bfloat16)

    def whi(w):
        return jnp.concatenate([w[half:d], w[d + half:2 * d]], axis=0).astype(jnp.bfloat16)

    weights = (
        wlo(att_W1), whi(att_W1), att_W1[2 * d:].astype(jnp.bfloat16), att_b1[None, :],
        att_W2.astype(jnp.bfloat16), att_b2[None, :],
        att_W3.astype(jnp.bfloat16), att_b3[None, :],
        wlo(msg_W1), whi(msg_W1), msg_W1[2 * d:].astype(jnp.bfloat16), msg_b1[None, :],
        msg_W2.astype(jnp.bfloat16), msg_b2[None, :],
    )
    wspecs = [
        (d, 96), (d, 96), (d, 96), (1, 96),
        (96, 48), (1, 48), (48, 1), (1, 1),
        (d, 256), (d, 256), (d, 256), (1, 256),
        (256, d), (1, d),
    ]

    n_pad = NS * 8 * (-(-n // (NS * 8)))
    zeros_nd = jnp.zeros((n_pad, d), jnp.float32)

    def full(shape):
        return pl.BlockSpec(shape, lambda i: tuple(0 for _ in shape))

    nslices = 4
    bounds = [(tch * s) // nslices for s in range(nslices + 1)]
    slices = list(zip(bounds[:-1], bounds[1:]))
    accs = []
    for (c_lo, c_hi) in slices:
        nrows = (c_hi - c_lo) * CHUNK
        xg = _make_gather(n, d, c_lo, c_hi)(xpack, src, dst)

        be = 4000 if nrows % 4000 == 0 and (c_lo * CHUNK) % 4000 == 0 else CHUNK
        grid = nrows // be
        off = (c_lo * CHUNK) // be
        mask_from = None if ne >= c_hi * CHUNK else ne - c_lo * CHUNK

        m_arr = pl.pallas_call(
            functools.partial(_mlp_body, nrows, be, mask_from),
            grid=(grid,),
            in_specs=[
                pl.BlockSpec((be, d), lambda i: (i, 0)),
                pl.BlockSpec((be, d), lambda i, off=off: (i + off, 0)),
            ] + [full(s) for s in wspecs],
            out_specs=pl.BlockSpec((be, d), lambda i: (i, 0)),
            out_shape=jax.ShapeDtypeStruct((nrows, d), jnp.float32),
            compiler_params=pltpu.CompilerParams(
                dimension_semantics=("arbitrary",),
            ),
        )(xg, e_in, *weights)

        accs.append(_make_scatter(n_pad, d, c_lo, c_hi)(m_arr, dst, zeros_nd))

    bn = 2000
    x_out = pl.pallas_call(
        _combine_body,
        grid=(n // bn,),
        in_specs=[pl.BlockSpec((bn, d), lambda i: (i, 0))] + [
            pl.BlockSpec((NC, bn, d), lambda i: (0, i, 0)) for _ in accs
        ],
        out_specs=pl.BlockSpec((bn, d), lambda i: (i, 0)),
        out_shape=jax.ShapeDtypeStruct((n, d), jnp.float32),
    )(X, *accs)

    return (x_out, e_ret)

# --- scband reference (transcript-rebuilt; emitter-appended) ---
"""Pipeline reference for scband-crystal-gnn-57964878627401 (READ-ONLY COPY).

The authoritative reference and input builder live on the scoring server;
editing this copy changes nothing except your own understanding.
"""

import jax, jax.numpy as jnp
import numpy as np


def _lin(k, i, o):
    return (jax.random.normal(k, (i, o), dtype=jnp.float32) / np.sqrt(i)).astype(jnp.float32)


def setup_inputs(seed: int = 0) -> dict:
    key = jax.random.key(seed)
    ks = jax.random.split(key, 10)
    N, NE, D = 10000, 320000, 128
    X = jax.random.normal(ks[0], (N, D), dtype=jnp.float32)
    E = jax.random.normal(ks[1], (NE, D), dtype=jnp.float32)
    emb_nodes = jnp.zeros((1,), dtype=jnp.float32)
    emb_edges = jnp.zeros((1,), dtype=jnp.float32)
    edge_index = jax.random.randint(ks[2], (2, NE), 0, N, dtype=jnp.int32)
    # dim_in * 3 = 384
    # mlp_att: [384, max(384//4,16)=96, max(384//8,4)=48, 1]
    att_W1 = _lin(ks[3], 384, 96); att_b1 = jnp.zeros((96,), jnp.float32)
    att_W2 = _lin(ks[4], 96, 48);  att_b2 = jnp.zeros((48,), jnp.float32)
    att_W3 = _lin(ks[5], 48, 1);   att_b3 = jnp.zeros((1,), jnp.float32)
    # mlp_msg: [384, (384+128)//2=256, 128]
    msg_W1 = _lin(ks[6], 384, 256); msg_b1 = jnp.zeros((256,), jnp.float32)
    msg_W2 = _lin(ks[7], 256, 128); msg_b2 = jnp.zeros((128,), jnp.float32)
    return {
        "X": X, "E": E, "emb_nodes": emb_nodes, "emb_edges": emb_edges,
        "edge_index": edge_index,
        "att_W1": att_W1, "att_b1": att_b1,
        "att_W2": att_W2, "att_b2": att_b2,
        "att_W3": att_W3, "att_b3": att_b3,
        "msg_W1": msg_W1, "msg_b1": msg_b1,
        "msg_W2": msg_W2, "msg_b2": msg_b2,
    }


def reference(X, E, emb_nodes, emb_edges, edge_index,
              att_W1, att_b1, att_W2, att_b2, att_W3, att_b3,
              msg_W1, msg_b1, msg_W2, msg_b2):
    src = edge_index[0]
    dst = edge_index[1]
    H = jnp.concatenate([jnp.take(X, src, axis=0), jnp.take(X, dst, axis=0), E], axis=-1)
    # mlp_att: Linear->ReLU->Linear->ReLU->Linear
    a = jax.nn.relu(H @ att_W1 + att_b1)
    a = jax.nn.relu(a @ att_W2 + att_b2)
    a = a @ att_W3 + att_b3
    # mlp_msg: Linear->ReLU->Linear
    m = jax.nn.relu(H @ msg_W1 + msg_b1)
    m = m @ msg_W2 + msg_b2
    M = jax.nn.sigmoid(a) * m
    agg = jax.ops.segment_sum(M, dst, num_segments=X.shape[0])
    X_out = X + agg
    return (X_out, E)

if __name__ == "__main__":
    import jax
    _d = setup_inputs()
    print(jax.jit(kernel)(*tuple(_d.values())))

</pallas_src>

<mosaic_0001>
#map = affine_map<(d0, d1) -> (0, 0)>
#map1 = affine_map<(d0, d1) -> (0)>
module attributes {stable_mosaic.version = 14 : i64} {
  func.func @gather_k(%arg0: i32, %arg1: i32, %arg2: memref<10000x64xi32, #tpu.memory_space<hbm>>, %arg3: memref<320000xi32, #tpu.memory_space<hbm>>, %arg4: memref<320000xi32, #tpu.memory_space<hbm>>, %arg5: memref<80000x128xi32, #tpu.memory_space<hbm>>, %arg6: memref<128xi32, #tpu.memory_space<vmem>>, %arg7: memref<128xi32, #tpu.memory_space<vmem>>, %arg8: memref<128x64xi32, #tpu.memory_space<vmem>>, %arg9: memref<128x64xi32, #tpu.memory_space<vmem>>, %arg10: memref<!tpu.dma_semaphore, #tpu.memory_space<semaphore_mem>>, %arg11: memref<!tpu.dma_semaphore, #tpu.memory_space<semaphore_mem>>) attributes {dimension_semantics = [#tpu.dimension_semantics<core_parallel>, #tpu.dimension_semantics<subcore_parallel>], iteration_bounds = array<i64: 2, 16>, scalar_prefetch = 0 : i64, scratch_operands = 6 : i64, tpu.core_type = #tpu.core_type<sc_vector_subcore>, window_params = [{transform_indices = #map}, {transform_indices = #map1}, {transform_indices = #map1}, {transform_indices = #map}]} {
    %mul3A = arith.constant 2 : i32
    %mul3A_0 = arith.muli %arg1, %mul3A : i32
    %add3A = arith.addi %mul3A_0, %arg0 : i32
    %mul3A_1 = arith.constant 625 : i32
    %mul3A_2 = arith.muli %mul3A_1, %add3A : i32
    %jit3A = arith.constant 32 : i32
    %div3A = arith.divsi %mul3A_2, %jit3A : i32
    %sign3A = arith.constant 0 : i32
    %sign3A_3 = arith.cmpi sgt, %mul3A_2, %sign3A : i32
    %sign3A_4 = arith.extui %sign3A_3 : i1 to i32
    %sign3A_5 = arith.constant 0 : i32
    %sign3A_6 = arith.cmpi slt, %mul3A_2, %sign3A_5 : i32
    %sign3A_7 = arith.extui %sign3A_6 : i1 to i32
    %sign3A_8 = arith.subi %sign3A_4, %sign3A_7 : i32
    %sign3A_9 = arith.constant 0 : i32
    %sign3A_10 = arith.cmpi sgt, %jit3A, %sign3A_9 : i32
    %sign3A_11 = arith.extui %sign3A_10 : i1 to i32
    %sign3A_12 = arith.constant 0 : i32
    %sign3A_13 = arith.cmpi slt, %jit3A, %sign3A_12 : i32
    %sign3A_14 = arith.extui %sign3A_13 : i1 to i32
    %sign3A_15 = arith.subi %sign3A_11, %sign3A_14 : i32
    %ne3A = arith.cmpi ne, %sign3A_8, %sign3A_15 : i32
    %rem3A = arith.remsi %mul3A_2, %jit3A : i32
    %ne3A_16 = arith.constant 0 : i32
    %ne3A_17 = arith.cmpi ne, %rem3A, %ne3A_16 : i32
    %and3A = arith.andi %ne3A, %ne3A_17 : i1
    %sub3A = arith.constant 1 : i32
    %sub3A_18 = arith.subi %div3A, %sub3A : i32
    %select_n3A = arith.select %and3A, %sub3A_18, %div3A : i32
    %add3A_19 = arith.constant 1 : i32
    %add3A_20 = arith.addi %add3A, %add3A_19 : i32
    %mul3A_21 = arith.constant 625 : i32
    %mul3A_22 = arith.muli %mul3A_21, %add3A_20 : i32
    %jit3A_23 = arith.constant 32 : i32
    %div3A_24 = arith.divsi %mul3A_22, %jit3A_23 : i32
    %sign3A_25 = arith.constant 0 : i32
    %sign3A_26 = arith.cmpi sgt, %mul3A_22, %sign3A_25 : i32
    %sign3A_27 = arith.extui %sign3A_26 : i1 to i32
    %sign3A_28 = arith.constant 0 : i32
    %sign3A_29 = arith.cmpi slt, %mul3A_22, %sign3A_28 : i32
    %sign3A_30 = arith.extui %sign3A_29 : i1 to i32
    %sign3A_31 = arith.subi %sign3A_27, %sign3A_30 : i32
    %sign3A_32 = arith.constant 0 : i32
    %sign3A_33 = arith.cmpi sgt, %jit3A_23, %sign3A_32 : i32
    %sign3A_34 = arith.extui %sign3A_33 : i1 to i32
    %sign3A_35 = arith.constant 0 : i32
    %sign3A_36 = arith.cmpi slt, %jit3A_23, %sign3A_35 : i32
    %sign3A_37 = arith.extui %sign3A_36 : i1 to i32
    %sign3A_38 = arith.subi %sign3A_34, %sign3A_37 : i32
    %ne3A_39 = arith.cmpi ne, %sign3A_31, %sign3A_38 : i32
    %rem3A_40 = arith.remsi %mul3A_22, %jit3A_23 : i32
    %ne3A_41 = arith.constant 0 : i32
    %ne3A_42 = arith.cmpi ne, %rem3A_40, %ne3A_41 : i32
    %and3A_43 = arith.andi %ne3A_39, %ne3A_42 : i1
    %sub3A_44 = arith.constant 1 : i32
    %sub3A_45 = arith.subi %div3A_24, %sub3A_44 : i32
    %select_n3A_46 = arith.select %and3A_43, %sub3A_45, %div3A_24 : i32
    %while3A = arith.constant 0 : i32
    %while3A_47 = arith.subi %select_n3A_46, %select_n3A : i32
    %while3A_48 = arith.addi %select_n3A, %while3A_47 : i32
    %while3A_49 = arith.constant 1 : i32
    %while3A_50 = arith.divsi %while3A_47, %while3A_49 : i32
    %while3A_51 = arith.muli %while3A_50, %while3A_49 : i32
    %while3A_52 = arith.addi %select_n3A, %while3A_51 : i32
    %while3A_53 = arith.constant 1 : i32
    %while3A_54 = scf.for %while3A_57 = %select_n3A to %while3A_52 step %while3A_53 iter_args(%while3A_58 = %while3A) -> (i32)  : i32 {
      %add3A_59 = arith.constant 625 : i32
      %add3A_60 = arith.addi %add3A_59, %while3A_57 : i32
      %mul3A_61 = arith.constant 128 : i32
      %mul3A_62 = arith.muli %add3A_60, %mul3A_61 : i32
      "tpu.region"() ({
        %run_scoped3A = tpu.sem_alloc : memref<!tpu.dma_semaphore, #tpu.memory_space<semaphore_mem>>
        %dma_start3A_78 = tpu.memref_slice %arg3[%mul3A_62] : memref<320000xi32, #tpu.memory_space<hbm>> -> memref<128xi32, #tpu.memory_space<hbm>>
        %dma_start3A_79 = tpu.memref_slice %arg3[%mul3A_62] : memref<320000xi32, #tpu.memory_space<hbm>> -> memref<128xi32, #tpu.memory_space<hbm>>
        tpu.enqueue_dma source(%dma_start3A_79 : memref<128xi32, #tpu.memory_space<hbm>>) target(%arg6 : memref<128xi32, #tpu.memory_space<vmem>>) target_semaphore(%run_scoped3A : memref<!tpu.dma_semaphore, #tpu.memory_space<semaphore_mem>>)
        %dma_wait3A_80 = tpu.memref_slice %arg3[%mul3A_62] : memref<320000xi32, #tpu.memory_space<hbm>> -> memref<128xi32, #tpu.memory_space<hbm>>
        %dma_wait3A_81 = tpu.memref_slice %arg3[%mul3A_62] : memref<320000xi32, #tpu.memory_space<hbm>> -> memref<128xi32, #tpu.memory_space<hbm>>
        tpu.wait_dma2 semaphore(%run_scoped3A : memref<!tpu.dma_semaphore, #tpu.memory_space<semaphore_mem>>) src(%dma_wait3A_81 : memref<128xi32, #tpu.memory_space<hbm>>) dst(%arg6 : memref<128xi32, #tpu.memory_space<vmem>>)
        tpu.yield
      }) : () -> ()
      "tpu.region"() ({
        %run_scoped3A = tpu.sem_alloc : memref<!tpu.dma_semaphore, #tpu.memory_space<semaphore_mem>>
        %dma_start3A_78 = tpu.memref_slice %arg4[%mul3A_62] : memref<320000xi32, #tpu.memory_space<hbm>> -> memref<128xi32, #tpu.memory_space<hbm>>
        %dma_start3A_79 = tpu.memref_slice %arg4[%mul3A_62] : memref<320000xi32, #tpu.memory_space<hbm>> -> memref<128xi32, #tpu.memory_space<hbm>>
        tpu.enqueue_dma source(%dma_start3A_79 : memref<128xi32, #tpu.memory_space<hbm>>) target(%arg7 : memref<128xi32, #tpu.memory_space<vmem>>) target_semaphore(%run_scoped3A : memref<!tpu.dma_semaphore, #tpu.memory_space<semaphore_mem>>)
        %dma_wait3A_80 = tpu.memref_slice %arg4[%mul3A_62] : memref<320000xi32, #tpu.memory_space<hbm>> -> memref<128xi32, #tpu.memory_space<hbm>>
        %dma_wait3A_81 = tpu.memref_slice %arg4[%mul3A_62] : memref<320000xi32, #tpu.memory_space<hbm>> -> memref<128xi32, #tpu.memory_space<hbm>>
        tpu.wait_dma2 semaphore(%run_scoped3A : memref<!tpu.dma_semaphore, #tpu.memory_space<semaphore_mem>>) src(%dma_wait3A_81 : memref<128xi32, #tpu.memory_space<hbm>>) dst(%arg7 : memref<128xi32, #tpu.memory_space<vmem>>)
        tpu.yield
      }) : () -> ()
      %dma_start3A = arith.constant 0 : i32
      %dma_start3A_63 = arith.constant 0 : i32
      %dma_start3A_64 = tpu.memref_slice %arg2[%dma_start3A, %dma_start3A_63] : memref<10000x64xi32, #tpu.memory_space<hbm>> -> memref<10000x64xi32, #tpu.memory_space<hbm>>
      tpu.enqueue_indirect_dma source(%dma_start3A_64 : memref<10000x64xi32, #tpu.memory_space<hbm>>) target(%arg8 : memref<128x64xi32, #tpu.memory_space<vmem>>) offsets(%arg6 : memref<128xi32, #tpu.memory_space<vmem>>) semaphore(%arg10 : memref<!tpu.dma_semaphore, #tpu.memory_space<semaphore_mem>>)
      %dma_start3A_65 = arith.constant 0 : i32
      %dma_start3A_66 = arith.constant 0 : i32
      %dma_start3A_67 = tpu.memref_slice %arg2[%dma_start3A_65, %dma_start3A_66] : memref<10000x64xi32, #tpu.memory_space<hbm>> -> memref<10000x64xi32, #tpu.memory_space<hbm>>
      tpu.enqueue_indirect_dma source(%dma_start3A_67 : memref<10000x64xi32, #tpu.memory_space<hbm>>) target(%arg9 : memref<128x64xi32, #tpu.memory_space<vmem>>) offsets(%arg7 : memref<128xi32, #tpu.memory_space<vmem>>) semaphore(%arg11 : memref<!tpu.dma_semaphore, #tpu.memory_space<semaphore_mem>>)
      %dma_wait3A = arith.constant 0 : i32
      %dma_wait3A_68 = arith.constant 0 : i32
      %dma_wait3A_69 = tpu.memref_slice %arg2[%dma_wait3A, %dma_wait3A_68] : memref<10000x64xi32, #tpu.memory_space<hbm>> -> memref<10000x64xi32, #tpu.memory_space<hbm>>
      tpu.wait_indirect_dma semaphore(%arg10 : memref<!tpu.dma_semaphore, #tpu.memory_space<semaphore_mem>>) src(%dma_wait3A_69 : memref<10000x64xi32, #tpu.memory_space<hbm>>) dst(%arg8 : memref<128x64xi32, #tpu.memory_space<vmem>>)
      %dma_wait3A_70 = arith.constant 0 : i32
      %dma_wait3A_71 = arith.constant 0 : i32
      %dma_wait3A_72 = tpu.memref_slice %arg2[%dma_wait3A_70, %dma_wait3A_71] : memref<10000x64xi32, #tpu.memory_space<hbm>> -> memref<10000x64xi32, #tpu.memory_space<hbm>>
      tpu.wait_indirect_dma semaphore(%arg11 : memref<!tpu.dma_semaphore, #tpu.memory_space<semaphore_mem>>) src(%dma_wait3A_72 : memref<10000x64xi32, #tpu.memory_space<hbm>>) dst(%arg9 : memref<128x64xi32, #tpu.memory_space<vmem>>)
      %mul3A_73 = arith.constant 128 : i32
      %mul3A_74 = arith.muli %while3A_57, %mul3A_73 : i32
      "tpu.region"() ({
        %run_scoped3A = tpu.sem_alloc : memref<!tpu.dma_semaphore, #tpu.memory_space<semaphore_mem>>
        %dma_start3A_78 = arith.constant 0 : i32
        %dma_start3A_79 = tpu.memref_slice %arg5[%mul3A_74, %dma_start3A_78] : memref<80000x128xi32, #tpu.memory_space<hbm>> -> memref<128x64xi32, #tpu.memory_space<hbm>>
        %dma_start3A_80 = arith.constant 0 : i32
        %dma_start3A_81 = tpu.memref_slice %arg5[%mul3A_74, %dma_start3A_80] : memref<80000x128xi32, #tpu.memory_space<hbm>> -> memref<128x64xi32, #tpu.memory_space<hbm>>
        tpu.enqueue_dma source(%arg8 : memref<128x64xi32, #tpu.memory_space<vmem>>) target(%dma_start3A_81 : memref<128x64xi32, #tpu.memory_space<hbm>>) target_semaphore(%run_scoped3A : memref<!tpu.dma_semaphore, #tpu.memory_space<semaphore_mem>>)
        %dma_wait3A_82 = arith.constant 0 : i32
        %dma_wait3A_83 = tpu.memref_slice %arg5[%mul3A_74, %dma_wait3A_82] : memref<80000x128xi32, #tpu.memory_space<hbm>> -> memref<128x64xi32, #tpu.memory_space<hbm>>
        %dma_wait3A_84 = arith.constant 0 : i32
        %dma_wait3A_85 = tpu.memref_slice %arg5[%mul3A_74, %dma_wait3A_84] : memref<80000x128xi32, #tpu.memory_space<hbm>> -> memref<128x64xi32, #tpu.memory_space<hbm>>
        tpu.wait_dma2 semaphore(%run_scoped3A : memref<!tpu.dma_semaphore, #tpu.memory_space<semaphore_mem>>) src(%arg8 : memref<128x64xi32, #tpu.memory_space<vmem>>) dst(%dma_wait3A_85 : memref<128x64xi32, #tpu.memory_space<hbm>>)
        tpu.yield
      }) : () -> ()
      %mul3A_75 = arith.constant 128 : i32
      %mul3A_76 = arith.muli %while3A_57, %mul3A_75 : i32
      "tpu.region"() ({
        %run_scoped3A = tpu.sem_alloc : memref<!tpu.dma_semaphore, #tpu.memory_space<semaphore_mem>>
        %dma_start3A_78 = arith.constant 64 : i32
        %dma_start3A_79 = tpu.memref_slice %arg5[%mul3A_76, %dma_start3A_78] : memref<80000x128xi32, #tpu.memory_space<hbm>> -> memref<128x64xi32, #tpu.memory_space<hbm>>
        %dma_start3A_80 = arith.constant 64 : i32
        %dma_start3A_81 = tpu.memref_slice %arg5[%mul3A_76, %dma_start3A_80] : memref<80000x128xi32, #tpu.memory_space<hbm>> -> memref<128x64xi32, #tpu.memory_space<hbm>>
        tpu.enqueue_dma source(%arg9 : memref<128x64xi32, #tpu.memory_space<vmem>>) target(%dma_start3A_81 : memref<128x64xi32, #tpu.memory_space<hbm>>) target_semaphore(%run_scoped3A : memref<!tpu.dma_semaphore, #tpu.memory_space<semaphore_mem>>)
        %dma_wait3A_82 = arith.constant 64 : i32
        %dma_wait3A_83 = tpu.memref_slice %arg5[%mul3A_76, %dma_wait3A_82] : memref<80000x128xi32, #tpu.memory_space<hbm>> -> memref<128x64xi32, #tpu.memory_space<hbm>>
        %dma_wait3A_84 = arith.constant 64 : i32
        %dma_wait3A_85 = tpu.memref_slice %arg5[%mul3A_76, %dma_wait3A_84] : memref<80000x128xi32, #tpu.memory_space<hbm>> -> memref<128x64xi32, #tpu.memory_space<hbm>>
        tpu.wait_dma2 semaphore(%run_scoped3A : memref<!tpu.dma_semaphore, #tpu.memory_space<semaphore_mem>>) src(%arg9 : memref<128x64xi32, #tpu.memory_space<vmem>>) dst(%dma_wait3A_85 : memref<128x64xi32, #tpu.memory_space<hbm>>)
        tpu.yield
      }) : () -> ()
      %while3A_77 = arith.constant 0 : i32
      scf.yield %while3A_77 : i32
    }
    %while3A_55 = arith.constant 1 : i32
    %while3A_56 = scf.for %while3A_57 = %while3A_52 to %while3A_48 step %while3A_55 iter_args(%while3A_58 = %while3A_54) -> (i32)  : i32 {
      %add3A_59 = arith.constant 625 : i32
      %add3A_60 = arith.addi %add3A_59, %while3A_57 : i32
      %mul3A_61 = arith.constant 128 : i32
      %mul3A_62 = arith.muli %add3A_60, %mul3A_61 : i32
      "tpu.region"() ({
        %run_scoped3A = tpu.sem_alloc : memref<!tpu.dma_semaphore, #tpu.memory_space<semaphore_mem>>
        %dma_start3A_78 = tpu.memref_slice %arg3[%mul3A_62] : memref<320000xi32, #tpu.memory_space<hbm>> -> memref<128xi32, #tpu.memory_space<hbm>>
        %dma_start3A_79 = tpu.memref_slice %arg3[%mul3A_62] : memref<320000xi32, #tpu.memory_space<hbm>> -> memref<128xi32, #tpu.memory_space<hbm>>
        tpu.enqueue_dma source(%dma_start3A_79 : memref<128xi32, #tpu.memory_space<hbm>>) target(%arg6 : memref<128xi32, #tpu.memory_space<vmem>>) target_semaphore(%run_scoped3A : memref<!tpu.dma_semaphore, #tpu.memory_space<semaphore_mem>>)
        %dma_wait3A_80 = tpu.memref_slice %arg3[%mul3A_62] : memref<320000xi32, #tpu.memory_space<hbm>> -> memref<128xi32, #tpu.memory_space<hbm>>
        %dma_wait3A_81 = tpu.memref_slice %arg3[%mul3A_62] : memref<320000xi32, #tpu.memory_space<hbm>> -> memref<128xi32, #tpu.memory_space<hbm>>
        tpu.wait_dma2 semaphore(%run_scoped3A : memref<!tpu.dma_semaphore, #tpu.memory_space<semaphore_mem>>) src(%dma_wait3A_81 : memref<128xi32, #tpu.memory_space<hbm>>) dst(%arg6 : memref<128xi32, #tpu.memory_space<vmem>>)
        tpu.yield
      }) : () -> ()
      "tpu.region"() ({
        %run_scoped3A = tpu.sem_alloc : memref<!tpu.dma_semaphore, #tpu.memory_space<semaphore_mem>>
        %dma_start3A_78 = tpu.memref_slice %arg4[%mul3A_62] : memref<320000xi32, #tpu.memory_space<hbm>> -> memref<128xi32, #tpu.memory_space<hbm>>
        %dma_start3A_79 = tpu.memref_slice %arg4[%mul3A_62] : memref<320000xi32, #tpu.memory_space<hbm>> -> memref<128xi32, #tpu.memory_space<hbm>>
        tpu.enqueue_dma source(%dma_start3A_79 : memref<128xi32, #tpu.memory_space<hbm>>) target(%arg7 : memref<128xi32, #tpu.memory_space<vmem>>) target_semaphore(%run_scoped3A : memref<!tpu.dma_semaphore, #tpu.memory_space<semaphore_mem>>)
        %dma_wait3A_80 = tpu.memref_slice %arg4[%mul3A_62] : memref<320000xi32, #tpu.memory_space<hbm>> -> memref<128xi32, #tpu.memory_space<hbm>>
        %dma_wait3A_81 = tpu.memref_slice %arg4[%mul3A_62] : memref<320000xi32, #tpu.memory_space<hbm>> -> memref<128xi32, #tpu.memory_space<hbm>>
        tpu.wait_dma2 semaphore(%run_scoped3A : memref<!tpu.dma_semaphore, #tpu.memory_space<semaphore_mem>>) src(%dma_wait3A_81 : memref<128xi32, #tpu.memory_space<hbm>>) dst(%arg7 : memref<128xi32, #tpu.memory_space<vmem>>)
        tpu.yield
      }) : () -> ()
      %dma_start3A = arith.constant 0 : i32
      %dma_start3A_63 = arith.constant 0 : i32
      %dma_start3A_64 = tpu.memref_slice %arg2[%dma_start3A, %dma_start3A_63] : memref<10000x64xi32, #tpu.memory_space<hbm>> -> memref<10000x64xi32, #tpu.memory_space<hbm>>
      tpu.enqueue_indirect_dma source(%dma_start3A_64 : memref<10000x64xi32, #tpu.memory_space<hbm>>) target(%arg8 : memref<128x64xi32, #tpu.memory_space<vmem>>) offsets(%arg6 : memref<128xi32, #tpu.memory_space<vmem>>) semaphore(%arg10 : memref<!tpu.dma_semaphore, #tpu.memory_space<semaphore_mem>>)
      %dma_start3A_65 = arith.constant 0 : i32
      %dma_start3A_66 = arith.constant 0 : i32
      %dma_start3A_67 = tpu.memref_slice %arg2[%dma_start3A_65, %dma_start3A_66] : memref<10000x64xi32, #tpu.memory_space<hbm>> -> memref<10000x64xi32, #tpu.memory_space<hbm>>
      tpu.enqueue_indirect_dma source(%dma_start3A_67 : memref<10000x64xi32, #tpu.memory_space<hbm>>) target(%arg9 : memref<128x64xi32, #tpu.memory_space<vmem>>) offsets(%arg7 : memref<128xi32, #tpu.memory_space<vmem>>) semaphore(%arg11 : memref<!tpu.dma_semaphore, #tpu.memory_space<semaphore_mem>>)
      %dma_wait3A = arith.constant 0 : i32
      %dma_wait3A_68 = arith.constant 0 : i32
      %dma_wait3A_69 = tpu.memref_slice %arg2[%dma_wait3A, %dma_wait3A_68] : memref<10000x64xi32, #tpu.memory_space<hbm>> -> memref<10000x64xi32, #tpu.memory_space<hbm>>
      tpu.wait_indirect_dma semaphore(%arg10 : memref<!tpu.dma_semaphore, #tpu.memory_space<semaphore_mem>>) src(%dma_wait3A_69 : memref<10000x64xi32, #tpu.memory_space<hbm>>) dst(%arg8 : memref<128x64xi32, #tpu.memory_space<vmem>>)
      %dma_wait3A_70 = arith.constant 0 : i32
      %dma_wait3A_71 = arith.constant 0 : i32
      %dma_wait3A_72 = tpu.memref_slice %arg2[%dma_wait3A_70, %dma_wait3A_71] : memref<10000x64xi32, #tpu.memory_space<hbm>> -> memref<10000x64xi32, #tpu.memory_space<hbm>>
      tpu.wait_indirect_dma semaphore(%arg11 : memref<!tpu.dma_semaphore, #tpu.memory_space<semaphore_mem>>) src(%dma_wait3A_72 : memref<10000x64xi32, #tpu.memory_space<hbm>>) dst(%arg9 : memref<128x64xi32, #tpu.memory_space<vmem>>)
      %mul3A_73 = arith.constant 128 : i32
      %mul3A_74 = arith.muli %while3A_57, %mul3A_73 : i32
      "tpu.region"() ({
        %run_scoped3A = tpu.sem_alloc : memref<!tpu.dma_semaphore, #tpu.memory_space<semaphore_mem>>
        %dma_start3A_78 = arith.constant 0 : i32
        %dma_start3A_79 = tpu.memref_slice %arg5[%mul3A_74, %dma_start3A_78] : memref<80000x128xi32, #tpu.memory_space<hbm>> -> memref<128x64xi32, #tpu.memory_space<hbm>>
        %dma_start3A_80 = arith.constant 0 : i32
        %dma_start3A_81 = tpu.memref_slice %arg5[%mul3A_74, %dma_start3A_80] : memref<80000x128xi32, #tpu.memory_space<hbm>> -> memref<128x64xi32, #tpu.memory_space<hbm>>
        tpu.enqueue_dma source(%arg8 : memref<128x64xi32, #tpu.memory_space<vmem>>) target(%dma_start3A_81 : memref<128x64xi32, #tpu.memory_space<hbm>>) target_semaphore(%run_scoped3A : memref<!tpu.dma_semaphore, #tpu.memory_space<semaphore_mem>>)
        %dma_wait3A_82 = arith.constant 0 : i32
        %dma_wait3A_83 = tpu.memref_slice %arg5[%mul3A_74, %dma_wait3A_82] : memref<80000x128xi32, #tpu.memory_space<hbm>> -> memref<128x64xi32, #tpu.memory_space<hbm>>
        %dma_wait3A_84 = arith.constant 0 : i32
        %dma_wait3A_85 = tpu.memref_slice %arg5[%mul3A_74, %dma_wait3A_84] : memref<80000x128xi32, #tpu.memory_space<hbm>> -> memref<128x64xi32, #tpu.memory_space<hbm>>
        tpu.wait_dma2 semaphore(%run_scoped3A : memref<!tpu.dma_semaphore, #tpu.memory_space<semaphore_mem>>) src(%arg8 : memref<128x64xi32, #tpu.memory_space<vmem>>) dst(%dma_wait3A_85 : memref<128x64xi32, #tpu.memory_space<hbm>>)
        tpu.yield
      }) : () -> ()
      %mul3A_75 = arith.constant 128 : i32
      %mul3A_76 = arith.muli %while3A_57, %mul3A_75 : i32
      "tpu.region"() ({
        %run_scoped3A = tpu.sem_alloc : memref<!tpu.dma_semaphore, #tpu.memory_space<semaphore_mem>>
        %dma_start3A_78 = arith.constant 64 : i32
        %dma_start3A_79 = tpu.memref_slice %arg5[%mul3A_76, %dma_start3A_78] : memref<80000x128xi32, #tpu.memory_space<hbm>> -> memref<128x64xi32, #tpu.memory_space<hbm>>
        %dma_start3A_80 = arith.constant 64 : i32
        %dma_start3A_81 = tpu.memref_slice %arg5[%mul3A_76, %dma_start3A_80] : memref<80000x128xi32, #tpu.memory_space<hbm>> -> memref<128x64xi32, #tpu.memory_space<hbm>>
        tpu.enqueue_dma source(%arg9 : memref<128x64xi32, #tpu.memory_space<vmem>>) target(%dma_start3A_81 : memref<128x64xi32, #tpu.memory_space<hbm>>) target_semaphore(%run_scoped3A : memref<!tpu.dma_semaphore, #tpu.memory_space<semaphore_mem>>)
        %dma_wait3A_82 = arith.constant 64 : i32
        %dma_wait3A_83 = tpu.memref_slice %arg5[%mul3A_76, %dma_wait3A_82] : memref<80000x128xi32, #tpu.memory_space<hbm>> -> memref<128x64xi32, #tpu.memory_space<hbm>>
        %dma_wait3A_84 = arith.constant 64 : i32
        %dma_wait3A_85 = tpu.memref_slice %arg5[%mul3A_76, %dma_wait3A_84] : memref<80000x128xi32, #tpu.memory_space<hbm>> -> memref<128x64xi32, #tpu.memory_space<hbm>>
        tpu.wait_dma2 semaphore(%run_scoped3A : memref<!tpu.dma_semaphore, #tpu.memory_space<semaphore_mem>>) src(%arg9 : memref<128x64xi32, #tpu.memory_space<vmem>>) dst(%dma_wait3A_85 : memref<128x64xi32, #tpu.memory_space<hbm>>)
        tpu.yield
      }) : () -> ()
      %while3A_77 = arith.constant 0 : i32
      scf.yield %while3A_77 : i32
    }
    return
  }
}

#map = affine_map<(d0, d1) -> (0, 0)>
#map1 = affine_map<(d0, d1) -> (0)>
module attributes {stable_mosaic.version = 14 : i64} {
  func.func @gather_k(%arg0: i32, %arg1: i32, %arg2: memref<10000x64xi32, #tpu.memory_space<hbm>>, %arg3: memref<320000xi32, #tpu.memory_space<hbm>>, %arg4: memref<320000xi32, #tpu.memory_space<hbm>>, %arg5: memref<80000x128xi32, #tpu.memory_space<hbm>>, %arg6: memref<128xi32, #tpu.memory_space<vmem>>, %arg7: memref<128xi32, #tpu.memory_space<vmem>>, %arg8: memref<128x64xi32, #tpu.memory_space<vmem>>, %arg9: memref<128x64xi32, #tpu.memory_space<vmem>>, %arg10: memref<!tpu.dma_semaphore, #tpu.memory_space<semaphore_mem>>, %arg11: memref<!tpu.dma_semaphore, #tpu.memory_space<semaphore_mem>>) attributes {dimension_semantics = [#tpu.dimension_semantics<core_parallel>, #tpu.dimension_semantics<subcore_parallel>], iteration_bounds = array<i64: 2, 16>, scalar_prefetch = 0 : i64, scratch_operands = 6 : i64, tpu.core_type = #tpu.core_type<sc_vector_subcore>, window_params = [{transform_indices = #map}, {transform_indices = #map1}, {transform_indices = #map1}, {transform_indices = #map}]} {
    %mul3A = arith.constant 2 : i32
    %mul3A_0 = arith.muli %arg1, %mul3A : i32
    %add3A = arith.addi %mul3A_0, %arg0 : i32
    %mul3A_1 = arith.constant 625 : i32
    %mul3A_2 = arith.muli %mul3A_1, %add3A : i32
    %jit3A = arith.constant 32 : i32
    %div3A = arith.divsi %mul3A_2, %jit3A : i32
    %sign3A = arith.constant 0 : i32
    %sign3A_3 = arith.cmpi sgt, %mul3A_2, %sign3A : i32
    %sign3A_4 = arith.extui %sign3A_3 : i1 to i32
    %sign3A_5 = arith.constant 0 : i32
    %sign3A_6 = arith.cmpi slt, %mul3A_2, %sign3A_5 : i32
    %sign3A_7 = arith.extui %sign3A_6 : i1 to i32
    %sign3A_8 = arith.subi %sign3A_4, %sign3A_7 : i32
    %sign3A_9 = arith.constant 0 : i32
    %sign3A_10 = arith.cmpi sgt, %jit3A, %sign3A_9 : i32
    %sign3A_11 = arith.extui %sign3A_10 : i1 to i32
    %sign3A_12 = arith.constant 0 : i32
    %sign3A_13 = arith.cmpi slt, %jit3A, %sign3A_12 : i32
    %sign3A_14 = arith.extui %sign3A_13 : i1 to i32
    %sign3A_15 = arith.subi %sign3A_11, %sign3A_14 : i32
    %ne3A = arith.cmpi ne, %sign3A_8, %sign3A_15 : i32
    %rem3A = arith.remsi %mul3A_2, %jit3A : i32
    %ne3A_16 = arith.constant 0 : i32
    %ne3A_17 = arith.cmpi ne, %rem3A, %ne3A_16 : i32
    %and3A = arith.andi %ne3A, %ne3A_17 : i1
    %sub3A = arith.constant 1 : i32
    %sub3A_18 = arith.subi %div3A, %sub3A : i32
    %select_n3A = arith.select %and3A, %sub3A_18, %div3A : i32
    %add3A_19 = arith.constant 1 : i32
    %add3A_20 = arith.addi %add3A, %add3A_19 : i32
    %mul3A_21 = arith.constant 625 : i32
    %mul3A_22 = arith.muli %mul3A_21, %add3A_20 : i32
    %jit3A_23 = arith.constant 32 : i32
    %div3A_24 = arith.divsi %mul3A_22, %jit3A_23 : i32
    %sign3A_25 = arith.constant 0 : i32
    %sign3A_26 = arith.cmpi sgt, %mul3A_22, %sign3A_25 : i32
    %sign3A_27 = arith.extui %sign3A_26 : i1 to i32
    %sign3A_28 = arith.constant 0 : i32
    %sign3A_29 = arith.cmpi slt, %mul3A_22, %sign3A_28 : i32
    %sign3A_30 = arith.extui %sign3A_29 : i1 to i32
    %sign3A_31 = arith.subi %sign3A_27, %sign3A_30 : i32
    %sign3A_32 = arith.constant 0 : i32
    %sign3A_33 = arith.cmpi sgt, %jit3A_23, %sign3A_32 : i32
    %sign3A_34 = arith.extui %sign3A_33 : i1 to i32
    %sign3A_35 = arith.constant 0 : i32
    %sign3A_36 = arith.cmpi slt, %jit3A_23, %sign3A_35 : i32
    %sign3A_37 = arith.extui %sign3A_36 : i1 to i32
    %sign3A_38 = arith.subi %sign3A_34, %sign3A_37 : i32
    %ne3A_39 = arith.cmpi ne, %sign3A_31, %sign3A_38 : i32
    %rem3A_40 = arith.remsi %mul3A_22, %jit3A_23 : i32
    %ne3A_41 = arith.constant 0 : i32
    %ne3A_42 = arith.cmpi ne, %rem3A_40, %ne3A_41 : i32
    %and3A_43 = arith.andi %ne3A_39, %ne3A_42 : i1
    %sub3A_44 = arith.constant 1 : i32
    %sub3A_45 = arith.subi %div3A_24, %sub3A_44 : i32
    %select_n3A_46 = arith.select %and3A_43, %sub3A_45, %div3A_24 : i32
    %while3A = arith.constant 0 : i32
    %while3A_47 = arith.subi %select_n3A_46, %select_n3A : i32
    %while3A_48 = arith.addi %select_n3A, %while3A_47 : i32
    %while3A_49 = arith.constant 1 : i32
    %while3A_50 = arith.divsi %while3A_47, %while3A_49 : i32
    %while3A_51 = arith.muli %while3A_50, %while3A_49 : i32
    %while3A_52 = arith.addi %select_n3A, %while3A_51 : i32
    %while3A_53 = arith.constant 1 : i32
    %while3A_54 = scf.for %while3A_57 = %select_n3A to %while3A_52 step %while3A_53 iter_args(%while3A_58 = %while3A) -> (i32)  : i32 {
      %add3A_59 = arith.constant 0 : i32
      %add3A_60 = arith.addi %add3A_59, %while3A_57 : i32
      %mul3A_61 = arith.constant 128 : i32
      %mul3A_62 = arith.muli %add3A_60, %mul3A_61 : i32
      "tpu.region"() ({
        %run_scoped3A = tpu.sem_alloc : memref<!tpu.dma_semaphore, #tpu.memory_space<semaphore_mem>>
        %dma_start3A_78 = tpu.memref_slice %arg3[%mul3A_62] : memref<320000xi32, #tpu.memory_space<hbm>> -> memref<128xi32, #tpu.memory_space<hbm>>
        %dma_start3A_79 = tpu.memref_slice %arg3[%mul3A_62] : memref<320000xi32, #tpu.memory_space<hbm>> -> memref<128xi32, #tpu.memory_space<hbm>>
        tpu.enqueue_dma source(%dma_start3A_79 : memref<128xi32, #tpu.memory_space<hbm>>) target(%arg6 : memref<128xi32, #tpu.memory_space<vmem>>) target_semaphore(%run_scoped3A : memref<!tpu.dma_semaphore, #tpu.memory_space<semaphore_mem>>)
        %dma_wait3A_80 = tpu.memref_slice %arg3[%mul3A_62] : memref<320000xi32, #tpu.memory_space<hbm>> -> memref<128xi32, #tpu.memory_space<hbm>>
        %dma_wait3A_81 = tpu.memref_slice %arg3[%mul3A_62] : memref<320000xi32, #tpu.memory_space<hbm>> -> memref<128xi32, #tpu.memory_space<hbm>>
        tpu.wait_dma2 semaphore(%run_scoped3A : memref<!tpu.dma_semaphore, #tpu.memory_space<semaphore_mem>>) src(%dma_wait3A_81 : memref<128xi32, #tpu.memory_space<hbm>>) dst(%arg6 : memref<128xi32, #tpu.memory_space<vmem>>)
        tpu.yield
      }) : () -> ()
      "tpu.region"() ({
        %run_scoped3A = tpu.sem_alloc : memref<!tpu.dma_semaphore, #tpu.memory_space<semaphore_mem>>
        %dma_start3A_78 = tpu.memref_slice %arg4[%mul3A_62] : memref<320000xi32, #tpu.memory_space<hbm>> -> memref<128xi32, #tpu.memory_space<hbm>>
        %dma_start3A_79 = tpu.memref_slice %arg4[%mul3A_62] : memref<320000xi32, #tpu.memory_space<hbm>> -> memref<128xi32, #tpu.memory_space<hbm>>
        tpu.enqueue_dma source(%dma_start3A_79 : memref<128xi32, #tpu.memory_space<hbm>>) target(%arg7 : memref<128xi32, #tpu.memory_space<vmem>>) target_semaphore(%run_scoped3A : memref<!tpu.dma_semaphore, #tpu.memory_space<semaphore_mem>>)
        %dma_wait3A_80 = tpu.memref_slice %arg4[%mul3A_62] : memref<320000xi32, #tpu.memory_space<hbm>> -> memref<128xi32, #tpu.memory_space<hbm>>
        %dma_wait3A_81 = tpu.memref_slice %arg4[%mul3A_62] : memref<320000xi32, #tpu.memory_space<hbm>> -> memref<128xi32, #tpu.memory_space<hbm>>
        tpu.wait_dma2 semaphore(%run_scoped3A : memref<!tpu.dma_semaphore, #tpu.memory_space<semaphore_mem>>) src(%dma_wait3A_81 : memref<128xi32, #tpu.memory_space<hbm>>) dst(%arg7 : memref<128xi32, #tpu.memory_space<vmem>>)
        tpu.yield
      }) : () -> ()
      %dma_start3A = arith.constant 0 : i32
      %dma_start3A_63 = arith.constant 0 : i32
      %dma_start3A_64 = tpu.memref_slice %arg2[%dma_start3A, %dma_start3A_63] : memref<10000x64xi32, #tpu.memory_space<hbm>> -> memref<10000x64xi32, #tpu.memory_space<hbm>>
      tpu.enqueue_indirect_dma source(%dma_start3A_64 : memref<10000x64xi32, #tpu.memory_space<hbm>>) target(%arg8 : memref<128x64xi32, #tpu.memory_space<vmem>>) offsets(%arg6 : memref<128xi32, #tpu.memory_space<vmem>>) semaphore(%arg10 : memref<!tpu.dma_semaphore, #tpu.memory_space<semaphore_mem>>)
      %dma_start3A_65 = arith.constant 0 : i32
      %dma_start3A_66 = arith.constant 0 : i32
      %dma_start3A_67 = tpu.memref_slice %arg2[%dma_start3A_65, %dma_start3A_66] : memref<10000x64xi32, #tpu.memory_space<hbm>> -> memref<10000x64xi32, #tpu.memory_space<hbm>>
      tpu.enqueue_indirect_dma source(%dma_start3A_67 : memref<10000x64xi32, #tpu.memory_space<hbm>>) target(%arg9 : memref<128x64xi32, #tpu.memory_space<vmem>>) offsets(%arg7 : memref<128xi32, #tpu.memory_space<vmem>>) semaphore(%arg11 : memref<!tpu.dma_semaphore, #tpu.memory_space<semaphore_mem>>)
      %dma_wait3A = arith.constant 0 : i32
      %dma_wait3A_68 = arith.constant 0 : i32
      %dma_wait3A_69 = tpu.memref_slice %arg2[%dma_wait3A, %dma_wait3A_68] : memref<10000x64xi32, #tpu.memory_space<hbm>> -> memref<10000x64xi32, #tpu.memory_space<hbm>>
      tpu.wait_indirect_dma semaphore(%arg10 : memref<!tpu.dma_semaphore, #tpu.memory_space<semaphore_mem>>) src(%dma_wait3A_69 : memref<10000x64xi32, #tpu.memory_space<hbm>>) dst(%arg8 : memref<128x64xi32, #tpu.memory_space<vmem>>)
      %dma_wait3A_70 = arith.constant 0 : i32
      %dma_wait3A_71 = arith.constant 0 : i32
      %dma_wait3A_72 = tpu.memref_slice %arg2[%dma_wait3A_70, %dma_wait3A_71] : memref<10000x64xi32, #tpu.memory_space<hbm>> -> memref<10000x64xi32, #tpu.memory_space<hbm>>
      tpu.wait_indirect_dma semaphore(%arg11 : memref<!tpu.dma_semaphore, #tpu.memory_space<semaphore_mem>>) src(%dma_wait3A_72 : memref<10000x64xi32, #tpu.memory_space<hbm>>) dst(%arg9 : memref<128x64xi32, #tpu.memory_space<vmem>>)
      %mul3A_73 = arith.constant 128 : i32
      %mul3A_74 = arith.muli %while3A_57, %mul3A_73 : i32
      "tpu.region"() ({
        %run_scoped3A = tpu.sem_alloc : memref<!tpu.dma_semaphore, #tpu.memory_space<semaphore_mem>>
        %dma_start3A_78 = arith.constant 0 : i32
        %dma_start3A_79 = tpu.memref_slice %arg5[%mul3A_74, %dma_start3A_78] : memref<80000x128xi32, #tpu.memory_space<hbm>> -> memref<128x64xi32, #tpu.memory_space<hbm>>
        %dma_start3A_80 = arith.constant 0 : i32
        %dma_start3A_81 = tpu.memref_slice %arg5[%mul3A_74, %dma_start3A_80] : memref<80000x128xi32, #tpu.memory_space<hbm>> -> memref<128x64xi32, #tpu.memory_space<hbm>>
        tpu.enqueue_dma source(%arg8 : memref<128x64xi32, #tpu.memory_space<vmem>>) target(%dma_start3A_81 : memref<128x64xi32, #tpu.memory_space<hbm>>) target_semaphore(%run_scoped3A : memref<!tpu.dma_semaphore, #tpu.memory_space<semaphore_mem>>)
        %dma_wait3A_82 = arith.constant 0 : i32
        %dma_wait3A_83 = tpu.memref_slice %arg5[%mul3A_74, %dma_wait3A_82] : memref<80000x128xi32, #tpu.memory_space<hbm>> -> memref<128x64xi32, #tpu.memory_space<hbm>>
        %dma_wait3A_84 = arith.constant 0 : i32
        %dma_wait3A_85 = tpu.memref_slice %arg5[%mul3A_74, %dma_wait3A_84] : memref<80000x128xi32, #tpu.memory_space<hbm>> -> memref<128x64xi32, #tpu.memory_space<hbm>>
        tpu.wait_dma2 semaphore(%run_scoped3A : memref<!tpu.dma_semaphore, #tpu.memory_space<semaphore_mem>>) src(%arg8 : memref<128x64xi32, #tpu.memory_space<vmem>>) dst(%dma_wait3A_85 : memref<128x64xi32, #tpu.memory_space<hbm>>)
        tpu.yield
      }) : () -> ()
      %mul3A_75 = arith.constant 128 : i32
      %mul3A_76 = arith.muli %while3A_57, %mul3A_75 : i32
      "tpu.region"() ({
        %run_scoped3A = tpu.sem_alloc : memref<!tpu.dma_semaphore, #tpu.memory_space<semaphore_mem>>
        %dma_start3A_78 = arith.constant 64 : i32
        %dma_start3A_79 = tpu.memref_slice %arg5[%mul3A_76, %dma_start3A_78] : memref<80000x128xi32, #tpu.memory_space<hbm>> -> memref<128x64xi32, #tpu.memory_space<hbm>>
        %dma_start3A_80 = arith.constant 64 : i32
        %dma_start3A_81 = tpu.memref_slice %arg5[%mul3A_76, %dma_start3A_80] : memref<80000x128xi32, #tpu.memory_space<hbm>> -> memref<128x64xi32, #tpu.memory_space<hbm>>
        tpu.enqueue_dma source(%arg9 : memref<128x64xi32, #tpu.memory_space<vmem>>) target(%dma_start3A_81 : memref<128x64xi32, #tpu.memory_space<hbm>>) target_semaphore(%run_scoped3A : memref<!tpu.dma_semaphore, #tpu.memory_space<semaphore_mem>>)
        %dma_wait3A_82 = arith.constant 64 : i32
        %dma_wait3A_83 = tpu.memref_slice %arg5[%mul3A_76, %dma_wait3A_82] : memref<80000x128xi32, #tpu.memory_space<hbm>> -> memref<128x64xi32, #tpu.memory_space<hbm>>
        %dma_wait3A_84 = arith.constant 64 : i32
        %dma_wait3A_85 = tpu.memref_slice %arg5[%mul3A_76, %dma_wait3A_84] : memref<80000x128xi32, #tpu.memory_space<hbm>> -> memref<128x64xi32, #tpu.memory_space<hbm>>
        tpu.wait_dma2 semaphore(%run_scoped3A : memref<!tpu.dma_semaphore, #tpu.memory_space<semaphore_mem>>) src(%arg9 : memref<128x64xi32, #tpu.memory_space<vmem>>) dst(%dma_wait3A_85 : memref<128x64xi32, #tpu.memory_space<hbm>>)
        tpu.yield
      }) : () -> ()
      %while3A_77 = arith.constant 0 : i32
      scf.yield %while3A_77 : i32
    }
    %while3A_55 = arith.constant 1 : i32
    %while3A_56 = scf.for %while3A_57 = %while3A_52 to %while3A_48 step %while3A_55 iter_args(%while3A_58 = %while3A_54) -> (i32)  : i32 {
      %add3A_59 = arith.constant 0 : i32
      %add3A_60 = arith.addi %add3A_59, %while3A_57 : i32
      %mul3A_61 = arith.constant 128 : i32
      %mul3A_62 = arith.muli %add3A_60, %mul3A_61 : i32
      "tpu.region"() ({
        %run_scoped3A = tpu.sem_alloc : memref<!tpu.dma_semaphore, #tpu.memory_space<semaphore_mem>>
        %dma_start3A_78 = tpu.memref_slice %arg3[%mul3A_62] : memref<320000xi32, #tpu.memory_space<hbm>> -> memref<128xi32, #tpu.memory_space<hbm>>
        %dma_start3A_79 = tpu.memref_slice %arg3[%mul3A_62] : memref<320000xi32, #tpu.memory_space<hbm>> -> memref<128xi32, #tpu.memory_space<hbm>>
        tpu.enqueue_dma source(%dma_start3A_79 : memref<128xi32, #tpu.memory_space<hbm>>) target(%arg6 : memref<128xi32, #tpu.memory_space<vmem>>) target_semaphore(%run_scoped3A : memref<!tpu.dma_semaphore, #tpu.memory_space<semaphore_mem>>)
        %dma_wait3A_80 = tpu.memref_slice %arg3[%mul3A_62] : memref<320000xi32, #tpu.memory_space<hbm>> -> memref<128xi32, #tpu.memory_space<hbm>>
        %dma_wait3A_81 = tpu.memref_slice %arg3[%mul3A_62] : memref<320000xi32, #tpu.memory_space<hbm>> -> memref<128xi32, #tpu.memory_space<hbm>>
        tpu.wait_dma2 semaphore(%run_scoped3A : memref<!tpu.dma_semaphore, #tpu.memory_space<semaphore_mem>>) src(%dma_wait3A_81 : memref<128xi32, #tpu.memory_space<hbm>>) dst(%arg6 : memref<128xi32, #tpu.memory_space<vmem>>)
        tpu.yield
      }) : () -> ()
      "tpu.region"() ({
        %run_scoped3A = tpu.sem_alloc : memref<!tpu.dma_semaphore, #tpu.memory_space<semaphore_mem>>
        %dma_start3A_78 = tpu.memref_slice %arg4[%mul3A_62] : memref<320000xi32, #tpu.memory_space<hbm>> -> memref<128xi32, #tpu.memory_space<hbm>>
        %dma_start3A_79 = tpu.memref_slice %arg4[%mul3A_62] : memref<320000xi32, #tpu.memory_space<hbm>> -> memref<128xi32, #tpu.memory_space<hbm>>
        tpu.enqueue_dma source(%dma_start3A_79 : memref<128xi32, #tpu.memory_space<hbm>>) target(%arg7 : memref<128xi32, #tpu.memory_space<vmem>>) target_semaphore(%run_scoped3A : memref<!tpu.dma_semaphore, #tpu.memory_space<semaphore_mem>>)
        %dma_wait3A_80 = tpu.memref_slice %arg4[%mul3A_62] : memref<320000xi32, #tpu.memory_space<hbm>> -> memref<128xi32, #tpu.memory_space<hbm>>
        %dma_wait3A_81 = tpu.memref_slice %arg4[%mul3A_62] : memref<320000xi32, #tpu.memory_space<hbm>> -> memref<128xi32, #tpu.memory_space<hbm>>
        tpu.wait_dma2 semaphore(%run_scoped3A : memref<!tpu.dma_semaphore, #tpu.memory_space<semaphore_mem>>) src(%dma_wait3A_81 : memref<128xi32, #tpu.memory_space<hbm>>) dst(%arg7 : memref<128xi32, #tpu.memory_space<vmem>>)
        tpu.yield
      }) : () -> ()
      %dma_start3A = arith.constant 0 : i32
      %dma_start3A_63 = arith.constant 0 : i32
      %dma_start3A_64 = tpu.memref_slice %arg2[%dma_start3A, %dma_start3A_63] : memref<10000x64xi32, #tpu.memory_space<hbm>> -> memref<10000x64xi32, #tpu.memory_space<hbm>>
      tpu.enqueue_indirect_dma source(%dma_start3A_64 : memref<10000x64xi32, #tpu.memory_space<hbm>>) target(%arg8 : memref<128x64xi32, #tpu.memory_space<vmem>>) offsets(%arg6 : memref<128xi32, #tpu.memory_space<vmem>>) semaphore(%arg10 : memref<!tpu.dma_semaphore, #tpu.memory_space<semaphore_mem>>)
      %dma_start3A_65 = arith.constant 0 : i32
      %dma_start3A_66 = arith.constant 0 : i32
      %dma_start3A_67 = tpu.memref_slice %arg2[%dma_start3A_65, %dma_start3A_66] : memref<10000x64xi32, #tpu.memory_space<hbm>> -> memref<10000x64xi32, #tpu.memory_space<hbm>>
      tpu.enqueue_indirect_dma source(%dma_start3A_67 : memref<10000x64xi32, #tpu.memory_space<hbm>>) target(%arg9 : memref<128x64xi32, #tpu.memory_space<vmem>>) offsets(%arg7 : memref<128xi32, #tpu.memory_space<vmem>>) semaphore(%arg11 : memref<!tpu.dma_semaphore, #tpu.memory_space<semaphore_mem>>)
      %dma_wait3A = arith.constant 0 : i32
      %dma_wait3A_68 = arith.constant 0 : i32
      %dma_wait3A_69 = tpu.memref_slice %arg2[%dma_wait3A, %dma_wait3A_68] : memref<10000x64xi32, #tpu.memory_space<hbm>> -> memref<10000x64xi32, #tpu.memory_space<hbm>>
      tpu.wait_indirect_dma semaphore(%arg10 : memref<!tpu.dma_semaphore, #tpu.memory_space<semaphore_mem>>) src(%dma_wait3A_69 : memref<10000x64xi32, #tpu.memory_space<hbm>>) dst(%arg8 : memref<128x64xi32, #tpu.memory_space<vmem>>)
      %dma_wait3A_70 = arith.constant 0 : i32
      %dma_wait3A_71 = arith.constant 0 : i32
      %dma_wait3A_72 = tpu.memref_slice %arg2[%dma_wait3A_70, %dma_wait3A_71] : memref<10000x64xi32, #tpu.memory_space<hbm>> -> memref<10000x64xi32, #tpu.memory_space<hbm>>
      tpu.wait_indirect_dma semaphore(%arg11 : memref<!tpu.dma_semaphore, #tpu.memory_space<semaphore_mem>>) src(%dma_wait3A_72 : memref<10000x64xi32, #tpu.memory_space<hbm>>) dst(%arg9 : memref<128x64xi32, #tpu.memory_space<vmem>>)
      %mul3A_73 = arith.constant 128 : i32
      %mul3A_74 = arith.muli %while3A_57, %mul3A_73 : i32
      "tpu.region"() ({
        %run_scoped3A = tpu.sem_alloc : memref<!tpu.dma_semaphore, #tpu.memory_space<semaphore_mem>>
        %dma_start3A_78 = arith.constant 0 : i32
        %dma_start3A_79 = tpu.memref_slice %arg5[%mul3A_74, %dma_start3A_78] : memref<80000x128xi32, #tpu.memory_space<hbm>> -> memref<128x64xi32, #tpu.memory_space<hbm>>
        %dma_start3A_80 = arith.constant 0 : i32
        %dma_start3A_81 = tpu.memref_slice %arg5[%mul3A_74, %dma_start3A_80] : memref<80000x128xi32, #tpu.memory_space<hbm>> -> memref<128x64xi32, #tpu.memory_space<hbm>>
        tpu.enqueue_dma source(%arg8 : memref<128x64xi32, #tpu.memory_space<vmem>>) target(%dma_start3A_81 : memref<128x64xi32, #tpu.memory_space<hbm>>) target_semaphore(%run_scoped3A : memref<!tpu.dma_semaphore, #tpu.memory_space<semaphore_mem>>)
        %dma_wait3A_82 = arith.constant 0 : i32
        %dma_wait3A_83 = tpu.memref_slice %arg5[%mul3A_74, %dma_wait3A_82] : memref<80000x128xi32, #tpu.memory_space<hbm>> -> memref<128x64xi32, #tpu.memory_space<hbm>>
        %dma_wait3A_84 = arith.constant 0 : i32
        %dma_wait3A_85 = tpu.memref_slice %arg5[%mul3A_74, %dma_wait3A_84] : memref<80000x128xi32, #tpu.memory_space<hbm>> -> memref<128x64xi32, #tpu.memory_space<hbm>>
        tpu.wait_dma2 semaphore(%run_scoped3A : memref<!tpu.dma_semaphore, #tpu.memory_space<semaphore_mem>>) src(%arg8 : memref<128x64xi32, #tpu.memory_space<vmem>>) dst(%dma_wait3A_85 : memref<128x64xi32, #tpu.memory_space<hbm>>)
        tpu.yield
      }) : () -> ()
      %mul3A_75 = arith.constant 128 : i32
      %mul3A_76 = arith.muli %while3A_57, %mul3A_75 : i32
      "tpu.region"() ({
        %run_scoped3A = tpu.sem_alloc : memref<!tpu.dma_semaphore, #tpu.memory_space<semaphore_mem>>
        %dma_start3A_78 = arith.constant 64 : i32
        %dma_start3A_79 = tpu.memref_slice %arg5[%mul3A_76, %dma_start3A_78] : memref<80000x128xi32, #tpu.memory_space<hbm>> -> memref<128x64xi32, #tpu.memory_space<hbm>>
        %dma_start3A_80 = arith.constant 64 : i32
        %dma_start3A_81 = tpu.memref_slice %arg5[%mul3A_76, %dma_start3A_80] : memref<80000x128xi32, #tpu.memory_space<hbm>> -> memref<128x64xi32, #tpu.memory_space<hbm>>
        tpu.enqueue_dma source(%arg9 : memref<128x64xi32, #tpu.memory_space<vmem>>) target(%dma_start3A_81 : memref<128x64xi32, #tpu.memory_space<hbm>>) target_semaphore(%run_scoped3A : memref<!tpu.dma_semaphore, #tpu.memory_space<semaphore_mem>>)
        %dma_wait3A_82 = arith.constant 64 : i32
        %dma_wait3A_83 = tpu.memref_slice %arg5[%mul3A_76, %dma_wait3A_82] : memref<80000x128xi32, #tpu.memory_space<hbm>> -> memref<128x64xi32, #tpu.memory_space<hbm>>
        %dma_wait3A_84 = arith.constant 64 : i32
        %dma_wait3A_85 = tpu.memref_slice %arg5[%mul3A_76, %dma_wait3A_84] : memref<80000x128xi32, #tpu.memory_space<hbm>> -> memref<128x64xi32, #tpu.memory_space<hbm>>
        tpu.wait_dma2 semaphore(%run_scoped3A : memref<!tpu.dma_semaphore, #tpu.memory_space<semaphore_mem>>) src(%arg9 : memref<128x64xi32, #tpu.memory_space<vmem>>) dst(%dma_wait3A_85 : memref<128x64xi32, #tpu.memory_space<hbm>>)
        tpu.yield
      }) : () -> ()
      %while3A_77 = arith.constant 0 : i32
      scf.yield %while3A_77 : i32
    }
    return
  }
}

#map = affine_map<(d0, d1) -> (0, 0)>
#map1 = affine_map<(d0, d1) -> (0)>
module attributes {stable_mosaic.version = 14 : i64} {
  func.func @gather_k(%arg0: i32, %arg1: i32, %arg2: memref<10000x64xi32, #tpu.memory_space<hbm>>, %arg3: memref<320000xi32, #tpu.memory_space<hbm>>, %arg4: memref<320000xi32, #tpu.memory_space<hbm>>, %arg5: memref<80000x128xi32, #tpu.memory_space<hbm>>, %arg6: memref<128xi32, #tpu.memory_space<vmem>>, %arg7: memref<128xi32, #tpu.memory_space<vmem>>, %arg8: memref<128x64xi32, #tpu.memory_space<vmem>>, %arg9: memref<128x64xi32, #tpu.memory_space<vmem>>, %arg10: memref<!tpu.dma_semaphore, #tpu.memory_space<semaphore_mem>>, %arg11: memref<!tpu.dma_semaphore, #tpu.memory_space<semaphore_mem>>) attributes {dimension_semantics = [#tpu.dimension_semantics<core_parallel>, #tpu.dimension_semantics<subcore_parallel>], iteration_bounds = array<i64: 2, 16>, scalar_prefetch = 0 : i64, scratch_operands = 6 : i64, tpu.core_type = #tpu.core_type<sc_vector_subcore>, window_params = [{transform_indices = #map}, {transform_indices = #map1}, {transform_indices = #map1}, {transform_indices = #map}]} {
    %mul3A = arith.constant 2 : i32
    %mul3A_0 = arith.muli %arg1, %mul3A : i32
    %add3A = arith.addi %mul3A_0, %arg0 : i32
    %mul3A_1 = arith.constant 625 : i32
    %mul3A_2 = arith.muli %mul3A_1, %add3A : i32
    %jit3A = arith.constant 32 : i32
    %div3A = arith.divsi %mul3A_2, %jit3A : i32
    %sign3A = arith.constant 0 : i32
    %sign3A_3 = arith.cmpi sgt, %mul3A_2, %sign3A : i32
    %sign3A_4 = arith.extui %sign3A_3 : i1 to i32
    %sign3A_5 = arith.constant 0 : i32
    %sign3A_6 = arith.cmpi slt, %mul3A_2, %sign3A_5 : i32
    %sign3A_7 = arith.extui %sign3A_6 : i1 to i32
    %sign3A_8 = arith.subi %sign3A_4, %sign3A_7 : i32
    %sign3A_9 = arith.constant 0 : i32
    %sign3A_10 = arith.cmpi sgt, %jit3A, %sign3A_9 : i32
    %sign3A_11 = arith.extui %sign3A_10 : i1 to i32
    %sign3A_12 = arith.constant 0 : i32
    %sign3A_13 = arith.cmpi slt, %jit3A, %sign3A_12 : i32
    %sign3A_14 = arith.extui %sign3A_13 : i1 to i32
    %sign3A_15 = arith.subi %sign3A_11, %sign3A_14 : i32
    %ne3A = arith.cmpi ne, %sign3A_8, %sign3A_15 : i32
    %rem3A = arith.remsi %mul3A_2, %jit3A : i32
    %ne3A_16 = arith.constant 0 : i32
    %ne3A_17 = arith.cmpi ne, %rem3A, %ne3A_16 : i32
    %and3A = arith.andi %ne3A, %ne3A_17 : i1
    %sub3A = arith.constant 1 : i32
    %sub3A_18 = arith.subi %div3A, %sub3A : i32
    %select_n3A = arith.select %and3A, %sub3A_18, %div3A : i32
    %add3A_19 = arith.constant 1 : i32
    %add3A_20 = arith.addi %add3A, %add3A_19 : i32
    %mul3A_21 = arith.constant 625 : i32
    %mul3A_22 = arith.muli %mul3A_21, %add3A_20 : i32
    %jit3A_23 = arith.constant 32 : i32
    %div3A_24 = arith.divsi %mul3A_22, %jit3A_23 : i32
    %sign3A_25 = arith.constant 0 : i32
    %sign3A_26 = arith.cmpi sgt, %mul3A_22, %sign3A_25 : i32
    %sign3A_27 = arith.extui %sign3A_26 : i1 to i32
    %sign3A_28 = arith.constant 0 : i32
    %sign3A_29 = arith.cmpi slt, %mul3A_22, %sign3A_28 : i32
    %sign3A_30 = arith.extui %sign3A_29 : i1 to i32
    %sign3A_31 = arith.subi %sign3A_27, %sign3A_30 : i32
    %sign3A_32 = arith.constant 0 : i32
    %sign3A_33 = arith.cmpi sgt, %jit3A_23, %sign3A_32 : i32
    %sign3A_34 = arith.extui %sign3A_33 : i1 to i32
    %sign3A_35 = arith.constant 0 : i32
    %sign3A_36 = arith.cmpi slt, %jit3A_23, %sign3A_35 : i32
    %sign3A_37 = arith.extui %sign3A_36 : i1 to i32
    %sign3A_38 = arith.subi %sign3A_34, %sign3A_37 : i32
    %ne3A_39 = arith.cmpi ne, %sign3A_31, %sign3A_38 : i32
    %rem3A_40 = arith.remsi %mul3A_22, %jit3A_23 : i32
    %ne3A_41 = arith.constant 0 : i32
    %ne3A_42 = arith.cmpi ne, %rem3A_40, %ne3A_41 : i32
    %and3A_43 = arith.andi %ne3A_39, %ne3A_42 : i1
    %sub3A_44 = arith.constant 1 : i32
    %sub3A_45 = arith.subi %div3A_24, %sub3A_44 : i32
    %select_n3A_46 = arith.select %and3A_43, %sub3A_45, %div3A_24 : i32
    %while3A = arith.constant 0 : i32
    %while3A_47 = arith.subi %select_n3A_46, %select_n3A : i32
    %while3A_48 = arith.addi %select_n3A, %while3A_47 : i32
    %while3A_49 = arith.constant 1 : i32
    %while3A_50 = arith.divsi %while3A_47, %while3A_49 : i32
    %while3A_51 = arith.muli %while3A_50, %while3A_49 : i32
    %while3A_52 = arith.addi %select_n3A, %while3A_51 : i32
    %while3A_53 = arith.constant 1 : i32
    %while3A_54 = scf.for %while3A_57 = %select_n3A to %while3A_52 step %while3A_53 iter_args(%while3A_58 = %while3A) -> (i32)  : i32 {
      %add3A_59 = arith.constant 1875 : i32
      %add3A_60 = arith.addi %add3A_59, %while3A_57 : i32
      %mul3A_61 = arith.constant 128 : i32
      %mul3A_62 = arith.muli %add3A_60, %mul3A_61 : i32
      "tpu.region"() ({
        %run_scoped3A = tpu.sem_alloc : memref<!tpu.dma_semaphore, #tpu.memory_space<semaphore_mem>>
        %dma_start3A_78 = tpu.memref_slice %arg3[%mul3A_62] : memref<320000xi32, #tpu.memory_space<hbm>> -> memref<128xi32, #tpu.memory_space<hbm>>
        %dma_start3A_79 = tpu.memref_slice %arg3[%mul3A_62] : memref<320000xi32, #tpu.memory_space<hbm>> -> memref<128xi32, #tpu.memory_space<hbm>>
        tpu.enqueue_dma source(%dma_start3A_79 : memref<128xi32, #tpu.memory_space<hbm>>) target(%arg6 : memref<128xi32, #tpu.memory_space<vmem>>) target_semaphore(%run_scoped3A : memref<!tpu.dma_semaphore, #tpu.memory_space<semaphore_mem>>)
        %dma_wait3A_80 = tpu.memref_slice %arg3[%mul3A_62] : memref<320000xi32, #tpu.memory_space<hbm>> -> memref<128xi32, #tpu.memory_space<hbm>>
        %dma_wait3A_81 = tpu.memref_slice %arg3[%mul3A_62] : memref<320000xi32, #tpu.memory_space<hbm>> -> memref<128xi32, #tpu.memory_space<hbm>>
        tpu.wait_dma2 semaphore(%run_scoped3A : memref<!tpu.dma_semaphore, #tpu.memory_space<semaphore_mem>>) src(%dma_wait3A_81 : memref<128xi32, #tpu.memory_space<hbm>>) dst(%arg6 : memref<128xi32, #tpu.memory_space<vmem>>)
        tpu.yield
      }) : () -> ()
      "tpu.region"() ({
        %run_scoped3A = tpu.sem_alloc : memref<!tpu.dma_semaphore, #tpu.memory_space<semaphore_mem>>
        %dma_start3A_78 = tpu.memref_slice %arg4[%mul3A_62] : memref<320000xi32, #tpu.memory_space<hbm>> -> memref<128xi32, #tpu.memory_space<hbm>>
        %dma_start3A_79 = tpu.memref_slice %arg4[%mul3A_62] : memref<320000xi32, #tpu.memory_space<hbm>> -> memref<128xi32, #tpu.memory_space<hbm>>
        tpu.enqueue_dma source(%dma_start3A_79 : memref<128xi32, #tpu.memory_space<hbm>>) target(%arg7 : memref<128xi32, #tpu.memory_space<vmem>>) target_semaphore(%run_scoped3A : memref<!tpu.dma_semaphore, #tpu.memory_space<semaphore_mem>>)
        %dma_wait3A_80 = tpu.memref_slice %arg4[%mul3A_62] : memref<320000xi32, #tpu.memory_space<hbm>> -> memref<128xi32, #tpu.memory_space<hbm>>
        %dma_wait3A_81 = tpu.memref_slice %arg4[%mul3A_62] : memref<320000xi32, #tpu.memory_space<hbm>> -> memref<128xi32, #tpu.memory_space<hbm>>
        tpu.wait_dma2 semaphore(%run_scoped3A : memref<!tpu.dma_semaphore, #tpu.memory_space<semaphore_mem>>) src(%dma_wait3A_81 : memref<128xi32, #tpu.memory_space<hbm>>) dst(%arg7 : memref<128xi32, #tpu.memory_space<vmem>>)
        tpu.yield
      }) : () -> ()
      %dma_start3A = arith.constant 0 : i32
      %dma_start3A_63 = arith.constant 0 : i32
      %dma_start3A_64 = tpu.memref_slice %arg2[%dma_start3A, %dma_start3A_63] : memref<10000x64xi32, #tpu.memory_space<hbm>> -> memref<10000x64xi32, #tpu.memory_space<hbm>>
      tpu.enqueue_indirect_dma source(%dma_start3A_64 : memref<10000x64xi32, #tpu.memory_space<hbm>>) target(%arg8 : memref<128x64xi32, #tpu.memory_space<vmem>>) offsets(%arg6 : memref<128xi32, #tpu.memory_space<vmem>>) semaphore(%arg10 : memref<!tpu.dma_semaphore, #tpu.memory_space<semaphore_mem>>)
      %dma_start3A_65 = arith.constant 0 : i32
      %dma_start3A_66 = arith.constant 0 : i32
      %dma_start3A_67 = tpu.memref_slice %arg2[%dma_start3A_65, %dma_start3A_66] : memref<10000x64xi32, #tpu.memory_space<hbm>> -> memref<10000x64xi32, #tpu.memory_space<hbm>>
      tpu.enqueue_indirect_dma source(%dma_start3A_67 : memref<10000x64xi32, #tpu.memory_space<hbm>>) target(%arg9 : memref<128x64xi32, #tpu.memory_space<vmem>>) offsets(%arg7 : memref<128xi32, #tpu.memory_space<vmem>>) semaphore(%arg11 : memref<!tpu.dma_semaphore, #tpu.memory_space<semaphore_mem>>)
      %dma_wait3A = arith.constant 0 : i32
      %dma_wait3A_68 = arith.constant 0 : i32
      %dma_wait3A_69 = tpu.memref_slice %arg2[%dma_wait3A, %dma_wait3A_68] : memref<10000x64xi32, #tpu.memory_space<hbm>> -> memref<10000x64xi32, #tpu.memory_space<hbm>>
      tpu.wait_indirect_dma semaphore(%arg10 : memref<!tpu.dma_semaphore, #tpu.memory_space<semaphore_mem>>) src(%dma_wait3A_69 : memref<10000x64xi32, #tpu.memory_space<hbm>>) dst(%arg8 : memref<128x64xi32, #tpu.memory_space<vmem>>)
      %dma_wait3A_70 = arith.constant 0 : i32
      %dma_wait3A_71 = arith.constant 0 : i32
      %dma_wait3A_72 = tpu.memref_slice %arg2[%dma_wait3A_70, %dma_wait3A_71] : memref<10000x64xi32, #tpu.memory_space<hbm>> -> memref<10000x64xi32, #tpu.memory_space<hbm>>
      tpu.wait_indirect_dma semaphore(%arg11 : memref<!tpu.dma_semaphore, #tpu.memory_space<semaphore_mem>>) src(%dma_wait3A_72 : memref<10000x64xi32, #tpu.memory_space<hbm>>) dst(%arg9 : memref<128x64xi32, #tpu.memory_space<vmem>>)
      %mul3A_73 = arith.constant 128 : i32
      %mul3A_74 = arith.muli %while3A_57, %mul3A_73 : i32
      "tpu.region"() ({
        %run_scoped3A = tpu.sem_alloc : memref<!tpu.dma_semaphore, #tpu.memory_space<semaphore_mem>>
        %dma_start3A_78 = arith.constant 0 : i32
        %dma_start3A_79 = tpu.memref_slice %arg5[%mul3A_74, %dma_start3A_78] : memref<80000x128xi32, #tpu.memory_space<hbm>> -> memref<128x64xi32, #tpu.memory_space<hbm>>
        %dma_start3A_80 = arith.constant 0 : i32
        %dma_start3A_81 = tpu.memref_slice %arg5[%mul3A_74, %dma_start3A_80] : memref<80000x128xi32, #tpu.memory_space<hbm>> -> memref<128x64xi32, #tpu.memory_space<hbm>>
        tpu.enqueue_dma source(%arg8 : memref<128x64xi32, #tpu.memory_space<vmem>>) target(%dma_start3A_81 : memref<128x64xi32, #tpu.memory_space<hbm>>) target_semaphore(%run_scoped3A : memref<!tpu.dma_semaphore, #tpu.memory_space<semaphore_mem>>)
        %dma_wait3A_82 = arith.constant 0 : i32
        %dma_wait3A_83 = tpu.memref_slice %arg5[%mul3A_74, %dma_wait3A_82] : memref<80000x128xi32, #tpu.memory_space<hbm>> -> memref<128x64xi32, #tpu.memory_space<hbm>>
        %dma_wait3A_84 = arith.constant 0 : i32
        %dma_wait3A_85 = tpu.memref_slice %arg5[%mul3A_74, %dma_wait3A_84] : memref<80000x128xi32, #tpu.memory_space<hbm>> -> memref<128x64xi32, #tpu.memory_space<hbm>>
        tpu.wait_dma2 semaphore(%run_scoped3A : memref<!tpu.dma_semaphore, #tpu.memory_space<semaphore_mem>>) src(%arg8 : memref<128x64xi32, #tpu.memory_space<vmem>>) dst(%dma_wait3A_85 : memref<128x64xi32, #tpu.memory_space<hbm>>)
        tpu.yield
      }) : () -> ()
      %mul3A_75 = arith.constant 128 : i32
      %mul3A_76 = arith.muli %while3A_57, %mul3A_75 : i32
      "tpu.region"() ({
        %run_scoped3A = tpu.sem_alloc : memref<!tpu.dma_semaphore, #tpu.memory_space<semaphore_mem>>
        %dma_start3A_78 = arith.constant 64 : i32
        %dma_start3A_79 = tpu.memref_slice %arg5[%mul3A_76, %dma_start3A_78] : memref<80000x128xi32, #tpu.memory_space<hbm>> -> memref<128x64xi32, #tpu.memory_space<hbm>>
        %dma_start3A_80 = arith.constant 64 : i32
        %dma_start3A_81 = tpu.memref_slice %arg5[%mul3A_76, %dma_start3A_80] : memref<80000x128xi32, #tpu.memory_space<hbm>> -> memref<128x64xi32, #tpu.memory_space<hbm>>
        tpu.enqueue_dma source(%arg9 : memref<128x64xi32, #tpu.memory_space<vmem>>) target(%dma_start3A_81 : memref<128x64xi32, #tpu.memory_space<hbm>>) target_semaphore(%run_scoped3A : memref<!tpu.dma_semaphore, #tpu.memory_space<semaphore_mem>>)
        %dma_wait3A_82 = arith.constant 64 : i32
        %dma_wait3A_83 = tpu.memref_slice %arg5[%mul3A_76, %dma_wait3A_82] : memref<80000x128xi32, #tpu.memory_space<hbm>> -> memref<128x64xi32, #tpu.memory_space<hbm>>
        %dma_wait3A_84 = arith.constant 64 : i32
        %dma_wait3A_85 = tpu.memref_slice %arg5[%mul3A_76, %dma_wait3A_84] : memref<80000x128xi32, #tpu.memory_space<hbm>> -> memref<128x64xi32, #tpu.memory_space<hbm>>
        tpu.wait_dma2 semaphore(%run_scoped3A : memref<!tpu.dma_semaphore, #tpu.memory_space<semaphore_mem>>) src(%arg9 : memref<128x64xi32, #tpu.memory_space<vmem>>) dst(%dma_wait3A_85 : memref<128x64xi32, #tpu.memory_space<hbm>>)
        tpu.yield
      }) : () -> ()
      %while3A_77 = arith.constant 0 : i32
      scf.yield %while3A_77 : i32
    }
    %while3A_55 = arith.constant 1 : i32
    %while3A_56 = scf.for %while3A_57 = %while3A_52 to %while3A_48 step %while3A_55 iter_args(%while3A_58 = %while3A_54) -> (i32)  : i32 {
      %add3A_59 = arith.constant 1875 : i32
      %add3A_60 = arith.addi %add3A_59, %while3A_57 : i32
      %mul3A_61 = arith.constant 128 : i32
      %mul3A_62 = arith.muli %add3A_60, %mul3A_61 : i32
      "tpu.region"() ({
        %run_scoped3A = tpu.sem_alloc : memref<!tpu.dma_semaphore, #tpu.memory_space<semaphore_mem>>
        %dma_start3A_78 = tpu.memref_slice %arg3[%mul3A_62] : memref<320000xi32, #tpu.memory_space<hbm>> -> memref<128xi32, #tpu.memory_space<hbm>>
        %dma_start3A_79 = tpu.memref_slice %arg3[%mul3A_62] : memref<320000xi32, #tpu.memory_space<hbm>> -> memref<128xi32, #tpu.memory_space<hbm>>
        tpu.enqueue_dma source(%dma_start3A_79 : memref<128xi32, #tpu.memory_space<hbm>>) target(%arg6 : memref<128xi32, #tpu.memory_space<vmem>>) target_semaphore(%run_scoped3A : memref<!tpu.dma_semaphore, #tpu.memory_space<semaphore_mem>>)
        %dma_wait3A_80 = tpu.memref_slice %arg3[%mul3A_62] : memref<320000xi32, #tpu.memory_space<hbm>> -> memref<128xi32, #tpu.memory_space<hbm>>
        %dma_wait3A_81 = tpu.memref_slice %arg3[%mul3A_62] : memref<320000xi32, #tpu.memory_space<hbm>> -> memref<128xi32, #tpu.memory_space<hbm>>
        tpu.wait_dma2 semaphore(%run_scoped3A : memref<!tpu.dma_semaphore, #tpu.memory_space<semaphore_mem>>) src(%dma_wait3A_81 : memref<128xi32, #tpu.memory_space<hbm>>) dst(%arg6 : memref<128xi32, #tpu.memory_space<vmem>>)
        tpu.yield
      }) : () -> ()
      "tpu.region"() ({
        %run_scoped3A = tpu.sem_alloc : memref<!tpu.dma_semaphore, #tpu.memory_space<semaphore_mem>>
        %dma_start3A_78 = tpu.memref_slice %arg4[%mul3A_62] : memref<320000xi32, #tpu.memory_space<hbm>> -> memref<128xi32, #tpu.memory_space<hbm>>
        %dma_start3A_79 = tpu.memref_slice %arg4[%mul3A_62] : memref<320000xi32, #tpu.memory_space<hbm>> -> memref<128xi32, #tpu.memory_space<hbm>>
        tpu.enqueue_dma source(%dma_start3A_79 : memref<128xi32, #tpu.memory_space<hbm>>) target(%arg7 : memref<128xi32, #tpu.memory_space<vmem>>) target_semaphore(%run_scoped3A : memref<!tpu.dma_semaphore, #tpu.memory_space<semaphore_mem>>)
        %dma_wait3A_80 = tpu.memref_slice %arg4[%mul3A_62] : memref<320000xi32, #tpu.memory_space<hbm>> -> memref<128xi32, #tpu.memory_space<hbm>>
        %dma_wait3A_81 = tpu.memref_slice %arg4[%mul3A_62] : memref<320000xi32, #tpu.memory_space<hbm>> -> memref<128xi32, #tpu.memory_space<hbm>>
        tpu.wait_dma2 semaphore(%run_scoped3A : memref<!tpu.dma_semaphore, #tpu.memory_space<semaphore_mem>>) src(%dma_wait3A_81 : memref<128xi32, #tpu.memory_space<hbm>>) dst(%arg7 : memref<128xi32, #tpu.memory_space<vmem>>)
        tpu.yield
      }) : () -> ()
      %dma_start3A = arith.constant 0 : i32
      %dma_start3A_63 = arith.constant 0 : i32
      %dma_start3A_64 = tpu.memref_slice %arg2[%dma_start3A, %dma_start3A_63] : memref<10000x64xi32, #tpu.memory_space<hbm>> -> memref<10000x64xi32, #tpu.memory_space<hbm>>
      tpu.enqueue_indirect_dma source(%dma_start3A_64 : memref<10000x64xi32, #tpu.memory_space<hbm>>) target(%arg8 : memref<128x64xi32, #tpu.memory_space<vmem>>) offsets(%arg6 : memref<128xi32, #tpu.memory_space<vmem>>) semaphore(%arg10 : memref<!tpu.dma_semaphore, #tpu.memory_space<semaphore_mem>>)
      %dma_start3A_65 = arith.constant 0 : i32
      %dma_start3A_66 = arith.constant 0 : i32
      %dma_start3A_67 = tpu.memref_slice %arg2[%dma_start3A_65, %dma_start3A_66] : memref<10000x64xi32, #tpu.memory_space<hbm>> -> memref<10000x64xi32, #tpu.memory_space<hbm>>
      tpu.enqueue_indirect_dma source(%dma_start3A_67 : memref<10000x64xi32, #tpu.memory_space<hbm>>) target(%arg9 : memref<128x64xi32, #tpu.memory_space<vmem>>) offsets(%arg7 : memref<128xi32, #tpu.memory_space<vmem>>) semaphore(%arg11 : memref<!tpu.dma_semaphore, #tpu.memory_space<semaphore_mem>>)
      %dma_wait3A = arith.constant 0 : i32
      %dma_wait3A_68 = arith.constant 0 : i32
      %dma_wait3A_69 = tpu.memref_slice %arg2[%dma_wait3A, %dma_wait3A_68] : memref<10000x64xi32, #tpu.memory_space<hbm>> -> memref<10000x64xi32, #tpu.memory_space<hbm>>
      tpu.wait_indirect_dma semaphore(%arg10 : memref<!tpu.dma_semaphore, #tpu.memory_space<semaphore_mem>>) src(%dma_wait3A_69 : memref<10000x64xi32, #tpu.memory_space<hbm>>) dst(%arg8 : memref<128x64xi32, #tpu.memory_space<vmem>>)
      %dma_wait3A_70 = arith.constant 0 : i32
      %dma_wait3A_71 = arith.constant 0 : i32
      %dma_wait3A_72 = tpu.memref_slice %arg2[%dma_wait3A_70, %dma_wait3A_71] : memref<10000x64xi32, #tpu.memory_space<hbm>> -> memref<10000x64xi32, #tpu.memory_space<hbm>>
      tpu.wait_indirect_dma semaphore(%arg11 : memref<!tpu.dma_semaphore, #tpu.memory_space<semaphore_mem>>) src(%dma_wait3A_72 : memref<10000x64xi32, #tpu.memory_space<hbm>>) dst(%arg9 : memref<128x64xi32, #tpu.memory_space<vmem>>)
      %mul3A_73 = arith.constant 128 : i32
      %mul3A_74 = arith.muli %while3A_57, %mul3A_73 : i32
      "tpu.region"() ({
        %run_scoped3A = tpu.sem_alloc : memref<!tpu.dma_semaphore, #tpu.memory_space<semaphore_mem>>
        %dma_start3A_78 = arith.constant 0 : i32
        %dma_start3A_79 = tpu.memref_slice %arg5[%mul3A_74, %dma_start3A_78] : memref<80000x128xi32, #tpu.memory_space<hbm>> -> memref<128x64xi32, #tpu.memory_space<hbm>>
        %dma_start3A_80 = arith.constant 0 : i32
        %dma_start3A_81 = tpu.memref_slice %arg5[%mul3A_74, %dma_start3A_80] : memref<80000x128xi32, #tpu.memory_space<hbm>> -> memref<128x64xi32, #tpu.memory_space<hbm>>
        tpu.enqueue_dma source(%arg8 : memref<128x64xi32, #tpu.memory_space<vmem>>) target(%dma_start3A_81 : memref<128x64xi32, #tpu.memory_space<hbm>>) target_semaphore(%run_scoped3A : memref<!tpu.dma_semaphore, #tpu.memory_space<semaphore_mem>>)
        %dma_wait3A_82 = arith.constant 0 : i32
        %dma_wait3A_83 = tpu.memref_slice %arg5[%mul3A_74, %dma_wait3A_82] : memref<80000x128xi32, #tpu.memory_space<hbm>> -> memref<128x64xi32, #tpu.memory_space<hbm>>
        %dma_wait3A_84 = arith.constant 0 : i32
        %dma_wait3A_85 = tpu.memref_slice %arg5[%mul3A_74, %dma_wait3A_84] : memref<80000x128xi32, #tpu.memory_space<hbm>> -> memref<128x64xi32, #tpu.memory_space<hbm>>
        tpu.wait_dma2 semaphore(%run_scoped3A : memref<!tpu.dma_semaphore, #tpu.memory_space<semaphore_mem>>) src(%arg8 : memref<128x64xi32, #tpu.memory_space<vmem>>) dst(%dma_wait3A_85 : memref<128x64xi32, #tpu.memory_space<hbm>>)
        tpu.yield
      }) : () -> ()
      %mul3A_75 = arith.constant 128 : i32
      %mul3A_76 = arith.muli %while3A_57, %mul3A_75 : i32
      "tpu.region"() ({
        %run_scoped3A = tpu.sem_alloc : memref<!tpu.dma_semaphore, #tpu.memory_space<semaphore_mem>>
        %dma_start3A_78 = arith.constant 64 : i32
        %dma_start3A_79 = tpu.memref_slice %arg5[%mul3A_76, %dma_start3A_78] : memref<80000x128xi32, #tpu.memory_space<hbm>> -> memref<128x64xi32, #tpu.memory_space<hbm>>
        %dma_start3A_80 = arith.constant 64 : i32
        %dma_start3A_81 = tpu.memref_slice %arg5[%mul3A_76, %dma_start3A_80] : memref<80000x128xi32, #tpu.memory_space<hbm>> -> memref<128x64xi32, #tpu.memory_space<hbm>>
        tpu.enqueue_dma source(%arg9 : memref<128x64xi32, #tpu.memory_space<vmem>>) target(%dma_start3A_81 : memref<128x64xi32, #tpu.memory_space<hbm>>) target_semaphore(%run_scoped3A : memref<!tpu.dma_semaphore, #tpu.memory_space<semaphore_mem>>)
        %dma_wait3A_82 = arith.constant 64 : i32
        %dma_wait3A_83 = tpu.memref_slice %arg5[%mul3A_76, %dma_wait3A_82] : memref<80000x128xi32, #tpu.memory_space<hbm>> -> memref<128x64xi32, #tpu.memory_space<hbm>>
        %dma_wait3A_84 = arith.constant 64 : i32
        %dma_wait3A_85 = tpu.memref_slice %arg5[%mul3A_76, %dma_wait3A_84] : memref<80000x128xi32, #tpu.memory_space<hbm>> -> memref<128x64xi32, #tpu.memory_space<hbm>>
        tpu.wait_dma2 semaphore(%run_scoped3A : memref<!tpu.dma_semaphore, #tpu.memory_space<semaphore_mem>>) src(%arg9 : memref<128x64xi32, #tpu.memory_space<vmem>>) dst(%dma_wait3A_85 : memref<128x64xi32, #tpu.memory_space<hbm>>)
        tpu.yield
      }) : () -> ()
      %while3A_77 = arith.constant 0 : i32
      scf.yield %while3A_77 : i32
    }
    return
  }
}

#map = affine_map<(d0, d1) -> (0, 0)>
#map1 = affine_map<(d0, d1) -> (0)>
module attributes {stable_mosaic.version = 14 : i64} {
  func.func @gather_k(%arg0: i32, %arg1: i32, %arg2: memref<10000x64xi32, #tpu.memory_space<hbm>>, %arg3: memref<320000xi32, #tpu.memory_space<hbm>>, %arg4: memref<320000xi32, #tpu.memory_space<hbm>>, %arg5: memref<80000x128xi32, #tpu.memory_space<hbm>>, %arg6: memref<128xi32, #tpu.memory_space<vmem>>, %arg7: memref<128xi32, #tpu.memory_space<vmem>>, %arg8: memref<128x64xi32, #tpu.memory_space<vmem>>, %arg9: memref<128x64xi32, #tpu.memory_space<vmem>>, %arg10: memref<!tpu.dma_semaphore, #tpu.memory_space<semaphore_mem>>, %arg11: memref<!tpu.dma_semaphore, #tpu.memory_space<semaphore_mem>>) attributes {dimension_semantics = [#tpu.dimension_semantics<core_parallel>, #tpu.dimension_semantics<subcore_parallel>], iteration_bounds = array<i64: 2, 16>, scalar_prefetch = 0 : i64, scratch_operands = 6 : i64, tpu.core_type = #tpu.core_type<sc_vector_subcore>, window_params = [{transform_indices = #map}, {transform_indices = #map1}, {transform_indices = #map1}, {transform_indices = #map}]} {
    %mul3A = arith.constant 2 : i32
    %mul3A_0 = arith.muli %arg1, %mul3A : i32
    %add3A = arith.addi %mul3A_0, %arg0 : i32
    %mul3A_1 = arith.constant 625 : i32
    %mul3A_2 = arith.muli %mul3A_1, %add3A : i32
    %jit3A = arith.constant 32 : i32
    %div3A = arith.divsi %mul3A_2, %jit3A : i32
    %sign3A = arith.constant 0 : i32
    %sign3A_3 = arith.cmpi sgt, %mul3A_2, %sign3A : i32
    %sign3A_4 = arith.extui %sign3A_3 : i1 to i32
    %sign3A_5 = arith.constant 0 : i32
    %sign3A_6 = arith.cmpi slt, %mul3A_2, %sign3A_5 : i32
    %sign3A_7 = arith.extui %sign3A_6 : i1 to i32
    %sign3A_8 = arith.subi %sign3A_4, %sign3A_7 : i32
    %sign3A_9 = arith.constant 0 : i32
    %sign3A_10 = arith.cmpi sgt, %jit3A, %sign3A_9 : i32
    %sign3A_11 = arith.extui %sign3A_10 : i1 to i32
    %sign3A_12 = arith.constant 0 : i32
    %sign3A_13 = arith.cmpi slt, %jit3A, %sign3A_12 : i32
    %sign3A_14 = arith.extui %sign3A_13 : i1 to i32
    %sign3A_15 = arith.subi %sign3A_11, %sign3A_14 : i32
    %ne3A = arith.cmpi ne, %sign3A_8, %sign3A_15 : i32
    %rem3A = arith.remsi %mul3A_2, %jit3A : i32
    %ne3A_16 = arith.constant 0 : i32
    %ne3A_17 = arith.cmpi ne, %rem3A, %ne3A_16 : i32
    %and3A = arith.andi %ne3A, %ne3A_17 : i1
    %sub3A = arith.constant 1 : i32
    %sub3A_18 = arith.subi %div3A, %sub3A : i32
    %select_n3A = arith.select %and3A, %sub3A_18, %div3A : i32
    %add3A_19 = arith.constant 1 : i32
    %add3A_20 = arith.addi %add3A, %add3A_19 : i32
    %mul3A_21 = arith.constant 625 : i32
    %mul3A_22 = arith.muli %mul3A_21, %add3A_20 : i32
    %jit3A_23 = arith.constant 32 : i32
    %div3A_24 = arith.divsi %mul3A_22, %jit3A_23 : i32
    %sign3A_25 = arith.constant 0 : i32
    %sign3A_26 = arith.cmpi sgt, %mul3A_22, %sign3A_25 : i32
    %sign3A_27 = arith.extui %sign3A_26 : i1 to i32
    %sign3A_28 = arith.constant 0 : i32
    %sign3A_29 = arith.cmpi slt, %mul3A_22, %sign3A_28 : i32
    %sign3A_30 = arith.extui %sign3A_29 : i1 to i32
    %sign3A_31 = arith.subi %sign3A_27, %sign3A_30 : i32
    %sign3A_32 = arith.constant 0 : i32
    %sign3A_33 = arith.cmpi sgt, %jit3A_23, %sign3A_32 : i32
    %sign3A_34 = arith.extui %sign3A_33 : i1 to i32
    %sign3A_35 = arith.constant 0 : i32
    %sign3A_36 = arith.cmpi slt, %jit3A_23, %sign3A_35 : i32
    %sign3A_37 = arith.extui %sign3A_36 : i1 to i32
    %sign3A_38 = arith.subi %sign3A_34, %sign3A_37 : i32
    %ne3A_39 = arith.cmpi ne, %sign3A_31, %sign3A_38 : i32
    %rem3A_40 = arith.remsi %mul3A_22, %jit3A_23 : i32
    %ne3A_41 = arith.constant 0 : i32
    %ne3A_42 = arith.cmpi ne, %rem3A_40, %ne3A_41 : i32
    %and3A_43 = arith.andi %ne3A_39, %ne3A_42 : i1
    %sub3A_44 = arith.constant 1 : i32
    %sub3A_45 = arith.subi %div3A_24, %sub3A_44 : i32
    %select_n3A_46 = arith.select %and3A_43, %sub3A_45, %div3A_24 : i32
    %while3A = arith.constant 0 : i32
    %while3A_47 = arith.subi %select_n3A_46, %select_n3A : i32
    %while3A_48 = arith.addi %select_n3A, %while3A_47 : i32
    %while3A_49 = arith.constant 1 : i32
    %while3A_50 = arith.divsi %while3A_47, %while3A_49 : i32
    %while3A_51 = arith.muli %while3A_50, %while3A_49 : i32
    %while3A_52 = arith.addi %select_n3A, %while3A_51 : i32
    %while3A_53 = arith.constant 1 : i32
    %while3A_54 = scf.for %while3A_57 = %select_n3A to %while3A_52 step %while3A_53 iter_args(%while3A_58 = %while3A) -> (i32)  : i32 {
      %add3A_59 = arith.constant 1250 : i32
      %add3A_60 = arith.addi %add3A_59, %while3A_57 : i32
      %mul3A_61 = arith.constant 128 : i32
      %mul3A_62 = arith.muli %add3A_60, %mul3A_61 : i32
      "tpu.region"() ({
        %run_scoped3A = tpu.sem_alloc : memref<!tpu.dma_semaphore, #tpu.memory_space<semaphore_mem>>
        %dma_start3A_78 = tpu.memref_slice %arg3[%mul3A_62] : memref<320000xi32, #tpu.memory_space<hbm>> -> memref<128xi32, #tpu.memory_space<hbm>>
        %dma_start3A_79 = tpu.memref_slice %arg3[%mul3A_62] : memref<320000xi32, #tpu.memory_space<hbm>> -> memref<128xi32, #tpu.memory_space<hbm>>
        tpu.enqueue_dma source(%dma_start3A_79 : memref<128xi32, #tpu.memory_space<hbm>>) target(%arg6 : memref<128xi32, #tpu.memory_space<vmem>>) target_semaphore(%run_scoped3A : memref<!tpu.dma_semaphore, #tpu.memory_space<semaphore_mem>>)
        %dma_wait3A_80 = tpu.memref_slice %arg3[%mul3A_62] : memref<320000xi32, #tpu.memory_space<hbm>> -> memref<128xi32, #tpu.memory_space<hbm>>
        %dma_wait3A_81 = tpu.memref_slice %arg3[%mul3A_62] : memref<320000xi32, #tpu.memory_space<hbm>> -> memref<128xi32, #tpu.memory_space<hbm>>
        tpu.wait_dma2 semaphore(%run_scoped3A : memref<!tpu.dma_semaphore, #tpu.memory_space<semaphore_mem>>) src(%dma_wait3A_81 : memref<128xi32, #tpu.memory_space<hbm>>) dst(%arg6 : memref<128xi32, #tpu.memory_space<vmem>>)
        tpu.yield
      }) : () -> ()
      "tpu.region"() ({
        %run_scoped3A = tpu.sem_alloc : memref<!tpu.dma_semaphore, #tpu.memory_space<semaphore_mem>>
        %dma_start3A_78 = tpu.memref_slice %arg4[%mul3A_62] : memref<320000xi32, #tpu.memory_space<hbm>> -> memref<128xi32, #tpu.memory_space<hbm>>
        %dma_start3A_79 = tpu.memref_slice %arg4[%mul3A_62] : memref<320000xi32, #tpu.memory_space<hbm>> -> memref<128xi32, #tpu.memory_space<hbm>>
        tpu.enqueue_dma source(%dma_start3A_79 : memref<128xi32, #tpu.memory_space<hbm>>) target(%arg7 : memref<128xi32, #tpu.memory_space<vmem>>) target_semaphore(%run_scoped3A : memref<!tpu.dma_semaphore, #tpu.memory_space<semaphore_mem>>)
        %dma_wait3A_80 = tpu.memref_slice %arg4[%mul3A_62] : memref<320000xi32, #tpu.memory_space<hbm>> -> memref<128xi32, #tpu.memory_space<hbm>>
        %dma_wait3A_81 = tpu.memref_slice %arg4[%mul3A_62] : memref<320000xi32, #tpu.memory_space<hbm>> -> memref<128xi32, #tpu.memory_space<hbm>>
        tpu.wait_dma2 semaphore(%run_scoped3A : memref<!tpu.dma_semaphore, #tpu.memory_space<semaphore_mem>>) src(%dma_wait3A_81 : memref<128xi32, #tpu.memory_space<hbm>>) dst(%arg7 : memref<128xi32, #tpu.memory_space<vmem>>)
        tpu.yield
      }) : () -> ()
      %dma_start3A = arith.constant 0 : i32
      %dma_start3A_63 = arith.constant 0 : i32
      %dma_start3A_64 = tpu.memref_slice %arg2[%dma_start3A, %dma_start3A_63] : memref<10000x64xi32, #tpu.memory_space<hbm>> -> memref<10000x64xi32, #tpu.memory_space<hbm>>
      tpu.enqueue_indirect_dma source(%dma_start3A_64 : memref<10000x64xi32, #tpu.memory_space<hbm>>) target(%arg8 : memref<128x64xi32, #tpu.memory_space<vmem>>) offsets(%arg6 : memref<128xi32, #tpu.memory_space<vmem>>) semaphore(%arg10 : memref<!tpu.dma_semaphore, #tpu.memory_space<semaphore_mem>>)
      %dma_start3A_65 = arith.constant 0 : i32
      %dma_start3A_66 = arith.constant 0 : i32
      %dma_start3A_67 = tpu.memref_slice %arg2[%dma_start3A_65, %dma_start3A_66] : memref<10000x64xi32, #tpu.memory_space<hbm>> -> memref<10000x64xi32, #tpu.memory_space<hbm>>
      tpu.enqueue_indirect_dma source(%dma_start3A_67 : memref<10000x64xi32, #tpu.memory_space<hbm>>) target(%arg9 : memref<128x64xi32, #tpu.memory_space<vmem>>) offsets(%arg7 : memref<128xi32, #tpu.memory_space<vmem>>) semaphore(%arg11 : memref<!tpu.dma_semaphore, #tpu.memory_space<semaphore_mem>>)
      %dma_wait3A = arith.constant 0 : i32
      %dma_wait3A_68 = arith.constant 0 : i32
      %dma_wait3A_69 = tpu.memref_slice %arg2[%dma_wait3A, %dma_wait3A_68] : memref<10000x64xi32, #tpu.memory_space<hbm>> -> memref<10000x64xi32, #tpu.memory_space<hbm>>
      tpu.wait_indirect_dma semaphore(%arg10 : memref<!tpu.dma_semaphore, #tpu.memory_space<semaphore_mem>>) src(%dma_wait3A_69 : memref<10000x64xi32, #tpu.memory_space<hbm>>) dst(%arg8 : memref<128x64xi32, #tpu.memory_space<vmem>>)
      %dma_wait3A_70 = arith.constant 0 : i32
      %dma_wait3A_71 = arith.constant 0 : i32
      %dma_wait3A_72 = tpu.memref_slice %arg2[%dma_wait3A_70, %dma_wait3A_71] : memref<10000x64xi32, #tpu.memory_space<hbm>> -> memref<10000x64xi32, #tpu.memory_space<hbm>>
      tpu.wait_indirect_dma semaphore(%arg11 : memref<!tpu.dma_semaphore, #tpu.memory_space<semaphore_mem>>) src(%dma_wait3A_72 : memref<10000x64xi32, #tpu.memory_space<hbm>>) dst(%arg9 : memref<128x64xi32, #tpu.memory_space<vmem>>)
      %mul3A_73 = arith.constant 128 : i32
      %mul3A_74 = arith.muli %while3A_57, %mul3A_73 : i32
      "tpu.region"() ({
        %run_scoped3A = tpu.sem_alloc : memref<!tpu.dma_semaphore, #tpu.memory_space<semaphore_mem>>
        %dma_start3A_78 = arith.constant 0 : i32
        %dma_start3A_79 = tpu.memref_slice %arg5[%mul3A_74, %dma_start3A_78] : memref<80000x128xi32, #tpu.memory_space<hbm>> -> memref<128x64xi32, #tpu.memory_space<hbm>>
        %dma_start3A_80 = arith.constant 0 : i32
        %dma_start3A_81 = tpu.memref_slice %arg5[%mul3A_74, %dma_start3A_80] : memref<80000x128xi32, #tpu.memory_space<hbm>> -> memref<128x64xi32, #tpu.memory_space<hbm>>
        tpu.enqueue_dma source(%arg8 : memref<128x64xi32, #tpu.memory_space<vmem>>) target(%dma_start3A_81 : memref<128x64xi32, #tpu.memory_space<hbm>>) target_semaphore(%run_scoped3A : memref<!tpu.dma_semaphore, #tpu.memory_space<semaphore_mem>>)
        %dma_wait3A_82 = arith.constant 0 : i32
        %dma_wait3A_83 = tpu.memref_slice %arg5[%mul3A_74, %dma_wait3A_82] : memref<80000x128xi32, #tpu.memory_space<hbm>> -> memref<128x64xi32, #tpu.memory_space<hbm>>
        %dma_wait3A_84 = arith.constant 0 : i32
        %dma_wait3A_85 = tpu.memref_slice %arg5[%mul3A_74, %dma_wait3A_84] : memref<80000x128xi32, #tpu.memory_space<hbm>> -> memref<128x64xi32, #tpu.memory_space<hbm>>
        tpu.wait_dma2 semaphore(%run_scoped3A : memref<!tpu.dma_semaphore, #tpu.memory_space<semaphore_mem>>) src(%arg8 : memref<128x64xi32, #tpu.memory_space<vmem>>) dst(%dma_wait3A_85 : memref<128x64xi32, #tpu.memory_space<hbm>>)
        tpu.yield
      }) : () -> ()
      %mul3A_75 = arith.constant 128 : i32
      %mul3A_76 = arith.muli %while3A_57, %mul3A_75 : i32
      "tpu.region"() ({
        %run_scoped3A = tpu.sem_alloc : memref<!tpu.dma_semaphore, #tpu.memory_space<semaphore_mem>>
        %dma_start3A_78 = arith.constant 64 : i32
        %dma_start3A_79 = tpu.memref_slice %arg5[%mul3A_76, %dma_start3A_78] : memref<80000x128xi32, #tpu.memory_space<hbm>> -> memref<128x64xi32, #tpu.memory_space<hbm>>
        %dma_start3A_80 = arith.constant 64 : i32
        %dma_start3A_81 = tpu.memref_slice %arg5[%mul3A_76, %dma_start3A_80] : memref<80000x128xi32, #tpu.memory_space<hbm>> -> memref<128x64xi32, #tpu.memory_space<hbm>>
        tpu.enqueue_dma source(%arg9 : memref<128x64xi32, #tpu.memory_space<vmem>>) target(%dma_start3A_81 : memref<128x64xi32, #tpu.memory_space<hbm>>) target_semaphore(%run_scoped3A : memref<!tpu.dma_semaphore, #tpu.memory_space<semaphore_mem>>)
        %dma_wait3A_82 = arith.constant 64 : i32
        %dma_wait3A_83 = tpu.memref_slice %arg5[%mul3A_76, %dma_wait3A_82] : memref<80000x128xi32, #tpu.memory_space<hbm>> -> memref<128x64xi32, #tpu.memory_space<hbm>>
        %dma_wait3A_84 = arith.constant 64 : i32
        %dma_wait3A_85 = tpu.memref_slice %arg5[%mul3A_76, %dma_wait3A_84] : memref<80000x128xi32, #tpu.memory_space<hbm>> -> memref<128x64xi32, #tpu.memory_space<hbm>>
        tpu.wait_dma2 semaphore(%run_scoped3A : memref<!tpu.dma_semaphore, #tpu.memory_space<semaphore_mem>>) src(%arg9 : memref<128x64xi32, #tpu.memory_space<vmem>>) dst(%dma_wait3A_85 : memref<128x64xi32, #tpu.memory_space<hbm>>)
        tpu.yield
      }) : () -> ()
      %while3A_77 = arith.constant 0 : i32
      scf.yield %while3A_77 : i32
    }
    %while3A_55 = arith.constant 1 : i32
    %while3A_56 = scf.for %while3A_57 = %while3A_52 to %while3A_48 step %while3A_55 iter_args(%while3A_58 = %while3A_54) -> (i32)  : i32 {
      %add3A_59 = arith.constant 1250 : i32
      %add3A_60 = arith.addi %add3A_59, %while3A_57 : i32
      %mul3A_61 = arith.constant 128 : i32
      %mul3A_62 = arith.muli %add3A_60, %mul3A_61 : i32
      "tpu.region"() ({
        %run_scoped3A = tpu.sem_alloc : memref<!tpu.dma_semaphore, #tpu.memory_space<semaphore_mem>>
        %dma_start3A_78 = tpu.memref_slice %arg3[%mul3A_62] : memref<320000xi32, #tpu.memory_space<hbm>> -> memref<128xi32, #tpu.memory_space<hbm>>
        %dma_start3A_79 = tpu.memref_slice %arg3[%mul3A_62] : memref<320000xi32, #tpu.memory_space<hbm>> -> memref<128xi32, #tpu.memory_space<hbm>>
        tpu.enqueue_dma source(%dma_start3A_79 : memref<128xi32, #tpu.memory_space<hbm>>) target(%arg6 : memref<128xi32, #tpu.memory_space<vmem>>) target_semaphore(%run_scoped3A : memref<!tpu.dma_semaphore, #tpu.memory_space<semaphore_mem>>)
        %dma_wait3A_80 = tpu.memref_slice %arg3[%mul3A_62] : memref<320000xi32, #tpu.memory_space<hbm>> -> memref<128xi32, #tpu.memory_space<hbm>>
        %dma_wait3A_81 = tpu.memref_slice %arg3[%mul3A_62] : memref<320000xi32, #tpu.memory_space<hbm>> -> memref<128xi32, #tpu.memory_space<hbm>>
        tpu.wait_dma2 semaphore(%run_scoped3A : memref<!tpu.dma_semaphore, #tpu.memory_space<semaphore_mem>>) src(%dma_wait3A_81 : memref<128xi32, #tpu.memory_space<hbm>>) dst(%arg6 : memref<128xi32, #tpu.memory_space<vmem>>)
        tpu.yield
      }) : () -> ()
      "tpu.region"() ({
        %run_scoped3A = tpu.sem_alloc : memref<!tpu.dma_semaphore, #tpu.memory_space<semaphore_mem>>
        %dma_start3A_78 = tpu.memref_slice %arg4[%mul3A_62] : memref<320000xi32, #tpu.memory_space<hbm>> -> memref<128xi32, #tpu.memory_space<hbm>>
        %dma_start3A_79 = tpu.memref_slice %arg4[%mul3A_62] : memref<320000xi32, #tpu.memory_space<hbm>> -> memref<128xi32, #tpu.memory_space<hbm>>
        tpu.enqueue_dma source(%dma_start3A_79 : memref<128xi32, #tpu.memory_space<hbm>>) target(%arg7 : memref<128xi32, #tpu.memory_space<vmem>>) target_semaphore(%run_scoped3A : memref<!tpu.dma_semaphore, #tpu.memory_space<semaphore_mem>>)
        %dma_wait3A_80 = tpu.memref_slice %arg4[%mul3A_62] : memref<320000xi32, #tpu.memory_space<hbm>> -> memref<128xi32, #tpu.memory_space<hbm>>
        %dma_wait3A_81 = tpu.memref_slice %arg4[%mul3A_62] : memref<320000xi32, #tpu.memory_space<hbm>> -> memref<128xi32, #tpu.memory_space<hbm>>
        tpu.wait_dma2 semaphore(%run_scoped3A : memref<!tpu.dma_semaphore, #tpu.memory_space<semaphore_mem>>) src(%dma_wait3A_81 : memref<128xi32, #tpu.memory_space<hbm>>) dst(%arg7 : memref<128xi32, #tpu.memory_space<vmem>>)
        tpu.yield
      }) : () -> ()
      %dma_start3A = arith.constant 0 : i32
      %dma_start3A_63 = arith.constant 0 : i32
      %dma_start3A_64 = tpu.memref_slice %arg2[%dma_start3A, %dma_start3A_63] : memref<10000x64xi32, #tpu.memory_space<hbm>> -> memref<10000x64xi32, #tpu.memory_space<hbm>>
      tpu.enqueue_indirect_dma source(%dma_start3A_64 : memref<10000x64xi32, #tpu.memory_space<hbm>>) target(%arg8 : memref<128x64xi32, #tpu.memory_space<vmem>>) offsets(%arg6 : memref<128xi32, #tpu.memory_space<vmem>>) semaphore(%arg10 : memref<!tpu.dma_semaphore, #tpu.memory_space<semaphore_mem>>)
      %dma_start3A_65 = arith.constant 0 : i32
      %dma_start3A_66 = arith.constant 0 : i32
      %dma_start3A_67 = tpu.memref_slice %arg2[%dma_start3A_65, %dma_start3A_66] : memref<10000x64xi32, #tpu.memory_space<hbm>> -> memref<10000x64xi32, #tpu.memory_space<hbm>>
      tpu.enqueue_indirect_dma source(%dma_start3A_67 : memref<10000x64xi32, #tpu.memory_space<hbm>>) target(%arg9 : memref<128x64xi32, #tpu.memory_space<vmem>>) offsets(%arg7 : memref<128xi32, #tpu.memory_space<vmem>>) semaphore(%arg11 : memref<!tpu.dma_semaphore, #tpu.memory_space<semaphore_mem>>)
      %dma_wait3A = arith.constant 0 : i32
      %dma_wait3A_68 = arith.constant 0 : i32
      %dma_wait3A_69 = tpu.memref_slice %arg2[%dma_wait3A, %dma_wait3A_68] : memref<10000x64xi32, #tpu.memory_space<hbm>> -> memref<10000x64xi32, #tpu.memory_space<hbm>>
      tpu.wait_indirect_dma semaphore(%arg10 : memref<!tpu.dma_semaphore, #tpu.memory_space<semaphore_mem>>) src(%dma_wait3A_69 : memref<10000x64xi32, #tpu.memory_space<hbm>>) dst(%arg8 : memref<128x64xi32, #tpu.memory_space<vmem>>)
      %dma_wait3A_70 = arith.constant 0 : i32
      %dma_wait3A_71 = arith.constant 0 : i32
      %dma_wait3A_72 = tpu.memref_slice %arg2[%dma_wait3A_70, %dma_wait3A_71] : memref<10000x64xi32, #tpu.memory_space<hbm>> -> memref<10000x64xi32, #tpu.memory_space<hbm>>
      tpu.wait_indirect_dma semaphore(%arg11 : memref<!tpu.dma_semaphore, #tpu.memory_space<semaphore_mem>>) src(%dma_wait3A_72 : memref<10000x64xi32, #tpu.memory_space<hbm>>) dst(%arg9 : memref<128x64xi32, #tpu.memory_space<vmem>>)
      %mul3A_73 = arith.constant 128 : i32
      %mul3A_74 = arith.muli %while3A_57, %mul3A_73 : i32
      "tpu.region"() ({
        %run_scoped3A = tpu.sem_alloc : memref<!tpu.dma_semaphore, #tpu.memory_space<semaphore_mem>>
        %dma_start3A_78 = arith.constant 0 : i32
        %dma_start3A_79 = tpu.memref_slice %arg5[%mul3A_74, %dma_start3A_78] : memref<80000x128xi32, #tpu.memory_space<hbm>> -> memref<128x64xi32, #tpu.memory_space<hbm>>
        %dma_start3A_80 = arith.constant 0 : i32
        %dma_start3A_81 = tpu.memref_slice %arg5[%mul3A_74, %dma_start3A_80] : memref<80000x128xi32, #tpu.memory_space<hbm>> -> memref<128x64xi32, #tpu.memory_space<hbm>>
        tpu.enqueue_dma source(%arg8 : memref<128x64xi32, #tpu.memory_space<vmem>>) target(%dma_start3A_81 : memref<128x64xi32, #tpu.memory_space<hbm>>) target_semaphore(%run_scoped3A : memref<!tpu.dma_semaphore, #tpu.memory_space<semaphore_mem>>)
        %dma_wait3A_82 = arith.constant 0 : i32
        %dma_wait3A_83 = tpu.memref_slice %arg5[%mul3A_74, %dma_wait3A_82] : memref<80000x128xi32, #tpu.memory_space<hbm>> -> memref<128x64xi32, #tpu.memory_space<hbm>>
        %dma_wait3A_84 = arith.constant 0 : i32
        %dma_wait3A_85 = tpu.memref_slice %arg5[%mul3A_74, %dma_wait3A_84] : memref<80000x128xi32, #tpu.memory_space<hbm>> -> memref<128x64xi32, #tpu.memory_space<hbm>>
        tpu.wait_dma2 semaphore(%run_scoped3A : memref<!tpu.dma_semaphore, #tpu.memory_space<semaphore_mem>>) src(%arg8 : memref<128x64xi32, #tpu.memory_space<vmem>>) dst(%dma_wait3A_85 : memref<128x64xi32, #tpu.memory_space<hbm>>)
        tpu.yield
      }) : () -> ()
      %mul3A_75 = arith.constant 128 : i32
      %mul3A_76 = arith.muli %while3A_57, %mul3A_75 : i32
      "tpu.region"() ({
        %run_scoped3A = tpu.sem_alloc : memref<!tpu.dma_semaphore, #tpu.memory_space<semaphore_mem>>
        %dma_start3A_78 = arith.constant 64 : i32
        %dma_start3A_79 = tpu.memref_slice %arg5[%mul3A_76, %dma_start3A_78] : memref<80000x128xi32, #tpu.memory_space<hbm>> -> memref<128x64xi32, #tpu.memory_space<hbm>>
        %dma_start3A_80 = arith.constant 64 : i32
        %dma_start3A_81 = tpu.memref_slice %arg5[%mul3A_76, %dma_start3A_80] : memref<80000x128xi32, #tpu.memory_space<hbm>> -> memref<128x64xi32, #tpu.memory_space<hbm>>
        tpu.enqueue_dma source(%arg9 : memref<128x64xi32, #tpu.memory_space<vmem>>) target(%dma_start3A_81 : memref<128x64xi32, #tpu.memory_space<hbm>>) target_semaphore(%run_scoped3A : memref<!tpu.dma_semaphore, #tpu.memory_space<semaphore_mem>>)
        %dma_wait3A_82 = arith.constant 64 : i32
        %dma_wait3A_83 = tpu.memref_slice %arg5[%mul3A_76, %dma_wait3A_82] : memref<80000x128xi32, #tpu.memory_space<hbm>> -> memref<128x64xi32, #tpu.memory_space<hbm>>
        %dma_wait3A_84 = arith.constant 64 : i32
        %dma_wait3A_85 = tpu.memref_slice %arg5[%mul3A_76, %dma_wait3A_84] : memref<80000x128xi32, #tpu.memory_space<hbm>> -> memref<128x64xi32, #tpu.memory_space<hbm>>
        tpu.wait_dma2 semaphore(%run_scoped3A : memref<!tpu.dma_semaphore, #tpu.memory_space<semaphore_mem>>) src(%arg9 : memref<128x64xi32, #tpu.memory_space<vmem>>) dst(%dma_wait3A_85 : memref<128x64xi32, #tpu.memory_space<hbm>>)
        tpu.yield
      }) : () -> ()
      %while3A_77 = arith.constant 0 : i32
      scf.yield %while3A_77 : i32
    }
    return
  }
}

#map = affine_map<(d0, d1) -> (0, 0)>
#map1 = affine_map<(d0, d1) -> (0)>
#map2 = affine_map<(d0, d1) -> (0, 0, 0)>
module attributes {stable_mosaic.version = 14 : i64} {
  func.func @scatter_k(%arg0: i32, %arg1: i32, %arg2: memref<80000x128xf32, #tpu.memory_space<hbm>>, %arg3: memref<320000xi32, #tpu.memory_space<hbm>>, %arg4: memref<10112x128xf32, #tpu.memory_space<hbm>>, %arg5: memref<2x10112x128xf32, #tpu.memory_space<hbm>>, %arg6: memref<10112x128xf32, #tpu.memory_space<vmem_shared>>, %arg7: memref<128xi32, #tpu.memory_space<vmem>>, %arg8: memref<128x128xf32, #tpu.memory_space<vmem>>) attributes {dimension_semantics = [#tpu.dimension_semantics<core_parallel>, #tpu.dimension_semantics<subcore_parallel>], iteration_bounds = array<i64: 2, 16>, scalar_prefetch = 0 : i64, scratch_operands = 3 : i64, tpu.core_type = #tpu.core_type<sc_vector_subcore>, window_params = [{transform_indices = #map}, {transform_indices = #map1}, {transform_indices = #map}, {transform_indices = #map2}]} {
    %mul3A = arith.constant 2 : i32
    %mul3A_0 = arith.muli %arg1, %mul3A : i32
    %add3A = arith.addi %mul3A_0, %arg0 : i32
    %mul3A_1 = arith.constant 625 : i32
    %mul3A_2 = arith.muli %mul3A_1, %add3A : i32
    %jit3A = arith.constant 32 : i32
    %div3A = arith.divsi %mul3A_2, %jit3A : i32
    %sign3A = arith.constant 0 : i32
    %sign3A_3 = arith.cmpi sgt, %mul3A_2, %sign3A : i32
    %sign3A_4 = arith.extui %sign3A_3 : i1 to i32
    %sign3A_5 = arith.constant 0 : i32
    %sign3A_6 = arith.cmpi slt, %mul3A_2, %sign3A_5 : i32
    %sign3A_7 = arith.extui %sign3A_6 : i1 to i32
    %sign3A_8 = arith.subi %sign3A_4, %sign3A_7 : i32
    %sign3A_9 = arith.constant 0 : i32
    %sign3A_10 = arith.cmpi sgt, %jit3A, %sign3A_9 : i32
    %sign3A_11 = arith.extui %sign3A_10 : i1 to i32
    %sign3A_12 = arith.constant 0 : i32
    %sign3A_13 = arith.cmpi slt, %jit3A, %sign3A_12 : i32
    %sign3A_14 = arith.extui %sign3A_13 : i1 to i32
    %sign3A_15 = arith.subi %sign3A_11, %sign3A_14 : i32
    %ne3A = arith.cmpi ne, %sign3A_8, %sign3A_15 : i32
    %rem3A = arith.remsi %mul3A_2, %jit3A : i32
    %ne3A_16 = arith.constant 0 : i32
    %ne3A_17 = arith.cmpi ne, %rem3A, %ne3A_16 : i32
    %and3A = arith.andi %ne3A, %ne3A_17 : i1
    %sub3A = arith.constant 1 : i32
    %sub3A_18 = arith.subi %div3A, %sub3A : i32
    %select_n3A = arith.select %and3A, %sub3A_18, %div3A : i32
    %add3A_19 = arith.constant 1 : i32
    %add3A_20 = arith.addi %add3A, %add3A_19 : i32
    %mul3A_21 = arith.constant 625 : i32
    %mul3A_22 = arith.muli %mul3A_21, %add3A_20 : i32
    %jit3A_23 = arith.constant 32 : i32
    %div3A_24 = arith.divsi %mul3A_22, %jit3A_23 : i32
    %sign3A_25 = arith.constant 0 : i32
    %sign3A_26 = arith.cmpi sgt, %mul3A_22, %sign3A_25 : i32
    %sign3A_27 = arith.extui %sign3A_26 : i1 to i32
    %sign3A_28 = arith.constant 0 : i32
    %sign3A_29 = arith.cmpi slt, %mul3A_22, %sign3A_28 : i32
    %sign3A_30 = arith.extui %sign3A_29 : i1 to i32
    %sign3A_31 = arith.subi %sign3A_27, %sign3A_30 : i32
    %sign3A_32 = arith.constant 0 : i32
    %sign3A_33 = arith.cmpi sgt, %jit3A_23, %sign3A_32 : i32
    %sign3A_34 = arith.extui %sign3A_33 : i1 to i32
    %sign3A_35 = arith.constant 0 : i32
    %sign3A_36 = arith.cmpi slt, %jit3A_23, %sign3A_35 : i32
    %sign3A_37 = arith.extui %sign3A_36 : i1 to i32
    %sign3A_38 = arith.subi %sign3A_34, %sign3A_37 : i32
    %ne3A_39 = arith.cmpi ne, %sign3A_31, %sign3A_38 : i32
    %rem3A_40 = arith.remsi %mul3A_22, %jit3A_23 : i32
    %ne3A_41 = arith.constant 0 : i32
    %ne3A_42 = arith.cmpi ne, %rem3A_40, %ne3A_41 : i32
    %and3A_43 = arith.andi %ne3A_39, %ne3A_42 : i1
    %sub3A_44 = arith.constant 1 : i32
    %sub3A_45 = arith.subi %div3A_24, %sub3A_44 : i32
    %select_n3A_46 = arith.select %and3A_43, %sub3A_45, %div3A_24 : i32
    %mul3A_47 = arith.constant 632 : i32
    %mul3A_48 = arith.muli %arg1, %mul3A_47 : i32
    "tpu.region"() ({
      %run_scoped3A = tpu.sem_alloc : memref<!tpu.dma_semaphore, #tpu.memory_space<semaphore_mem>>
      %dma_start3A = arith.constant 0 : i32
      %dma_start3A_60 = tpu.memref_slice %arg6[%mul3A_48, %dma_start3A] : memref<10112x128xf32, #tpu.memory_space<vmem_shared>> -> memref<632x128xf32, #tpu.memory_space<vmem_shared>>
      %dma_start3A_61 = arith.constant 0 : i32
      %dma_start3A_62 = tpu.memref_slice %arg4[%mul3A_48, %dma_start3A_61] : memref<10112x128xf32, #tpu.memory_space<hbm>> -> memref<632x128xf32, #tpu.memory_space<hbm>>
      tpu.enqueue_dma source(%dma_start3A_62 : memref<632x128xf32, #tpu.memory_space<hbm>>) target(%dma_start3A_60 : memref<632x128xf32, #tpu.memory_space<vmem_shared>>) target_semaphore(%run_scoped3A : memref<!tpu.dma_semaphore, #tpu.memory_space<semaphore_mem>>)
      %dma_wait3A = arith.constant 0 : i32
      %dma_wait3A_63 = tpu.memref_slice %arg6[%mul3A_48, %dma_wait3A] : memref<10112x128xf32, #tpu.memory_space<vmem_shared>> -> memref<632x128xf32, #tpu.memory_space<vmem_shared>>
      %dma_wait3A_64 = arith.constant 0 : i32
      %dma_wait3A_65 = tpu.memref_slice %arg4[%mul3A_48, %dma_wait3A_64] : memref<10112x128xf32, #tpu.memory_space<hbm>> -> memref<632x128xf32, #tpu.memory_space<hbm>>
      tpu.wait_dma2 semaphore(%run_scoped3A : memref<!tpu.dma_semaphore, #tpu.memory_space<semaphore_mem>>) src(%dma_wait3A_65 : memref<632x128xf32, #tpu.memory_space<hbm>>) dst(%dma_wait3A_63 : memref<632x128xf32, #tpu.memory_space<vmem_shared>>)
      tpu.yield
    }) : () -> ()
    %barrier3A = arith.constant 0 : index
    tpu.barrier barrier_id(%barrier3A)
    %while3A = arith.constant 0 : i32
    %while3A_49 = arith.subi %select_n3A_46, %select_n3A : i32
    %while3A_50 = arith.addi %select_n3A, %while3A_49 : i32
    %while3A_51 = arith.constant 1 : i32
    %while3A_52 = arith.divsi %while3A_49, %while3A_51 : i32
    %while3A_53 = arith.muli %while3A_52, %while3A_51 : i32
    %while3A_54 = arith.addi %select_n3A, %while3A_53 : i32
    %while3A_55 = arith.constant 1 : i32
    %while3A_56 = scf.for %while3A_60 = %select_n3A to %while3A_54 step %while3A_55 iter_args(%while3A_61 = %while3A) -> (i32)  : i32 {
      %add3A_62 = arith.constant 1250 : i32
      %add3A_63 = arith.addi %add3A_62, %while3A_60 : i32
      %mul3A_64 = arith.constant 128 : i32
      %mul3A_65 = arith.muli %add3A_63, %mul3A_64 : i32
      "tpu.region"() ({
        %run_scoped3A = tpu.sem_alloc : memref<!tpu.dma_semaphore, #tpu.memory_space<semaphore_mem>>
        %dma_start3A = tpu.memref_slice %arg3[%mul3A_65] : memref<320000xi32, #tpu.memory_space<hbm>> -> memref<128xi32, #tpu.memory_space<hbm>>
        %dma_start3A_69 = tpu.memref_slice %arg3[%mul3A_65] : memref<320000xi32, #tpu.memory_space<hbm>> -> memref<128xi32, #tpu.memory_space<hbm>>
        tpu.enqueue_dma source(%dma_start3A_69 : memref<128xi32, #tpu.memory_space<hbm>>) target(%arg7 : memref<128xi32, #tpu.memory_space<vmem>>) target_semaphore(%run_scoped3A : memref<!tpu.dma_semaphore, #tpu.memory_space<semaphore_mem>>)
        %dma_wait3A = tpu.memref_slice %arg3[%mul3A_65] : memref<320000xi32, #tpu.memory_space<hbm>> -> memref<128xi32, #tpu.memory_space<hbm>>
        %dma_wait3A_70 = tpu.memref_slice %arg3[%mul3A_65] : memref<320000xi32, #tpu.memory_space<hbm>> -> memref<128xi32, #tpu.memory_space<hbm>>
        tpu.wait_dma2 semaphore(%run_scoped3A : memref<!tpu.dma_semaphore, #tpu.memory_space<semaphore_mem>>) src(%dma_wait3A_70 : memref<128xi32, #tpu.memory_space<hbm>>) dst(%arg7 : memref<128xi32, #tpu.memory_space<vmem>>)
        tpu.yield
      }) : () -> ()
      %mul3A_66 = arith.constant 128 : i32
      %mul3A_67 = arith.muli %while3A_60, %mul3A_66 : i32
      "tpu.region"() ({
        %run_scoped3A = tpu.sem_alloc : memref<!tpu.dma_semaphore, #tpu.memory_space<semaphore_mem>>
        %dma_start3A = arith.constant 0 : i32
        %dma_start3A_69 = tpu.memref_slice %arg2[%mul3A_67, %dma_start3A] : memref<80000x128xf32, #tpu.memory_space<hbm>> -> memref<128x128xf32, #tpu.memory_space<hbm>>
        %dma_start3A_70 = arith.constant 0 : i32
        %dma_start3A_71 = tpu.memref_slice %arg2[%mul3A_67, %dma_start3A_70] : memref<80000x128xf32, #tpu.memory_space<hbm>> -> memref<128x128xf32, #tpu.memory_space<hbm>>
        tpu.enqueue_dma source(%dma_start3A_71 : memref<128x128xf32, #tpu.memory_space<hbm>>) target(%arg8 : memref<128x128xf32, #tpu.memory_space<vmem>>) target_semaphore(%run_scoped3A : memref<!tpu.dma_semaphore, #tpu.memory_space<semaphore_mem>>)
        %dma_wait3A = arith.constant 0 : i32
        %dma_wait3A_72 = tpu.memref_slice %arg2[%mul3A_67, %dma_wait3A] : memref<80000x128xf32, #tpu.memory_space<hbm>> -> memref<128x128xf32, #tpu.memory_space<hbm>>
        %dma_wait3A_73 = arith.constant 0 : i32
        %dma_wait3A_74 = tpu.memref_slice %arg2[%mul3A_67, %dma_wait3A_73] : memref<80000x128xf32, #tpu.memory_space<hbm>> -> memref<128x128xf32, #tpu.memory_space<hbm>>
        tpu.wait_dma2 semaphore(%run_scoped3A : memref<!tpu.dma_semaphore, #tpu.memory_space<semaphore_mem>>) src(%dma_wait3A_74 : memref<128x128xf32, #tpu.memory_space<hbm>>) dst(%arg8 : memref<128x128xf32, #tpu.memory_space<vmem>>)
        tpu.yield
      }) : () -> ()
      "tpu.region"() ({
        %run_scoped3A = tpu.sem_alloc : memref<!tpu.dma_semaphore, #tpu.memory_space<semaphore_mem>>
        %dma_start3A = arith.constant 0 : i32
        %dma_start3A_69 = arith.constant 0 : i32
        %dma_start3A_70 = tpu.memref_slice %arg6[%dma_start3A, %dma_start3A_69] : memref<10112x128xf32, #tpu.memory_space<vmem_shared>> -> memref<10112x128xf32, #tpu.memory_space<vmem_shared>>
        tpu.enqueue_indirect_dma source(%arg8 : memref<128x128xf32, #tpu.memory_space<vmem>>) target(%dma_start3A_70 : memref<10112x128xf32, #tpu.memory_space<vmem_shared>>) offsets(%arg7 : memref<128xi32, #tpu.memory_space<vmem>>) semaphore(%run_scoped3A : memref<!tpu.dma_semaphore, #tpu.memory_space<semaphore_mem>>) {add = true}
        %dma_wait3A = arith.constant 0 : i32
        %dma_wait3A_71 = arith.constant 0 : i32
        %dma_wait3A_72 = tpu.memref_slice %arg6[%dma_wait3A, %dma_wait3A_71] : memref<10112x128xf32, #tpu.memory_space<vmem_shared>> -> memref<10112x128xf32, #tpu.memory_space<vmem_shared>>
        tpu.wait_indirect_dma semaphore(%run_scoped3A : memref<!tpu.dma_semaphore, #tpu.memory_space<semaphore_mem>>) src(%arg8 : memref<128x128xf32, #tpu.memory_space<vmem>>) dst(%dma_wait3A_72 : memref<10112x128xf32, #tpu.memory_space<vmem_shared>>)
        tpu.yield
      }) : () -> ()
      %while3A_68 = arith.constant 0 : i32
      scf.yield %while3A_68 : i32
    }
    %while3A_57 = arith.constant 1 : i32
    %while3A_58 = scf.for %while3A_60 = %while3A_54 to %while3A_50 step %while3A_57 iter_args(%while3A_61 = %while3A_56) -> (i32)  : i32 {
      %add3A_62 = arith.constant 1250 : i32
      %add3A_63 = arith.addi %add3A_62, %while3A_60 : i32
      %mul3A_64 = arith.constant 128 : i32
      %mul3A_65 = arith.muli %add3A_63, %mul3A_64 : i32
      "tpu.region"() ({
        %run_scoped3A = tpu.sem_alloc : memref<!tpu.dma_semaphore, #tpu.memory_space<semaphore_mem>>
        %dma_start3A = tpu.memref_slice %arg3[%mul3A_65] : memref<320000xi32, #tpu.memory_space<hbm>> -> memref<128xi32, #tpu.memory_space<hbm>>
        %dma_start3A_69 = tpu.memref_slice %arg3[%mul3A_65] : memref<320000xi32, #tpu.memory_space<hbm>> -> memref<128xi32, #tpu.memory_space<hbm>>
        tpu.enqueue_dma source(%dma_start3A_69 : memref<128xi32, #tpu.memory_space<hbm>>) target(%arg7 : memref<128xi32, #tpu.memory_space<vmem>>) target_semaphore(%run_scoped3A : memref<!tpu.dma_semaphore, #tpu.memory_space<semaphore_mem>>)
        %dma_wait3A = tpu.memref_slice %arg3[%mul3A_65] : memref<320000xi32, #tpu.memory_space<hbm>> -> memref<128xi32, #tpu.memory_space<hbm>>
        %dma_wait3A_70 = tpu.memref_slice %arg3[%mul3A_65] : memref<320000xi32, #tpu.memory_space<hbm>> -> memref<128xi32, #tpu.memory_space<hbm>>
        tpu.wait_dma2 semaphore(%run_scoped3A : memref<!tpu.dma_semaphore, #tpu.memory_space<semaphore_mem>>) src(%dma_wait3A_70 : memref<128xi32, #tpu.memory_space<hbm>>) dst(%arg7 : memref<128xi32, #tpu.memory_space<vmem>>)
        tpu.yield
      }) : () -> ()
      %mul3A_66 = arith.constant 128 : i32
      %mul3A_67 = arith.muli %while3A_60, %mul3A_66 : i32
      "tpu.region"() ({
        %run_scoped3A = tpu.sem_alloc : memref<!tpu.dma_semaphore, #tpu.memory_space<semaphore_mem>>
        %dma_start3A = arith.constant 0 : i32
        %dma_start3A_69 = tpu.memref_slice %arg2[%mul3A_67, %dma_start3A] : memref<80000x128xf32, #tpu.memory_space<hbm>> -> memref<128x128xf32, #tpu.memory_space<hbm>>
        %dma_start3A_70 = arith.constant 0 : i32
        %dma_start3A_71 = tpu.memref_slice %arg2[%mul3A_67, %dma_start3A_70] : memref<80000x128xf32, #tpu.memory_space<hbm>> -> memref<128x128xf32, #tpu.memory_space<hbm>>
        tpu.enqueue_dma source(%dma_start3A_71 : memref<128x128xf32, #tpu.memory_space<hbm>>) target(%arg8 : memref<128x128xf32, #tpu.memory_space<vmem>>) target_semaphore(%run_scoped3A : memref<!tpu.dma_semaphore, #tpu.memory_space<semaphore_mem>>)
        %dma_wait3A = arith.constant 0 : i32
        %dma_wait3A_72 = tpu.memref_slice %arg2[%mul3A_67, %dma_wait3A] : memref<80000x128xf32, #tpu.memory_space<hbm>> -> memref<128x128xf32, #tpu.memory_space<hbm>>
        %dma_wait3A_73 = arith.constant 0 : i32
        %dma_wait3A_74 = tpu.memref_slice %arg2[%mul3A_67, %dma_wait3A_73] : memref<80000x128xf32, #tpu.memory_space<hbm>> -> memref<128x128xf32, #tpu.memory_space<hbm>>
        tpu.wait_dma2 semaphore(%run_scoped3A : memref<!tpu.dma_semaphore, #tpu.memory_space<semaphore_mem>>) src(%dma_wait3A_74 : memref<128x128xf32, #tpu.memory_space<hbm>>) dst(%arg8 : memref<128x128xf32, #tpu.memory_space<vmem>>)
        tpu.yield
      }) : () -> ()
      "tpu.region"() ({
        %run_scoped3A = tpu.sem_alloc : memref<!tpu.dma_semaphore, #tpu.memory_space<semaphore_mem>>
        %dma_start3A = arith.constant 0 : i32
        %dma_start3A_69 = arith.constant 0 : i32
        %dma_start3A_70 = tpu.memref_slice %arg6[%dma_start3A, %dma_start3A_69] : memref<10112x128xf32, #tpu.memory_space<vmem_shared>> -> memref<10112x128xf32, #tpu.memory_space<vmem_shared>>
        tpu.enqueue_indirect_dma source(%arg8 : memref<128x128xf32, #tpu.memory_space<vmem>>) target(%dma_start3A_70 : memref<10112x128xf32, #tpu.memory_space<vmem_shared>>) offsets(%arg7 : memref<128xi32, #tpu.memory_space<vmem>>) semaphore(%run_scoped3A : memref<!tpu.dma_semaphore, #tpu.memory_space<semaphore_mem>>) {add = true}
        %dma_wait3A = arith.constant 0 : i32
        %dma_wait3A_71 = arith.constant 0 : i32
        %dma_wait3A_72 = tpu.memref_slice %arg6[%dma_wait3A, %dma_wait3A_71] : memref<10112x128xf32, #tpu.memory_space<vmem_shared>> -> memref<10112x128xf32, #tpu.memory_space<vmem_shared>>
        tpu.wait_indirect_dma semaphore(%run_scoped3A : memref<!tpu.dma_semaphore, #tpu.memory_space<semaphore_mem>>) src(%arg8 : memref<128x128xf32, #tpu.memory_space<vmem>>) dst(%dma_wait3A_72 : memref<10112x128xf32, #tpu.memory_space<vmem_shared>>)
        tpu.yield
      }) : () -> ()
      %while3A_68 = arith.constant 0 : i32
      scf.yield %while3A_68 : i32
    }
    %barrier3A_59 = arith.constant 0 : index
    tpu.barrier barrier_id(%barrier3A_59)
    "tpu.region"() ({
      %run_scoped3A = tpu.sem_alloc : memref<!tpu.dma_semaphore, #tpu.memory_space<semaphore_mem>>
      %dma_start3A = arith.constant 0 : i32
      %dma_start3A_60 = tpu.memref_slice %arg5[%arg0, %mul3A_48, %dma_start3A] : memref<2x10112x128xf32, #tpu.memory_space<hbm>> -> memref<1x632x128xf32, #tpu.memory_space<hbm>>
      %dma_start3A_61 = tpu.memref_squeeze %dma_start3A_60 : memref<1x632x128xf32, #tpu.memory_space<hbm>> -> memref<632x128xf32, #tpu.memory_space<hbm>>
      %dma_start3A_62 = arith.constant 0 : i32
      %dma_start3A_63 = tpu.memref_slice %arg6[%mul3A_48, %dma_start3A_62] : memref<10112x128xf32, #tpu.memory_space<vmem_shared>> -> memref<632x128xf32, #tpu.memory_space<vmem_shared>>
      tpu.enqueue_dma source(%dma_start3A_63 : memref<632x128xf32, #tpu.memory_space<vmem_shared>>) target(%dma_start3A_61 : memref<632x128xf32, #tpu.memory_space<hbm>>) target_semaphore(%run_scoped3A : memref<!tpu.dma_semaphore, #tpu.memory_space<semaphore_mem>>)
      %dma_wait3A = arith.constant 0 : i32
      %dma_wait3A_64 = tpu.memref_slice %arg5[%arg0, %mul3A_48, %dma_wait3A] : memref<2x10112x128xf32, #tpu.memory_space<hbm>> -> memref<1x632x128xf32, #tpu.memory_space<hbm>>
      %dma_wait3A_65 = tpu.memref_squeeze %dma_wait3A_64 : memref<1x632x128xf32, #tpu.memory_space<hbm>> -> memref<632x128xf32, #tpu.memory_space<hbm>>
      %dma_wait3A_66 = arith.constant 0 : i32
      %dma_wait3A_67 = tpu.memref_slice %arg6[%mul3A_48, %dma_wait3A_66] : memref<10112x128xf32, #tpu.memory_space<vmem_shared>> -> memref<632x128xf32, #tpu.memory_space<vmem_shared>>
      tpu.wait_dma2 semaphore(%run_scoped3A : memref<!tpu.dma_semaphore, #tpu.memory_space<semaphore_mem>>) src(%dma_wait3A_67 : memref<632x128xf32, #tpu.memory_space<vmem_shared>>) dst(%dma_wait3A_65 : memref<632x128xf32, #tpu.memory_space<hbm>>)
      tpu.yield
    }) : () -> ()
    return
  }
}

#map = affine_map<(d0, d1) -> (0, 0)>
#map1 = affine_map<(d0, d1) -> (0)>
#map2 = affine_map<(d0, d1) -> (0, 0, 0)>
module attributes {stable_mosaic.version = 14 : i64} {
  func.func @scatter_k(%arg0: i32, %arg1: i32, %arg2: memref<80000x128xf32, #tpu.memory_space<hbm>>, %arg3: memref<320000xi32, #tpu.memory_space<hbm>>, %arg4: memref<10112x128xf32, #tpu.memory_space<hbm>>, %arg5: memref<2x10112x128xf32, #tpu.memory_space<hbm>>, %arg6: memref<10112x128xf32, #tpu.memory_space<vmem_shared>>, %arg7: memref<128xi32, #tpu.memory_space<vmem>>, %arg8: memref<128x128xf32, #tpu.memory_space<vmem>>) attributes {dimension_semantics = [#tpu.dimension_semantics<core_parallel>, #tpu.dimension_semantics<subcore_parallel>], iteration_bounds = array<i64: 2, 16>, scalar_prefetch = 0 : i64, scratch_operands = 3 : i64, tpu.core_type = #tpu.core_type<sc_vector_subcore>, window_params = [{transform_indices = #map}, {transform_indices = #map1}, {transform_indices = #map}, {transform_indices = #map2}]} {
    %mul3A = arith.constant 2 : i32
    %mul3A_0 = arith.muli %arg1, %mul3A : i32
    %add3A = arith.addi %mul3A_0, %arg0 : i32
    %mul3A_1 = arith.constant 625 : i32
    %mul3A_2 = arith.muli %mul3A_1, %add3A : i32
    %jit3A = arith.constant 32 : i32
    %div3A = arith.divsi %mul3A_2, %jit3A : i32
    %sign3A = arith.constant 0 : i32
    %sign3A_3 = arith.cmpi sgt, %mul3A_2, %sign3A : i32
    %sign3A_4 = arith.extui %sign3A_3 : i1 to i32
    %sign3A_5 = arith.constant 0 : i32
    %sign3A_6 = arith.cmpi slt, %mul3A_2, %sign3A_5 : i32
    %sign3A_7 = arith.extui %sign3A_6 : i1 to i32
    %sign3A_8 = arith.subi %sign3A_4, %sign3A_7 : i32
    %sign3A_9 = arith.constant 0 : i32
    %sign3A_10 = arith.cmpi sgt, %jit3A, %sign3A_9 : i32
    %sign3A_11 = arith.extui %sign3A_10 : i1 to i32
    %sign3A_12 = arith.constant 0 : i32
    %sign3A_13 = arith.cmpi slt, %jit3A, %sign3A_12 : i32
    %sign3A_14 = arith.extui %sign3A_13 : i1 to i32
    %sign3A_15 = arith.subi %sign3A_11, %sign3A_14 : i32
    %ne3A = arith.cmpi ne, %sign3A_8, %sign3A_15 : i32
    %rem3A = arith.remsi %mul3A_2, %jit3A : i32
    %ne3A_16 = arith.constant 0 : i32
    %ne3A_17 = arith.cmpi ne, %rem3A, %ne3A_16 : i32
    %and3A = arith.andi %ne3A, %ne3A_17 : i1
    %sub3A = arith.constant 1 : i32
    %sub3A_18 = arith.subi %div3A, %sub3A : i32
    %select_n3A = arith.select %and3A, %sub3A_18, %div3A : i32
    %add3A_19 = arith.constant 1 : i32
    %add3A_20 = arith.addi %add3A, %add3A_19 : i32
    %mul3A_21 = arith.constant 625 : i32
    %mul3A_22 = arith.muli %mul3A_21, %add3A_20 : i32
    %jit3A_23 = arith.constant 32 : i32
    %div3A_24 = arith.divsi %mul3A_22, %jit3A_23 : i32
    %sign3A_25 = arith.constant 0 : i32
    %sign3A_26 = arith.cmpi sgt, %mul3A_22, %sign3A_25 : i32
    %sign3A_27 = arith.extui %sign3A_26 : i1 to i32
    %sign3A_28 = arith.constant 0 : i32
    %sign3A_29 = arith.cmpi slt, %mul3A_22, %sign3A_28 : i32
    %sign3A_30 = arith.extui %sign3A_29 : i1 to i32
    %sign3A_31 = arith.subi %sign3A_27, %sign3A_30 : i32
    %sign3A_32 = arith.constant 0 : i32
    %sign3A_33 = arith.cmpi sgt, %jit3A_23, %sign3A_32 : i32
    %sign3A_34 = arith.extui %sign3A_33 : i1 to i32
    %sign3A_35 = arith.constant 0 : i32
    %sign3A_36 = arith.cmpi slt, %jit3A_23, %sign3A_35 : i32
    %sign3A_37 = arith.extui %sign3A_36 : i1 to i32
    %sign3A_38 = arith.subi %sign3A_34, %sign3A_37 : i32
    %ne3A_39 = arith.cmpi ne, %sign3A_31, %sign3A_38 : i32
    %rem3A_40 = arith.remsi %mul3A_22, %jit3A_23 : i32
    %ne3A_41 = arith.constant 0 : i32
    %ne3A_42 = arith.cmpi ne, %rem3A_40, %ne3A_41 : i32
    %and3A_43 = arith.andi %ne3A_39, %ne3A_42 : i1
    %sub3A_44 = arith.constant 1 : i32
    %sub3A_45 = arith.subi %div3A_24, %sub3A_44 : i32
    %select_n3A_46 = arith.select %and3A_43, %sub3A_45, %div3A_24 : i32
    %mul3A_47 = arith.constant 632 : i32
    %mul3A_48 = arith.muli %arg1, %mul3A_47 : i32
    "tpu.region"() ({
      %run_scoped3A = tpu.sem_alloc : memref<!tpu.dma_semaphore, #tpu.memory_space<semaphore_mem>>
      %dma_start3A = arith.constant 0 : i32
      %dma_start3A_60 = tpu.memref_slice %arg6[%mul3A_48, %dma_start3A] : memref<10112x128xf32, #tpu.memory_space<vmem_shared>> -> memref<632x128xf32, #tpu.memory_space<vmem_shared>>
      %dma_start3A_61 = arith.constant 0 : i32
      %dma_start3A_62 = tpu.memref_slice %arg4[%mul3A_48, %dma_start3A_61] : memref<10112x128xf32, #tpu.memory_space<hbm>> -> memref<632x128xf32, #tpu.memory_space<hbm>>
      tpu.enqueue_dma source(%dma_start3A_62 : memref<632x128xf32, #tpu.memory_space<hbm>>) target(%dma_start3A_60 : memref<632x128xf32, #tpu.memory_space<vmem_shared>>) target_semaphore(%run_scoped3A : memref<!tpu.dma_semaphore, #tpu.memory_space<semaphore_mem>>)
      %dma_wait3A = arith.constant 0 : i32
      %dma_wait3A_63 = tpu.memref_slice %arg6[%mul3A_48, %dma_wait3A] : memref<10112x128xf32, #tpu.memory_space<vmem_shared>> -> memref<632x128xf32, #tpu.memory_space<vmem_shared>>
      %dma_wait3A_64 = arith.constant 0 : i32
      %dma_wait3A_65 = tpu.memref_slice %arg4[%mul3A_48, %dma_wait3A_64] : memref<10112x128xf32, #tpu.memory_space<hbm>> -> memref<632x128xf32, #tpu.memory_space<hbm>>
      tpu.wait_dma2 semaphore(%run_scoped3A : memref<!tpu.dma_semaphore, #tpu.memory_space<semaphore_mem>>) src(%dma_wait3A_65 : memref<632x128xf32, #tpu.memory_space<hbm>>) dst(%dma_wait3A_63 : memref<632x128xf32, #tpu.memory_space<vmem_shared>>)
      tpu.yield
    }) : () -> ()
    %barrier3A = arith.constant 0 : index
    tpu.barrier barrier_id(%barrier3A)
    %while3A = arith.constant 0 : i32
    %while3A_49 = arith.subi %select_n3A_46, %select_n3A : i32
    %while3A_50 = arith.addi %select_n3A, %while3A_49 : i32
    %while3A_51 = arith.constant 1 : i32
    %while3A_52 = arith.divsi %while3A_49, %while3A_51 : i32
    %while3A_53 = arith.muli %while3A_52, %while3A_51 : i32
    %while3A_54 = arith.addi %select_n3A, %while3A_53 : i32
    %while3A_55 = arith.constant 1 : i32
    %while3A_56 = scf.for %while3A_60 = %select_n3A to %while3A_54 step %while3A_55 iter_args(%while3A_61 = %while3A) -> (i32)  : i32 {
      %add3A_62 = arith.constant 1875 : i32
      %add3A_63 = arith.addi %add3A_62, %while3A_60 : i32
      %mul3A_64 = arith.constant 128 : i32
      %mul3A_65 = arith.muli %add3A_63, %mul3A_64 : i32
      "tpu.region"() ({
        %run_scoped3A = tpu.sem_alloc : memref<!tpu.dma_semaphore, #tpu.memory_space<semaphore_mem>>
        %dma_start3A = tpu.memref_slice %arg3[%mul3A_65] : memref<320000xi32, #tpu.memory_space<hbm>> -> memref<128xi32, #tpu.memory_space<hbm>>
        %dma_start3A_69 = tpu.memref_slice %arg3[%mul3A_65] : memref<320000xi32, #tpu.memory_space<hbm>> -> memref<128xi32, #tpu.memory_space<hbm>>
        tpu.enqueue_dma source(%dma_start3A_69 : memref<128xi32, #tpu.memory_space<hbm>>) target(%arg7 : memref<128xi32, #tpu.memory_space<vmem>>) target_semaphore(%run_scoped3A : memref<!tpu.dma_semaphore, #tpu.memory_space<semaphore_mem>>)
        %dma_wait3A = tpu.memref_slice %arg3[%mul3A_65] : memref<320000xi32, #tpu.memory_space<hbm>> -> memref<128xi32, #tpu.memory_space<hbm>>
        %dma_wait3A_70 = tpu.memref_slice %arg3[%mul3A_65] : memref<320000xi32, #tpu.memory_space<hbm>> -> memref<128xi32, #tpu.memory_space<hbm>>
        tpu.wait_dma2 semaphore(%run_scoped3A : memref<!tpu.dma_semaphore, #tpu.memory_space<semaphore_mem>>) src(%dma_wait3A_70 : memref<128xi32, #tpu.memory_space<hbm>>) dst(%arg7 : memref<128xi32, #tpu.memory_space<vmem>>)
        tpu.yield
      }) : () -> ()
      %mul3A_66 = arith.constant 128 : i32
      %mul3A_67 = arith.muli %while3A_60, %mul3A_66 : i32
      "tpu.region"() ({
        %run_scoped3A = tpu.sem_alloc : memref<!tpu.dma_semaphore, #tpu.memory_space<semaphore_mem>>
        %dma_start3A = arith.constant 0 : i32
        %dma_start3A_69 = tpu.memref_slice %arg2[%mul3A_67, %dma_start3A] : memref<80000x128xf32, #tpu.memory_space<hbm>> -> memref<128x128xf32, #tpu.memory_space<hbm>>
        %dma_start3A_70 = arith.constant 0 : i32
        %dma_start3A_71 = tpu.memref_slice %arg2[%mul3A_67, %dma_start3A_70] : memref<80000x128xf32, #tpu.memory_space<hbm>> -> memref<128x128xf32, #tpu.memory_space<hbm>>
        tpu.enqueue_dma source(%dma_start3A_71 : memref<128x128xf32, #tpu.memory_space<hbm>>) target(%arg8 : memref<128x128xf32, #tpu.memory_space<vmem>>) target_semaphore(%run_scoped3A : memref<!tpu.dma_semaphore, #tpu.memory_space<semaphore_mem>>)
        %dma_wait3A = arith.constant 0 : i32
        %dma_wait3A_72 = tpu.memref_slice %arg2[%mul3A_67, %dma_wait3A] : memref<80000x128xf32, #tpu.memory_space<hbm>> -> memref<128x128xf32, #tpu.memory_space<hbm>>
        %dma_wait3A_73 = arith.constant 0 : i32
        %dma_wait3A_74 = tpu.memref_slice %arg2[%mul3A_67, %dma_wait3A_73] : memref<80000x128xf32, #tpu.memory_space<hbm>> -> memref<128x128xf32, #tpu.memory_space<hbm>>
        tpu.wait_dma2 semaphore(%run_scoped3A : memref<!tpu.dma_semaphore, #tpu.memory_space<semaphore_mem>>) src(%dma_wait3A_74 : memref<128x128xf32, #tpu.memory_space<hbm>>) dst(%arg8 : memref<128x128xf32, #tpu.memory_space<vmem>>)
        tpu.yield
      }) : () -> ()
      "tpu.region"() ({
        %run_scoped3A = tpu.sem_alloc : memref<!tpu.dma_semaphore, #tpu.memory_space<semaphore_mem>>
        %dma_start3A = arith.constant 0 : i32
        %dma_start3A_69 = arith.constant 0 : i32
        %dma_start3A_70 = tpu.memref_slice %arg6[%dma_start3A, %dma_start3A_69] : memref<10112x128xf32, #tpu.memory_space<vmem_shared>> -> memref<10112x128xf32, #tpu.memory_space<vmem_shared>>
        tpu.enqueue_indirect_dma source(%arg8 : memref<128x128xf32, #tpu.memory_space<vmem>>) target(%dma_start3A_70 : memref<10112x128xf32, #tpu.memory_space<vmem_shared>>) offsets(%arg7 : memref<128xi32, #tpu.memory_space<vmem>>) semaphore(%run_scoped3A : memref<!tpu.dma_semaphore, #tpu.memory_space<semaphore_mem>>) {add = true}
        %dma_wait3A = arith.constant 0 : i32
        %dma_wait3A_71 = arith.constant 0 : i32
        %dma_wait3A_72 = tpu.memref_slice %arg6[%dma_wait3A, %dma_wait3A_71] : memref<10112x128xf32, #tpu.memory_space<vmem_shared>> -> memref<10112x128xf32, #tpu.memory_space<vmem_shared>>
        tpu.wait_indirect_dma semaphore(%run_scoped3A : memref<!tpu.dma_semaphore, #tpu.memory_space<semaphore_mem>>) src(%arg8 : memref<128x128xf32, #tpu.memory_space<vmem>>) dst(%dma_wait3A_72 : memref<10112x128xf32, #tpu.memory_space<vmem_shared>>)
        tpu.yield
      }) : () -> ()
      %while3A_68 = arith.constant 0 : i32
      scf.yield %while3A_68 : i32
    }
    %while3A_57 = arith.constant 1 : i32
    %while3A_58 = scf.for %while3A_60 = %while3A_54 to %while3A_50 step %while3A_57 iter_args(%while3A_61 = %while3A_56) -> (i32)  : i32 {
      %add3A_62 = arith.constant 1875 : i32
      %add3A_63 = arith.addi %add3A_62, %while3A_60 : i32
      %mul3A_64 = arith.constant 128 : i32
      %mul3A_65 = arith.muli %add3A_63, %mul3A_64 : i32
      "tpu.region"() ({
        %run_scoped3A = tpu.sem_alloc : memref<!tpu.dma_semaphore, #tpu.memory_space<semaphore_mem>>
        %dma_start3A = tpu.memref_slice %arg3[%mul3A_65] : memref<320000xi32, #tpu.memory_space<hbm>> -> memref<128xi32, #tpu.memory_space<hbm>>
        %dma_start3A_69 = tpu.memref_slice %arg3[%mul3A_65] : memref<320000xi32, #tpu.memory_space<hbm>> -> memref<128xi32, #tpu.memory_space<hbm>>
        tpu.enqueue_dma source(%dma_start3A_69 : memref<128xi32, #tpu.memory_space<hbm>>) target(%arg7 : memref<128xi32, #tpu.memory_space<vmem>>) target_semaphore(%run_scoped3A : memref<!tpu.dma_semaphore, #tpu.memory_space<semaphore_mem>>)
        %dma_wait3A = tpu.memref_slice %arg3[%mul3A_65] : memref<320000xi32, #tpu.memory_space<hbm>> -> memref<128xi32, #tpu.memory_space<hbm>>
        %dma_wait3A_70 = tpu.memref_slice %arg3[%mul3A_65] : memref<320000xi32, #tpu.memory_space<hbm>> -> memref<128xi32, #tpu.memory_space<hbm>>
        tpu.wait_dma2 semaphore(%run_scoped3A : memref<!tpu.dma_semaphore, #tpu.memory_space<semaphore_mem>>) src(%dma_wait3A_70 : memref<128xi32, #tpu.memory_space<hbm>>) dst(%arg7 : memref<128xi32, #tpu.memory_space<vmem>>)
        tpu.yield
      }) : () -> ()
      %mul3A_66 = arith.constant 128 : i32
      %mul3A_67 = arith.muli %while3A_60, %mul3A_66 : i32
      "tpu.region"() ({
        %run_scoped3A = tpu.sem_alloc : memref<!tpu.dma_semaphore, #tpu.memory_space<semaphore_mem>>
        %dma_start3A = arith.constant 0 : i32
        %dma_start3A_69 = tpu.memref_slice %arg2[%mul3A_67, %dma_start3A] : memref<80000x128xf32, #tpu.memory_space<hbm>> -> memref<128x128xf32, #tpu.memory_space<hbm>>
        %dma_start3A_70 = arith.constant 0 : i32
        %dma_start3A_71 = tpu.memref_slice %arg2[%mul3A_67, %dma_start3A_70] : memref<80000x128xf32, #tpu.memory_space<hbm>> -> memref<128x128xf32, #tpu.memory_space<hbm>>
        tpu.enqueue_dma source(%dma_start3A_71 : memref<128x128xf32, #tpu.memory_space<hbm>>) target(%arg8 : memref<128x128xf32, #tpu.memory_space<vmem>>) target_semaphore(%run_scoped3A : memref<!tpu.dma_semaphore, #tpu.memory_space<semaphore_mem>>)
        %dma_wait3A = arith.constant 0 : i32
        %dma_wait3A_72 = tpu.memref_slice %arg2[%mul3A_67, %dma_wait3A] : memref<80000x128xf32, #tpu.memory_space<hbm>> -> memref<128x128xf32, #tpu.memory_space<hbm>>
        %dma_wait3A_73 = arith.constant 0 : i32
        %dma_wait3A_74 = tpu.memref_slice %arg2[%mul3A_67, %dma_wait3A_73] : memref<80000x128xf32, #tpu.memory_space<hbm>> -> memref<128x128xf32, #tpu.memory_space<hbm>>
        tpu.wait_dma2 semaphore(%run_scoped3A : memref<!tpu.dma_semaphore, #tpu.memory_space<semaphore_mem>>) src(%dma_wait3A_74 : memref<128x128xf32, #tpu.memory_space<hbm>>) dst(%arg8 : memref<128x128xf32, #tpu.memory_space<vmem>>)
        tpu.yield
      }) : () -> ()
      "tpu.region"() ({
        %run_scoped3A = tpu.sem_alloc : memref<!tpu.dma_semaphore, #tpu.memory_space<semaphore_mem>>
        %dma_start3A = arith.constant 0 : i32
        %dma_start3A_69 = arith.constant 0 : i32
        %dma_start3A_70 = tpu.memref_slice %arg6[%dma_start3A, %dma_start3A_69] : memref<10112x128xf32, #tpu.memory_space<vmem_shared>> -> memref<10112x128xf32, #tpu.memory_space<vmem_shared>>
        tpu.enqueue_indirect_dma source(%arg8 : memref<128x128xf32, #tpu.memory_space<vmem>>) target(%dma_start3A_70 : memref<10112x128xf32, #tpu.memory_space<vmem_shared>>) offsets(%arg7 : memref<128xi32, #tpu.memory_space<vmem>>) semaphore(%run_scoped3A : memref<!tpu.dma_semaphore, #tpu.memory_space<semaphore_mem>>) {add = true}
        %dma_wait3A = arith.constant 0 : i32
        %dma_wait3A_71 = arith.constant 0 : i32
        %dma_wait3A_72 = tpu.memref_slice %arg6[%dma_wait3A, %dma_wait3A_71] : memref<10112x128xf32, #tpu.memory_space<vmem_shared>> -> memref<10112x128xf32, #tpu.memory_space<vmem_shared>>
        tpu.wait_indirect_dma semaphore(%run_scoped3A : memref<!tpu.dma_semaphore, #tpu.memory_space<semaphore_mem>>) src(%arg8 : memref<128x128xf32, #tpu.memory_space<vmem>>) dst(%dma_wait3A_72 : memref<10112x128xf32, #tpu.memory_space<vmem_shared>>)
        tpu.yield
      }) : () -> ()
      %while3A_68 = arith.constant 0 : i32
      scf.yield %while3A_68 : i32
    }
    %barrier3A_59 = arith.constant 0 : index
    tpu.barrier barrier_id(%barrier3A_59)
    "tpu.region"() ({
      %run_scoped3A = tpu.sem_alloc : memref<!tpu.dma_semaphore, #tpu.memory_space<semaphore_mem>>
      %dma_start3A = arith.constant 0 : i32
      %dma_start3A_60 = tpu.memref_slice %arg5[%arg0, %mul3A_48, %dma_start3A] : memref<2x10112x128xf32, #tpu.memory_space<hbm>> -> memref<1x632x128xf32, #tpu.memory_space<hbm>>
      %dma_start3A_61 = tpu.memref_squeeze %dma_start3A_60 : memref<1x632x128xf32, #tpu.memory_space<hbm>> -> memref<632x128xf32, #tpu.memory_space<hbm>>
      %dma_start3A_62 = arith.constant 0 : i32
      %dma_start3A_63 = tpu.memref_slice %arg6[%mul3A_48, %dma_start3A_62] : memref<10112x128xf32, #tpu.memory_space<vmem_shared>> -> memref<632x128xf32, #tpu.memory_space<vmem_shared>>
      tpu.enqueue_dma source(%dma_start3A_63 : memref<632x128xf32, #tpu.memory_space<vmem_shared>>) target(%dma_start3A_61 : memref<632x128xf32, #tpu.memory_space<hbm>>) target_semaphore(%run_scoped3A : memref<!tpu.dma_semaphore, #tpu.memory_space<semaphore_mem>>)
      %dma_wait3A = arith.constant 0 : i32
      %dma_wait3A_64 = tpu.memref_slice %arg5[%arg0, %mul3A_48, %dma_wait3A] : memref<2x10112x128xf32, #tpu.memory_space<hbm>> -> memref<1x632x128xf32, #tpu.memory_space<hbm>>
      %dma_wait3A_65 = tpu.memref_squeeze %dma_wait3A_64 : memref<1x632x128xf32, #tpu.memory_space<hbm>> -> memref<632x128xf32, #tpu.memory_space<hbm>>
      %dma_wait3A_66 = arith.constant 0 : i32
      %dma_wait3A_67 = tpu.memref_slice %arg6[%mul3A_48, %dma_wait3A_66] : memref<10112x128xf32, #tpu.memory_space<vmem_shared>> -> memref<632x128xf32, #tpu.memory_space<vmem_shared>>
      tpu.wait_dma2 semaphore(%run_scoped3A : memref<!tpu.dma_semaphore, #tpu.memory_space<semaphore_mem>>) src(%dma_wait3A_67 : memref<632x128xf32, #tpu.memory_space<vmem_shared>>) dst(%dma_wait3A_65 : memref<632x128xf32, #tpu.memory_space<hbm>>)
      tpu.yield
    }) : () -> ()
    return
  }
}

#map = affine_map<(d0, d1) -> (0, 0)>
#map1 = affine_map<(d0, d1) -> (0)>
#map2 = affine_map<(d0, d1) -> (0, 0, 0)>
module attributes {stable_mosaic.version = 14 : i64} {
  func.func @scatter_k(%arg0: i32, %arg1: i32, %arg2: memref<80000x128xf32, #tpu.memory_space<hbm>>, %arg3: memref<320000xi32, #tpu.memory_space<hbm>>, %arg4: memref<10112x128xf32, #tpu.memory_space<hbm>>, %arg5: memref<2x10112x128xf32, #tpu.memory_space<hbm>>, %arg6: memref<10112x128xf32, #tpu.memory_space<vmem_shared>>, %arg7: memref<128xi32, #tpu.memory_space<vmem>>, %arg8: memref<128x128xf32, #tpu.memory_space<vmem>>) attributes {dimension_semantics = [#tpu.dimension_semantics<core_parallel>, #tpu.dimension_semantics<subcore_parallel>], iteration_bounds = array<i64: 2, 16>, scalar_prefetch = 0 : i64, scratch_operands = 3 : i64, tpu.core_type = #tpu.core_type<sc_vector_subcore>, window_params = [{transform_indices = #map}, {transform_indices = #map1}, {transform_indices = #map}, {transform_indices = #map2}]} {
    %mul3A = arith.constant 2 : i32
    %mul3A_0 = arith.muli %arg1, %mul3A : i32
    %add3A = arith.addi %mul3A_0, %arg0 : i32
    %mul3A_1 = arith.constant 625 : i32
    %mul3A_2 = arith.muli %mul3A_1, %add3A : i32
    %jit3A = arith.constant 32 : i32
    %div3A = arith.divsi %mul3A_2, %jit3A : i32
    %sign3A = arith.constant 0 : i32
    %sign3A_3 = arith.cmpi sgt, %mul3A_2, %sign3A : i32
    %sign3A_4 = arith.extui %sign3A_3 : i1 to i32
    %sign3A_5 = arith.constant 0 : i32
    %sign3A_6 = arith.cmpi slt, %mul3A_2, %sign3A_5 : i32
    %sign3A_7 = arith.extui %sign3A_6 : i1 to i32
    %sign3A_8 = arith.subi %sign3A_4, %sign3A_7 : i32
    %sign3A_9 = arith.constant 0 : i32
    %sign3A_10 = arith.cmpi sgt, %jit3A, %sign3A_9 : i32
    %sign3A_11 = arith.extui %sign3A_10 : i1 to i32
    %sign3A_12 = arith.constant 0 : i32
    %sign3A_13 = arith.cmpi slt, %jit3A, %sign3A_12 : i32
    %sign3A_14 = arith.extui %sign3A_13 : i1 to i32
    %sign3A_15 = arith.subi %sign3A_11, %sign3A_14 : i32
    %ne3A = arith.cmpi ne, %sign3A_8, %sign3A_15 : i32
    %rem3A = arith.remsi %mul3A_2, %jit3A : i32
    %ne3A_16 = arith.constant 0 : i32
    %ne3A_17 = arith.cmpi ne, %rem3A, %ne3A_16 : i32
    %and3A = arith.andi %ne3A, %ne3A_17 : i1
    %sub3A = arith.constant 1 : i32
    %sub3A_18 = arith.subi %div3A, %sub3A : i32
    %select_n3A = arith.select %and3A, %sub3A_18, %div3A : i32
    %add3A_19 = arith.constant 1 : i32
    %add3A_20 = arith.addi %add3A, %add3A_19 : i32
    %mul3A_21 = arith.constant 625 : i32
    %mul3A_22 = arith.muli %mul3A_21, %add3A_20 : i32
    %jit3A_23 = arith.constant 32 : i32
    %div3A_24 = arith.divsi %mul3A_22, %jit3A_23 : i32
    %sign3A_25 = arith.constant 0 : i32
    %sign3A_26 = arith.cmpi sgt, %mul3A_22, %sign3A_25 : i32
    %sign3A_27 = arith.extui %sign3A_26 : i1 to i32
    %sign3A_28 = arith.constant 0 : i32
    %sign3A_29 = arith.cmpi slt, %mul3A_22, %sign3A_28 : i32
    %sign3A_30 = arith.extui %sign3A_29 : i1 to i32
    %sign3A_31 = arith.subi %sign3A_27, %sign3A_30 : i32
    %sign3A_32 = arith.constant 0 : i32
    %sign3A_33 = arith.cmpi sgt, %jit3A_23, %sign3A_32 : i32
    %sign3A_34 = arith.extui %sign3A_33 : i1 to i32
    %sign3A_35 = arith.constant 0 : i32
    %sign3A_36 = arith.cmpi slt, %jit3A_23, %sign3A_35 : i32
    %sign3A_37 = arith.extui %sign3A_36 : i1 to i32
    %sign3A_38 = arith.subi %sign3A_34, %sign3A_37 : i32
    %ne3A_39 = arith.cmpi ne, %sign3A_31, %sign3A_38 : i32
    %rem3A_40 = arith.remsi %mul3A_22, %jit3A_23 : i32
    %ne3A_41 = arith.constant 0 : i32
    %ne3A_42 = arith.cmpi ne, %rem3A_40, %ne3A_41 : i32
    %and3A_43 = arith.andi %ne3A_39, %ne3A_42 : i1
    %sub3A_44 = arith.constant 1 : i32
    %sub3A_45 = arith.subi %div3A_24, %sub3A_44 : i32
    %select_n3A_46 = arith.select %and3A_43, %sub3A_45, %div3A_24 : i32
    %mul3A_47 = arith.constant 632 : i32
    %mul3A_48 = arith.muli %arg1, %mul3A_47 : i32
    "tpu.region"() ({
      %run_scoped3A = tpu.sem_alloc : memref<!tpu.dma_semaphore, #tpu.memory_space<semaphore_mem>>
      %dma_start3A = arith.constant 0 : i32
      %dma_start3A_60 = tpu.memref_slice %arg6[%mul3A_48, %dma_start3A] : memref<10112x128xf32, #tpu.memory_space<vmem_shared>> -> memref<632x128xf32, #tpu.memory_space<vmem_shared>>
      %dma_start3A_61 = arith.constant 0 : i32
      %dma_start3A_62 = tpu.memref_slice %arg4[%mul3A_48, %dma_start3A_61] : memref<10112x128xf32, #tpu.memory_space<hbm>> -> memref<632x128xf32, #tpu.memory_space<hbm>>
      tpu.enqueue_dma source(%dma_start3A_62 : memref<632x128xf32, #tpu.memory_space<hbm>>) target(%dma_start3A_60 : memref<632x128xf32, #tpu.memory_space<vmem_shared>>) target_semaphore(%run_scoped3A : memref<!tpu.dma_semaphore, #tpu.memory_space<semaphore_mem>>)
      %dma_wait3A = arith.constant 0 : i32
      %dma_wait3A_63 = tpu.memref_slice %arg6[%mul3A_48, %dma_wait3A] : memref<10112x128xf32, #tpu.memory_space<vmem_shared>> -> memref<632x128xf32, #tpu.memory_space<vmem_shared>>
      %dma_wait3A_64 = arith.constant 0 : i32
      %dma_wait3A_65 = tpu.memref_slice %arg4[%mul3A_48, %dma_wait3A_64] : memref<10112x128xf32, #tpu.memory_space<hbm>> -> memref<632x128xf32, #tpu.memory_space<hbm>>
      tpu.wait_dma2 semaphore(%run_scoped3A : memref<!tpu.dma_semaphore, #tpu.memory_space<semaphore_mem>>) src(%dma_wait3A_65 : memref<632x128xf32, #tpu.memory_space<hbm>>) dst(%dma_wait3A_63 : memref<632x128xf32, #tpu.memory_space<vmem_shared>>)
      tpu.yield
    }) : () -> ()
    %barrier3A = arith.constant 0 : index
    tpu.barrier barrier_id(%barrier3A)
    %while3A = arith.constant 0 : i32
    %while3A_49 = arith.subi %select_n3A_46, %select_n3A : i32
    %while3A_50 = arith.addi %select_n3A, %while3A_49 : i32
    %while3A_51 = arith.constant 1 : i32
    %while3A_52 = arith.divsi %while3A_49, %while3A_51 : i32
    %while3A_53 = arith.muli %while3A_52, %while3A_51 : i32
    %while3A_54 = arith.addi %select_n3A, %while3A_53 : i32
    %while3A_55 = arith.constant 1 : i32
    %while3A_56 = scf.for %while3A_60 = %select_n3A to %while3A_54 step %while3A_55 iter_args(%while3A_61 = %while3A) -> (i32)  : i32 {
      %add3A_62 = arith.constant 625 : i32
      %add3A_63 = arith.addi %add3A_62, %while3A_60 : i32
      %mul3A_64 = arith.constant 128 : i32
      %mul3A_65 = arith.muli %add3A_63, %mul3A_64 : i32
      "tpu.region"() ({
        %run_scoped3A = tpu.sem_alloc : memref<!tpu.dma_semaphore, #tpu.memory_space<semaphore_mem>>
        %dma_start3A = tpu.memref_slice %arg3[%mul3A_65] : memref<320000xi32, #tpu.memory_space<hbm>> -> memref<128xi32, #tpu.memory_space<hbm>>
        %dma_start3A_69 = tpu.memref_slice %arg3[%mul3A_65] : memref<320000xi32, #tpu.memory_space<hbm>> -> memref<128xi32, #tpu.memory_space<hbm>>
        tpu.enqueue_dma source(%dma_start3A_69 : memref<128xi32, #tpu.memory_space<hbm>>) target(%arg7 : memref<128xi32, #tpu.memory_space<vmem>>) target_semaphore(%run_scoped3A : memref<!tpu.dma_semaphore, #tpu.memory_space<semaphore_mem>>)
        %dma_wait3A = tpu.memref_slice %arg3[%mul3A_65] : memref<320000xi32, #tpu.memory_space<hbm>> -> memref<128xi32, #tpu.memory_space<hbm>>
        %dma_wait3A_70 = tpu.memref_slice %arg3[%mul3A_65] : memref<320000xi32, #tpu.memory_space<hbm>> -> memref<128xi32, #tpu.memory_space<hbm>>
        tpu.wait_dma2 semaphore(%run_scoped3A : memref<!tpu.dma_semaphore, #tpu.memory_space<semaphore_mem>>) src(%dma_wait3A_70 : memref<128xi32, #tpu.memory_space<hbm>>) dst(%arg7 : memref<128xi32, #tpu.memory_space<vmem>>)
        tpu.yield
      }) : () -> ()
      %mul3A_66 = arith.constant 128 : i32
      %mul3A_67 = arith.muli %while3A_60, %mul3A_66 : i32
      "tpu.region"() ({
        %run_scoped3A = tpu.sem_alloc : memref<!tpu.dma_semaphore, #tpu.memory_space<semaphore_mem>>
        %dma_start3A = arith.constant 0 : i32
        %dma_start3A_69 = tpu.memref_slice %arg2[%mul3A_67, %dma_start3A] : memref<80000x128xf32, #tpu.memory_space<hbm>> -> memref<128x128xf32, #tpu.memory_space<hbm>>
        %dma_start3A_70 = arith.constant 0 : i32
        %dma_start3A_71 = tpu.memref_slice %arg2[%mul3A_67, %dma_start3A_70] : memref<80000x128xf32, #tpu.memory_space<hbm>> -> memref<128x128xf32, #tpu.memory_space<hbm>>
        tpu.enqueue_dma source(%dma_start3A_71 : memref<128x128xf32, #tpu.memory_space<hbm>>) target(%arg8 : memref<128x128xf32, #tpu.memory_space<vmem>>) target_semaphore(%run_scoped3A : memref<!tpu.dma_semaphore, #tpu.memory_space<semaphore_mem>>)
        %dma_wait3A = arith.constant 0 : i32
        %dma_wait3A_72 = tpu.memref_slice %arg2[%mul3A_67, %dma_wait3A] : memref<80000x128xf32, #tpu.memory_space<hbm>> -> memref<128x128xf32, #tpu.memory_space<hbm>>
        %dma_wait3A_73 = arith.constant 0 : i32
        %dma_wait3A_74 = tpu.memref_slice %arg2[%mul3A_67, %dma_wait3A_73] : memref<80000x128xf32, #tpu.memory_space<hbm>> -> memref<128x128xf32, #tpu.memory_space<hbm>>
        tpu.wait_dma2 semaphore(%run_scoped3A : memref<!tpu.dma_semaphore, #tpu.memory_space<semaphore_mem>>) src(%dma_wait3A_74 : memref<128x128xf32, #tpu.memory_space<hbm>>) dst(%arg8 : memref<128x128xf32, #tpu.memory_space<vmem>>)
        tpu.yield
      }) : () -> ()
      "tpu.region"() ({
        %run_scoped3A = tpu.sem_alloc : memref<!tpu.dma_semaphore, #tpu.memory_space<semaphore_mem>>
        %dma_start3A = arith.constant 0 : i32
        %dma_start3A_69 = arith.constant 0 : i32
        %dma_start3A_70 = tpu.memref_slice %arg6[%dma_start3A, %dma_start3A_69] : memref<10112x128xf32, #tpu.memory_space<vmem_shared>> -> memref<10112x128xf32, #tpu.memory_space<vmem_shared>>
        tpu.enqueue_indirect_dma source(%arg8 : memref<128x128xf32, #tpu.memory_space<vmem>>) target(%dma_start3A_70 : memref<10112x128xf32, #tpu.memory_space<vmem_shared>>) offsets(%arg7 : memref<128xi32, #tpu.memory_space<vmem>>) semaphore(%run_scoped3A : memref<!tpu.dma_semaphore, #tpu.memory_space<semaphore_mem>>) {add = true}
        %dma_wait3A = arith.constant 0 : i32
        %dma_wait3A_71 = arith.constant 0 : i32
        %dma_wait3A_72 = tpu.memref_slice %arg6[%dma_wait3A, %dma_wait3A_71] : memref<10112x128xf32, #tpu.memory_space<vmem_shared>> -> memref<10112x128xf32, #tpu.memory_space<vmem_shared>>
        tpu.wait_indirect_dma semaphore(%run_scoped3A : memref<!tpu.dma_semaphore, #tpu.memory_space<semaphore_mem>>) src(%arg8 : memref<128x128xf32, #tpu.memory_space<vmem>>) dst(%dma_wait3A_72 : memref<10112x128xf32, #tpu.memory_space<vmem_shared>>)
        tpu.yield
      }) : () -> ()
      %while3A_68 = arith.constant 0 : i32
      scf.yield %while3A_68 : i32
    }
    %while3A_57 = arith.constant 1 : i32
    %while3A_58 = scf.for %while3A_60 = %while3A_54 to %while3A_50 step %while3A_57 iter_args(%while3A_61 = %while3A_56) -> (i32)  : i32 {
      %add3A_62 = arith.constant 625 : i32
      %add3A_63 = arith.addi %add3A_62, %while3A_60 : i32
      %mul3A_64 = arith.constant 128 : i32
      %mul3A_65 = arith.muli %add3A_63, %mul3A_64 : i32
      "tpu.region"() ({
        %run_scoped3A = tpu.sem_alloc : memref<!tpu.dma_semaphore, #tpu.memory_space<semaphore_mem>>
        %dma_start3A = tpu.memref_slice %arg3[%mul3A_65] : memref<320000xi32, #tpu.memory_space<hbm>> -> memref<128xi32, #tpu.memory_space<hbm>>
        %dma_start3A_69 = tpu.memref_slice %arg3[%mul3A_65] : memref<320000xi32, #tpu.memory_space<hbm>> -> memref<128xi32, #tpu.memory_space<hbm>>
        tpu.enqueue_dma source(%dma_start3A_69 : memref<128xi32, #tpu.memory_space<hbm>>) target(%arg7 : memref<128xi32, #tpu.memory_space<vmem>>) target_semaphore(%run_scoped3A : memref<!tpu.dma_semaphore, #tpu.memory_space<semaphore_mem>>)
        %dma_wait3A = tpu.memref_slice %arg3[%mul3A_65] : memref<320000xi32, #tpu.memory_space<hbm>> -> memref<128xi32, #tpu.memory_space<hbm>>
        %dma_wait3A_70 = tpu.memref_slice %arg3[%mul3A_65] : memref<320000xi32, #tpu.memory_space<hbm>> -> memref<128xi32, #tpu.memory_space<hbm>>
        tpu.wait_dma2 semaphore(%run_scoped3A : memref<!tpu.dma_semaphore, #tpu.memory_space<semaphore_mem>>) src(%dma_wait3A_70 : memref<128xi32, #tpu.memory_space<hbm>>) dst(%arg7 : memref<128xi32, #tpu.memory_space<vmem>>)
        tpu.yield
      }) : () -> ()
      %mul3A_66 = arith.constant 128 : i32
      %mul3A_67 = arith.muli %while3A_60, %mul3A_66 : i32
      "tpu.region"() ({
        %run_scoped3A = tpu.sem_alloc : memref<!tpu.dma_semaphore, #tpu.memory_space<semaphore_mem>>
        %dma_start3A = arith.constant 0 : i32
        %dma_start3A_69 = tpu.memref_slice %arg2[%mul3A_67, %dma_start3A] : memref<80000x128xf32, #tpu.memory_space<hbm>> -> memref<128x128xf32, #tpu.memory_space<hbm>>
        %dma_start3A_70 = arith.constant 0 : i32
        %dma_start3A_71 = tpu.memref_slice %arg2[%mul3A_67, %dma_start3A_70] : memref<80000x128xf32, #tpu.memory_space<hbm>> -> memref<128x128xf32, #tpu.memory_space<hbm>>
        tpu.enqueue_dma source(%dma_start3A_71 : memref<128x128xf32, #tpu.memory_space<hbm>>) target(%arg8 : memref<128x128xf32, #tpu.memory_space<vmem>>) target_semaphore(%run_scoped3A : memref<!tpu.dma_semaphore, #tpu.memory_space<semaphore_mem>>)
        %dma_wait3A = arith.constant 0 : i32
        %dma_wait3A_72 = tpu.memref_slice %arg2[%mul3A_67, %dma_wait3A] : memref<80000x128xf32, #tpu.memory_space<hbm>> -> memref<128x128xf32, #tpu.memory_space<hbm>>
        %dma_wait3A_73 = arith.constant 0 : i32
        %dma_wait3A_74 = tpu.memref_slice %arg2[%mul3A_67, %dma_wait3A_73] : memref<80000x128xf32, #tpu.memory_space<hbm>> -> memref<128x128xf32, #tpu.memory_space<hbm>>
        tpu.wait_dma2 semaphore(%run_scoped3A : memref<!tpu.dma_semaphore, #tpu.memory_space<semaphore_mem>>) src(%dma_wait3A_74 : memref<128x128xf32, #tpu.memory_space<hbm>>) dst(%arg8 : memref<128x128xf32, #tpu.memory_space<vmem>>)
        tpu.yield
      }) : () -> ()
      "tpu.region"() ({
        %run_scoped3A = tpu.sem_alloc : memref<!tpu.dma_semaphore, #tpu.memory_space<semaphore_mem>>
        %dma_start3A = arith.constant 0 : i32
        %dma_start3A_69 = arith.constant 0 : i32
        %dma_start3A_70 = tpu.memref_slice %arg6[%dma_start3A, %dma_start3A_69] : memref<10112x128xf32, #tpu.memory_space<vmem_shared>> -> memref<10112x128xf32, #tpu.memory_space<vmem_shared>>
        tpu.enqueue_indirect_dma source(%arg8 : memref<128x128xf32, #tpu.memory_space<vmem>>) target(%dma_start3A_70 : memref<10112x128xf32, #tpu.memory_space<vmem_shared>>) offsets(%arg7 : memref<128xi32, #tpu.memory_space<vmem>>) semaphore(%run_scoped3A : memref<!tpu.dma_semaphore, #tpu.memory_space<semaphore_mem>>) {add = true}
        %dma_wait3A = arith.constant 0 : i32
        %dma_wait3A_71 = arith.constant 0 : i32
        %dma_wait3A_72 = tpu.memref_slice %arg6[%dma_wait3A, %dma_wait3A_71] : memref<10112x128xf32, #tpu.memory_space<vmem_shared>> -> memref<10112x128xf32, #tpu.memory_space<vmem_shared>>
        tpu.wait_indirect_dma semaphore(%run_scoped3A : memref<!tpu.dma_semaphore, #tpu.memory_space<semaphore_mem>>) src(%arg8 : memref<128x128xf32, #tpu.memory_space<vmem>>) dst(%dma_wait3A_72 : memref<10112x128xf32, #tpu.memory_space<vmem_shared>>)
        tpu.yield
      }) : () -> ()
      %while3A_68 = arith.constant 0 : i32
      scf.yield %while3A_68 : i32
    }
    %barrier3A_59 = arith.constant 0 : index
    tpu.barrier barrier_id(%barrier3A_59)
    "tpu.region"() ({
      %run_scoped3A = tpu.sem_alloc : memref<!tpu.dma_semaphore, #tpu.memory_space<semaphore_mem>>
      %dma_start3A = arith.constant 0 : i32
      %dma_start3A_60 = tpu.memref_slice %arg5[%arg0, %mul3A_48, %dma_start3A] : memref<2x10112x128xf32, #tpu.memory_space<hbm>> -> memref<1x632x128xf32, #tpu.memory_space<hbm>>
      %dma_start3A_61 = tpu.memref_squeeze %dma_start3A_60 : memref<1x632x128xf32, #tpu.memory_space<hbm>> -> memref<632x128xf32, #tpu.memory_space<hbm>>
      %dma_start3A_62 = arith.constant 0 : i32
      %dma_start3A_63 = tpu.memref_slice %arg6[%mul3A_48, %dma_start3A_62] : memref<10112x128xf32, #tpu.memory_space<vmem_shared>> -> memref<632x128xf32, #tpu.memory_space<vmem_shared>>
      tpu.enqueue_dma source(%dma_start3A_63 : memref<632x128xf32, #tpu.memory_space<vmem_shared>>) target(%dma_start3A_61 : memref<632x128xf32, #tpu.memory_space<hbm>>) target_semaphore(%run_scoped3A : memref<!tpu.dma_semaphore, #tpu.memory_space<semaphore_mem>>)
      %dma_wait3A = arith.constant 0 : i32
      %dma_wait3A_64 = tpu.memref_slice %arg5[%arg0, %mul3A_48, %dma_wait3A] : memref<2x10112x128xf32, #tpu.memory_space<hbm>> -> memref<1x632x128xf32, #tpu.memory_space<hbm>>
      %dma_wait3A_65 = tpu.memref_squeeze %dma_wait3A_64 : memref<1x632x128xf32, #tpu.memory_space<hbm>> -> memref<632x128xf32, #tpu.memory_space<hbm>>
      %dma_wait3A_66 = arith.constant 0 : i32
      %dma_wait3A_67 = tpu.memref_slice %arg6[%mul3A_48, %dma_wait3A_66] : memref<10112x128xf32, #tpu.memory_space<vmem_shared>> -> memref<632x128xf32, #tpu.memory_space<vmem_shared>>
      tpu.wait_dma2 semaphore(%run_scoped3A : memref<!tpu.dma_semaphore, #tpu.memory_space<semaphore_mem>>) src(%dma_wait3A_67 : memref<632x128xf32, #tpu.memory_space<vmem_shared>>) dst(%dma_wait3A_65 : memref<632x128xf32, #tpu.memory_space<hbm>>)
      tpu.yield
    }) : () -> ()
    return
  }
}

#map = affine_map<(d0, d1) -> (0, 0)>
#map1 = affine_map<(d0, d1) -> (0)>
#map2 = affine_map<(d0, d1) -> (0, 0, 0)>
module attributes {stable_mosaic.version = 14 : i64} {
  func.func @scatter_k(%arg0: i32, %arg1: i32, %arg2: memref<80000x128xf32, #tpu.memory_space<hbm>>, %arg3: memref<320000xi32, #tpu.memory_space<hbm>>, %arg4: memref<10112x128xf32, #tpu.memory_space<hbm>>, %arg5: memref<2x10112x128xf32, #tpu.memory_space<hbm>>, %arg6: memref<10112x128xf32, #tpu.memory_space<vmem_shared>>, %arg7: memref<128xi32, #tpu.memory_space<vmem>>, %arg8: memref<128x128xf32, #tpu.memory_space<vmem>>) attributes {dimension_semantics = [#tpu.dimension_semantics<core_parallel>, #tpu.dimension_semantics<subcore_parallel>], iteration_bounds = array<i64: 2, 16>, scalar_prefetch = 0 : i64, scratch_operands = 3 : i64, tpu.core_type = #tpu.core_type<sc_vector_subcore>, window_params = [{transform_indices = #map}, {transform_indices = #map1}, {transform_indices = #map}, {transform_indices = #map2}]} {
    %mul3A = arith.constant 2 : i32
    %mul3A_0 = arith.muli %arg1, %mul3A : i32
    %add3A = arith.addi %mul3A_0, %arg0 : i32
    %mul3A_1 = arith.constant 625 : i32
    %mul3A_2 = arith.muli %mul3A_1, %add3A : i32
    %jit3A = arith.constant 32 : i32
    %div3A = arith.divsi %mul3A_2, %jit3A : i32
    %sign3A = arith.constant 0 : i32
    %sign3A_3 = arith.cmpi sgt, %mul3A_2, %sign3A : i32
    %sign3A_4 = arith.extui %sign3A_3 : i1 to i32
    %sign3A_5 = arith.constant 0 : i32
    %sign3A_6 = arith.cmpi slt, %mul3A_2, %sign3A_5 : i32
    %sign3A_7 = arith.extui %sign3A_6 : i1 to i32
    %sign3A_8 = arith.subi %sign3A_4, %sign3A_7 : i32
    %sign3A_9 = arith.constant 0 : i32
    %sign3A_10 = arith.cmpi sgt, %jit3A, %sign3A_9 : i32
    %sign3A_11 = arith.extui %sign3A_10 : i1 to i32
    %sign3A_12 = arith.constant 0 : i32
    %sign3A_13 = arith.cmpi slt, %jit3A, %sign3A_12 : i32
    %sign3A_14 = arith.extui %sign3A_13 : i1 to i32
    %sign3A_15 = arith.subi %sign3A_11, %sign3A_14 : i32
    %ne3A = arith.cmpi ne, %sign3A_8, %sign3A_15 : i32
    %rem3A = arith.remsi %mul3A_2, %jit3A : i32
    %ne3A_16 = arith.constant 0 : i32
    %ne3A_17 = arith.cmpi ne, %rem3A, %ne3A_16 : i32
    %and3A = arith.andi %ne3A, %ne3A_17 : i1
    %sub3A = arith.constant 1 : i32
    %sub3A_18 = arith.subi %div3A, %sub3A : i32
    %select_n3A = arith.select %and3A, %sub3A_18, %div3A : i32
    %add3A_19 = arith.constant 1 : i32
    %add3A_20 = arith.addi %add3A, %add3A_19 : i32
    %mul3A_21 = arith.constant 625 : i32
    %mul3A_22 = arith.muli %mul3A_21, %add3A_20 : i32
    %jit3A_23 = arith.constant 32 : i32
    %div3A_24 = arith.divsi %mul3A_22, %jit3A_23 : i32
    %sign3A_25 = arith.constant 0 : i32
    %sign3A_26 = arith.cmpi sgt, %mul3A_22, %sign3A_25 : i32
    %sign3A_27 = arith.extui %sign3A_26 : i1 to i32
    %sign3A_28 = arith.constant 0 : i32
    %sign3A_29 = arith.cmpi slt, %mul3A_22, %sign3A_28 : i32
    %sign3A_30 = arith.extui %sign3A_29 : i1 to i32
    %sign3A_31 = arith.subi %sign3A_27, %sign3A_30 : i32
    %sign3A_32 = arith.constant 0 : i32
    %sign3A_33 = arith.cmpi sgt, %jit3A_23, %sign3A_32 : i32
    %sign3A_34 = arith.extui %sign3A_33 : i1 to i32
    %sign3A_35 = arith.constant 0 : i32
    %sign3A_36 = arith.cmpi slt, %jit3A_23, %sign3A_35 : i32
    %sign3A_37 = arith.extui %sign3A_36 : i1 to i32
    %sign3A_38 = arith.subi %sign3A_34, %sign3A_37 : i32
    %ne3A_39 = arith.cmpi ne, %sign3A_31, %sign3A_38 : i32
    %rem3A_40 = arith.remsi %mul3A_22, %jit3A_23 : i32
    %ne3A_41 = arith.constant 0 : i32
    %ne3A_42 = arith.cmpi ne, %rem3A_40, %ne3A_41 : i32
    %and3A_43 = arith.andi %ne3A_39, %ne3A_42 : i1
    %sub3A_44 = arith.constant 1 : i32
    %sub3A_45 = arith.subi %div3A_24, %sub3A_44 : i32
    %select_n3A_46 = arith.select %and3A_43, %sub3A_45, %div3A_24 : i32
    %mul3A_47 = arith.constant 632 : i32
    %mul3A_48 = arith.muli %arg1, %mul3A_47 : i32
    "tpu.region"() ({
      %run_scoped3A = tpu.sem_alloc : memref<!tpu.dma_semaphore, #tpu.memory_space<semaphore_mem>>
      %dma_start3A = arith.constant 0 : i32
      %dma_start3A_60 = tpu.memref_slice %arg6[%mul3A_48, %dma_start3A] : memref<10112x128xf32, #tpu.memory_space<vmem_shared>> -> memref<632x128xf32, #tpu.memory_space<vmem_shared>>
      %dma_start3A_61 = arith.constant 0 : i32
      %dma_start3A_62 = tpu.memref_slice %arg4[%mul3A_48, %dma_start3A_61] : memref<10112x128xf32, #tpu.memory_space<hbm>> -> memref<632x128xf32, #tpu.memory_space<hbm>>
      tpu.enqueue_dma source(%dma_start3A_62 : memref<632x128xf32, #tpu.memory_space<hbm>>) target(%dma_start3A_60 : memref<632x128xf32, #tpu.memory_space<vmem_shared>>) target_semaphore(%run_scoped3A : memref<!tpu.dma_semaphore, #tpu.memory_space<semaphore_mem>>)
      %dma_wait3A = arith.constant 0 : i32
      %dma_wait3A_63 = tpu.memref_slice %arg6[%mul3A_48, %dma_wait3A] : memref<10112x128xf32, #tpu.memory_space<vmem_shared>> -> memref<632x128xf32, #tpu.memory_space<vmem_shared>>
      %dma_wait3A_64 = arith.constant 0 : i32
      %dma_wait3A_65 = tpu.memref_slice %arg4[%mul3A_48, %dma_wait3A_64] : memref<10112x128xf32, #tpu.memory_space<hbm>> -> memref<632x128xf32, #tpu.memory_space<hbm>>
      tpu.wait_dma2 semaphore(%run_scoped3A : memref<!tpu.dma_semaphore, #tpu.memory_space<semaphore_mem>>) src(%dma_wait3A_65 : memref<632x128xf32, #tpu.memory_space<hbm>>) dst(%dma_wait3A_63 : memref<632x128xf32, #tpu.memory_space<vmem_shared>>)
      tpu.yield
    }) : () -> ()
    %barrier3A = arith.constant 0 : index
    tpu.barrier barrier_id(%barrier3A)
    %while3A = arith.constant 0 : i32
    %while3A_49 = arith.subi %select_n3A_46, %select_n3A : i32
    %while3A_50 = arith.addi %select_n3A, %while3A_49 : i32
    %while3A_51 = arith.constant 1 : i32
    %while3A_52 = arith.divsi %while3A_49, %while3A_51 : i32
    %while3A_53 = arith.muli %while3A_52, %while3A_51 : i32
    %while3A_54 = arith.addi %select_n3A, %while3A_53 : i32
    %while3A_55 = arith.constant 1 : i32
    %while3A_56 = scf.for %while3A_60 = %select_n3A to %while3A_54 step %while3A_55 iter_args(%while3A_61 = %while3A) -> (i32)  : i32 {
      %add3A_62 = arith.constant 0 : i32
      %add3A_63 = arith.addi %add3A_62, %while3A_60 : i32
      %mul3A_64 = arith.constant 128 : i32
      %mul3A_65 = arith.muli %add3A_63, %mul3A_64 : i32
      "tpu.region"() ({
        %run_scoped3A = tpu.sem_alloc : memref<!tpu.dma_semaphore, #tpu.memory_space<semaphore_mem>>
        %dma_start3A = tpu.memref_slice %arg3[%mul3A_65] : memref<320000xi32, #tpu.memory_space<hbm>> -> memref<128xi32, #tpu.memory_space<hbm>>
        %dma_start3A_69 = tpu.memref_slice %arg3[%mul3A_65] : memref<320000xi32, #tpu.memory_space<hbm>> -> memref<128xi32, #tpu.memory_space<hbm>>
        tpu.enqueue_dma source(%dma_start3A_69 : memref<128xi32, #tpu.memory_space<hbm>>) target(%arg7 : memref<128xi32, #tpu.memory_space<vmem>>) target_semaphore(%run_scoped3A : memref<!tpu.dma_semaphore, #tpu.memory_space<semaphore_mem>>)
        %dma_wait3A = tpu.memref_slice %arg3[%mul3A_65] : memref<320000xi32, #tpu.memory_space<hbm>> -> memref<128xi32, #tpu.memory_space<hbm>>
        %dma_wait3A_70 = tpu.memref_slice %arg3[%mul3A_65] : memref<320000xi32, #tpu.memory_space<hbm>> -> memref<128xi32, #tpu.memory_space<hbm>>
        tpu.wait_dma2 semaphore(%run_scoped3A : memref<!tpu.dma_semaphore, #tpu.memory_space<semaphore_mem>>) src(%dma_wait3A_70 : memref<128xi32, #tpu.memory_space<hbm>>) dst(%arg7 : memref<128xi32, #tpu.memory_space<vmem>>)
        tpu.yield
      }) : () -> ()
      %mul3A_66 = arith.constant 128 : i32
      %mul3A_67 = arith.muli %while3A_60, %mul3A_66 : i32
      "tpu.region"() ({
        %run_scoped3A = tpu.sem_alloc : memref<!tpu.dma_semaphore, #tpu.memory_space<semaphore_mem>>
        %dma_start3A = arith.constant 0 : i32
        %dma_start3A_69 = tpu.memref_slice %arg2[%mul3A_67, %dma_start3A] : memref<80000x128xf32, #tpu.memory_space<hbm>> -> memref<128x128xf32, #tpu.memory_space<hbm>>
        %dma_start3A_70 = arith.constant 0 : i32
        %dma_start3A_71 = tpu.memref_slice %arg2[%mul3A_67, %dma_start3A_70] : memref<80000x128xf32, #tpu.memory_space<hbm>> -> memref<128x128xf32, #tpu.memory_space<hbm>>
        tpu.enqueue_dma source(%dma_start3A_71 : memref<128x128xf32, #tpu.memory_space<hbm>>) target(%arg8 : memref<128x128xf32, #tpu.memory_space<vmem>>) target_semaphore(%run_scoped3A : memref<!tpu.dma_semaphore, #tpu.memory_space<semaphore_mem>>)
        %dma_wait3A = arith.constant 0 : i32
        %dma_wait3A_72 = tpu.memref_slice %arg2[%mul3A_67, %dma_wait3A] : memref<80000x128xf32, #tpu.memory_space<hbm>> -> memref<128x128xf32, #tpu.memory_space<hbm>>
        %dma_wait3A_73 = arith.constant 0 : i32
        %dma_wait3A_74 = tpu.memref_slice %arg2[%mul3A_67, %dma_wait3A_73] : memref<80000x128xf32, #tpu.memory_space<hbm>> -> memref<128x128xf32, #tpu.memory_space<hbm>>
        tpu.wait_dma2 semaphore(%run_scoped3A : memref<!tpu.dma_semaphore, #tpu.memory_space<semaphore_mem>>) src(%dma_wait3A_74 : memref<128x128xf32, #tpu.memory_space<hbm>>) dst(%arg8 : memref<128x128xf32, #tpu.memory_space<vmem>>)
        tpu.yield
      }) : () -> ()
      "tpu.region"() ({
        %run_scoped3A = tpu.sem_alloc : memref<!tpu.dma_semaphore, #tpu.memory_space<semaphore_mem>>
        %dma_start3A = arith.constant 0 : i32
        %dma_start3A_69 = arith.constant 0 : i32
        %dma_start3A_70 = tpu.memref_slice %arg6[%dma_start3A, %dma_start3A_69] : memref<10112x128xf32, #tpu.memory_space<vmem_shared>> -> memref<10112x128xf32, #tpu.memory_space<vmem_shared>>
        tpu.enqueue_indirect_dma source(%arg8 : memref<128x128xf32, #tpu.memory_space<vmem>>) target(%dma_start3A_70 : memref<10112x128xf32, #tpu.memory_space<vmem_shared>>) offsets(%arg7 : memref<128xi32, #tpu.memory_space<vmem>>) semaphore(%run_scoped3A : memref<!tpu.dma_semaphore, #tpu.memory_space<semaphore_mem>>) {add = true}
        %dma_wait3A = arith.constant 0 : i32
        %dma_wait3A_71 = arith.constant 0 : i32
        %dma_wait3A_72 = tpu.memref_slice %arg6[%dma_wait3A, %dma_wait3A_71] : memref<10112x128xf32, #tpu.memory_space<vmem_shared>> -> memref<10112x128xf32, #tpu.memory_space<vmem_shared>>
        tpu.wait_indirect_dma semaphore(%run_scoped3A : memref<!tpu.dma_semaphore, #tpu.memory_space<semaphore_mem>>) src(%arg8 : memref<128x128xf32, #tpu.memory_space<vmem>>) dst(%dma_wait3A_72 : memref<10112x128xf32, #tpu.memory_space<vmem_shared>>)
        tpu.yield
      }) : () -> ()
      %while3A_68 = arith.constant 0 : i32
      scf.yield %while3A_68 : i32
    }
    %while3A_57 = arith.constant 1 : i32
    %while3A_58 = scf.for %while3A_60 = %while3A_54 to %while3A_50 step %while3A_57 iter_args(%while3A_61 = %while3A_56) -> (i32)  : i32 {
      %add3A_62 = arith.constant 0 : i32
      %add3A_63 = arith.addi %add3A_62, %while3A_60 : i32
      %mul3A_64 = arith.constant 128 : i32
      %mul3A_65 = arith.muli %add3A_63, %mul3A_64 : i32
      "tpu.region"() ({
        %run_scoped3A = tpu.sem_alloc : memref<!tpu.dma_semaphore, #tpu.memory_space<semaphore_mem>>
        %dma_start3A = tpu.memref_slice %arg3[%mul3A_65] : memref<320000xi32, #tpu.memory_space<hbm>> -> memref<128xi32, #tpu.memory_space<hbm>>
        %dma_start3A_69 = tpu.memref_slice %arg3[%mul3A_65] : memref<320000xi32, #tpu.memory_space<hbm>> -> memref<128xi32, #tpu.memory_space<hbm>>
        tpu.enqueue_dma source(%dma_start3A_69 : memref<128xi32, #tpu.memory_space<hbm>>) target(%arg7 : memref<128xi32, #tpu.memory_space<vmem>>) target_semaphore(%run_scoped3A : memref<!tpu.dma_semaphore, #tpu.memory_space<semaphore_mem>>)
        %dma_wait3A = tpu.memref_slice %arg3[%mul3A_65] : memref<320000xi32, #tpu.memory_space<hbm>> -> memref<128xi32, #tpu.memory_space<hbm>>
        %dma_wait3A_70 = tpu.memref_slice %arg3[%mul3A_65] : memref<320000xi32, #tpu.memory_space<hbm>> -> memref<128xi32, #tpu.memory_space<hbm>>
        tpu.wait_dma2 semaphore(%run_scoped3A : memref<!tpu.dma_semaphore, #tpu.memory_space<semaphore_mem>>) src(%dma_wait3A_70 : memref<128xi32, #tpu.memory_space<hbm>>) dst(%arg7 : memref<128xi32, #tpu.memory_space<vmem>>)
        tpu.yield
      }) : () -> ()
      %mul3A_66 = arith.constant 128 : i32
      %mul3A_67 = arith.muli %while3A_60, %mul3A_66 : i32
      "tpu.region"() ({
        %run_scoped3A = tpu.sem_alloc : memref<!tpu.dma_semaphore, #tpu.memory_space<semaphore_mem>>
        %dma_start3A = arith.constant 0 : i32
        %dma_start3A_69 = tpu.memref_slice %arg2[%mul3A_67, %dma_start3A] : memref<80000x128xf32, #tpu.memory_space<hbm>> -> memref<128x128xf32, #tpu.memory_space<hbm>>
        %dma_start3A_70 = arith.constant 0 : i32
        %dma_start3A_71 = tpu.memref_slice %arg2[%mul3A_67, %dma_start3A_70] : memref<80000x128xf32, #tpu.memory_space<hbm>> -> memref<128x128xf32, #tpu.memory_space<hbm>>
        tpu.enqueue_dma source(%dma_start3A_71 : memref<128x128xf32, #tpu.memory_space<hbm>>) target(%arg8 : memref<128x128xf32, #tpu.memory_space<vmem>>) target_semaphore(%run_scoped3A : memref<!tpu.dma_semaphore, #tpu.memory_space<semaphore_mem>>)
        %dma_wait3A = arith.constant 0 : i32
        %dma_wait3A_72 = tpu.memref_slice %arg2[%mul3A_67, %dma_wait3A] : memref<80000x128xf32, #tpu.memory_space<hbm>> -> memref<128x128xf32, #tpu.memory_space<hbm>>
        %dma_wait3A_73 = arith.constant 0 : i32
        %dma_wait3A_74 = tpu.memref_slice %arg2[%mul3A_67, %dma_wait3A_73] : memref<80000x128xf32, #tpu.memory_space<hbm>> -> memref<128x128xf32, #tpu.memory_space<hbm>>
        tpu.wait_dma2 semaphore(%run_scoped3A : memref<!tpu.dma_semaphore, #tpu.memory_space<semaphore_mem>>) src(%dma_wait3A_74 : memref<128x128xf32, #tpu.memory_space<hbm>>) dst(%arg8 : memref<128x128xf32, #tpu.memory_space<vmem>>)
        tpu.yield
      }) : () -> ()
      "tpu.region"() ({
        %run_scoped3A = tpu.sem_alloc : memref<!tpu.dma_semaphore, #tpu.memory_space<semaphore_mem>>
        %dma_start3A = arith.constant 0 : i32
        %dma_start3A_69 = arith.constant 0 : i32
        %dma_start3A_70 = tpu.memref_slice %arg6[%dma_start3A, %dma_start3A_69] : memref<10112x128xf32, #tpu.memory_space<vmem_shared>> -> memref<10112x128xf32, #tpu.memory_space<vmem_shared>>
        tpu.enqueue_indirect_dma source(%arg8 : memref<128x128xf32, #tpu.memory_space<vmem>>) target(%dma_start3A_70 : memref<10112x128xf32, #tpu.memory_space<vmem_shared>>) offsets(%arg7 : memref<128xi32, #tpu.memory_space<vmem>>) semaphore(%run_scoped3A : memref<!tpu.dma_semaphore, #tpu.memory_space<semaphore_mem>>) {add = true}
        %dma_wait3A = arith.constant 0 : i32
        %dma_wait3A_71 = arith.constant 0 : i32
        %dma_wait3A_72 = tpu.memref_slice %arg6[%dma_wait3A, %dma_wait3A_71] : memref<10112x128xf32, #tpu.memory_space<vmem_shared>> -> memref<10112x128xf32, #tpu.memory_space<vmem_shared>>
        tpu.wait_indirect_dma semaphore(%run_scoped3A : memref<!tpu.dma_semaphore, #tpu.memory_space<semaphore_mem>>) src(%arg8 : memref<128x128xf32, #tpu.memory_space<vmem>>) dst(%dma_wait3A_72 : memref<10112x128xf32, #tpu.memory_space<vmem_shared>>)
        tpu.yield
      }) : () -> ()
      %while3A_68 = arith.constant 0 : i32
      scf.yield %while3A_68 : i32
    }
    %barrier3A_59 = arith.constant 0 : index
    tpu.barrier barrier_id(%barrier3A_59)
    "tpu.region"() ({
      %run_scoped3A = tpu.sem_alloc : memref<!tpu.dma_semaphore, #tpu.memory_space<semaphore_mem>>
      %dma_start3A = arith.constant 0 : i32
      %dma_start3A_60 = tpu.memref_slice %arg5[%arg0, %mul3A_48, %dma_start3A] : memref<2x10112x128xf32, #tpu.memory_space<hbm>> -> memref<1x632x128xf32, #tpu.memory_space<hbm>>
      %dma_start3A_61 = tpu.memref_squeeze %dma_start3A_60 : memref<1x632x128xf32, #tpu.memory_space<hbm>> -> memref<632x128xf32, #tpu.memory_space<hbm>>
      %dma_start3A_62 = arith.constant 0 : i32
      %dma_start3A_63 = tpu.memref_slice %arg6[%mul3A_48, %dma_start3A_62] : memref<10112x128xf32, #tpu.memory_space<vmem_shared>> -> memref<632x128xf32, #tpu.memory_space<vmem_shared>>
      tpu.enqueue_dma source(%dma_start3A_63 : memref<632x128xf32, #tpu.memory_space<vmem_shared>>) target(%dma_start3A_61 : memref<632x128xf32, #tpu.memory_space<hbm>>) target_semaphore(%run_scoped3A : memref<!tpu.dma_semaphore, #tpu.memory_space<semaphore_mem>>)
      %dma_wait3A = arith.constant 0 : i32
      %dma_wait3A_64 = tpu.memref_slice %arg5[%arg0, %mul3A_48, %dma_wait3A] : memref<2x10112x128xf32, #tpu.memory_space<hbm>> -> memref<1x632x128xf32, #tpu.memory_space<hbm>>
      %dma_wait3A_65 = tpu.memref_squeeze %dma_wait3A_64 : memref<1x632x128xf32, #tpu.memory_space<hbm>> -> memref<632x128xf32, #tpu.memory_space<hbm>>
      %dma_wait3A_66 = arith.constant 0 : i32
      %dma_wait3A_67 = tpu.memref_slice %arg6[%mul3A_48, %dma_wait3A_66] : memref<10112x128xf32, #tpu.memory_space<vmem_shared>> -> memref<632x128xf32, #tpu.memory_space<vmem_shared>>
      tpu.wait_dma2 semaphore(%run_scoped3A : memref<!tpu.dma_semaphore, #tpu.memory_space<semaphore_mem>>) src(%dma_wait3A_67 : memref<632x128xf32, #tpu.memory_space<vmem_shared>>) dst(%dma_wait3A_65 : memref<632x128xf32, #tpu.memory_space<hbm>>)
      tpu.yield
    }) : () -> ()
    return
  }
}

module attributes {stable_mosaic.version = 14 : i64} {
  func.func @_mlp_body(%arg0: i32, %arg1: memref<4000x128xi32, #tpu.memory_space<vmem>>, %arg2: memref<4000x128xf32, #tpu.memory_space<vmem>>, %arg3: memref<128x96xbf16, #tpu.memory_space<vmem>>, %arg4: memref<128x96xbf16, #tpu.memory_space<vmem>>, %arg5: memref<128x96xbf16, #tpu.memory_space<vmem>>, %arg6: memref<1x96xf32, #tpu.memory_space<vmem>>, %arg7: memref<96x48xbf16, #tpu.memory_space<vmem>>, %arg8: memref<1x48xf32, #tpu.memory_space<vmem>>, %arg9: memref<48x1xbf16, #tpu.memory_space<vmem>>, %arg10: memref<1x1xf32, #tpu.memory_space<vmem>>, %arg11: memref<128x256xbf16, #tpu.memory_space<vmem>>, %arg12: memref<128x256xbf16, #tpu.memory_space<vmem>>, %arg13: memref<128x256xbf16, #tpu.memory_space<vmem>>, %arg14: memref<1x256xf32, #tpu.memory_space<vmem>>, %arg15: memref<256x128xbf16, #tpu.memory_space<vmem>>, %arg16: memref<1x128xf32, #tpu.memory_space<vmem>>, %arg17: memref<4000x128xf32, #tpu.memory_space<vmem>>) attributes {dimension_semantics = [#tpu.dimension_semantics<arbitrary>], iteration_bounds = array<i64: 20>, scalar_prefetch = 0 : i64, scratch_operands = 0 : i64, tpu.core_type = #tpu.core_type<tc>, window_params = [{transform_indices = @transform_0, window_bounds = array<i64: 4000, 128>}, {transform_indices = @transform_1, window_bounds = array<i64: 4000, 128>}, {pipeline_mode = #tpu.pipeline_mode<synchronous>, transform_indices = @transform_2, window_bounds = array<i64: 128, 96>}, {pipeline_mode = #tpu.pipeline_mode<synchronous>, transform_indices = @transform_3, window_bounds = array<i64: 128, 96>}, {pipeline_mode = #tpu.pipeline_mode<synchronous>, transform_indices = @transform_4, window_bounds = array<i64: 128, 96>}, {pipeline_mode = #tpu.pipeline_mode<synchronous>, transform_indices = @transform_5, window_bounds = array<i64: 1, 96>}, {pipeline_mode = #tpu.pipeline_mode<synchronous>, transform_indices = @transform_6, window_bounds = array<i64: 96, 48>}, {pipeline_mode = #tpu.pipeline_mode<synchronous>, transform_indices = @transform_7, window_bounds = array<i64: 1, 48>}, {pipeline_mode = #tpu.pipeline_mode<synchronous>, transform_indices = @transform_8, window_bounds = array<i64: 48, 1>}, {pipeline_mode = #tpu.pipeline_mode<synchronous>, transform_indices = @transform_9, window_bounds = array<i64: 1, 1>}, {pipeline_mode = #tpu.pipeline_mode<synchronous>, transform_indices = @transform_10, window_bounds = array<i64: 128, 256>}, {pipeline_mode = #tpu.pipeline_mode<synchronous>, transform_indices = @transform_11, window_bounds = array<i64: 128, 256>}, {pipeline_mode = #tpu.pipeline_mode<synchronous>, transform_indices = @transform_12, window_bounds = array<i64: 128, 256>}, {pipeline_mode = #tpu.pipeline_mode<synchronous>, transform_indices = @transform_13, window_bounds = array<i64: 1, 256>}, {pipeline_mode = #tpu.pipeline_mode<synchronous>, transform_indices = @transform_14, window_bounds = array<i64: 256, 128>}, {pipeline_mode = #tpu.pipeline_mode<synchronous>, transform_indices = @transform_15, window_bounds = array<i64: 1, 128>}, {transform_indices = @transform_16, window_bounds = array<i64: 4000, 128>}]} {
    %get3A = arith.constant 0 : index
    %get3A_0 = arith.constant 0 : index
    %get3A_1 = vector.load %arg1[%get3A, %get3A_0] : memref<4000x128xi32, #tpu.memory_space<vmem>>, vector<4000x128xi32>
    %shift_left3A = arith.constant 16 : i32
    %shift_left3A_2 = vector.broadcast %shift_left3A : i32 to vector<4000x128xi32>
    %shift_left3A_3 = arith.shli %get3A_1, %shift_left3A_2 : vector<4000x128xi32>
    %bitcast_convert_type3A = tpu.bitcast %shift_left3A_3 : vector<4000x128xi32> -> vector<4000x128xf32>
    %convert_element_type3A = arith.truncf %bitcast_convert_type3A : vector<4000x128xf32> to vector<4000x128xbf16>
    %and3A = arith.constant -65536 : i32
    %and3A_4 = vector.broadcast %and3A : i32 to vector<4000x128xi32>
    %and3A_5 = arith.andi %get3A_1, %and3A_4 : vector<4000x128xi32>
    %bitcast_convert_type3A_6 = tpu.bitcast %and3A_5 : vector<4000x128xi32> -> vector<4000x128xf32>
    %convert_element_type3A_7 = arith.truncf %bitcast_convert_type3A_6 : vector<4000x128xf32> to vector<4000x128xbf16>
    %get3A_8 = arith.constant 0 : index
    %get3A_9 = arith.constant 0 : index
    %get3A_10 = vector.load %arg2[%get3A_8, %get3A_9] : memref<4000x128xf32, #tpu.memory_space<vmem>>, vector<4000x128xf32>
    %convert_element_type3A_11 = arith.truncf %get3A_10 : vector<4000x128xf32> to vector<4000x128xbf16>
    %get3A_12 = arith.constant 0 : index
    %get3A_13 = arith.constant 0 : index
    %get3A_14 = vector.load %arg3[%get3A_12, %get3A_13] : memref<128x96xbf16, #tpu.memory_space<vmem>>, vector<128x96xbf16>
    %dot_general3A = arith.constant dense<0.000000e+00> : vector<4000x96xf32>
    %dot_general3A_15 = tpu.matmul %convert_element_type3A, %get3A_14, %dot_general3A {dimension_numbers = #tpu.dot_dimension_numbers<[1], [0], [0], [1], [0, 0, 1, 1], [], []>, transpose_lhs_hint = false} : vector<4000x128xbf16>, vector<128x96xbf16>, vector<4000x96xf32> -> vector<4000x96xf32>
    %get3A_16 = arith.constant 0 : index
    %get3A_17 = arith.constant 0 : index
    %get3A_18 = vector.load %arg4[%get3A_16, %get3A_17] : memref<128x96xbf16, #tpu.memory_space<vmem>>, vector<128x96xbf16>
    %dot_general3A_19 = arith.constant dense<0.000000e+00> : vector<4000x96xf32>
    %dot_general3A_20 = tpu.matmul %convert_element_type3A_7, %get3A_18, %dot_general3A_19 {dimension_numbers = #tpu.dot_dimension_numbers<[1], [0], [0], [1], [0, 0, 1, 1], [], []>, transpose_lhs_hint = false} : vector<4000x128xbf16>, vector<128x96xbf16>, vector<4000x96xf32> -> vector<4000x96xf32>
    %add3A = arith.addf %dot_general3A_15, %dot_general3A_20 : vector<4000x96xf32>
    %get3A_21 = arith.constant 0 : index
    %get3A_22 = arith.constant 0 : index
    %get3A_23 = vector.load %arg5[%get3A_21, %get3A_22] : memref<128x96xbf16, #tpu.memory_space<vmem>>, vector<128x96xbf16>
    %dot_general3A_24 = arith.constant dense<0.000000e+00> : vector<4000x96xf32>
    %dot_general3A_25 = tpu.matmul %convert_element_type3A_11, %get3A_23, %dot_general3A_24 {dimension_numbers = #tpu.dot_dimension_numbers<[1], [0], [0], [1], [0, 0, 1, 1], [], []>, transpose_lhs_hint = false} : vector<4000x128xbf16>, vector<128x96xbf16>, vector<4000x96xf32> -> vector<4000x96xf32>
    %add3A_26 = arith.addf %add3A, %dot_general3A_25 : vector<4000x96xf32>
    %get3A_27 = arith.constant 0 : index
    %get3A_28 = arith.constant 0 : index
    %get3A_29 = vector.load %arg6[%get3A_27, %get3A_28] : memref<1x96xf32, #tpu.memory_space<vmem>>, vector<1x96xf32>
    %add3A_30 = vector.broadcast %get3A_29 : vector<1x96xf32> to vector<4000x96xf32>
    %add3A_31 = arith.addf %add3A_26, %add3A_30 : vector<4000x96xf32>
    %max3A = arith.constant 0.000000e+00 : f32
    %max3A_32 = vector.broadcast %max3A : f32 to vector<4000x96xf32>
    %max3A_33 = arith.maximumf %add3A_31, %max3A_32 : vector<4000x96xf32>
    %convert_element_type3A_34 = arith.truncf %max3A_33 : vector<4000x96xf32> to vector<4000x96xbf16>
    %get3A_35 = arith.constant 0 : index
    %get3A_36 = arith.constant 0 : index
    %get3A_37 = vector.load %arg7[%get3A_35, %get3A_36] : memref<96x48xbf16, #tpu.memory_space<vmem>>, vector<96x48xbf16>
    %dot_general3A_38 = arith.constant dense<0.000000e+00> : vector<4000x48xf32>
    %dot_general3A_39 = tpu.matmul %convert_element_type3A_34, %get3A_37, %dot_general3A_38 {dimension_numbers = #tpu.dot_dimension_numbers<[1], [0], [0], [1], [0, 0, 1, 1], [], []>, transpose_lhs_hint = false} : vector<4000x96xbf16>, vector<96x48xbf16>, vector<4000x48xf32> -> vector<4000x48xf32>
    %get3A_40 = arith.constant 0 : index
    %get3A_41 = arith.constant 0 : index
    %get3A_42 = vector.load %arg8[%get3A_40, %get3A_41] : memref<1x48xf32, #tpu.memory_space<vmem>>, vector<1x48xf32>
    %add3A_43 = vector.broadcast %get3A_42 : vector<1x48xf32> to vector<4000x48xf32>
    %add3A_44 = arith.addf %dot_general3A_39, %add3A_43 : vector<4000x48xf32>
    %max3A_45 = arith.constant 0.000000e+00 : f32
    %max3A_46 = vector.broadcast %max3A_45 : f32 to vector<4000x48xf32>
    %max3A_47 = arith.maximumf %add3A_44, %max3A_46 : vector<4000x48xf32>
    %convert_element_type3A_48 = arith.truncf %max3A_47 : vector<4000x48xf32> to vector<4000x48xbf16>
    %get3A_49 = arith.constant 0 : index
    %get3A_50 = arith.constant 0 : index
    %get3A_51 = vector.load %arg9[%get3A_49, %get3A_50] : memref<48x1xbf16, #tpu.memory_space<vmem>>, vector<48x1xbf16>
    %dot_general3A_52 = arith.constant dense<0.000000e+00> : vector<4000x1xf32>
    %dot_general3A_53 = tpu.matmul %convert_element_type3A_48, %get3A_51, %dot_general3A_52 {dimension_numbers = #tpu.dot_dimension_numbers<[1], [0], [0], [1], [0, 0, 1, 1], [], []>, transpose_lhs_hint = false} : vector<4000x48xbf16>, vector<48x1xbf16>, vector<4000x1xf32> -> vector<4000x1xf32>
    %get3A_54 = arith.constant 0 : index
    %get3A_55 = arith.constant 0 : index
    %get3A_56 = vector.load %arg10[%get3A_54, %get3A_55] : memref<1x1xf32, #tpu.memory_space<vmem>>, vector<1x1xf32>
    %add3A_57 = vector.broadcast %get3A_56 : vector<1x1xf32> to vector<4000x1xf32>
    %add3A_58 = arith.addf %dot_general3A_53, %add3A_57 : vector<4000x1xf32>
    %get3A_59 = arith.constant 0 : index
    %get3A_60 = arith.constant 0 : index
    %get3A_61 = vector.load %arg11[%get3A_59, %get3A_60] : memref<128x256xbf16, #tpu.memory_space<vmem>>, vector<128x256xbf16>
    %dot_general3A_62 = arith.constant dense<0.000000e+00> : vector<4000x256xf32>
    %dot_general3A_63 = tpu.matmul %convert_element_type3A, %get3A_61, %dot_general3A_62 {dimension_numbers = #tpu.dot_dimension_numbers<[1], [0], [0], [1], [0, 0, 1, 1], [], []>, transpose_lhs_hint = false} : vector<4000x128xbf16>, vector<128x256xbf16>, vector<4000x256xf32> -> vector<4000x256xf32>
    %get3A_64 = arith.constant 0 : index
    %get3A_65 = arith.constant 0 : index
    %get3A_66 = vector.load %arg12[%get3A_64, %get3A_65] : memref<128x256xbf16, #tpu.memory_space<vmem>>, vector<128x256xbf16>
    %dot_general3A_67 = arith.constant dense<0.000000e+00> : vector<4000x256xf32>
    %dot_general3A_68 = tpu.matmul %convert_element_type3A_7, %get3A_66, %dot_general3A_67 {dimension_numbers = #tpu.dot_dimension_numbers<[1], [0], [0], [1], [0, 0, 1, 1], [], []>, transpose_lhs_hint = false} : vector<4000x128xbf16>, vector<128x256xbf16>, vector<4000x256xf32> -> vector<4000x256xf32>
    %add3A_69 = arith.addf %dot_general3A_63, %dot_general3A_68 : vector<4000x256xf32>
    %get3A_70 = arith.constant 0 : index
    %get3A_71 = arith.constant 0 : index
    %get3A_72 = vector.load %arg13[%get3A_70, %get3A_71] : memref<128x256xbf16, #tpu.memory_space<vmem>>, vector<128x256xbf16>
    %dot_general3A_73 = arith.constant dense<0.000000e+00> : vector<4000x256xf32>
    %dot_general3A_74 = tpu.matmul %convert_element_type3A_11, %get3A_72, %dot_general3A_73 {dimension_numbers = #tpu.dot_dimension_numbers<[1], [0], [0], [1], [0, 0, 1, 1], [], []>, transpose_lhs_hint = false} : vector<4000x128xbf16>, vector<128x256xbf16>, vector<4000x256xf32> -> vector<4000x256xf32>
    %add3A_75 = arith.addf %add3A_69, %dot_general3A_74 : vector<4000x256xf32>
    %get3A_76 = arith.constant 0 : index
    %get3A_77 = arith.constant 0 : index
    %get3A_78 = vector.load %arg14[%get3A_76, %get3A_77] : memref<1x256xf32, #tpu.memory_space<vmem>>, vector<1x256xf32>
    %add3A_79 = vector.broadcast %get3A_78 : vector<1x256xf32> to vector<4000x256xf32>
    %add3A_80 = arith.addf %add3A_75, %add3A_79 : vector<4000x256xf32>
    %max3A_81 = arith.constant 0.000000e+00 : f32
    %max3A_82 = vector.broadcast %max3A_81 : f32 to vector<4000x256xf32>
    %max3A_83 = arith.maximumf %add3A_80, %max3A_82 : vector<4000x256xf32>
    %convert_element_type3A_84 = arith.truncf %max3A_83 : vector<4000x256xf32> to vector<4000x256xbf16>
    %get3A_85 = arith.constant 0 : index
    %get3A_86 = arith.constant 0 : index
    %get3A_87 = vector.load %arg15[%get3A_85, %get3A_86] : memref<256x128xbf16, #tpu.memory_space<vmem>>, vector<256x128xbf16>
    %dot_general3A_88 = arith.constant dense<0.000000e+00> : vector<4000x128xf32>
    %dot_general3A_89 = tpu.matmul %convert_element_type3A_84, %get3A_87, %dot_general3A_88 {dimension_numbers = #tpu.dot_dimension_numbers<[1], [0], [0], [1], [0, 0, 1, 1], [], []>, transpose_lhs_hint = false} : vector<4000x256xbf16>, vector<256x128xbf16>, vector<4000x128xf32> -> vector<4000x128xf32>
    %get3A_90 = arith.constant 0 : index
    %get3A_91 = arith.constant 0 : index
    %get3A_92 = vector.load %arg16[%get3A_90, %get3A_91] : memref<1x128xf32, #tpu.memory_space<vmem>>, vector<1x128xf32>
    %add3A_93 = vector.broadcast %get3A_92 : vector<1x128xf32> to vector<4000x128xf32>
    %add3A_94 = arith.addf %dot_general3A_89, %add3A_93 : vector<4000x128xf32>
    %logistic3A = arith.negf %add3A_58 : vector<4000x1xf32>
    %logistic3A_95 = math.exp %logistic3A : vector<4000x1xf32>
    %logistic3A_96 = arith.constant 1.000000e+00 : f32
    %logistic3A_97 = vector.broadcast %logistic3A_96 : f32 to vector<4000x1xf32>
    %logistic3A_98 = arith.addf %logistic3A_97, %logistic3A_95 : vector<4000x1xf32>
    %logistic3A_99 = arith.divf %logistic3A_97, %logistic3A_98 : vector<4000x1xf32>
    %mul3A = vector.broadcast %logistic3A_99 : vector<4000x1xf32> to vector<4000x128xf32>
    %mul3A_100 = arith.mulf %mul3A, %add3A_94 : vector<4000x128xf32>
    %swap3A = arith.constant 0 : index
    %swap3A_101 = arith.constant 0 : index
    %swap3A_102 = vector.load %arg17[%swap3A, %swap3A_101] : memref<4000x128xf32, #tpu.memory_space<vmem>>, vector<4000x128xf32>
    tpu.vector_store %arg17[%swap3A, %swap3A_101], %mul3A_100 {strides = array<i32>} : memref<4000x128xf32, #tpu.memory_space<vmem>>, vector<4000x128xf32>,
    return
  }
  func.func @transform_0(%arg0: i32) -> (i32, i32) {
    %c0_i32 = arith.constant 0 : i32
    %c0_i32_0 = arith.constant 0 : i32
    return %arg0, %c0_i32 : i32, i32
  }
  func.func @transform_1(%arg0: i32) -> (i32, i32) {
    %add3A = arith.constant 60 : i32
    %add3A_0 = arith.addi %arg0, %add3A : i32
    %c0_i32 = arith.constant 0 : i32
    %c0_i32_1 = arith.constant 0 : i32
    return %add3A_0, %c0_i32 : i32, i32
  }
  func.func @transform_2(%arg0: i32) -> (i32, i32) {
    %c0_i32 = arith.constant 0 : i32
    %c0_i32_0 = arith.constant 0 : i32
    %c0_i32_1 = arith.constant 0 : i32
    return %c0_i32, %c0_i32_0 : i32, i32
  }
  func.func @transform_3(%arg0: i32) -> (i32, i32) {
    %c0_i32 = arith.constant 0 : i32
    %c0_i32_0 = arith.constant 0 : i32
    %c0_i32_1 = arith.constant 0 : i32
    return %c0_i32, %c0_i32_0 : i32, i32
  }
  func.func @transform_4(%arg0: i32) -> (i32, i32) {
    %c0_i32 = arith.constant 0 : i32
    %c0_i32_0 = arith.constant 0 : i32
    %c0_i32_1 = arith.constant 0 : i32
    return %c0_i32, %c0_i32_0 : i32, i32
  }
  func.func @transform_5(%arg0: i32) -> (i32, i32) {
    %c0_i32 = arith.constant 0 : i32
    %c0_i32_0 = arith.constant 0 : i32
    %c0_i32_1 = arith.constant 0 : i32
    return %c0_i32, %c0_i32_0 : i32, i32
  }
  func.func @transform_6(%arg0: i32) -> (i32, i32) {
    %c0_i32 = arith.constant 0 : i32
    %c0_i32_0 = arith.constant 0 : i32
    %c0_i32_1 = arith.constant 0 : i32
    return %c0_i32, %c0_i32_0 : i32, i32
  }
  func.func @transform_7(%arg0: i32) -> (i32, i32) {
    %c0_i32 = arith.constant 0 : i32
    %c0_i32_0 = arith.constant 0 : i32
    %c0_i32_1 = arith.constant 0 : i32
    return %c0_i32, %c0_i32_0 : i32, i32
  }
  func.func @transform_8(%arg0: i32) -> (i32, i32) {
    %c0_i32 = arith.constant 0 : i32
    %c0_i32_0 = arith.constant 0 : i32
    %c0_i32_1 = arith.constant 0 : i32
    return %c0_i32, %c0_i32_0 : i32, i32
  }
  func.func @transform_9(%arg0: i32) -> (i32, i32) {
    %c0_i32 = arith.constant 0 : i32
    %c0_i32_0 = arith.constant 0 : i32
    %c0_i32_1 = arith.constant 0 : i32
    return %c0_i32, %c0_i32_0 : i32, i32
  }
  func.func @transform_10(%arg0: i32) -> (i32, i32) {
    %c0_i32 = arith.constant 0 : i32
    %c0_i32_0 = arith.constant 0 : i32
    %c0_i32_1 = arith.constant 0 : i32
    return %c0_i32, %c0_i32_0 : i32, i32
  }
  func.func @transform_11(%arg0: i32) -> (i32, i32) {
    %c0_i32 = arith.constant 0 : i32
    %c0_i32_0 = arith.constant 0 : i32
    %c0_i32_1 = arith.constant 0 : i32
    return %c0_i32, %c0_i32_0 : i32, i32
  }
  func.func @transform_12(%arg0: i32) -> (i32, i32) {
    %c0_i32 = arith.constant 0 : i32
    %c0_i32_0 = arith.constant 0 : i32
    %c0_i32_1 = arith.constant 0 : i32
    return %c0_i32, %c0_i32_0 : i32, i32
  }
  func.func @transform_13(%arg0: i32) -> (i32, i32) {
    %c0_i32 = arith.constant 0 : i32
    %c0_i32_0 = arith.constant 0 : i32
    %c0_i32_1 = arith.constant 0 : i32
    return %c0_i32, %c0_i32_0 : i32, i32
  }
  func.func @transform_14(%arg0: i32) -> (i32, i32) {
    %c0_i32 = arith.constant 0 : i32
    %c0_i32_0 = arith.constant 0 : i32
    %c0_i32_1 = arith.constant 0 : i32
    return %c0_i32, %c0_i32_0 : i32, i32
  }
  func.func @transform_15(%arg0: i32) -> (i32, i32) {
    %c0_i32 = arith.constant 0 : i32
    %c0_i32_0 = arith.constant 0 : i32
    %c0_i32_1 = arith.constant 0 : i32
    return %c0_i32, %c0_i32_0 : i32, i32
  }
  func.func @transform_16(%arg0: i32) -> (i32, i32) {
    %c0_i32 = arith.constant 0 : i32
    %c0_i32_0 = arith.constant 0 : i32
    return %arg0, %c0_i32 : i32, i32
  }
}

module attributes {stable_mosaic.version = 14 : i64} {
  func.func @_mlp_body(%arg0: i32, %arg1: memref<4000x128xi32, #tpu.memory_space<vmem>>, %arg2: memref<4000x128xf32, #tpu.memory_space<vmem>>, %arg3: memref<128x96xbf16, #tpu.memory_space<vmem>>, %arg4: memref<128x96xbf16, #tpu.memory_space<vmem>>, %arg5: memref<128x96xbf16, #tpu.memory_space<vmem>>, %arg6: memref<1x96xf32, #tpu.memory_space<vmem>>, %arg7: memref<96x48xbf16, #tpu.memory_space<vmem>>, %arg8: memref<1x48xf32, #tpu.memory_space<vmem>>, %arg9: memref<48x1xbf16, #tpu.memory_space<vmem>>, %arg10: memref<1x1xf32, #tpu.memory_space<vmem>>, %arg11: memref<128x256xbf16, #tpu.memory_space<vmem>>, %arg12: memref<128x256xbf16, #tpu.memory_space<vmem>>, %arg13: memref<128x256xbf16, #tpu.memory_space<vmem>>, %arg14: memref<1x256xf32, #tpu.memory_space<vmem>>, %arg15: memref<256x128xbf16, #tpu.memory_space<vmem>>, %arg16: memref<1x128xf32, #tpu.memory_space<vmem>>, %arg17: memref<4000x128xf32, #tpu.memory_space<vmem>>) attributes {dimension_semantics = [#tpu.dimension_semantics<arbitrary>], iteration_bounds = array<i64: 20>, scalar_prefetch = 0 : i64, scratch_operands = 0 : i64, tpu.core_type = #tpu.core_type<tc>, window_params = [{transform_indices = @transform_0, window_bounds = array<i64: 4000, 128>}, {transform_indices = @transform_1, window_bounds = array<i64: 4000, 128>}, {pipeline_mode = #tpu.pipeline_mode<synchronous>, transform_indices = @transform_2, window_bounds = array<i64: 128, 96>}, {pipeline_mode = #tpu.pipeline_mode<synchronous>, transform_indices = @transform_3, window_bounds = array<i64: 128, 96>}, {pipeline_mode = #tpu.pipeline_mode<synchronous>, transform_indices = @transform_4, window_bounds = array<i64: 128, 96>}, {pipeline_mode = #tpu.pipeline_mode<synchronous>, transform_indices = @transform_5, window_bounds = array<i64: 1, 96>}, {pipeline_mode = #tpu.pipeline_mode<synchronous>, transform_indices = @transform_6, window_bounds = array<i64: 96, 48>}, {pipeline_mode = #tpu.pipeline_mode<synchronous>, transform_indices = @transform_7, window_bounds = array<i64: 1, 48>}, {pipeline_mode = #tpu.pipeline_mode<synchronous>, transform_indices = @transform_8, window_bounds = array<i64: 48, 1>}, {pipeline_mode = #tpu.pipeline_mode<synchronous>, transform_indices = @transform_9, window_bounds = array<i64: 1, 1>}, {pipeline_mode = #tpu.pipeline_mode<synchronous>, transform_indices = @transform_10, window_bounds = array<i64: 128, 256>}, {pipeline_mode = #tpu.pipeline_mode<synchronous>, transform_indices = @transform_11, window_bounds = array<i64: 128, 256>}, {pipeline_mode = #tpu.pipeline_mode<synchronous>, transform_indices = @transform_12, window_bounds = array<i64: 128, 256>}, {pipeline_mode = #tpu.pipeline_mode<synchronous>, transform_indices = @transform_13, window_bounds = array<i64: 1, 256>}, {pipeline_mode = #tpu.pipeline_mode<synchronous>, transform_indices = @transform_14, window_bounds = array<i64: 256, 128>}, {pipeline_mode = #tpu.pipeline_mode<synchronous>, transform_indices = @transform_15, window_bounds = array<i64: 1, 128>}, {transform_indices = @transform_16, window_bounds = array<i64: 4000, 128>}]} {
    %get3A = arith.constant 0 : index
    %get3A_0 = arith.constant 0 : index
    %get3A_1 = vector.load %arg1[%get3A, %get3A_0] : memref<4000x128xi32, #tpu.memory_space<vmem>>, vector<4000x128xi32>
    %shift_left3A = arith.constant 16 : i32
    %shift_left3A_2 = vector.broadcast %shift_left3A : i32 to vector<4000x128xi32>
    %shift_left3A_3 = arith.shli %get3A_1, %shift_left3A_2 : vector<4000x128xi32>
    %bitcast_convert_type3A = tpu.bitcast %shift_left3A_3 : vector<4000x128xi32> -> vector<4000x128xf32>
    %convert_element_type3A = arith.truncf %bitcast_convert_type3A : vector<4000x128xf32> to vector<4000x128xbf16>
    %and3A = arith.constant -65536 : i32
    %and3A_4 = vector.broadcast %and3A : i32 to vector<4000x128xi32>
    %and3A_5 = arith.andi %get3A_1, %and3A_4 : vector<4000x128xi32>
    %bitcast_convert_type3A_6 = tpu.bitcast %and3A_5 : vector<4000x128xi32> -> vector<4000x128xf32>
    %convert_element_type3A_7 = arith.truncf %bitcast_convert_type3A_6 : vector<4000x128xf32> to vector<4000x128xbf16>
    %get3A_8 = arith.constant 0 : index
    %get3A_9 = arith.constant 0 : index
    %get3A_10 = vector.load %arg2[%get3A_8, %get3A_9] : memref<4000x128xf32, #tpu.memory_space<vmem>>, vector<4000x128xf32>
    %convert_element_type3A_11 = arith.truncf %get3A_10 : vector<4000x128xf32> to vector<4000x128xbf16>
    %get3A_12 = arith.constant 0 : index
    %get3A_13 = arith.constant 0 : index
    %get3A_14 = vector.load %arg3[%get3A_12, %get3A_13] : memref<128x96xbf16, #tpu.memory_space<vmem>>, vector<128x96xbf16>
    %dot_general3A = arith.constant dense<0.000000e+00> : vector<4000x96xf32>
    %dot_general3A_15 = tpu.matmul %convert_element_type3A, %get3A_14, %dot_general3A {dimension_numbers = #tpu.dot_dimension_numbers<[1], [0], [0], [1], [0, 0, 1, 1], [], []>, transpose_lhs_hint = false} : vector<4000x128xbf16>, vector<128x96xbf16>, vector<4000x96xf32> -> vector<4000x96xf32>
    %get3A_16 = arith.constant 0 : index
    %get3A_17 = arith.constant 0 : index
    %get3A_18 = vector.load %arg4[%get3A_16, %get3A_17] : memref<128x96xbf16, #tpu.memory_space<vmem>>, vector<128x96xbf16>
    %dot_general3A_19 = arith.constant dense<0.000000e+00> : vector<4000x96xf32>
    %dot_general3A_20 = tpu.matmul %convert_element_type3A_7, %get3A_18, %dot_general3A_19 {dimension_numbers = #tpu.dot_dimension_numbers<[1], [0], [0], [1], [0, 0, 1, 1], [], []>, transpose_lhs_hint = false} : vector<4000x128xbf16>, vector<128x96xbf16>, vector<4000x96xf32> -> vector<4000x96xf32>
    %add3A = arith.addf %dot_general3A_15, %dot_general3A_20 : vector<4000x96xf32>
    %get3A_21 = arith.constant 0 : index
    %get3A_22 = arith.constant 0 : index
    %get3A_23 = vector.load %arg5[%get3A_21, %get3A_22] : memref<128x96xbf16, #tpu.memory_space<vmem>>, vector<128x96xbf16>
    %dot_general3A_24 = arith.constant dense<0.000000e+00> : vector<4000x96xf32>
    %dot_general3A_25 = tpu.matmul %convert_element_type3A_11, %get3A_23, %dot_general3A_24 {dimension_numbers = #tpu.dot_dimension_numbers<[1], [0], [0], [1], [0, 0, 1, 1], [], []>, transpose_lhs_hint = false} : vector<4000x128xbf16>, vector<128x96xbf16>, vector<4000x96xf32> -> vector<4000x96xf32>
    %add3A_26 = arith.addf %add3A, %dot_general3A_25 : vector<4000x96xf32>
    %get3A_27 = arith.constant 0 : index
    %get3A_28 = arith.constant 0 : index
    %get3A_29 = vector.load %arg6[%get3A_27, %get3A_28] : memref<1x96xf32, #tpu.memory_space<vmem>>, vector<1x96xf32>
    %add3A_30 = vector.broadcast %get3A_29 : vector<1x96xf32> to vector<4000x96xf32>
    %add3A_31 = arith.addf %add3A_26, %add3A_30 : vector<4000x96xf32>
    %max3A = arith.constant 0.000000e+00 : f32
    %max3A_32 = vector.broadcast %max3A : f32 to vector<4000x96xf32>
    %max3A_33 = arith.maximumf %add3A_31, %max3A_32 : vector<4000x96xf32>
    %convert_element_type3A_34 = arith.truncf %max3A_33 : vector<4000x96xf32> to vector<4000x96xbf16>
    %get3A_35 = arith.constant 0 : index
    %get3A_36 = arith.constant 0 : index
    %get3A_37 = vector.load %arg7[%get3A_35, %get3A_36] : memref<96x48xbf16, #tpu.memory_space<vmem>>, vector<96x48xbf16>
    %dot_general3A_38 = arith.constant dense<0.000000e+00> : vector<4000x48xf32>
    %dot_general3A_39 = tpu.matmul %convert_element_type3A_34, %get3A_37, %dot_general3A_38 {dimension_numbers = #tpu.dot_dimension_numbers<[1], [0], [0], [1], [0, 0, 1, 1], [], []>, transpose_lhs_hint = false} : vector<4000x96xbf16>, vector<96x48xbf16>, vector<4000x48xf32> -> vector<4000x48xf32>
    %get3A_40 = arith.constant 0 : index
    %get3A_41 = arith.constant 0 : index
    %get3A_42 = vector.load %arg8[%get3A_40, %get3A_41] : memref<1x48xf32, #tpu.memory_space<vmem>>, vector<1x48xf32>
    %add3A_43 = vector.broadcast %get3A_42 : vector<1x48xf32> to vector<4000x48xf32>
    %add3A_44 = arith.addf %dot_general3A_39, %add3A_43 : vector<4000x48xf32>
    %max3A_45 = arith.constant 0.000000e+00 : f32
    %max3A_46 = vector.broadcast %max3A_45 : f32 to vector<4000x48xf32>
    %max3A_47 = arith.maximumf %add3A_44, %max3A_46 : vector<4000x48xf32>
    %convert_element_type3A_48 = arith.truncf %max3A_47 : vector<4000x48xf32> to vector<4000x48xbf16>
    %get3A_49 = arith.constant 0 : index
    %get3A_50 = arith.constant 0 : index
    %get3A_51 = vector.load %arg9[%get3A_49, %get3A_50] : memref<48x1xbf16, #tpu.memory_space<vmem>>, vector<48x1xbf16>
    %dot_general3A_52 = arith.constant dense<0.000000e+00> : vector<4000x1xf32>
    %dot_general3A_53 = tpu.matmul %convert_element_type3A_48, %get3A_51, %dot_general3A_52 {dimension_numbers = #tpu.dot_dimension_numbers<[1], [0], [0], [1], [0, 0, 1, 1], [], []>, transpose_lhs_hint = false} : vector<4000x48xbf16>, vector<48x1xbf16>, vector<4000x1xf32> -> vector<4000x1xf32>
    %get3A_54 = arith.constant 0 : index
    %get3A_55 = arith.constant 0 : index
    %get3A_56 = vector.load %arg10[%get3A_54, %get3A_55] : memref<1x1xf32, #tpu.memory_space<vmem>>, vector<1x1xf32>
    %add3A_57 = vector.broadcast %get3A_56 : vector<1x1xf32> to vector<4000x1xf32>
    %add3A_58 = arith.addf %dot_general3A_53, %add3A_57 : vector<4000x1xf32>
    %get3A_59 = arith.constant 0 : index
    %get3A_60 = arith.constant 0 : index
    %get3A_61 = vector.load %arg11[%get3A_59, %get3A_60] : memref<128x256xbf16, #tpu.memory_space<vmem>>, vector<128x256xbf16>
    %dot_general3A_62 = arith.constant dense<0.000000e+00> : vector<4000x256xf32>
    %dot_general3A_63 = tpu.matmul %convert_element_type3A, %get3A_61, %dot_general3A_62 {dimension_numbers = #tpu.dot_dimension_numbers<[1], [0], [0], [1], [0, 0, 1, 1], [], []>, transpose_lhs_hint = false} : vector<4000x128xbf16>, vector<128x256xbf16>, vector<4000x256xf32> -> vector<4000x256xf32>
    %get3A_64 = arith.constant 0 : index
    %get3A_65 = arith.constant 0 : index
    %get3A_66 = vector.load %arg12[%get3A_64, %get3A_65] : memref<128x256xbf16, #tpu.memory_space<vmem>>, vector<128x256xbf16>
    %dot_general3A_67 = arith.constant dense<0.000000e+00> : vector<4000x256xf32>
    %dot_general3A_68 = tpu.matmul %convert_element_type3A_7, %get3A_66, %dot_general3A_67 {dimension_numbers = #tpu.dot_dimension_numbers<[1], [0], [0], [1], [0, 0, 1, 1], [], []>, transpose_lhs_hint = false} : vector<4000x128xbf16>, vector<128x256xbf16>, vector<4000x256xf32> -> vector<4000x256xf32>
    %add3A_69 = arith.addf %dot_general3A_63, %dot_general3A_68 : vector<4000x256xf32>
    %get3A_70 = arith.constant 0 : index
    %get3A_71 = arith.constant 0 : index
    %get3A_72 = vector.load %arg13[%get3A_70, %get3A_71] : memref<128x256xbf16, #tpu.memory_space<vmem>>, vector<128x256xbf16>
    %dot_general3A_73 = arith.constant dense<0.000000e+00> : vector<4000x256xf32>
    %dot_general3A_74 = tpu.matmul %convert_element_type3A_11, %get3A_72, %dot_general3A_73 {dimension_numbers = #tpu.dot_dimension_numbers<[1], [0], [0], [1], [0, 0, 1, 1], [], []>, transpose_lhs_hint = false} : vector<4000x128xbf16>, vector<128x256xbf16>, vector<4000x256xf32> -> vector<4000x256xf32>
    %add3A_75 = arith.addf %add3A_69, %dot_general3A_74 : vector<4000x256xf32>
    %get3A_76 = arith.constant 0 : index
    %get3A_77 = arith.constant 0 : index
    %get3A_78 = vector.load %arg14[%get3A_76, %get3A_77] : memref<1x256xf32, #tpu.memory_space<vmem>>, vector<1x256xf32>
    %add3A_79 = vector.broadcast %get3A_78 : vector<1x256xf32> to vector<4000x256xf32>
    %add3A_80 = arith.addf %add3A_75, %add3A_79 : vector<4000x256xf32>
    %max3A_81 = arith.constant 0.000000e+00 : f32
    %max3A_82 = vector.broadcast %max3A_81 : f32 to vector<4000x256xf32>
    %max3A_83 = arith.maximumf %add3A_80, %max3A_82 : vector<4000x256xf32>
    %convert_element_type3A_84 = arith.truncf %max3A_83 : vector<4000x256xf32> to vector<4000x256xbf16>
    %get3A_85 = arith.constant 0 : index
    %get3A_86 = arith.constant 0 : index
    %get3A_87 = vector.load %arg15[%get3A_85, %get3A_86] : memref<256x128xbf16, #tpu.memory_space<vmem>>, vector<256x128xbf16>
    %dot_general3A_88 = arith.constant dense<0.000000e+00> : vector<4000x128xf32>
    %dot_general3A_89 = tpu.matmul %convert_element_type3A_84, %get3A_87, %dot_general3A_88 {dimension_numbers = #tpu.dot_dimension_numbers<[1], [0], [0], [1], [0, 0, 1, 1], [], []>, transpose_lhs_hint = false} : vector<4000x256xbf16>, vector<256x128xbf16>, vector<4000x128xf32> -> vector<4000x128xf32>
    %get3A_90 = arith.constant 0 : index
    %get3A_91 = arith.constant 0 : index
    %get3A_92 = vector.load %arg16[%get3A_90, %get3A_91] : memref<1x128xf32, #tpu.memory_space<vmem>>, vector<1x128xf32>
    %add3A_93 = vector.broadcast %get3A_92 : vector<1x128xf32> to vector<4000x128xf32>
    %add3A_94 = arith.addf %dot_general3A_89, %add3A_93 : vector<4000x128xf32>
    %logistic3A = arith.negf %add3A_58 : vector<4000x1xf32>
    %logistic3A_95 = math.exp %logistic3A : vector<4000x1xf32>
    %logistic3A_96 = arith.constant 1.000000e+00 : f32
    %logistic3A_97 = vector.broadcast %logistic3A_96 : f32 to vector<4000x1xf32>
    %logistic3A_98 = arith.addf %logistic3A_97, %logistic3A_95 : vector<4000x1xf32>
    %logistic3A_99 = arith.divf %logistic3A_97, %logistic3A_98 : vector<4000x1xf32>
    %mul3A = vector.broadcast %logistic3A_99 : vector<4000x1xf32> to vector<4000x128xf32>
    %mul3A_100 = arith.mulf %mul3A, %add3A_94 : vector<4000x128xf32>
    %swap3A = arith.constant 0 : index
    %swap3A_101 = arith.constant 0 : index
    %swap3A_102 = vector.load %arg17[%swap3A, %swap3A_101] : memref<4000x128xf32, #tpu.memory_space<vmem>>, vector<4000x128xf32>
    tpu.vector_store %arg17[%swap3A, %swap3A_101], %mul3A_100 {strides = array<i32>} : memref<4000x128xf32, #tpu.memory_space<vmem>>, vector<4000x128xf32>,
    return
  }
  func.func @transform_0(%arg0: i32) -> (i32, i32) {
    %c0_i32 = arith.constant 0 : i32
    %c0_i32_0 = arith.constant 0 : i32
    return %arg0, %c0_i32 : i32, i32
  }
  func.func @transform_1(%arg0: i32) -> (i32, i32) {
    %add3A = arith.constant 40 : i32
    %add3A_0 = arith.addi %arg0, %add3A : i32
    %c0_i32 = arith.constant 0 : i32
    %c0_i32_1 = arith.constant 0 : i32
    return %add3A_0, %c0_i32 : i32, i32
  }
  func.func @transform_2(%arg0: i32) -> (i32, i32) {
    %c0_i32 = arith.constant 0 : i32
    %c0_i32_0 = arith.constant 0 : i32
    %c0_i32_1 = arith.constant 0 : i32
    return %c0_i32, %c0_i32_0 : i32, i32
  }
  func.func @transform_3(%arg0: i32) -> (i32, i32) {
    %c0_i32 = arith.constant 0 : i32
    %c0_i32_0 = arith.constant 0 : i32
    %c0_i32_1 = arith.constant 0 : i32
    return %c0_i32, %c0_i32_0 : i32, i32
  }
  func.func @transform_4(%arg0: i32) -> (i32, i32) {
    %c0_i32 = arith.constant 0 : i32
    %c0_i32_0 = arith.constant 0 : i32
    %c0_i32_1 = arith.constant 0 : i32
    return %c0_i32, %c0_i32_0 : i32, i32
  }
  func.func @transform_5(%arg0: i32) -> (i32, i32) {
    %c0_i32 = arith.constant 0 : i32
    %c0_i32_0 = arith.constant 0 : i32
    %c0_i32_1 = arith.constant 0 : i32
    return %c0_i32, %c0_i32_0 : i32, i32
  }
  func.func @transform_6(%arg0: i32) -> (i32, i32) {
    %c0_i32 = arith.constant 0 : i32
    %c0_i32_0 = arith.constant 0 : i32
    %c0_i32_1 = arith.constant 0 : i32
    return %c0_i32, %c0_i32_0 : i32, i32
  }
  func.func @transform_7(%arg0: i32) -> (i32, i32) {
    %c0_i32 = arith.constant 0 : i32
    %c0_i32_0 = arith.constant 0 : i32
    %c0_i32_1 = arith.constant 0 : i32
    return %c0_i32, %c0_i32_0 : i32, i32
  }
  func.func @transform_8(%arg0: i32) -> (i32, i32) {
    %c0_i32 = arith.constant 0 : i32
    %c0_i32_0 = arith.constant 0 : i32
    %c0_i32_1 = arith.constant 0 : i32
    return %c0_i32, %c0_i32_0 : i32, i32
  }
  func.func @transform_9(%arg0: i32) -> (i32, i32) {
    %c0_i32 = arith.constant 0 : i32
    %c0_i32_0 = arith.constant 0 : i32
    %c0_i32_1 = arith.constant 0 : i32
    return %c0_i32, %c0_i32_0 : i32, i32
  }
  func.func @transform_10(%arg0: i32) -> (i32, i32) {
    %c0_i32 = arith.constant 0 : i32
    %c0_i32_0 = arith.constant 0 : i32
    %c0_i32_1 = arith.constant 0 : i32
    return %c0_i32, %c0_i32_0 : i32, i32
  }
  func.func @transform_11(%arg0: i32) -> (i32, i32) {
    %c0_i32 = arith.constant 0 : i32
    %c0_i32_0 = arith.constant 0 : i32
    %c0_i32_1 = arith.constant 0 : i32
    return %c0_i32, %c0_i32_0 : i32, i32
  }
  func.func @transform_12(%arg0: i32) -> (i32, i32) {
    %c0_i32 = arith.constant 0 : i32
    %c0_i32_0 = arith.constant 0 : i32
    %c0_i32_1 = arith.constant 0 : i32
    return %c0_i32, %c0_i32_0 : i32, i32
  }
  func.func @transform_13(%arg0: i32) -> (i32, i32) {
    %c0_i32 = arith.constant 0 : i32
    %c0_i32_0 = arith.constant 0 : i32
    %c0_i32_1 = arith.constant 0 : i32
    return %c0_i32, %c0_i32_0 : i32, i32
  }
  func.func @transform_14(%arg0: i32) -> (i32, i32) {
    %c0_i32 = arith.constant 0 : i32
    %c0_i32_0 = arith.constant 0 : i32
    %c0_i32_1 = arith.constant 0 : i32
    return %c0_i32, %c0_i32_0 : i32, i32
  }
  func.func @transform_15(%arg0: i32) -> (i32, i32) {
    %c0_i32 = arith.constant 0 : i32
    %c0_i32_0 = arith.constant 0 : i32
    %c0_i32_1 = arith.constant 0 : i32
    return %c0_i32, %c0_i32_0 : i32, i32
  }
  func.func @transform_16(%arg0: i32) -> (i32, i32) {
    %c0_i32 = arith.constant 0 : i32
    %c0_i32_0 = arith.constant 0 : i32
    return %arg0, %c0_i32 : i32, i32
  }
}

module attributes {stable_mosaic.version = 14 : i64} {
  func.func @_mlp_body(%arg0: i32, %arg1: memref<4000x128xi32, #tpu.memory_space<vmem>>, %arg2: memref<4000x128xf32, #tpu.memory_space<vmem>>, %arg3: memref<128x96xbf16, #tpu.memory_space<vmem>>, %arg4: memref<128x96xbf16, #tpu.memory_space<vmem>>, %arg5: memref<128x96xbf16, #tpu.memory_space<vmem>>, %arg6: memref<1x96xf32, #tpu.memory_space<vmem>>, %arg7: memref<96x48xbf16, #tpu.memory_space<vmem>>, %arg8: memref<1x48xf32, #tpu.memory_space<vmem>>, %arg9: memref<48x1xbf16, #tpu.memory_space<vmem>>, %arg10: memref<1x1xf32, #tpu.memory_space<vmem>>, %arg11: memref<128x256xbf16, #tpu.memory_space<vmem>>, %arg12: memref<128x256xbf16, #tpu.memory_space<vmem>>, %arg13: memref<128x256xbf16, #tpu.memory_space<vmem>>, %arg14: memref<1x256xf32, #tpu.memory_space<vmem>>, %arg15: memref<256x128xbf16, #tpu.memory_space<vmem>>, %arg16: memref<1x128xf32, #tpu.memory_space<vmem>>, %arg17: memref<4000x128xf32, #tpu.memory_space<vmem>>) attributes {dimension_semantics = [#tpu.dimension_semantics<arbitrary>], iteration_bounds = array<i64: 20>, scalar_prefetch = 0 : i64, scratch_operands = 0 : i64, tpu.core_type = #tpu.core_type<tc>, window_params = [{transform_indices = @transform_0, window_bounds = array<i64: 4000, 128>}, {transform_indices = @transform_1, window_bounds = array<i64: 4000, 128>}, {pipeline_mode = #tpu.pipeline_mode<synchronous>, transform_indices = @transform_2, window_bounds = array<i64: 128, 96>}, {pipeline_mode = #tpu.pipeline_mode<synchronous>, transform_indices = @transform_3, window_bounds = array<i64: 128, 96>}, {pipeline_mode = #tpu.pipeline_mode<synchronous>, transform_indices = @transform_4, window_bounds = array<i64: 128, 96>}, {pipeline_mode = #tpu.pipeline_mode<synchronous>, transform_indices = @transform_5, window_bounds = array<i64: 1, 96>}, {pipeline_mode = #tpu.pipeline_mode<synchronous>, transform_indices = @transform_6, window_bounds = array<i64: 96, 48>}, {pipeline_mode = #tpu.pipeline_mode<synchronous>, transform_indices = @transform_7, window_bounds = array<i64: 1, 48>}, {pipeline_mode = #tpu.pipeline_mode<synchronous>, transform_indices = @transform_8, window_bounds = array<i64: 48, 1>}, {pipeline_mode = #tpu.pipeline_mode<synchronous>, transform_indices = @transform_9, window_bounds = array<i64: 1, 1>}, {pipeline_mode = #tpu.pipeline_mode<synchronous>, transform_indices = @transform_10, window_bounds = array<i64: 128, 256>}, {pipeline_mode = #tpu.pipeline_mode<synchronous>, transform_indices = @transform_11, window_bounds = array<i64: 128, 256>}, {pipeline_mode = #tpu.pipeline_mode<synchronous>, transform_indices = @transform_12, window_bounds = array<i64: 128, 256>}, {pipeline_mode = #tpu.pipeline_mode<synchronous>, transform_indices = @transform_13, window_bounds = array<i64: 1, 256>}, {pipeline_mode = #tpu.pipeline_mode<synchronous>, transform_indices = @transform_14, window_bounds = array<i64: 256, 128>}, {pipeline_mode = #tpu.pipeline_mode<synchronous>, transform_indices = @transform_15, window_bounds = array<i64: 1, 128>}, {transform_indices = @transform_16, window_bounds = array<i64: 4000, 128>}]} {
    %get3A = arith.constant 0 : index
    %get3A_0 = arith.constant 0 : index
    %get3A_1 = vector.load %arg1[%get3A, %get3A_0] : memref<4000x128xi32, #tpu.memory_space<vmem>>, vector<4000x128xi32>
    %shift_left3A = arith.constant 16 : i32
    %shift_left3A_2 = vector.broadcast %shift_left3A : i32 to vector<4000x128xi32>
    %shift_left3A_3 = arith.shli %get3A_1, %shift_left3A_2 : vector<4000x128xi32>
    %bitcast_convert_type3A = tpu.bitcast %shift_left3A_3 : vector<4000x128xi32> -> vector<4000x128xf32>
    %convert_element_type3A = arith.truncf %bitcast_convert_type3A : vector<4000x128xf32> to vector<4000x128xbf16>
    %and3A = arith.constant -65536 : i32
    %and3A_4 = vector.broadcast %and3A : i32 to vector<4000x128xi32>
    %and3A_5 = arith.andi %get3A_1, %and3A_4 : vector<4000x128xi32>
    %bitcast_convert_type3A_6 = tpu.bitcast %and3A_5 : vector<4000x128xi32> -> vector<4000x128xf32>
    %convert_element_type3A_7 = arith.truncf %bitcast_convert_type3A_6 : vector<4000x128xf32> to vector<4000x128xbf16>
    %get3A_8 = arith.constant 0 : index
    %get3A_9 = arith.constant 0 : index
    %get3A_10 = vector.load %arg2[%get3A_8, %get3A_9] : memref<4000x128xf32, #tpu.memory_space<vmem>>, vector<4000x128xf32>
    %convert_element_type3A_11 = arith.truncf %get3A_10 : vector<4000x128xf32> to vector<4000x128xbf16>
    %get3A_12 = arith.constant 0 : index
    %get3A_13 = arith.constant 0 : index
    %get3A_14 = vector.load %arg3[%get3A_12, %get3A_13] : memref<128x96xbf16, #tpu.memory_space<vmem>>, vector<128x96xbf16>
    %dot_general3A = arith.constant dense<0.000000e+00> : vector<4000x96xf32>
    %dot_general3A_15 = tpu.matmul %convert_element_type3A, %get3A_14, %dot_general3A {dimension_numbers = #tpu.dot_dimension_numbers<[1], [0], [0], [1], [0, 0, 1, 1], [], []>, transpose_lhs_hint = false} : vector<4000x128xbf16>, vector<128x96xbf16>, vector<4000x96xf32> -> vector<4000x96xf32>
    %get3A_16 = arith.constant 0 : index
    %get3A_17 = arith.constant 0 : index
    %get3A_18 = vector.load %arg4[%get3A_16, %get3A_17] : memref<128x96xbf16, #tpu.memory_space<vmem>>, vector<128x96xbf16>
    %dot_general3A_19 = arith.constant dense<0.000000e+00> : vector<4000x96xf32>
    %dot_general3A_20 = tpu.matmul %convert_element_type3A_7, %get3A_18, %dot_general3A_19 {dimension_numbers = #tpu.dot_dimension_numbers<[1], [0], [0], [1], [0, 0, 1, 1], [], []>, transpose_lhs_hint = false} : vector<4000x128xbf16>, vector<128x96xbf16>, vector<4000x96xf32> -> vector<4000x96xf32>
    %add3A = arith.addf %dot_general3A_15, %dot_general3A_20 : vector<4000x96xf32>
    %get3A_21 = arith.constant 0 : index
    %get3A_22 = arith.constant 0 : index
    %get3A_23 = vector.load %arg5[%get3A_21, %get3A_22] : memref<128x96xbf16, #tpu.memory_space<vmem>>, vector<128x96xbf16>
    %dot_general3A_24 = arith.constant dense<0.000000e+00> : vector<4000x96xf32>
    %dot_general3A_25 = tpu.matmul %convert_element_type3A_11, %get3A_23, %dot_general3A_24 {dimension_numbers = #tpu.dot_dimension_numbers<[1], [0], [0], [1], [0, 0, 1, 1], [], []>, transpose_lhs_hint = false} : vector<4000x128xbf16>, vector<128x96xbf16>, vector<4000x96xf32> -> vector<4000x96xf32>
    %add3A_26 = arith.addf %add3A, %dot_general3A_25 : vector<4000x96xf32>
    %get3A_27 = arith.constant 0 : index
    %get3A_28 = arith.constant 0 : index
    %get3A_29 = vector.load %arg6[%get3A_27, %get3A_28] : memref<1x96xf32, #tpu.memory_space<vmem>>, vector<1x96xf32>
    %add3A_30 = vector.broadcast %get3A_29 : vector<1x96xf32> to vector<4000x96xf32>
    %add3A_31 = arith.addf %add3A_26, %add3A_30 : vector<4000x96xf32>
    %max3A = arith.constant 0.000000e+00 : f32
    %max3A_32 = vector.broadcast %max3A : f32 to vector<4000x96xf32>
    %max3A_33 = arith.maximumf %add3A_31, %max3A_32 : vector<4000x96xf32>
    %convert_element_type3A_34 = arith.truncf %max3A_33 : vector<4000x96xf32> to vector<4000x96xbf16>
    %get3A_35 = arith.constant 0 : index
    %get3A_36 = arith.constant 0 : index
    %get3A_37 = vector.load %arg7[%get3A_35, %get3A_36] : memref<96x48xbf16, #tpu.memory_space<vmem>>, vector<96x48xbf16>
    %dot_general3A_38 = arith.constant dense<0.000000e+00> : vector<4000x48xf32>
    %dot_general3A_39 = tpu.matmul %convert_element_type3A_34, %get3A_37, %dot_general3A_38 {dimension_numbers = #tpu.dot_dimension_numbers<[1], [0], [0], [1], [0, 0, 1, 1], [], []>, transpose_lhs_hint = false} : vector<4000x96xbf16>, vector<96x48xbf16>, vector<4000x48xf32> -> vector<4000x48xf32>
    %get3A_40 = arith.constant 0 : index
    %get3A_41 = arith.constant 0 : index
    %get3A_42 = vector.load %arg8[%get3A_40, %get3A_41] : memref<1x48xf32, #tpu.memory_space<vmem>>, vector<1x48xf32>
    %add3A_43 = vector.broadcast %get3A_42 : vector<1x48xf32> to vector<4000x48xf32>
    %add3A_44 = arith.addf %dot_general3A_39, %add3A_43 : vector<4000x48xf32>
    %max3A_45 = arith.constant 0.000000e+00 : f32
    %max3A_46 = vector.broadcast %max3A_45 : f32 to vector<4000x48xf32>
    %max3A_47 = arith.maximumf %add3A_44, %max3A_46 : vector<4000x48xf32>
    %convert_element_type3A_48 = arith.truncf %max3A_47 : vector<4000x48xf32> to vector<4000x48xbf16>
    %get3A_49 = arith.constant 0 : index
    %get3A_50 = arith.constant 0 : index
    %get3A_51 = vector.load %arg9[%get3A_49, %get3A_50] : memref<48x1xbf16, #tpu.memory_space<vmem>>, vector<48x1xbf16>
    %dot_general3A_52 = arith.constant dense<0.000000e+00> : vector<4000x1xf32>
    %dot_general3A_53 = tpu.matmul %convert_element_type3A_48, %get3A_51, %dot_general3A_52 {dimension_numbers = #tpu.dot_dimension_numbers<[1], [0], [0], [1], [0, 0, 1, 1], [], []>, transpose_lhs_hint = false} : vector<4000x48xbf16>, vector<48x1xbf16>, vector<4000x1xf32> -> vector<4000x1xf32>
    %get3A_54 = arith.constant 0 : index
    %get3A_55 = arith.constant 0 : index
    %get3A_56 = vector.load %arg10[%get3A_54, %get3A_55] : memref<1x1xf32, #tpu.memory_space<vmem>>, vector<1x1xf32>
    %add3A_57 = vector.broadcast %get3A_56 : vector<1x1xf32> to vector<4000x1xf32>
    %add3A_58 = arith.addf %dot_general3A_53, %add3A_57 : vector<4000x1xf32>
    %get3A_59 = arith.constant 0 : index
    %get3A_60 = arith.constant 0 : index
    %get3A_61 = vector.load %arg11[%get3A_59, %get3A_60] : memref<128x256xbf16, #tpu.memory_space<vmem>>, vector<128x256xbf16>
    %dot_general3A_62 = arith.constant dense<0.000000e+00> : vector<4000x256xf32>
    %dot_general3A_63 = tpu.matmul %convert_element_type3A, %get3A_61, %dot_general3A_62 {dimension_numbers = #tpu.dot_dimension_numbers<[1], [0], [0], [1], [0, 0, 1, 1], [], []>, transpose_lhs_hint = false} : vector<4000x128xbf16>, vector<128x256xbf16>, vector<4000x256xf32> -> vector<4000x256xf32>
    %get3A_64 = arith.constant 0 : index
    %get3A_65 = arith.constant 0 : index
    %get3A_66 = vector.load %arg12[%get3A_64, %get3A_65] : memref<128x256xbf16, #tpu.memory_space<vmem>>, vector<128x256xbf16>
    %dot_general3A_67 = arith.constant dense<0.000000e+00> : vector<4000x256xf32>
    %dot_general3A_68 = tpu.matmul %convert_element_type3A_7, %get3A_66, %dot_general3A_67 {dimension_numbers = #tpu.dot_dimension_numbers<[1], [0], [0], [1], [0, 0, 1, 1], [], []>, transpose_lhs_hint = false} : vector<4000x128xbf16>, vector<128x256xbf16>, vector<4000x256xf32> -> vector<4000x256xf32>
    %add3A_69 = arith.addf %dot_general3A_63, %dot_general3A_68 : vector<4000x256xf32>
    %get3A_70 = arith.constant 0 : index
    %get3A_71 = arith.constant 0 : index
    %get3A_72 = vector.load %arg13[%get3A_70, %get3A_71] : memref<128x256xbf16, #tpu.memory_space<vmem>>, vector<128x256xbf16>
    %dot_general3A_73 = arith.constant dense<0.000000e+00> : vector<4000x256xf32>
    %dot_general3A_74 = tpu.matmul %convert_element_type3A_11, %get3A_72, %dot_general3A_73 {dimension_numbers = #tpu.dot_dimension_numbers<[1], [0], [0], [1], [0, 0, 1, 1], [], []>, transpose_lhs_hint = false} : vector<4000x128xbf16>, vector<128x256xbf16>, vector<4000x256xf32> -> vector<4000x256xf32>
    %add3A_75 = arith.addf %add3A_69, %dot_general3A_74 : vector<4000x256xf32>
    %get3A_76 = arith.constant 0 : index
    %get3A_77 = arith.constant 0 : index
    %get3A_78 = vector.load %arg14[%get3A_76, %get3A_77] : memref<1x256xf32, #tpu.memory_space<vmem>>, vector<1x256xf32>
    %add3A_79 = vector.broadcast %get3A_78 : vector<1x256xf32> to vector<4000x256xf32>
    %add3A_80 = arith.addf %add3A_75, %add3A_79 : vector<4000x256xf32>
    %max3A_81 = arith.constant 0.000000e+00 : f32
    %max3A_82 = vector.broadcast %max3A_81 : f32 to vector<4000x256xf32>
    %max3A_83 = arith.maximumf %add3A_80, %max3A_82 : vector<4000x256xf32>
    %convert_element_type3A_84 = arith.truncf %max3A_83 : vector<4000x256xf32> to vector<4000x256xbf16>
    %get3A_85 = arith.constant 0 : index
    %get3A_86 = arith.constant 0 : index
    %get3A_87 = vector.load %arg15[%get3A_85, %get3A_86] : memref<256x128xbf16, #tpu.memory_space<vmem>>, vector<256x128xbf16>
    %dot_general3A_88 = arith.constant dense<0.000000e+00> : vector<4000x128xf32>
    %dot_general3A_89 = tpu.matmul %convert_element_type3A_84, %get3A_87, %dot_general3A_88 {dimension_numbers = #tpu.dot_dimension_numbers<[1], [0], [0], [1], [0, 0, 1, 1], [], []>, transpose_lhs_hint = false} : vector<4000x256xbf16>, vector<256x128xbf16>, vector<4000x128xf32> -> vector<4000x128xf32>
    %get3A_90 = arith.constant 0 : index
    %get3A_91 = arith.constant 0 : index
    %get3A_92 = vector.load %arg16[%get3A_90, %get3A_91] : memref<1x128xf32, #tpu.memory_space<vmem>>, vector<1x128xf32>
    %add3A_93 = vector.broadcast %get3A_92 : vector<1x128xf32> to vector<4000x128xf32>
    %add3A_94 = arith.addf %dot_general3A_89, %add3A_93 : vector<4000x128xf32>
    %logistic3A = arith.negf %add3A_58 : vector<4000x1xf32>
    %logistic3A_95 = math.exp %logistic3A : vector<4000x1xf32>
    %logistic3A_96 = arith.constant 1.000000e+00 : f32
    %logistic3A_97 = vector.broadcast %logistic3A_96 : f32 to vector<4000x1xf32>
    %logistic3A_98 = arith.addf %logistic3A_97, %logistic3A_95 : vector<4000x1xf32>
    %logistic3A_99 = arith.divf %logistic3A_97, %logistic3A_98 : vector<4000x1xf32>
    %mul3A = vector.broadcast %logistic3A_99 : vector<4000x1xf32> to vector<4000x128xf32>
    %mul3A_100 = arith.mulf %mul3A, %add3A_94 : vector<4000x128xf32>
    %swap3A = arith.constant 0 : index
    %swap3A_101 = arith.constant 0 : index
    %swap3A_102 = vector.load %arg17[%swap3A, %swap3A_101] : memref<4000x128xf32, #tpu.memory_space<vmem>>, vector<4000x128xf32>
    tpu.vector_store %arg17[%swap3A, %swap3A_101], %mul3A_100 {strides = array<i32>} : memref<4000x128xf32, #tpu.memory_space<vmem>>, vector<4000x128xf32>,
    return
  }
  func.func @transform_0(%arg0: i32) -> (i32, i32) {
    %c0_i32 = arith.constant 0 : i32
    %c0_i32_0 = arith.constant 0 : i32
    return %arg0, %c0_i32 : i32, i32
  }
  func.func @transform_1(%arg0: i32) -> (i32, i32) {
    %add3A = arith.constant 20 : i32
    %add3A_0 = arith.addi %arg0, %add3A : i32
    %c0_i32 = arith.constant 0 : i32
    %c0_i32_1 = arith.constant 0 : i32
    return %add3A_0, %c0_i32 : i32, i32
  }
  func.func @transform_2(%arg0: i32) -> (i32, i32) {
    %c0_i32 = arith.constant 0 : i32
    %c0_i32_0 = arith.constant 0 : i32
    %c0_i32_1 = arith.constant 0 : i32
    return %c0_i32, %c0_i32_0 : i32, i32
  }
  func.func @transform_3(%arg0: i32) -> (i32, i32) {
    %c0_i32 = arith.constant 0 : i32
    %c0_i32_0 = arith.constant 0 : i32
    %c0_i32_1 = arith.constant 0 : i32
    return %c0_i32, %c0_i32_0 : i32, i32
  }
  func.func @transform_4(%arg0: i32) -> (i32, i32) {
    %c0_i32 = arith.constant 0 : i32
    %c0_i32_0 = arith.constant 0 : i32
    %c0_i32_1 = arith.constant 0 : i32
    return %c0_i32, %c0_i32_0 : i32, i32
  }
  func.func @transform_5(%arg0: i32) -> (i32, i32) {
    %c0_i32 = arith.constant 0 : i32
    %c0_i32_0 = arith.constant 0 : i32
    %c0_i32_1 = arith.constant 0 : i32
    return %c0_i32, %c0_i32_0 : i32, i32
  }
  func.func @transform_6(%arg0: i32) -> (i32, i32) {
    %c0_i32 = arith.constant 0 : i32
    %c0_i32_0 = arith.constant 0 : i32
    %c0_i32_1 = arith.constant 0 : i32
    return %c0_i32, %c0_i32_0 : i32, i32
  }
  func.func @transform_7(%arg0: i32) -> (i32, i32) {
    %c0_i32 = arith.constant 0 : i32
    %c0_i32_0 = arith.constant 0 : i32
    %c0_i32_1 = arith.constant 0 : i32
    return %c0_i32, %c0_i32_0 : i32, i32
  }
  func.func @transform_8(%arg0: i32) -> (i32, i32) {
    %c0_i32 = arith.constant 0 : i32
    %c0_i32_0 = arith.constant 0 : i32
    %c0_i32_1 = arith.constant 0 : i32
    return %c0_i32, %c0_i32_0 : i32, i32
  }
  func.func @transform_9(%arg0: i32) -> (i32, i32) {
    %c0_i32 = arith.constant 0 : i32
    %c0_i32_0 = arith.constant 0 : i32
    %c0_i32_1 = arith.constant 0 : i32
    return %c0_i32, %c0_i32_0 : i32, i32
  }
  func.func @transform_10(%arg0: i32) -> (i32, i32) {
    %c0_i32 = arith.constant 0 : i32
    %c0_i32_0 = arith.constant 0 : i32
    %c0_i32_1 = arith.constant 0 : i32
    return %c0_i32, %c0_i32_0 : i32, i32
  }
  func.func @transform_11(%arg0: i32) -> (i32, i32) {
    %c0_i32 = arith.constant 0 : i32
    %c0_i32_0 = arith.constant 0 : i32
    %c0_i32_1 = arith.constant 0 : i32
    return %c0_i32, %c0_i32_0 : i32, i32
  }
  func.func @transform_12(%arg0: i32) -> (i32, i32) {
    %c0_i32 = arith.constant 0 : i32
    %c0_i32_0 = arith.constant 0 : i32
    %c0_i32_1 = arith.constant 0 : i32
    return %c0_i32, %c0_i32_0 : i32, i32
  }
  func.func @transform_13(%arg0: i32) -> (i32, i32) {
    %c0_i32 = arith.constant 0 : i32
    %c0_i32_0 = arith.constant 0 : i32
    %c0_i32_1 = arith.constant 0 : i32
    return %c0_i32, %c0_i32_0 : i32, i32
  }
  func.func @transform_14(%arg0: i32) -> (i32, i32) {
    %c0_i32 = arith.constant 0 : i32
    %c0_i32_0 = arith.constant 0 : i32
    %c0_i32_1 = arith.constant 0 : i32
    return %c0_i32, %c0_i32_0 : i32, i32
  }
  func.func @transform_15(%arg0: i32) -> (i32, i32) {
    %c0_i32 = arith.constant 0 : i32
    %c0_i32_0 = arith.constant 0 : i32
    %c0_i32_1 = arith.constant 0 : i32
    return %c0_i32, %c0_i32_0 : i32, i32
  }
  func.func @transform_16(%arg0: i32) -> (i32, i32) {
    %c0_i32 = arith.constant 0 : i32
    %c0_i32_0 = arith.constant 0 : i32
    return %arg0, %c0_i32 : i32, i32
  }
}

module attributes {stable_mosaic.version = 14 : i64} {
  func.func @_mlp_body(%arg0: i32, %arg1: memref<4000x128xi32, #tpu.memory_space<vmem>>, %arg2: memref<4000x128xf32, #tpu.memory_space<vmem>>, %arg3: memref<128x96xbf16, #tpu.memory_space<vmem>>, %arg4: memref<128x96xbf16, #tpu.memory_space<vmem>>, %arg5: memref<128x96xbf16, #tpu.memory_space<vmem>>, %arg6: memref<1x96xf32, #tpu.memory_space<vmem>>, %arg7: memref<96x48xbf16, #tpu.memory_space<vmem>>, %arg8: memref<1x48xf32, #tpu.memory_space<vmem>>, %arg9: memref<48x1xbf16, #tpu.memory_space<vmem>>, %arg10: memref<1x1xf32, #tpu.memory_space<vmem>>, %arg11: memref<128x256xbf16, #tpu.memory_space<vmem>>, %arg12: memref<128x256xbf16, #tpu.memory_space<vmem>>, %arg13: memref<128x256xbf16, #tpu.memory_space<vmem>>, %arg14: memref<1x256xf32, #tpu.memory_space<vmem>>, %arg15: memref<256x128xbf16, #tpu.memory_space<vmem>>, %arg16: memref<1x128xf32, #tpu.memory_space<vmem>>, %arg17: memref<4000x128xf32, #tpu.memory_space<vmem>>) attributes {dimension_semantics = [#tpu.dimension_semantics<arbitrary>], iteration_bounds = array<i64: 20>, scalar_prefetch = 0 : i64, scratch_operands = 0 : i64, tpu.core_type = #tpu.core_type<tc>, window_params = [{transform_indices = @transform_0, window_bounds = array<i64: 4000, 128>}, {transform_indices = @transform_1, window_bounds = array<i64: 4000, 128>}, {pipeline_mode = #tpu.pipeline_mode<synchronous>, transform_indices = @transform_2, window_bounds = array<i64: 128, 96>}, {pipeline_mode = #tpu.pipeline_mode<synchronous>, transform_indices = @transform_3, window_bounds = array<i64: 128, 96>}, {pipeline_mode = #tpu.pipeline_mode<synchronous>, transform_indices = @transform_4, window_bounds = array<i64: 128, 96>}, {pipeline_mode = #tpu.pipeline_mode<synchronous>, transform_indices = @transform_5, window_bounds = array<i64: 1, 96>}, {pipeline_mode = #tpu.pipeline_mode<synchronous>, transform_indices = @transform_6, window_bounds = array<i64: 96, 48>}, {pipeline_mode = #tpu.pipeline_mode<synchronous>, transform_indices = @transform_7, window_bounds = array<i64: 1, 48>}, {pipeline_mode = #tpu.pipeline_mode<synchronous>, transform_indices = @transform_8, window_bounds = array<i64: 48, 1>}, {pipeline_mode = #tpu.pipeline_mode<synchronous>, transform_indices = @transform_9, window_bounds = array<i64: 1, 1>}, {pipeline_mode = #tpu.pipeline_mode<synchronous>, transform_indices = @transform_10, window_bounds = array<i64: 128, 256>}, {pipeline_mode = #tpu.pipeline_mode<synchronous>, transform_indices = @transform_11, window_bounds = array<i64: 128, 256>}, {pipeline_mode = #tpu.pipeline_mode<synchronous>, transform_indices = @transform_12, window_bounds = array<i64: 128, 256>}, {pipeline_mode = #tpu.pipeline_mode<synchronous>, transform_indices = @transform_13, window_bounds = array<i64: 1, 256>}, {pipeline_mode = #tpu.pipeline_mode<synchronous>, transform_indices = @transform_14, window_bounds = array<i64: 256, 128>}, {pipeline_mode = #tpu.pipeline_mode<synchronous>, transform_indices = @transform_15, window_bounds = array<i64: 1, 128>}, {transform_indices = @transform_16, window_bounds = array<i64: 4000, 128>}]} {
    %get3A = arith.constant 0 : index
    %get3A_0 = arith.constant 0 : index
    %get3A_1 = vector.load %arg1[%get3A, %get3A_0] : memref<4000x128xi32, #tpu.memory_space<vmem>>, vector<4000x128xi32>
    %shift_left3A = arith.constant 16 : i32
    %shift_left3A_2 = vector.broadcast %shift_left3A : i32 to vector<4000x128xi32>
    %shift_left3A_3 = arith.shli %get3A_1, %shift_left3A_2 : vector<4000x128xi32>
    %bitcast_convert_type3A = tpu.bitcast %shift_left3A_3 : vector<4000x128xi32> -> vector<4000x128xf32>
    %convert_element_type3A = arith.truncf %bitcast_convert_type3A : vector<4000x128xf32> to vector<4000x128xbf16>
    %and3A = arith.constant -65536 : i32
    %and3A_4 = vector.broadcast %and3A : i32 to vector<4000x128xi32>
    %and3A_5 = arith.andi %get3A_1, %and3A_4 : vector<4000x128xi32>
    %bitcast_convert_type3A_6 = tpu.bitcast %and3A_5 : vector<4000x128xi32> -> vector<4000x128xf32>
    %convert_element_type3A_7 = arith.truncf %bitcast_convert_type3A_6 : vector<4000x128xf32> to vector<4000x128xbf16>
    %get3A_8 = arith.constant 0 : index
    %get3A_9 = arith.constant 0 : index
    %get3A_10 = vector.load %arg2[%get3A_8, %get3A_9] : memref<4000x128xf32, #tpu.memory_space<vmem>>, vector<4000x128xf32>
    %convert_element_type3A_11 = arith.truncf %get3A_10 : vector<4000x128xf32> to vector<4000x128xbf16>
    %get3A_12 = arith.constant 0 : index
    %get3A_13 = arith.constant 0 : index
    %get3A_14 = vector.load %arg3[%get3A_12, %get3A_13] : memref<128x96xbf16, #tpu.memory_space<vmem>>, vector<128x96xbf16>
    %dot_general3A = arith.constant dense<0.000000e+00> : vector<4000x96xf32>
    %dot_general3A_15 = tpu.matmul %convert_element_type3A, %get3A_14, %dot_general3A {dimension_numbers = #tpu.dot_dimension_numbers<[1], [0], [0], [1], [0, 0, 1, 1], [], []>, transpose_lhs_hint = false} : vector<4000x128xbf16>, vector<128x96xbf16>, vector<4000x96xf32> -> vector<4000x96xf32>
    %get3A_16 = arith.constant 0 : index
    %get3A_17 = arith.constant 0 : index
    %get3A_18 = vector.load %arg4[%get3A_16, %get3A_17] : memref<128x96xbf16, #tpu.memory_space<vmem>>, vector<128x96xbf16>
    %dot_general3A_19 = arith.constant dense<0.000000e+00> : vector<4000x96xf32>
    %dot_general3A_20 = tpu.matmul %convert_element_type3A_7, %get3A_18, %dot_general3A_19 {dimension_numbers = #tpu.dot_dimension_numbers<[1], [0], [0], [1], [0, 0, 1, 1], [], []>, transpose_lhs_hint = false} : vector<4000x128xbf16>, vector<128x96xbf16>, vector<4000x96xf32> -> vector<4000x96xf32>
    %add3A = arith.addf %dot_general3A_15, %dot_general3A_20 : vector<4000x96xf32>
    %get3A_21 = arith.constant 0 : index
    %get3A_22 = arith.constant 0 : index
    %get3A_23 = vector.load %arg5[%get3A_21, %get3A_22] : memref<128x96xbf16, #tpu.memory_space<vmem>>, vector<128x96xbf16>
    %dot_general3A_24 = arith.constant dense<0.000000e+00> : vector<4000x96xf32>
    %dot_general3A_25 = tpu.matmul %convert_element_type3A_11, %get3A_23, %dot_general3A_24 {dimension_numbers = #tpu.dot_dimension_numbers<[1], [0], [0], [1], [0, 0, 1, 1], [], []>, transpose_lhs_hint = false} : vector<4000x128xbf16>, vector<128x96xbf16>, vector<4000x96xf32> -> vector<4000x96xf32>
    %add3A_26 = arith.addf %add3A, %dot_general3A_25 : vector<4000x96xf32>
    %get3A_27 = arith.constant 0 : index
    %get3A_28 = arith.constant 0 : index
    %get3A_29 = vector.load %arg6[%get3A_27, %get3A_28] : memref<1x96xf32, #tpu.memory_space<vmem>>, vector<1x96xf32>
    %add3A_30 = vector.broadcast %get3A_29 : vector<1x96xf32> to vector<4000x96xf32>
    %add3A_31 = arith.addf %add3A_26, %add3A_30 : vector<4000x96xf32>
    %max3A = arith.constant 0.000000e+00 : f32
    %max3A_32 = vector.broadcast %max3A : f32 to vector<4000x96xf32>
    %max3A_33 = arith.maximumf %add3A_31, %max3A_32 : vector<4000x96xf32>
    %convert_element_type3A_34 = arith.truncf %max3A_33 : vector<4000x96xf32> to vector<4000x96xbf16>
    %get3A_35 = arith.constant 0 : index
    %get3A_36 = arith.constant 0 : index
    %get3A_37 = vector.load %arg7[%get3A_35, %get3A_36] : memref<96x48xbf16, #tpu.memory_space<vmem>>, vector<96x48xbf16>
    %dot_general3A_38 = arith.constant dense<0.000000e+00> : vector<4000x48xf32>
    %dot_general3A_39 = tpu.matmul %convert_element_type3A_34, %get3A_37, %dot_general3A_38 {dimension_numbers = #tpu.dot_dimension_numbers<[1], [0], [0], [1], [0, 0, 1, 1], [], []>, transpose_lhs_hint = false} : vector<4000x96xbf16>, vector<96x48xbf16>, vector<4000x48xf32> -> vector<4000x48xf32>
    %get3A_40 = arith.constant 0 : index
    %get3A_41 = arith.constant 0 : index
    %get3A_42 = vector.load %arg8[%get3A_40, %get3A_41] : memref<1x48xf32, #tpu.memory_space<vmem>>, vector<1x48xf32>
    %add3A_43 = vector.broadcast %get3A_42 : vector<1x48xf32> to vector<4000x48xf32>
    %add3A_44 = arith.addf %dot_general3A_39, %add3A_43 : vector<4000x48xf32>
    %max3A_45 = arith.constant 0.000000e+00 : f32
    %max3A_46 = vector.broadcast %max3A_45 : f32 to vector<4000x48xf32>
    %max3A_47 = arith.maximumf %add3A_44, %max3A_46 : vector<4000x48xf32>
    %convert_element_type3A_48 = arith.truncf %max3A_47 : vector<4000x48xf32> to vector<4000x48xbf16>
    %get3A_49 = arith.constant 0 : index
    %get3A_50 = arith.constant 0 : index
    %get3A_51 = vector.load %arg9[%get3A_49, %get3A_50] : memref<48x1xbf16, #tpu.memory_space<vmem>>, vector<48x1xbf16>
    %dot_general3A_52 = arith.constant dense<0.000000e+00> : vector<4000x1xf32>
    %dot_general3A_53 = tpu.matmul %convert_element_type3A_48, %get3A_51, %dot_general3A_52 {dimension_numbers = #tpu.dot_dimension_numbers<[1], [0], [0], [1], [0, 0, 1, 1], [], []>, transpose_lhs_hint = false} : vector<4000x48xbf16>, vector<48x1xbf16>, vector<4000x1xf32> -> vector<4000x1xf32>
    %get3A_54 = arith.constant 0 : index
    %get3A_55 = arith.constant 0 : index
    %get3A_56 = vector.load %arg10[%get3A_54, %get3A_55] : memref<1x1xf32, #tpu.memory_space<vmem>>, vector<1x1xf32>
    %add3A_57 = vector.broadcast %get3A_56 : vector<1x1xf32> to vector<4000x1xf32>
    %add3A_58 = arith.addf %dot_general3A_53, %add3A_57 : vector<4000x1xf32>
    %get3A_59 = arith.constant 0 : index
    %get3A_60 = arith.constant 0 : index
    %get3A_61 = vector.load %arg11[%get3A_59, %get3A_60] : memref<128x256xbf16, #tpu.memory_space<vmem>>, vector<128x256xbf16>
    %dot_general3A_62 = arith.constant dense<0.000000e+00> : vector<4000x256xf32>
    %dot_general3A_63 = tpu.matmul %convert_element_type3A, %get3A_61, %dot_general3A_62 {dimension_numbers = #tpu.dot_dimension_numbers<[1], [0], [0], [1], [0, 0, 1, 1], [], []>, transpose_lhs_hint = false} : vector<4000x128xbf16>, vector<128x256xbf16>, vector<4000x256xf32> -> vector<4000x256xf32>
    %get3A_64 = arith.constant 0 : index
    %get3A_65 = arith.constant 0 : index
    %get3A_66 = vector.load %arg12[%get3A_64, %get3A_65] : memref<128x256xbf16, #tpu.memory_space<vmem>>, vector<128x256xbf16>
    %dot_general3A_67 = arith.constant dense<0.000000e+00> : vector<4000x256xf32>
    %dot_general3A_68 = tpu.matmul %convert_element_type3A_7, %get3A_66, %dot_general3A_67 {dimension_numbers = #tpu.dot_dimension_numbers<[1], [0], [0], [1], [0, 0, 1, 1], [], []>, transpose_lhs_hint = false} : vector<4000x128xbf16>, vector<128x256xbf16>, vector<4000x256xf32> -> vector<4000x256xf32>
    %add3A_69 = arith.addf %dot_general3A_63, %dot_general3A_68 : vector<4000x256xf32>
    %get3A_70 = arith.constant 0 : index
    %get3A_71 = arith.constant 0 : index
    %get3A_72 = vector.load %arg13[%get3A_70, %get3A_71] : memref<128x256xbf16, #tpu.memory_space<vmem>>, vector<128x256xbf16>
    %dot_general3A_73 = arith.constant dense<0.000000e+00> : vector<4000x256xf32>
    %dot_general3A_74 = tpu.matmul %convert_element_type3A_11, %get3A_72, %dot_general3A_73 {dimension_numbers = #tpu.dot_dimension_numbers<[1], [0], [0], [1], [0, 0, 1, 1], [], []>, transpose_lhs_hint = false} : vector<4000x128xbf16>, vector<128x256xbf16>, vector<4000x256xf32> -> vector<4000x256xf32>
    %add3A_75 = arith.addf %add3A_69, %dot_general3A_74 : vector<4000x256xf32>
    %get3A_76 = arith.constant 0 : index
    %get3A_77 = arith.constant 0 : index
    %get3A_78 = vector.load %arg14[%get3A_76, %get3A_77] : memref<1x256xf32, #tpu.memory_space<vmem>>, vector<1x256xf32>
    %add3A_79 = vector.broadcast %get3A_78 : vector<1x256xf32> to vector<4000x256xf32>
    %add3A_80 = arith.addf %add3A_75, %add3A_79 : vector<4000x256xf32>
    %max3A_81 = arith.constant 0.000000e+00 : f32
    %max3A_82 = vector.broadcast %max3A_81 : f32 to vector<4000x256xf32>
    %max3A_83 = arith.maximumf %add3A_80, %max3A_82 : vector<4000x256xf32>
    %convert_element_type3A_84 = arith.truncf %max3A_83 : vector<4000x256xf32> to vector<4000x256xbf16>
    %get3A_85 = arith.constant 0 : index
    %get3A_86 = arith.constant 0 : index
    %get3A_87 = vector.load %arg15[%get3A_85, %get3A_86] : memref<256x128xbf16, #tpu.memory_space<vmem>>, vector<256x128xbf16>
    %dot_general3A_88 = arith.constant dense<0.000000e+00> : vector<4000x128xf32>
    %dot_general3A_89 = tpu.matmul %convert_element_type3A_84, %get3A_87, %dot_general3A_88 {dimension_numbers = #tpu.dot_dimension_numbers<[1], [0], [0], [1], [0, 0, 1, 1], [], []>, transpose_lhs_hint = false} : vector<4000x256xbf16>, vector<256x128xbf16>, vector<4000x128xf32> -> vector<4000x128xf32>
    %get3A_90 = arith.constant 0 : index
    %get3A_91 = arith.constant 0 : index
    %get3A_92 = vector.load %arg16[%get3A_90, %get3A_91] : memref<1x128xf32, #tpu.memory_space<vmem>>, vector<1x128xf32>
    %add3A_93 = vector.broadcast %get3A_92 : vector<1x128xf32> to vector<4000x128xf32>
    %add3A_94 = arith.addf %dot_general3A_89, %add3A_93 : vector<4000x128xf32>
    %logistic3A = arith.negf %add3A_58 : vector<4000x1xf32>
    %logistic3A_95 = math.exp %logistic3A : vector<4000x1xf32>
    %logistic3A_96 = arith.constant 1.000000e+00 : f32
    %logistic3A_97 = vector.broadcast %logistic3A_96 : f32 to vector<4000x1xf32>
    %logistic3A_98 = arith.addf %logistic3A_97, %logistic3A_95 : vector<4000x1xf32>
    %logistic3A_99 = arith.divf %logistic3A_97, %logistic3A_98 : vector<4000x1xf32>
    %mul3A = vector.broadcast %logistic3A_99 : vector<4000x1xf32> to vector<4000x128xf32>
    %mul3A_100 = arith.mulf %mul3A, %add3A_94 : vector<4000x128xf32>
    %swap3A = arith.constant 0 : index
    %swap3A_101 = arith.constant 0 : index
    %swap3A_102 = vector.load %arg17[%swap3A, %swap3A_101] : memref<4000x128xf32, #tpu.memory_space<vmem>>, vector<4000x128xf32>
    tpu.vector_store %arg17[%swap3A, %swap3A_101], %mul3A_100 {strides = array<i32>} : memref<4000x128xf32, #tpu.memory_space<vmem>>, vector<4000x128xf32>,
    return
  }
  func.func @transform_0(%arg0: i32) -> (i32, i32) {
    %c0_i32 = arith.constant 0 : i32
    %c0_i32_0 = arith.constant 0 : i32
    return %arg0, %c0_i32 : i32, i32
  }
  func.func @transform_1(%arg0: i32) -> (i32, i32) {
    %add3A = arith.constant 0 : i32
    %add3A_0 = arith.addi %arg0, %add3A : i32
    %c0_i32 = arith.constant 0 : i32
    %c0_i32_1 = arith.constant 0 : i32
    return %add3A_0, %c0_i32 : i32, i32
  }
  func.func @transform_2(%arg0: i32) -> (i32, i32) {
    %c0_i32 = arith.constant 0 : i32
    %c0_i32_0 = arith.constant 0 : i32
    %c0_i32_1 = arith.constant 0 : i32
    return %c0_i32, %c0_i32_0 : i32, i32
  }
  func.func @transform_3(%arg0: i32) -> (i32, i32) {
    %c0_i32 = arith.constant 0 : i32
    %c0_i32_0 = arith.constant 0 : i32
    %c0_i32_1 = arith.constant 0 : i32
    return %c0_i32, %c0_i32_0 : i32, i32
  }
  func.func @transform_4(%arg0: i32) -> (i32, i32) {
    %c0_i32 = arith.constant 0 : i32
    %c0_i32_0 = arith.constant 0 : i32
    %c0_i32_1 = arith.constant 0 : i32
    return %c0_i32, %c0_i32_0 : i32, i32
  }
  func.func @transform_5(%arg0: i32) -> (i32, i32) {
    %c0_i32 = arith.constant 0 : i32
    %c0_i32_0 = arith.constant 0 : i32
    %c0_i32_1 = arith.constant 0 : i32
    return %c0_i32, %c0_i32_0 : i32, i32
  }
  func.func @transform_6(%arg0: i32) -> (i32, i32) {
    %c0_i32 = arith.constant 0 : i32
    %c0_i32_0 = arith.constant 0 : i32
    %c0_i32_1 = arith.constant 0 : i32
    return %c0_i32, %c0_i32_0 : i32, i32
  }
  func.func @transform_7(%arg0: i32) -> (i32, i32) {
    %c0_i32 = arith.constant 0 : i32
    %c0_i32_0 = arith.constant 0 : i32
    %c0_i32_1 = arith.constant 0 : i32
    return %c0_i32, %c0_i32_0 : i32, i32
  }
  func.func @transform_8(%arg0: i32) -> (i32, i32) {
    %c0_i32 = arith.constant 0 : i32
    %c0_i32_0 = arith.constant 0 : i32
    %c0_i32_1 = arith.constant 0 : i32
    return %c0_i32, %c0_i32_0 : i32, i32
  }
  func.func @transform_9(%arg0: i32) -> (i32, i32) {
    %c0_i32 = arith.constant 0 : i32
    %c0_i32_0 = arith.constant 0 : i32
    %c0_i32_1 = arith.constant 0 : i32
    return %c0_i32, %c0_i32_0 : i32, i32
  }
  func.func @transform_10(%arg0: i32) -> (i32, i32) {
    %c0_i32 = arith.constant 0 : i32
    %c0_i32_0 = arith.constant 0 : i32
    %c0_i32_1 = arith.constant 0 : i32
    return %c0_i32, %c0_i32_0 : i32, i32
  }
  func.func @transform_11(%arg0: i32) -> (i32, i32) {
    %c0_i32 = arith.constant 0 : i32
    %c0_i32_0 = arith.constant 0 : i32
    %c0_i32_1 = arith.constant 0 : i32
    return %c0_i32, %c0_i32_0 : i32, i32
  }
  func.func @transform_12(%arg0: i32) -> (i32, i32) {
    %c0_i32 = arith.constant 0 : i32
    %c0_i32_0 = arith.constant 0 : i32
    %c0_i32_1 = arith.constant 0 : i32
    return %c0_i32, %c0_i32_0 : i32, i32
  }
  func.func @transform_13(%arg0: i32) -> (i32, i32) {
    %c0_i32 = arith.constant 0 : i32
    %c0_i32_0 = arith.constant 0 : i32
    %c0_i32_1 = arith.constant 0 : i32
    return %c0_i32, %c0_i32_0 : i32, i32
  }
  func.func @transform_14(%arg0: i32) -> (i32, i32) {
    %c0_i32 = arith.constant 0 : i32
    %c0_i32_0 = arith.constant 0 : i32
    %c0_i32_1 = arith.constant 0 : i32
    return %c0_i32, %c0_i32_0 : i32, i32
  }
  func.func @transform_15(%arg0: i32) -> (i32, i32) {
    %c0_i32 = arith.constant 0 : i32
    %c0_i32_0 = arith.constant 0 : i32
    %c0_i32_1 = arith.constant 0 : i32
    return %c0_i32, %c0_i32_0 : i32, i32
  }
  func.func @transform_16(%arg0: i32) -> (i32, i32) {
    %c0_i32 = arith.constant 0 : i32
    %c0_i32_0 = arith.constant 0 : i32
    return %arg0, %c0_i32 : i32, i32
  }
}

module attributes {stable_mosaic.version = 14 : i64} {
  func.func @_combine_body(%arg0: i32, %arg1: memref<2000x128xf32, #tpu.memory_space<vmem>>, %arg2: memref<2x2000x128xf32, #tpu.memory_space<vmem>>, %arg3: memref<2x2000x128xf32, #tpu.memory_space<vmem>>, %arg4: memref<2x2000x128xf32, #tpu.memory_space<vmem>>, %arg5: memref<2x2000x128xf32, #tpu.memory_space<vmem>>, %arg6: memref<2000x128xf32, #tpu.memory_space<vmem>>) attributes {dimension_semantics = [#tpu.dimension_semantics<arbitrary>], iteration_bounds = array<i64: 5>, scalar_prefetch = 0 : i64, scratch_operands = 0 : i64, tpu.core_type = #tpu.core_type<tc>, window_params = [{transform_indices = @transform_0, window_bounds = array<i64: 2000, 128>}, {transform_indices = @transform_1, window_bounds = array<i64: 2, 2000, 128>}, {transform_indices = @transform_2, window_bounds = array<i64: 2, 2000, 128>}, {transform_indices = @transform_3, window_bounds = array<i64: 2, 2000, 128>}, {transform_indices = @transform_4, window_bounds = array<i64: 2, 2000, 128>}, {transform_indices = @transform_5, window_bounds = array<i64: 2000, 128>}]} {
    %get3A = arith.constant 0 : index
    %get3A_0 = arith.constant 0 : index
    %get3A_1 = vector.load %arg1[%get3A, %get3A_0] : memref<2000x128xf32, #tpu.memory_space<vmem>>, vector<2000x128xf32>
    %get3A_2 = arith.constant 0 : index
    %get3A_3 = arith.constant 0 : index
    %get3A_4 = arith.constant 0 : index
    %get3A_5 = vector.load %arg2[%get3A_2, %get3A_3, %get3A_4] : memref<2x2000x128xf32, #tpu.memory_space<vmem>>, vector<1x2000x128xf32>
    %get3A_6 = vector.shape_cast %get3A_5 : vector<1x2000x128xf32> to vector<2000x128xf32>
    %add3A = arith.addf %get3A_1, %get3A_6 : vector<2000x128xf32>
    %get3A_7 = arith.constant 1 : index
    %get3A_8 = arith.constant 0 : index
    %get3A_9 = arith.constant 0 : index
    %get3A_10 = vector.load %arg2[%get3A_7, %get3A_8, %get3A_9] : memref<2x2000x128xf32, #tpu.memory_space<vmem>>, vector<1x2000x128xf32>
    %get3A_11 = vector.shape_cast %get3A_10 : vector<1x2000x128xf32> to vector<2000x128xf32>
    %add3A_12 = arith.addf %add3A, %get3A_11 : vector<2000x128xf32>
    %get3A_13 = arith.constant 0 : index
    %get3A_14 = arith.constant 0 : index
    %get3A_15 = arith.constant 0 : index
    %get3A_16 = vector.load %arg3[%get3A_13, %get3A_14, %get3A_15] : memref<2x2000x128xf32, #tpu.memory_space<vmem>>, vector<1x2000x128xf32>
    %get3A_17 = vector.shape_cast %get3A_16 : vector<1x2000x128xf32> to vector<2000x128xf32>
    %add3A_18 = arith.addf %add3A_12, %get3A_17 : vector<2000x128xf32>
    %get3A_19 = arith.constant 1 : index
    %get3A_20 = arith.constant 0 : index
    %get3A_21 = arith.constant 0 : index
    %get3A_22 = vector.load %arg3[%get3A_19, %get3A_20, %get3A_21] : memref<2x2000x128xf32, #tpu.memory_space<vmem>>, vector<1x2000x128xf32>
    %get3A_23 = vector.shape_cast %get3A_22 : vector<1x2000x128xf32> to vector<2000x128xf32>
    %add3A_24 = arith.addf %add3A_18, %get3A_23 : vector<2000x128xf32>
    %get3A_25 = arith.constant 0 : index
    %get3A_26 = arith.constant 0 : index
    %get3A_27 = arith.constant 0 : index
    %get3A_28 = vector.load %arg4[%get3A_25, %get3A_26, %get3A_27] : memref<2x2000x128xf32, #tpu.memory_space<vmem>>, vector<1x2000x128xf32>
    %get3A_29 = vector.shape_cast %get3A_28 : vector<1x2000x128xf32> to vector<2000x128xf32>
    %add3A_30 = arith.addf %add3A_24, %get3A_29 : vector<2000x128xf32>
    %get3A_31 = arith.constant 1 : index
    %get3A_32 = arith.constant 0 : index
    %get3A_33 = arith.constant 0 : index
    %get3A_34 = vector.load %arg4[%get3A_31, %get3A_32, %get3A_33] : memref<2x2000x128xf32, #tpu.memory_space<vmem>>, vector<1x2000x128xf32>
    %get3A_35 = vector.shape_cast %get3A_34 : vector<1x2000x128xf32> to vector<2000x128xf32>
    %add3A_36 = arith.addf %add3A_30, %get3A_35 : vector<2000x128xf32>
    %get3A_37 = arith.constant 0 : index
    %get3A_38 = arith.constant 0 : index
    %get3A_39 = arith.constant 0 : index
    %get3A_40 = vector.load %arg5[%get3A_37, %get3A_38, %get3A_39] : memref<2x2000x128xf32, #tpu.memory_space<vmem>>, vector<1x2000x128xf32>
    %get3A_41 = vector.shape_cast %get3A_40 : vector<1x2000x128xf32> to vector<2000x128xf32>
    %add3A_42 = arith.addf %add3A_36, %get3A_41 : vector<2000x128xf32>
    %get3A_43 = arith.constant 1 : index
    %get3A_44 = arith.constant 0 : index
    %get3A_45 = arith.constant 0 : index
    %get3A_46 = vector.load %arg5[%get3A_43, %get3A_44, %get3A_45] : memref<2x2000x128xf32, #tpu.memory_space<vmem>>, vector<1x2000x128xf32>
    %get3A_47 = vector.shape_cast %get3A_46 : vector<1x2000x128xf32> to vector<2000x128xf32>
    %add3A_48 = arith.addf %add3A_42, %get3A_47 : vector<2000x128xf32>
    %swap3A = arith.constant 0 : index
    %swap3A_49 = arith.constant 0 : index
    %swap3A_50 = vector.load %arg6[%swap3A, %swap3A_49] : memref<2000x128xf32, #tpu.memory_space<vmem>>, vector<2000x128xf32>
    tpu.vector_store %arg6[%swap3A, %swap3A_49], %add3A_48 {strides = array<i32>} : memref<2000x128xf32, #tpu.memory_space<vmem>>, vector<2000x128xf32>,
    return
  }
  func.func @transform_0(%arg0: i32) -> (i32, i32) {
    %c0_i32 = arith.constant 0 : i32
    %c0_i32_0 = arith.constant 0 : i32
    return %arg0, %c0_i32 : i32, i32
  }
  func.func @transform_1(%arg0: i32) -> (i32, i32, i32) {
    %c0_i32 = arith.constant 0 : i32
    %c0_i32_0 = arith.constant 0 : i32
    %c0_i32_1 = arith.constant 0 : i32
    return %c0_i32, %arg0, %c0_i32_0 : i32, i32, i32
  }
  func.func @transform_2(%arg0: i32) -> (i32, i32, i32) {
    %c0_i32 = arith.constant 0 : i32
    %c0_i32_0 = arith.constant 0 : i32
    %c0_i32_1 = arith.constant 0 : i32
    return %c0_i32, %arg0, %c0_i32_0 : i32, i32, i32
  }
  func.func @transform_3(%arg0: i32) -> (i32, i32, i32) {
    %c0_i32 = arith.constant 0 : i32
    %c0_i32_0 = arith.constant 0 : i32
    %c0_i32_1 = arith.constant 0 : i32
    return %c0_i32, %arg0, %c0_i32_0 : i32, i32, i32
  }
  func.func @transform_4(%arg0: i32) -> (i32, i32, i32) {
    %c0_i32 = arith.constant 0 : i32
    %c0_i32_0 = arith.constant 0 : i32
    %c0_i32_1 = arith.constant 0 : i32
    return %c0_i32, %arg0, %c0_i32_0 : i32, i32, i32
  }
  func.func @transform_5(%arg0: i32) -> (i32, i32) {
    %c0_i32 = arith.constant 0 : i32
    %c0_i32_0 = arith.constant 0 : i32
    return %arg0, %c0_i32 : i32, i32
  }
}

</mosaic_0001>

<sc_bundles>
// kernel: kernel.15.cloned.1.call-start
scs
__scs_entry_jumppad:
0x0: {  	(pc) =	sbr.rel $0x88, $3  }
0x1: {  	(tag) =	ssettag $0x0;
	lr =	simm.s32 $0x1  }
0x2: {  	[smem:$0x3F94] =	sst lr;
	_ =	strace $0xD0000000  }
0x3: {  	_ = 	snop  }
0x4: {  	_ = 	snop  }
0x5: {  	_ = 	snop  }
0x6: {  	_ = 	snop  }
0x7: {  	_ = 	snop  }
__scs_overlays_trampoline_lowered:
0x8: {  	[smem:$0x3FA3] =	sst s0  }
0x9: {  	[smem:$0x3FA4] =	sst s1  }
0xa: {  	[smem:$0x3FA5] =	sst s2  }
0xb: {  	[smem:$0x3FA6] =	sst s3  }
0xc: {  	[smem:$0x3FA7] =	sst s4  }
0xd: {  	[smem:$0x3FA8] =	sst s5  }
0xe: {  	[smem:$0x3FA9] =	sst s6  }
0xf: {  	[smem:$0x3FAA] =	sst s7  }
0x10: {  	[smem:$0x3FAB] =	sst s8  }
0x11: {  	[smem:$0x3FAC] =	sst s9;
	s0 =	simm.s32 @!p0 $0x0  }
0x12: {  	s1 =	sld [smem:$0x3F92];
	s0 =	simm.s32 @p0 $0x1  }
0x13: {  	[smem:$0x3FAD] =	sst s0;
	s0 =	simm.s32 @!p1 $0x0  }
0x14: {  	s2 =	sld [smem:$0x3F91];
	s0 =	simm.s32 @p1 $0x1  }
0x15: {  	[smem:$0x3FAE] =	sst s0;
	s0 =	simm.s32 @!p2 $0x0  }
0x16: {  	s3 =	sld [smem:$0x3FDB];
	s0 =	simm.s32 @p2 $0x1  }
0x17: {  	s4 =	simm.s32 $0x1BF5;
	[smem:$0x3FB0] =	sst s0  }
0x18: {  	s0 =	sld [smem:$0x3F93];
	_ =	swait.ge [sflag:s4], $0x0  }
0x19: {  	s7 =	sld [smem:$0x3F94]  }
0x1a: {  	s8 =	sadd.s32 $0xFFFFE003, lr  }
0x1b: {  	s9 =	sadd.s32 $0xFFFFFEF7, lr;
	s5 =	simm.s32 $0xFFFFFFFF;
	p2 =	slt.u32 s8, $0xFFFFF086  }
0x1c: {  	p1 =	slt.u32 s9, $0xF7A;
	s5 =	simm.s32 @!p2 $0x0  }
0x1d: {  	s5 =	simm.s32 @p1 $0x1;
	p0 =	seq.s32 s7, s2  }
0x1e: {  	s7 =	smul.u32 @!p0 $0xF7A, s2;
	p2 =	seq.s32 @!p0 s5, $0x0  }
0x1f: {  	s9 =	smul.u32 $0xF7A, s1;
	s8 =	simm.s32 @!p0 $0x1BF5;
	p2 =	por !p2, p0  }
0x20: {  	[sflag:s8] =	ssyncset.s32 @!p0 $0xFFFFF086;
	s6 =	sadd.s32 @!p0 s3, s7;
	s7 =	simm.s32 @!p0 $0x108  }
0x21: {  	s3 =	sadd.s32 s3, s9;
	s6 =	sadd.s32 @!p0 $0x88, s6;
	s7 =	simm.s32 @p2 $0x1082  }
0x22: {  	[simem:s7], [sflag:s8] =	dma.local @!p0 [hbm:s6], $0xF7A  }
0x23: {  	s9 =	sor.u32 $0xD0000000, s2;
	s6 =	simm.s32 $0x108;
	_ =	swait.ge @!p0 [sflag:s8], $0x0  }
0x24: {  	s3 =	sadd.s32 $0x88, s3;
	s6 =	simm.s32 @!p1 $0x1082;
	[sflag:s4] =	ssyncset.s32 $0xFFFFF086  }
0x25: {  	[simem:s6], [sflag:s4] =	dma.local [hbm:s3], $0xF7A  }
0x26: {  	[smem:$0x3F94] =	sst s1;
	(tag) =	ssettag s2;
	_ =	strace s9  }
0x27: {  	s1 =	sld [smem:$0x3FA4]  }
0x28: {  	s2 =	sld [smem:$0x3FA5]  }
0x29: {  	s4 =	sld [smem:$0x3FA7]  }
0x2a: {  	p0 =	seq.s32 s5, $0x0;
	s5 =	sld [smem:$0x3FA8]  }
0x2b: {  	s6 =	sld [smem:$0x3FA9]  }
0x2c: {  	s7 =	sld [smem:$0x3FAA]  }
0x2d: {  	s3 =	simm.s32 $0x108;
	s8 =	sld [smem:$0x3FAB]  }
0x2e: {  	s3 =	simm.s32 @!p0 $0x1082;
	s9 =	sld [smem:$0x3FAC]  }
0x2f: {  	lr =	sadd.s32 s0, s3;
	s0 =	sld [smem:$0x3FA3]  }
0x30: {  	s3 =	sld [smem:$0x3FA6]  }
0x31: {  	[smem:$0x3FAF] =	sst s10  }
0x32: {  	s10 =	sld [smem:$0x3FAD];
	_ =	sdelay $0x3  }
0x33: {  	p0 =	seq.s32 s10, $0x1;
	s10 =	sld [smem:$0x3FAF];
	_ =	sdelay $0x3  }
0x34: {  	[smem:$0x3FAF] =	sst s10  }
0x35: {  	s10 =	sld [smem:$0x3FAE];
	_ =	sdelay $0x3  }
0x36: {  	p1 =	seq.s32 s10, $0x1;
	s10 =	sld [smem:$0x3FAF];
	_ =	sdelay $0x3  }
0x37: {  	[smem:$0x3FAF] =	sst s10  }
0x38: {  	s10 =	sld [smem:$0x3FB0]  }
0x39: {  	_ = 	snop;
	(pc) =	sbr.ind lr, $3  }
0x3a: {  	_ = 	snop  }
0x3b: {  	_ = 	snop  }
0x3c: {  	p2 =	seq.s32 s10, $0x1;
	s10 =	sld [smem:$0x3FAF]  }
0x3d: {  	_ =	shalt  }
0x3e: {  	_ =	shalt  }
0x3f: {  	_ =	shalt  }
0x40: {  	_ =	shalt  }
0x41: {  	_ =	shalt  }
0x42: {  	_ =	shalt  }
0x43: {  	_ =	shalt  }
0x44: {  	_ =	shalt  }
0x45: {  	_ =	shalt  }
0x46: {  	_ =	shalt  }
0x47: {  	_ =	shalt  }
0x48: {  	_ =	shalt  }
0x49: {  	_ =	shalt  }
0x4a: {  	_ =	shalt  }
0x4b: {  	_ =	shalt  }
0x4c: {  	_ =	shalt  }
0x4d: {  	_ =	shalt  }
0x4e: {  	_ =	shalt  }
0x4f: {  	_ =	shalt  }
0x50: {  	_ =	shalt  }
0x51: {  	_ =	shalt  }
0x52: {  	_ =	shalt  }
0x53: {  	_ =	shalt  }
0x54: {  	_ =	shalt  }
0x55: {  	_ =	shalt  }
0x56: {  	_ =	shalt  }
0x57: {  	_ =	shalt  }
0x58: {  	_ =	shalt  }
0x59: {  	_ =	shalt  }
0x5a: {  	_ =	shalt  }
0x5b: {  	_ =	shalt  }
0x5c: {  	_ =	shalt  }
0x5d: {  	_ =	shalt  }
0x5e: {  	_ =	shalt  }
0x5f: {  	_ =	shalt  }
0x60: {  	_ =	shalt  }
0x61: {  	_ =	shalt  }
0x62: {  	_ =	shalt  }
0x63: {  	_ =	shalt  }
0x64: {  	_ =	shalt  }
0x65: {  	_ =	shalt  }
0x66: {  	_ =	shalt  }
0x67: {  	_ =	shalt  }
0x68: {  	_ =	shalt  }
0x69: {  	_ =	shalt  }
0x6a: {  	_ =	shalt  }
0x6b: {  	_ =	shalt  }
0x6c: {  	_ =	shalt  }
0x6d: {  	_ =	shalt  }
0x6e: {  	_ =	shalt  }
0x6f: {  	_ =	shalt  }
0x70: {  	_ =	shalt  }
0x71: {  	_ =	shalt  }
0x72: {  	_ =	shalt  }
0x73: {  	_ =	shalt  }
0x74: {  	_ =	shalt  }
0x75: {  	_ =	shalt  }
0x76: {  	_ =	shalt  }
0x77: {  	_ =	shalt  }
0x78: {  	_ =	shalt  }
0x79: {  	_ =	shalt  }
0x7a: {  	_ =	shalt  }
0x7b: {  	_ =	shalt  }
0x7c: {  	_ =	shalt  }
0x7d: {  	_ =	shalt  }
0x7e: {  	_ =	shalt  }
0x7f: {  	_ =	shalt  }
0x80: {  	_ =	shalt  }
0x81: {  	_ =	shalt  }
0x82: {  	_ =	shalt  }
0x83: {  	_ =	shalt  }
0x84: {  	_ =	shalt  }
0x85: {  	_ =	shalt  }
0x86: {  	_ =	shalt  }
0x87: {  	_ =	shalt  }
.Lfunc_end0:
.L_simem_size_0:
called_computation_lowered:
.L_overlay_start_0:
0x88: {  	s2 =	sld [smem:$0x3FD9]  }
0x89: {  	s3 =	sld [smem:$0x3FFE];
	_ =	sdelay $0x1  }
0x8a: {  	s1 =	srdreg.scid  }
0x8b: {  	s0 =	sand.u32 $0x1, s1  }
0x8c: {  	s15 =	sshll.u32 s0, $0xA;
	s2 =	sadd.s32 s3, s2  }
0x8d: {  	s2 =	sadd.s32 s2, s15  }
0x8e: {  	[smem:$0x3FBB] =	sst s2  }
0x8f: {  	_ = 	snop  }
0x90: {  	s2 =	sld [smem:$0x3FD0];
	_ =	sdelay $0x2  }
0x91: {  	s16 =	simm.s32 $0xD;
	s4 =	simm.s32 $0x10  }
0x92: {  	[smem:s4], [sflag:s16] =	dma.local [hbm:s2], $0x1  }
0x93: {  	_ =	swait.eq [sflag:s16], $0x1  }
0x94: {  	[sflag:s16] =	ssyncset.done $0x0  }
0x95: {  	[sflag:s16] =	ssyncadd.s32 $0xFFFFFFFF  }
0x96: {  	s17 =	sld [smem:$0x10];
	(tm) =	ssettm $0x1  }
0x97: {  	s18 =	sld [smem:$0x3FFB];
	_ =	sdelay $0x3  }
0x98: {  	_ =	strace s18  }
0x99: {  	s2 =	sld [smem:$0x3FFC];
	_ =	sdelay $0x3  }
0x9a: {  	_ =	strace s2  }
0x9b: {  	s2 =	sld [smem:$0x3FFD];
	_ =	sdelay $0x3  }
0x9c: {  	_ =	strace s2  }
0x9d: {  	_ =	strace $0x8FFFFFFF  }
0x9e: {  	s19 =	sld [smem:$0x3FDB];
	_ =	sdelay $0x1  }
0x9f: {  	s20 =	simm.s32 $_scs_section_size  }
0xa0: {  	s5 =	simm.s32 $_size__tile_overlayer_lowered;
	s6 =	simm.s32 $_tile_overlayer_lowered  }
0xa1: {  	s7 =	simm.s32 $0x1BFF;
	s21 =	sshll.u32 s6, $0x1;
	s4 =	sadd.s32 s20, s19  }
0xa2: {  	s22 =	simm.s32 $0x0;
	s5 =	sshll.u32 s5, $0x1;
	s6 =	sadd.s32 s21, s4  }
0xa3: {  	[timem:s22], [sflag:s7] =	dma.local [hbm:s6], s5  }
0xa4: {  	_ =	swait.ge [sflag:s7], s5  }
0xa5: {  	s5 =	ssub.s32 $0x0, s5;
	[sflag:s7] =	ssyncset.done $0x0  }
0xa6: {  	[sflag:s7] =	ssyncadd.s32 s5;
	_ =	sdelay $0x1  }
0xa7: {  	s23 =	simm.s32 $0x1B8B  }
0xa8: {  	_ =	swait.ge [sflag:s23], $0x1  }
0xa9: {  	[sflag:s23] =	ssyncset.done $0x0  }
0xaa: {  	[sflag:s23] =	ssyncadd.s32 $0xFFFFFFFF  }
0xab: {  	s5 =	sld [smem:$0x0]  }
0xac: {  	s6 =	sand.u32 $0xFFFFFFFE, s1  }
0xad: {  	p0 =	sne.s32 s1, s6  }
0xae: {  	s6 =	sshll.u32 @p0 s6, $0xE  }
0xaf: {  	s6 =	sadd.s32 @p0 $0x11B8D, s6;
	s7 =	sshll.u32 @p0 s5, $0x11  }
0xb0: {  	s6 =	sor.u32 @p0 s7, s6  }
0xb1: {  	[sflag:s6] =	ssyncadd.remote.s32 @p0 $0x1;
	_ =	sdelay $0x1  }
0xb2: {  	s6 =	simm.s32 @p0 $0x1B8D  }
0xb3: {  	_ =	swait.eq @p0 [sflag:s6], $0x1  }
0xb4: {  	[sflag:s6] =	ssyncadd.s32 @p0 $0xFFFFFFFF  }
0xb5: {  	s7 =	sshll.u32 @!p0 s1, $0xE  }
0xb6: {  	s7 =	sor.u32 @!p0 $0x4000, s7;
	s6 =	simm.s32 @!p0 $0x1B8D  }
0xb7: {  	s5 =	sshll.u32 @!p0 s5, $0x11;
	s7 =	sadd.s32 @!p0 $0x11B8D, s7;
	_ =	swait.eq @!p0 [sflag:s6], $0x1  }
0xb8: {  	s5 =	sor.u32 @!p0 s5, s7;
	[sflag:s6] =	ssyncadd.s32 @!p0 $0xFFFFFFFF  }
0xb9: {  	s25 =	simm.s32 $0x1B8E;
	s24 =	sld [smem:$0x3FFE];
	[sflag:s5] =	ssyncadd.remote.s32 @!p0 $0x1  }
0xba: {  	s26 =	simm.s32 $execute0_lowered;
	[smem:$0x3FD2] =	sst s25  }
0xbb: {  	s6 =	sshll.u32 s26, $0x1;
	_ =	strace $0x8000004F;
	[dreg:$0x1] =	wrdreg $0xFFFFFFFF  }
0xbc: {  	s28 =	simm.s32 $_size_execute0_lowered;
	s4 =	sadd.s32 s4, s6;
	[dreg:$0x0] =	wrdreg $0x0  }
0xbd: {  	s6 =	sshll.u32 s28, $0x1;
	[dreg:$0x2] =	wrdreg s4  }
0xbe: {  	[dreg:$0x3] =	wrdreg s6  }
0xbf: {  	[dreg:$0x4] =	wrdreg $0xC0  }
0xc0: {  	_ =	task [dreg:s22], $0x5FFFF  }
0xc1: {  	[dreg:$0x1] =	wrdreg $0xFFFFFFFF  }
0xc2: {  	[dreg:$0x0] =	wrdreg $0x60  }
0xc3: {  	[dreg:$0x2] =	wrdreg s17  }
0xc4: {  	[dreg:$0x3] =	wrdreg s24  }
0xc5: {  	[dreg:$0x4] =	wrdreg $0x9  }
0xc6: {  	_ =	task.clear_ibuf [dreg:s22], $0x5FFFF;
	_ =	strace $0x9000004F  }
0xc7: {  	s29 =	simm.s32 $0x9;
	_ =	strace $0x80000051  }
0xc8: {  	_ =	swait.ge [sflag:s29], $0x1  }
0xc9: {  	[sflag:s29] =	ssyncadd.s32 $0xFFFFFFFF  }
0xca: {  	_ =	strace $0x90000051  }
0xcb: {  	_ =	sfence  }
0xcc: {  	s30 =	sld [smem:$0x0];
	_ =	sdelay $0x2  }
0xcd: {  	s31 =	sshll.u32 s1, $0xD;
	s1 =	sshrl.u32 s1, $0x2  }
0xce: {  	s4 =	sand.u32 $0x4000, s31;
	s1 =	sadd.s32 s1, s30  }
0xcf: {  	s0 =	sor.u32 s4, s0;
	s1 =	sshll.u32 s1, $0x11  }
0xd0: {  	s0 =	sor.u32 s1, s0  }
0xd1: {  	s0 =	sadd.s32 $0x8F2B, s0  }
0xd2: {  	[sflag:s0] =	ssyncadd.remote.s32 $0x1  }
0xd3: {  	_ =	sfence.sel $0xFFFF  }
0xd4: {  	[dreg:$0x0] =	wrdreg $0xFFFFFFFF;
	(pc) =	sbr.abs _section_cstart, $3  }
0xd5: {  	[dreg:$0x1] =	wrdreg $0xFFFFFFFF  }
0xd6: {  	_ =	task.clear_ibuf [dreg:s22], $0x2FFFF;
	_ =	strace $0x9FFFFFFF  }
0xd7: {  	(tm) =	ssettm $0x7FFFFFFF  }
tec
execute0_lowered:
.L_overlay_start_1:
0x0: {  	(tag) =	ssettag $0x1  }
0x1: {  	s1 =	srdreg.scid;
	s0 =	stileid.u32  }
0x2: {  	s4 =	sand.u32 $0x1, s1;
	s31 =	sshll.u32 s0, $0x1  }
0x3: {  	s1 =	sor.u32 s4, s31  }
0x4: {  	s6 =	smul.u32 $0x271, s1;
	_ =	sdelay $0x1  }
0x5: {  	s7 =	sadd.s32 $0x271, s6  }
0x6: {  	s8 =	sshrl.u32 s6, $0x5;
	s6 =	sshrl.u32 s7, $0x5  }
0x7: {  	p0 =	sle.u32 s6, s8  }
.Ltmp0:
0x8: {  	_ = 	snop;
	(pc) =	sbr.rel @p0 .LBB2_5-.Ltmp0, $4  }
0x9: {  	s2 =	rddreg [dreg:$0x0]  }
0xa: {  	s5 =	rddreg [dreg:$0x1];
	s3 =	simm.s32 $0x0  }
0xb: {  	[smem:$0x7FF] =	sst s3  }
0xc: {  	s1 =	rddreg [dreg:$0x2];
	_ =	strace $0x80000050  }
0xd: {  	s4 =	ssub.s32 $0x2, s4;
	s7 =	sadd.s32 $0x3800, s5;
	s10 =	sadd.s32 $0xD600, s5  }
0xe: {  	s11 =	sadd.s32 $0x288400, s5;
	s5 =	ssub.s32 s6, s8;
	s30 =	sshll.u32 s8, $0x4  }
0xf: {  	s31 =	sshll.u32 s8, $0xB;
	s12 =	simm.s32 $0x2100;
	s13 =	simm.s32 $0x1  }
0x10: {  	s14 =	simm.s32 $0x2;
	s15 =	simm.s32 $0x40;
	s16 =	simm.s32 $0x0  }
0x11: {  	s9 =	sshrl.u32 s4, $0x1;
	s6 =	sadd.s32 s30, s10;
	s7 =	sadd.s32 s30, s7  }
0x12: {  	s8 =	sadd.s32 s31, s11;
	s10 =	simm.s32 $0x80;
	s4 =	ssub.s32 s4, s9  }
0x13: {  	s11 =	simm.s32 $0x100;
	s9 =	simm.s32 $0x3;
	s4 =	smax.u32 s4, $0x1  }
.LBB2_2:
0x14: {  	[tilespmem:s3], [sflag:$0x3] =	stream.linear.gather [hbm4b:s7+s3], $0x80, $0x38;
	[tilespmem:$0x4100] =	vst v63  }
0x15: {  	_ =	swait.ge [sflag:s9], $0x80  }
0x16: {  	[sflag:s9] =	ssyncset.done $0x0  }
0x17: {  	[sflag:s9] =	ssyncadd.s32 $0xFFFFFF80  }
0x18: {  	[tilespmem:s10], [sflag:$0x3] =	stream.linear.gather [hbm4b:s6+s3], $0x80, $0x38;
	[tilespmem:$0x4100] =	vst v63  }
0x19: {  	_ =	swait.ge [sflag:s9], $0x80  }
0x1a: {  	[sflag:s9] =	ssyncset.done $0x0  }
0x1b: {  	[sflag:s9] =	ssyncadd.s32 $0xFFFFFF80  }
0x1c: {  	[tilespmem:s11], [sflag:$0x1] =	stream.indirect.gather [hbm4b:s2+s10], $0x40, s3, s10, $0xb8;
	[tilespmem:$0x4100] =	vst v63  }
0x1d: {  	_ = 	snop  }
0x1e: {  	[tilespmem:s12], [sflag:$0x2] =	stream.indirect.gather [hbm4b:s2+s10], $0x40, s10, s10, $0xb8;
	[tilespmem:$0x4100] =	vst v63  }
0x1f: {  	_ =	swait.ge [sflag:s13], $0x2000  }
0x20: {  	[sflag:s13] =	ssyncset.done $0x0  }
0x21: {  	[sflag:s13] =	ssyncadd.s32 $0xFFFFE000  }
0x22: {  	_ =	swait.ge [sflag:s14], $0x2000  }
0x23: {  	[sflag:s14] =	ssyncset.done $0x0  }
0x24: {  	[sflag:s14] =	ssyncadd.s32 $0xFFFFE000  }
0x25: {  	[hbm4b:s8+s15] =	stream.strided.scatter [tilespmem:s11], [sflag:$0x3], $0x2000, s10, s15, $0x38;
	[tilespmem:$0x4100] =	vst v63  }
0x26: {  	p0 =	sne.s32 s5, $0x1;
	_ =	swait.ge [sflag:s9], $0x2000  }
.Ltmp1:
0x27: {  	[sflag:s9] =	ssyncset.done $0x0;
	(pc) =	sbr.rel @!p0 .LBB2_4-.Ltmp1, $4  }
0x28: {  	s17 =	sadd.s32 $0x8, s8;
	[sflag:s9] =	ssyncadd.s32 $0xFFFFE000  }
0x29: {  	[hbm4b:s17+s15] =	stream.strided.scatter [tilespmem:s12], [sflag:$0x3], $0x2000, s10, s15, $0x38;
	[tilespmem:$0x4100] =	vst v63  }
0x2a: {  	s18 =	sadd.s32 $0x800, s8;
	s19 =	smov.u32 s6;
	_ =	swait.ge [sflag:s9], $0x2000  }
0x2b: {  	s20 =	smov.u32 s7;
	s17 =	sadd.s32 $0xFFFFFFFF, s5;
	[sflag:s9] =	ssyncset.done $0x0  }
.LBB2_3:
0x2c: {  	[sflag:s9] =	ssyncadd.s32 $0xFFFFE000;
	s19 =	sadd.s32 $0x10, s19;
	s20 =	sadd.s32 $0x10, s20  }
0x2d: {  	[tilespmem:s3], [sflag:$0x3] =	stream.linear.gather [hbm4b:s20+s3], $0x80, $0x38;
	[tilespmem:$0x4100] =	vst v63  }
0x2e: {  	p0 =	sne.s32 s17, $0x1;
	s17 =	sadd.s32 $0xFFFFFFFF, s17;
	_ =	swait.ge [sflag:s9], $0x80  }
0x2f: {  	[sflag:s9] =	ssyncset.done $0x0  }
0x30: {  	[sflag:s9] =	ssyncadd.s32 $0xFFFFFF80  }
0x31: {  	[tilespmem:s10], [sflag:$0x3] =	stream.linear.gather [hbm4b:s19+s3], $0x80, $0x38;
	[tilespmem:$0x4100] =	vst v63  }
0x32: {  	_ =	swait.ge [sflag:s9], $0x80  }
0x33: {  	[sflag:s9] =	ssyncset.done $0x0  }
0x34: {  	[sflag:s9] =	ssyncadd.s32 $0xFFFFFF80  }
0x35: {  	[tilespmem:s11], [sflag:$0x1] =	stream.indirect.gather [hbm4b:s2+s10], $0x40, s3, s10, $0xb8;
	[tilespmem:$0x4100] =	vst v63  }
0x36: {  	_ = 	snop  }
0x37: {  	[tilespmem:s12], [sflag:$0x2] =	stream.indirect.gather [hbm4b:s2+s10], $0x40, s10, s10, $0xb8;
	[tilespmem:$0x4100] =	vst v63  }
0x38: {  	_ =	swait.ge [sflag:s13], $0x2000  }
0x39: {  	[sflag:s13] =	ssyncset.done $0x0  }
0x3a: {  	[sflag:s13] =	ssyncadd.s32 $0xFFFFE000  }
0x3b: {  	_ =	swait.ge [sflag:s14], $0x2000  }
0x3c: {  	[sflag:s14] =	ssyncset.done $0x0  }
0x3d: {  	[sflag:s14] =	ssyncadd.s32 $0xFFFFE000  }
0x3e: {  	[hbm4b:s18+s15] =	stream.strided.scatter [tilespmem:s11], [sflag:$0x3], $0x2000, s10, s15, $0x38;
	[tilespmem:$0x4100] =	vst v63  }
0x3f: {  	_ =	swait.ge [sflag:s9], $0x2000  }
.Ltmp2:
0x40: {  	[sflag:s9] =	ssyncset.done $0x0;
	(pc) =	sbr.rel @p0 .LBB2_3-.Ltmp2, $4  }
0x41: {  	s21 =	sadd.s32 $0x8, s18;
	[sflag:s9] =	ssyncadd.s32 $0xFFFFE000  }
0x42: {  	[hbm4b:s21+s15] =	stream.strided.scatter [tilespmem:s12], [sflag:$0x3], $0x2000, s10, s15, $0x38;
	[tilespmem:$0x4100] =	vst v63  }
0x43: {  	_ =	swait.ge [sflag:s9], $0x2000  }
0x44: {  	s18 =	sadd.s32 $0x800, s18;
	[sflag:s9] =	ssyncset.done $0x0  }
.LBB2_4:
0x45: {  	s16 =	sadd.s32 $0x1, s16  }
0x46: {  	p0 =	sne.s32 s16, s4  }
.Ltmp3:
0x47: {  	_ = 	snop;
	(pc) =	sbr.rel @p0 .LBB2_2-.Ltmp3, $2  }
0x48: {  	_ =	sdelay $0x2  }
0x49: {  	[sflag:s9] =	ssyncadd.s32 $0xFFFFE000  }
.LBB2_5:
0x4a: {  	_ =	sfence.sel $0x180000  }
0x4b: {  	[bflag:$0x0] =	sbarrier.arrive $0xFFFF  }
0x4c: {  	p0 =	sne.s32 s0, $0x0;
	_ =	strace $0x90000050  }
0x4d: {  	s0 =	sadd.s32 @!p0 $0x100000, s1;
	[bflag:$0x2] =	sbarrier.arrive $0xFFFF  }
0x4e: {  	[sflag:s0] =	ssyncadd.tile.s32 @!p0 $0x1;
	_ =	shalt  }
.Lfunc_end2:
_tile_overlayer_lowered:
.L_overlay_start_2:
0x4f: {  	(tag) =	ssettag $0x2  }
0x50: {  	s0 =	rddreg [dreg:$0x0];
	s2 =	stileid.u32  }
0x51: {  	s1 =	rddreg [dreg:$0x1];
	p0 =	sne.s32 s2, $0x0  }
0x52: {  	s3 =	rddreg [dreg:$0x2];
	[bflag:$0x3] =	sbarrier.arrive $0xFFFF;
	s2 =	simm.s32 @!p0 $0x1C03  }
0x53: {  	[timem:s3], [sflag:s2] =	dma.local @!p0 [hbm:s0], s1  }
0x54: {  	s0 =	simm.s32 @!p0 $0x3  }
0x55: {  	_ =	swait.ge @!p0 [sflag:s0], s1  }
0x56: {  	s1 =	ssub.s32 @!p0 $0x0, s1;
	[sflag:s0] =	ssyncset.done @!p0 $0x0  }
0x57: {  	[sflag:s0] =	ssyncadd.s32 @!p0 s1  }
0x58: {  	[bflag:$0x3] =	sbarrier.arrive $0xFFFF  }
0x59: {  	_ =	shalt  }

// kernel: kernel.18.cloned.1.call-start
scs
__scs_entry_jumppad:
0x0: {  	(pc) =	sbr.rel $0x88, $3  }
0x1: {  	(tag) =	ssettag $0x0;
	lr =	simm.s32 $0x1  }
0x2: {  	[smem:$0x3F94] =	sst lr;
	_ =	strace $0xD0000000  }
0x3: {  	_ = 	snop  }
0x4: {  	_ = 	snop  }
0x5: {  	_ = 	snop  }
0x6: {  	_ = 	snop  }
0x7: {  	_ = 	snop  }
__scs_overlays_trampoline_lowered:
0x8: {  	[smem:$0x3FA3] =	sst s0  }
0x9: {  	[smem:$0x3FA4] =	sst s1  }
0xa: {  	[smem:$0x3FA5] =	sst s2  }
0xb: {  	[smem:$0x3FA6] =	sst s3  }
0xc: {  	[smem:$0x3FA7] =	sst s4  }
0xd: {  	[smem:$0x3FA8] =	sst s5  }
0xe: {  	[smem:$0x3FA9] =	sst s6  }
0xf: {  	[smem:$0x3FAA] =	sst s7  }
0x10: {  	[smem:$0x3FAB] =	sst s8  }
0x11: {  	[smem:$0x3FAC] =	sst s9;
	s0 =	simm.s32 @!p0 $0x0  }
0x12: {  	s1 =	sld [smem:$0x3F92];
	s0 =	simm.s32 @p0 $0x1  }
0x13: {  	[smem:$0x3FAD] =	sst s0;
	s0 =	simm.s32 @!p1 $0x0  }
0x14: {  	s2 =	sld [smem:$0x3F91];
	s0 =	simm.s32 @p1 $0x1  }
0x15: {  	[smem:$0x3FAE] =	sst s0;
	s0 =	simm.s32 @!p2 $0x0  }
0x16: {  	s3 =	sld [smem:$0x3FDB];
	s0 =	simm.s32 @p2 $0x1  }
0x17: {  	s4 =	simm.s32 $0x1BF5;
	[smem:$0x3FB0] =	sst s0  }
0x18: {  	s0 =	sld [smem:$0x3F93];
	_ =	swait.ge [sflag:s4], $0x0  }
0x19: {  	s7 =	sld [smem:$0x3F94]  }
0x1a: {  	s8 =	sadd.s32 $0xFFFFE003, lr  }
0x1b: {  	s9 =	sadd.s32 $0xFFFFFEF7, lr;
	s5 =	simm.s32 $0xFFFFFFFF;
	p2 =	slt.u32 s8, $0xFFFFF086  }
0x1c: {  	p1 =	slt.u32 s9, $0xF7A;
	s5 =	simm.s32 @!p2 $0x0  }
0x1d: {  	s5 =	simm.s32 @p1 $0x1;
	p0 =	seq.s32 s7, s2  }
0x1e: {  	s7 =	smul.u32 @!p0 $0xF7A, s2;
	p2 =	seq.s32 @!p0 s5, $0x0  }
0x1f: {  	s9 =	smul.u32 $0xF7A, s1;
	s8 =	simm.s32 @!p0 $0x1BF5;
	p2 =	por !p2, p0  }
0x20: {  	[sflag:s8] =	ssyncset.s32 @!p0 $0xFFFFF086;
	s6 =	sadd.s32 @!p0 s3, s7;
	s7 =	simm.s32 @!p0 $0x108  }
0x21: {  	s3 =	sadd.s32 s3, s9;
	s6 =	sadd.s32 @!p0 $0x88, s6;
	s7 =	simm.s32 @p2 $0x1082  }
0x22: {  	[simem:s7], [sflag:s8] =	dma.local @!p0 [hbm:s6], $0xF7A  }
0x23: {  	s9 =	sor.u32 $0xD0000000, s2;
	s6 =	simm.s32 $0x108;
	_ =	swait.ge @!p0 [sflag:s8], $0x0  }
0x24: {  	s3 =	sadd.s32 $0x88, s3;
	s6 =	simm.s32 @!p1 $0x1082;
	[sflag:s4] =	ssyncset.s32 $0xFFFFF086  }
0x25: {  	[simem:s6], [sflag:s4] =	dma.local [hbm:s3], $0xF7A  }
0x26: {  	[smem:$0x3F94] =	sst s1;
	(tag) =	ssettag s2;
	_ =	strace s9  }
0x27: {  	s1 =	sld [smem:$0x3FA4]  }
0x28: {  	s2 =	sld [smem:$0x3FA5]  }
0x29: {  	s4 =	sld [smem:$0x3FA7]  }
0x2a: {  	p0 =	seq.s32 s5, $0x0;
	s5 =	sld [smem:$0x3FA8]  }
0x2b: {  	s6 =	sld [smem:$0x3FA9]  }
0x2c: {  	s7 =	sld [smem:$0x3FAA]  }
0x2d: {  	s3 =	simm.s32 $0x108;
	s8 =	sld [smem:$0x3FAB]  }
0x2e: {  	s3 =	simm.s32 @!p0 $0x1082;
	s9 =	sld [smem:$0x3FAC]  }
0x2f: {  	lr =	sadd.s32 s0, s3;
	s0 =	sld [smem:$0x3FA3]  }
0x30: {  	s3 =	sld [smem:$0x3FA6]  }
0x31: {  	[smem:$0x3FAF] =	sst s10  }
0x32: {  	s10 =	sld [smem:$0x3FAD];
	_ =	sdelay $0x3  }
0x33: {  	p0 =	seq.s32 s10, $0x1;
	s10 =	sld [smem:$0x3FAF];
	_ =	sdelay $0x3  }
0x34: {  	[smem:$0x3FAF] =	sst s10  }
0x35: {  	s10 =	sld [smem:$0x3FAE];
	_ =	sdelay $0x3  }
0x36: {  	p1 =	seq.s32 s10, $0x1;
	s10 =	sld [smem:$0x3FAF];
	_ =	sdelay $0x3  }
0x37: {  	[smem:$0x3FAF] =	sst s10  }
0x38: {  	s10 =	sld [smem:$0x3FB0]  }
0x39: {  	_ = 	snop;
	(pc) =	sbr.ind lr, $3  }
0x3a: {  	_ = 	snop  }
0x3b: {  	_ = 	snop  }
0x3c: {  	p2 =	seq.s32 s10, $0x1;
	s10 =	sld [smem:$0x3FAF]  }
0x3d: {  	_ =	shalt  }
0x3e: {  	_ =	shalt  }
0x3f: {  	_ =	shalt  }
0x40: {  	_ =	shalt  }
0x41: {  	_ =	shalt  }
0x42: {  	_ =	shalt  }
0x43: {  	_ =	shalt  }
0x44: {  	_ =	shalt  }
0x45: {  	_ =	shalt  }
0x46: {  	_ =	shalt  }
0x47: {  	_ =	shalt  }
0x48: {  	_ =	shalt  }
0x49: {  	_ =	shalt  }
0x4a: {  	_ =	shalt  }
0x4b: {  	_ =	shalt  }
0x4c: {  	_ =	shalt  }
0x4d: {  	_ =	shalt  }
0x4e: {  	_ =	shalt  }
0x4f: {  	_ =	shalt  }
0x50: {  	_ =	shalt  }
0x51: {  	_ =	shalt  }
0x52: {  	_ =	shalt  }
0x53: {  	_ =	shalt  }
0x54: {  	_ =	shalt  }
0x55: {  	_ =	shalt  }
0x56: {  	_ =	shalt  }
0x57: {  	_ =	shalt  }
0x58: {  	_ =	shalt  }
0x59: {  	_ =	shalt  }
0x5a: {  	_ =	shalt  }
0x5b: {  	_ =	shalt  }
0x5c: {  	_ =	shalt  }
0x5d: {  	_ =	shalt  }
0x5e: {  	_ =	shalt  }
0x5f: {  	_ =	shalt  }
0x60: {  	_ =	shalt  }
0x61: {  	_ =	shalt  }
0x62: {  	_ =	shalt  }
0x63: {  	_ =	shalt  }
0x64: {  	_ =	shalt  }
0x65: {  	_ =	shalt  }
0x66: {  	_ =	shalt  }
0x67: {  	_ =	shalt  }
0x68: {  	_ =	shalt  }
0x69: {  	_ =	shalt  }
0x6a: {  	_ =	shalt  }
0x6b: {  	_ =	shalt  }
0x6c: {  	_ =	shalt  }
0x6d: {  	_ =	shalt  }
0x6e: {  	_ =	shalt  }
0x6f: {  	_ =	shalt  }
0x70: {  	_ =	shalt  }
0x71: {  	_ =	shalt  }
0x72: {  	_ =	shalt  }
0x73: {  	_ =	shalt  }
0x74: {  	_ =	shalt  }
0x75: {  	_ =	shalt  }
0x76: {  	_ =	shalt  }
0x77: {  	_ =	shalt  }
0x78: {  	_ =	shalt  }
0x79: {  	_ =	shalt  }
0x7a: {  	_ =	shalt  }
0x7b: {  	_ =	shalt  }
0x7c: {  	_ =	shalt  }
0x7d: {  	_ =	shalt  }
0x7e: {  	_ =	shalt  }
0x7f: {  	_ =	shalt  }
0x80: {  	_ =	shalt  }
0x81: {  	_ =	shalt  }
0x82: {  	_ =	shalt  }
0x83: {  	_ =	shalt  }
0x84: {  	_ =	shalt  }
0x85: {  	_ =	shalt  }
0x86: {  	_ =	shalt  }
0x87: {  	_ =	shalt  }
.Lfunc_end0:
.L_simem_size_0:
called_computation.1_lowered:
.L_overlay_start_0:
0x88: {  	s2 =	sld [smem:$0x3FD9]  }
0x89: {  	s3 =	sld [smem:$0x3FFE];
	_ =	sdelay $0x1  }
0x8a: {  	s1 =	srdreg.scid  }
0x8b: {  	s0 =	sand.u32 $0x1, s1  }
0x8c: {  	s15 =	sshll.u32 s0, $0xA;
	s2 =	sadd.s32 s3, s2  }
0x8d: {  	s2 =	sadd.s32 s2, s15  }
0x8e: {  	[smem:$0x3FBB] =	sst s2  }
0x8f: {  	_ = 	snop  }
0x90: {  	s2 =	sld [smem:$0x3FD0];
	_ =	sdelay $0x2  }
0x91: {  	s16 =	simm.s32 $0xD;
	s4 =	simm.s32 $0x10  }
0x92: {  	[smem:s4], [sflag:s16] =	dma.local [hbm:s2], $0x1  }
0x93: {  	_ =	swait.eq [sflag:s16], $0x1  }
0x94: {  	[sflag:s16] =	ssyncset.done $0x0  }
0x95: {  	[sflag:s16] =	ssyncadd.s32 $0xFFFFFFFF  }
0x96: {  	s17 =	sld [smem:$0x11];
	(tm) =	ssettm $0x1  }
0x97: {  	s18 =	sld [smem:$0x3FFB];
	_ =	sdelay $0x3  }
0x98: {  	_ =	strace s18  }
0x99: {  	s2 =	sld [smem:$0x3FFC];
	_ =	sdelay $0x3  }
0x9a: {  	_ =	strace s2  }
0x9b: {  	s2 =	sld [smem:$0x3FFD];
	_ =	sdelay $0x3  }
0x9c: {  	_ =	strace s2  }
0x9d: {  	_ =	strace $0x8FFFFFFF  }
0x9e: {  	s19 =	sld [smem:$0x3FDB];
	_ =	sdelay $0x1  }
0x9f: {  	s20 =	simm.s32 $_scs_section_size  }
0xa0: {  	s5 =	simm.s32 $_size__tile_overlayer_lowered;
	s6 =	simm.s32 $_tile_overlayer_lowered  }
0xa1: {  	s7 =	simm.s32 $0x1BFF;
	s21 =	sshll.u32 s6, $0x1;
	s4 =	sadd.s32 s20, s19  }
0xa2: {  	s22 =	simm.s32 $0x0;
	s5 =	sshll.u32 s5, $0x1;
	s6 =	sadd.s32 s21, s4  }
0xa3: {  	[timem:s22], [sflag:s7] =	dma.local [hbm:s6], s5  }
0xa4: {  	_ =	swait.ge [sflag:s7], s5  }
0xa5: {  	s5 =	ssub.s32 $0x0, s5;
	[sflag:s7] =	ssyncset.done $0x0  }
0xa6: {  	[sflag:s7] =	ssyncadd.s32 s5;
	_ =	sdelay $0x1  }
0xa7: {  	s23 =	simm.s32 $0x1B8B  }
0xa8: {  	_ =	swait.ge [sflag:s23], $0x1  }
0xa9: {  	[sflag:s23] =	ssyncset.done $0x0  }
0xaa: {  	[sflag:s23] =	ssyncadd.s32 $0xFFFFFFFF  }
0xab: {  	s5 =	sld [smem:$0x0]  }
0xac: {  	s6 =	sand.u32 $0xFFFFFFFE, s1  }
0xad: {  	p0 =	sne.s32 s1, s6  }
0xae: {  	s6 =	sshll.u32 @p0 s6, $0xE  }
0xaf: {  	s6 =	sadd.s32 @p0 $0x11B8D, s6;
	s7 =	sshll.u32 @p0 s5, $0x11  }
0xb0: {  	s6 =	sor.u32 @p0 s7, s6  }
0xb1: {  	[sflag:s6] =	ssyncadd.remote.s32 @p0 $0x1;
	_ =	sdelay $0x1  }
0xb2: {  	s6 =	simm.s32 @p0 $0x1B8D  }
0xb3: {  	_ =	swait.eq @p0 [sflag:s6], $0x1  }
0xb4: {  	[sflag:s6] =	ssyncadd.s32 @p0 $0xFFFFFFFF  }
0xb5: {  	s7 =	sshll.u32 @!p0 s1, $0xE  }
0xb6: {  	s7 =	sor.u32 @!p0 $0x4000, s7;
	s6 =	simm.s32 @!p0 $0x1B8D  }
0xb7: {  	s5 =	sshll.u32 @!p0 s5, $0x11;
	s7 =	sadd.s32 @!p0 $0x11B8D, s7;
	_ =	swait.eq @!p0 [sflag:s6], $0x1  }
0xb8: {  	s5 =	sor.u32 @!p0 s5, s7;
	[sflag:s6] =	ssyncadd.s32 @!p0 $0xFFFFFFFF  }
0xb9: {  	s25 =	simm.s32 $0x1B8E;
	s24 =	sld [smem:$0x3FFE];
	[sflag:s5] =	ssyncadd.remote.s32 @!p0 $0x1  }
0xba: {  	s26 =	simm.s32 $execute0_lowered;
	[smem:$0x3FD2] =	sst s25  }
0xbb: {  	s6 =	sshll.u32 s26, $0x1;
	_ =	strace $0x8000005B;
	[dreg:$0x1] =	wrdreg $0xFFFFFFFF  }
0xbc: {  	s28 =	simm.s32 $_size_execute0_lowered;
	s4 =	sadd.s32 s4, s6;
	[dreg:$0x0] =	wrdreg $0x0  }
0xbd: {  	s6 =	sshll.u32 s28, $0x1;
	[dreg:$0x2] =	wrdreg s4  }
0xbe: {  	[dreg:$0x3] =	wrdreg s6  }
0xbf: {  	[dreg:$0x4] =	wrdreg $0xC0  }
0xc0: {  	_ =	task [dreg:s22], $0x5FFFF  }
0xc1: {  	[dreg:$0x1] =	wrdreg $0xFFFFFFFF  }
0xc2: {  	[dreg:$0x0] =	wrdreg $0x60  }
0xc3: {  	[dreg:$0x2] =	wrdreg s17  }
0xc4: {  	[dreg:$0x3] =	wrdreg s24  }
0xc5: {  	[dreg:$0x4] =	wrdreg $0x0  }
0xc6: {  	[dreg:$0x5] =	wrdreg $0x9  }
0xc7: {  	_ =	task.clear_ibuf [dreg:s22], $0x6FFFF;
	_ =	strace $0x9000005B  }
0xc8: {  	s29 =	simm.s32 $0x9;
	_ =	strace $0x8000005D  }
0xc9: {  	_ =	swait.ge [sflag:s29], $0x1  }
0xca: {  	[sflag:s29] =	ssyncadd.s32 $0xFFFFFFFF  }
0xcb: {  	_ =	strace $0x9000005D  }
0xcc: {  	_ =	sfence  }
0xcd: {  	s30 =	sld [smem:$0x0];
	_ =	sdelay $0x2  }
0xce: {  	s31 =	sshll.u32 s1, $0xD;
	s1 =	sshrl.u32 s1, $0x2  }
0xcf: {  	s4 =	sand.u32 $0x4000, s31;
	s1 =	sadd.s32 s1, s30  }
0xd0: {  	s0 =	sor.u32 s4, s0;
	s1 =	sshll.u32 s1, $0x11  }
0xd1: {  	s0 =	sor.u32 s1, s0  }
0xd2: {  	s0 =	sadd.s32 $0x8F2B, s0  }
0xd3: {  	[sflag:s0] =	ssyncadd.remote.s32 $0x1  }
0xd4: {  	_ =	sfence.sel $0xFFFF  }
0xd5: {  	[dreg:$0x0] =	wrdreg $0xFFFFFFFF;
	(pc) =	sbr.abs _section_cstart, $3  }
0xd6: {  	[dreg:$0x1] =	wrdreg $0xFFFFFFFF  }
0xd7: {  	_ =	task.clear_ibuf [dreg:s22], $0x2FFFF;
	_ =	strace $0x9FFFFFFF  }
0xd8: {  	(tm) =	ssettm $0x7FFFFFFF  }
0xd9: {  	_ =	shalt  }
tec
execute0_lowered:
.L_overlay_start_1:
0x0: {  	(tag) =	ssettag $0x1  }
0x1: {  	s1 =	srdreg.scid;
	s10 =	rddreg [dreg:$0x0]  }
0x2: {  	s0 =	stileid.u32;
	s6 =	rddreg [dreg:$0x1]  }
0x3: {  	s2 =	rddreg [dreg:$0x2];
	s5 =	smul.u32 $0x4E2, s0  }
0x4: {  	s3 =	simm.s32 $0x0;
	s16 =	simm.s32 $0x80;
	s22 =	smul.u32 $0x13C00, s0  }
0x5: {  	s4 =	sand.u32 $0x1, s1;
	s1 =	rddreg [dreg:$0x3];
	s26 =	smul.u32 $0x4F000, s0  }
0x6: {  	s17 =	simm.s32 $0x0;
	[smem:$0x7FF] =	sst s3;
	s7 =	smul.u32 $0x271, s4  }
0x7: {  	s9 =	sshll.u32 s0, $0x1;
	s31 =	sshll.u32 s0, $0x6;
	s8 =	smul.u32 $0x13C000, s4  }
0x8: {  	_ =	strace $0x8000005C;
	s24 =	sor.u32 s4, s9;
	s4 =	ssub.s32 $0x2, s4  }
0x9: {  	s25 =	sshrl.u32 s22, $0x3;
	s28 =	sshrl.u32 s4, $0x1;
	s30 =	sshrl.u32 s26, $0x2  }
0xa: {  	s5 =	sadd.s32 s7, s5;
	s7 =	smul.u32 $0x271, s24;
	s9 =	sadd.s32 s25, s6  }
0xb: {  	s14 =	ssub.s32 s4, s28;
	s11 =	sshrl.u32 s5, $0x5;
	s5 =	sadd.s32 s22, s8  }
0xc: {  	s15 =	sadd.s32 s30, s2;
	s23 =	sshll.u32 s11, $0x4;
	s5 =	sshrl.u32 s5, $0x3  }
0xd: {  	s29 =	sadd.s32 $0x271, s7;
	s11 =	sshll.u32 s11, $0xB;
	s12 =	sadd.s32 s23, s6  }
.Ltmp0:
0xe: {  	s13 =	sadd.s32 s5, s6;
	s4 =	sshrl.u32 s29, $0x5;
	(pc) =	sbr.rel .LBB2_1-.Ltmp0, $4  }
0xf: {  	s5 =	sshrl.u32 s7, $0x5;
	s6 =	sadd.s32 $0x17400, s9;
	s7 =	sor.u32 $0x1C01, s31  }
0x10: {  	s9 =	smax.u32 s14, $0x1;
	s10 =	sadd.s32 s11, s10;
	s14 =	simm.s32 $0x13C00  }
0x11: {  	s8 =	sadd.s32 $0x264400, s13;
	s11 =	sadd.s32 $0xD600, s12;
	p0 =	sge.u32 s5, s4  }
0x12: {  	s12 =	sshrl.u32 s15, $0x3;
	s13 =	simm.s32 $0x1;
	s15 =	simm.s32 $0x13C80  }
.LBB2_4:
0x13: {  	[sflag:s13] =	ssyncadd.s32 $0xFFFFC000  }
.LBB2_5:
0x14: {  	s17 =	sadd.s32 $0x1, s17  }
0x15: {  	p1 =	sne.s32 s17, s9  }
.Ltmp1:
0x16: {  	[bflag:$0x0] =	sbarrier.arrive $0xFFFF;
	(pc) =	sbr.rel @!p1 .LBB2_6-.Ltmp1, $4  }
0x17: {  	[hbm:s8], [sflag:s7] =	dma.local [spmem:s12], $0x2780  }
0x18: {  	_ =	swait.ge [sflag:s13], $0x2780  }
0x19: {  	[sflag:s13] =	ssyncset.done $0x0  }
0x1a: {  	[sflag:s13] =	ssyncadd.s32 $0xFFFFD880  }
.LBB2_1:
0x1b: {  	[spmem:s12], [sflag:s7] =	dma.local [hbm:s6], $0x2780  }
.Ltmp2:
0x1c: {  	_ =	swait.ge [sflag:s13], $0x2780;
	(pc) =	sbr.rel @p0 .LBB2_5-.Ltmp2, $3  }
0x1d: {  	[sflag:s13] =	ssyncset.done $0x0  }
0x1e: {  	[sflag:s13] =	ssyncadd.s32 $0xFFFFD880  }
0x1f: {  	[bflag:$0x0] =	sbarrier.arrive $0xFFFF;
	_ =	sdelay $0x1  }
0x20: {  	[tilespmem:s14], [sflag:$0x1] =	stream.linear.gather [hbm4b:s11+s3], $0x80, $0x38;
	[tilespmem:$0x17C80] =	vst v63  }
0x21: {  	_ =	swait.ge [sflag:s13], $0x80  }
0x22: {  	[sflag:s13] =	ssyncset.done $0x0  }
0x23: {  	s18 =	sadd.s32 $0x1, s5;
	[sflag:s13] =	ssyncadd.s32 $0xFFFFFF80  }
0x24: {  	[tilespmem:s15], [sflag:$0x1] =	stream.linear.gather [hbm4b:s10+s3], $0x4000, $0x38;
	[tilespmem:$0x17C80] =	vst v63  }
0x25: {  	p1 =	slt.u32 s18, s4;
	_ =	swait.ge [sflag:s13], $0x4000  }
.Ltmp3:
0x26: {  	[sflag:s13] =	ssyncset.done $0x0;
	(pc) =	sbr.rel @!p1 .LBB2_4-.Ltmp3, $4  }
0x27: {  	[sflag:s13] =	ssyncadd.s32 $0xFFFFC000  }
0x28: {  	[spmem:s2] =	stream.indirect.scatter.add.f32 [tilespmem:s15], [sflag:$0x1], $0x80, s14, s16, $0xb8;
	[tilespmem:$0x17C80] =	vst v63  }
0x29: {  	_ =	swait.ge [sflag:s13], $0x4000  }
0x2a: {  	s19 =	sadd.s32 $0x10, s11;
	s20 =	smov.u32 s10;
	[sflag:s13] =	ssyncset.done $0x0  }
.LBB2_3:
0x2b: {  	s18 =	sadd.s32 $0x1, s18;
	[sflag:s13] =	ssyncadd.s32 $0xFFFFC000;
	s20 =	sadd.s32 $0x800, s20  }
0x2c: {  	[tilespmem:s14], [sflag:$0x1] =	stream.linear.gather [hbm4b:s19+s3], $0x80, $0x38;
	[tilespmem:$0x17C80] =	vst v63  }
0x2d: {  	p1 =	slt.u32 s18, s4;
	_ =	swait.ge [sflag:s13], $0x80  }
0x2e: {  	[sflag:s13] =	ssyncset.done $0x0  }
0x2f: {  	[sflag:s13] =	ssyncadd.s32 $0xFFFFFF80  }
0x30: {  	[tilespmem:s15], [sflag:$0x1] =	stream.linear.gather [hbm4b:s20+s3], $0x4000, $0x38;
	[tilespmem:$0x17C80] =	vst v63  }
0x31: {  	_ =	swait.ge [sflag:s13], $0x4000  }
.Ltmp4:
0x32: {  	[sflag:s13] =	ssyncset.done $0x0;
	(pc) =	sbr.rel @p1 .LBB2_3-.Ltmp4, $4  }
0x33: {  	[sflag:s13] =	ssyncadd.s32 $0xFFFFC000  }
0x34: {  	[spmem:s2] =	stream.indirect.scatter.add.f32 [tilespmem:s15], [sflag:$0x1], $0x80, s14, s16, $0xb8;
	[tilespmem:$0x17C80] =	vst v63  }
0x35: {  	_ =	swait.ge [sflag:s13], $0x4000  }
0x36: {  	s19 =	sadd.s32 $0x10, s19;
	[sflag:s13] =	ssyncset.done $0x0  }
.Ltmp5:
0x37: {  	_ = 	snop;
	(pc) =	sbr.rel .LBB2_4-.Ltmp5, $1  }
0x38: {  	_ =	sdelay $0x3  }
.LBB2_6:
0x39: {  	_ =	sfence.sel $0x180000  }
0x3a: {  	[bflag:$0x0] =	sbarrier.arrive $0xFFFF  }
0x3b: {  	p0 =	sne.s32 s0, $0x0;
	_ =	strace $0x9000005C  }
0x3c: {  	s0 =	sadd.s32 @!p0 $0x100000, s1;
	[bflag:$0x2] =	sbarrier.arrive $0xFFFF  }
0x3d: {  	[sflag:s0] =	ssyncadd.tile.s32 @!p0 $0x1;
	_ =	shalt  }
.Lfunc_end2:
_tile_overlayer_lowered:
.L_overlay_start_2:
0x3e: {  	(tag) =	ssettag $0x2  }
0x3f: {  	s0 =	rddreg [dreg:$0x0];
	s2 =	stileid.u32  }
0x40: {  	s1 =	rddreg [dreg:$0x1];
	p0 =	sne.s32 s2, $0x0  }
0x41: {  	s3 =	rddreg [dreg:$0x2];
	[bflag:$0x3] =	sbarrier.arrive $0xFFFF;
	s2 =	simm.s32 @!p0 $0x1C01  }
0x42: {  	[timem:s3], [sflag:s2] =	dma.local @!p0 [hbm:s0], s1  }
0x43: {  	s0 =	simm.s32 @!p0 $0x1  }
0x44: {  	_ =	swait.ge @!p0 [sflag:s0], s1  }
0x45: {  	s1 =	ssub.s32 @!p0 $0x0, s1;
	[sflag:s0] =	ssyncset.done @!p0 $0x0  }
0x46: {  	[sflag:s0] =	ssyncadd.s32 @!p0 s1  }
0x47: {  	[bflag:$0x3] =	sbarrier.arrive $0xFFFF  }
0x48: {  	_ =	shalt  }

// kernel: kernel.21.cloned.1.call-start
scs
__scs_entry_jumppad:
0x0: {  	(pc) =	sbr.rel $0x88, $3  }
0x1: {  	(tag) =	ssettag $0x0;
	lr =	simm.s32 $0x1  }
0x2: {  	[smem:$0x3F94] =	sst lr;
	_ =	strace $0xD0000000  }
0x3: {  	_ = 	snop  }
0x4: {  	_ = 	snop  }
0x5: {  	_ = 	snop  }
0x6: {  	_ = 	snop  }
0x7: {  	_ = 	snop  }
__scs_overlays_trampoline_lowered:
0x8: {  	[smem:$0x3FA3] =	sst s0  }
0x9: {  	[smem:$0x3FA4] =	sst s1  }
0xa: {  	[smem:$0x3FA5] =	sst s2  }
0xb: {  	[smem:$0x3FA6] =	sst s3  }
0xc: {  	[smem:$0x3FA7] =	sst s4  }
0xd: {  	[smem:$0x3FA8] =	sst s5  }
0xe: {  	[smem:$0x3FA9] =	sst s6  }
0xf: {  	[smem:$0x3FAA] =	sst s7  }
0x10: {  	[smem:$0x3FAB] =	sst s8  }
0x11: {  	[smem:$0x3FAC] =	sst s9;
	s0 =	simm.s32 @!p0 $0x0  }
0x12: {  	s1 =	sld [smem:$0x3F92];
	s0 =	simm.s32 @p0 $0x1  }
0x13: {  	[smem:$0x3FAD] =	sst s0;
	s0 =	simm.s32 @!p1 $0x0  }
0x14: {  	s2 =	sld [smem:$0x3F91];
	s0 =	simm.s32 @p1 $0x1  }
0x15: {  	[smem:$0x3FAE] =	sst s0;
	s0 =	simm.s32 @!p2 $0x0  }
0x16: {  	s3 =	sld [smem:$0x3FDB];
	s0 =	simm.s32 @p2 $0x1  }
0x17: {  	s4 =	simm.s32 $0x1BF5;
	[smem:$0x3FB0] =	sst s0  }
0x18: {  	s0 =	sld [smem:$0x3F93];
	_ =	swait.ge [sflag:s4], $0x0  }
0x19: {  	s7 =	sld [smem:$0x3F94]  }
0x1a: {  	s8 =	sadd.s32 $0xFFFFE003, lr  }
0x1b: {  	s9 =	sadd.s32 $0xFFFFFEF7, lr;
	s5 =	simm.s32 $0xFFFFFFFF;
	p2 =	slt.u32 s8, $0xFFFFF086  }
0x1c: {  	p1 =	slt.u32 s9, $0xF7A;
	s5 =	simm.s32 @!p2 $0x0  }
0x1d: {  	s5 =	simm.s32 @p1 $0x1;
	p0 =	seq.s32 s7, s2  }
0x1e: {  	s7 =	smul.u32 @!p0 $0xF7A, s2;
	p2 =	seq.s32 @!p0 s5, $0x0  }
0x1f: {  	s9 =	smul.u32 $0xF7A, s1;
	s8 =	simm.s32 @!p0 $0x1BF5;
	p2 =	por !p2, p0  }
0x20: {  	[sflag:s8] =	ssyncset.s32 @!p0 $0xFFFFF086;
	s6 =	sadd.s32 @!p0 s3, s7;
	s7 =	simm.s32 @!p0 $0x108  }
0x21: {  	s3 =	sadd.s32 s3, s9;
	s6 =	sadd.s32 @!p0 $0x88, s6;
	s7 =	simm.s32 @p2 $0x1082  }
0x22: {  	[simem:s7], [sflag:s8] =	dma.local @!p0 [hbm:s6], $0xF7A  }
0x23: {  	s9 =	sor.u32 $0xD0000000, s2;
	s6 =	simm.s32 $0x108;
	_ =	swait.ge @!p0 [sflag:s8], $0x0  }
0x24: {  	s3 =	sadd.s32 $0x88, s3;
	s6 =	simm.s32 @!p1 $0x1082;
	[sflag:s4] =	ssyncset.s32 $0xFFFFF086  }
0x25: {  	[simem:s6], [sflag:s4] =	dma.local [hbm:s3], $0xF7A  }
0x26: {  	[smem:$0x3F94] =	sst s1;
	(tag) =	ssettag s2;
	_ =	strace s9  }
0x27: {  	s1 =	sld [smem:$0x3FA4]  }
0x28: {  	s2 =	sld [smem:$0x3FA5]  }
0x29: {  	s4 =	sld [smem:$0x3FA7]  }
0x2a: {  	p0 =	seq.s32 s5, $0x0;
	s5 =	sld [smem:$0x3FA8]  }
0x2b: {  	s6 =	sld [smem:$0x3FA9]  }
0x2c: {  	s7 =	sld [smem:$0x3FAA]  }
0x2d: {  	s3 =	simm.s32 $0x108;
	s8 =	sld [smem:$0x3FAB]  }
0x2e: {  	s3 =	simm.s32 @!p0 $0x1082;
	s9 =	sld [smem:$0x3FAC]  }
0x2f: {  	lr =	sadd.s32 s0, s3;
	s0 =	sld [smem:$0x3FA3]  }
0x30: {  	s3 =	sld [smem:$0x3FA6]  }
0x31: {  	[smem:$0x3FAF] =	sst s10  }
0x32: {  	s10 =	sld [smem:$0x3FAD];
	_ =	sdelay $0x3  }
0x33: {  	p0 =	seq.s32 s10, $0x1;
	s10 =	sld [smem:$0x3FAF];
	_ =	sdelay $0x3  }
0x34: {  	[smem:$0x3FAF] =	sst s10  }
0x35: {  	s10 =	sld [smem:$0x3FAE];
	_ =	sdelay $0x3  }
0x36: {  	p1 =	seq.s32 s10, $0x1;
	s10 =	sld [smem:$0x3FAF];
	_ =	sdelay $0x3  }
0x37: {  	[smem:$0x3FAF] =	sst s10  }
0x38: {  	s10 =	sld [smem:$0x3FB0]  }
0x39: {  	_ = 	snop;
	(pc) =	sbr.ind lr, $3  }
0x3a: {  	_ = 	snop  }
0x3b: {  	_ = 	snop  }
0x3c: {  	p2 =	seq.s32 s10, $0x1;
	s10 =	sld [smem:$0x3FAF]  }
0x3d: {  	_ =	shalt  }
0x3e: {  	_ =	shalt  }
0x3f: {  	_ =	shalt  }
0x40: {  	_ =	shalt  }
0x41: {  	_ =	shalt  }
0x42: {  	_ =	shalt  }
0x43: {  	_ =	shalt  }
0x44: {  	_ =	shalt  }
0x45: {  	_ =	shalt  }
0x46: {  	_ =	shalt  }
0x47: {  	_ =	shalt  }
0x48: {  	_ =	shalt  }
0x49: {  	_ =	shalt  }
0x4a: {  	_ =	shalt  }
0x4b: {  	_ =	shalt  }
0x4c: {  	_ =	shalt  }
0x4d: {  	_ =	shalt  }
0x4e: {  	_ =	shalt  }
0x4f: {  	_ =	shalt  }
0x50: {  	_ =	shalt  }
0x51: {  	_ =	shalt  }
0x52: {  	_ =	shalt  }
0x53: {  	_ =	shalt  }
0x54: {  	_ =	shalt  }
0x55: {  	_ =	shalt  }
0x56: {  	_ =	shalt  }
0x57: {  	_ =	shalt  }
0x58: {  	_ =	shalt  }
0x59: {  	_ =	shalt  }
0x5a: {  	_ =	shalt  }
0x5b: {  	_ =	shalt  }
0x5c: {  	_ =	shalt  }
0x5d: {  	_ =	shalt  }
0x5e: {  	_ =	shalt  }
0x5f: {  	_ =	shalt  }
0x60: {  	_ =	shalt  }
0x61: {  	_ =	shalt  }
0x62: {  	_ =	shalt  }
0x63: {  	_ =	shalt  }
0x64: {  	_ =	shalt  }
0x65: {  	_ =	shalt  }
0x66: {  	_ =	shalt  }
0x67: {  	_ =	shalt  }
0x68: {  	_ =	shalt  }
0x69: {  	_ =	shalt  }
0x6a: {  	_ =	shalt  }
0x6b: {  	_ =	shalt  }
0x6c: {  	_ =	shalt  }
0x6d: {  	_ =	shalt  }
0x6e: {  	_ =	shalt  }
0x6f: {  	_ =	shalt  }
0x70: {  	_ =	shalt  }
0x71: {  	_ =	shalt  }
0x72: {  	_ =	shalt  }
0x73: {  	_ =	shalt  }
0x74: {  	_ =	shalt  }
0x75: {  	_ =	shalt  }
0x76: {  	_ =	shalt  }
0x77: {  	_ =	shalt  }
0x78: {  	_ =	shalt  }
0x79: {  	_ =	shalt  }
0x7a: {  	_ =	shalt  }
0x7b: {  	_ =	shalt  }
0x7c: {  	_ =	shalt  }
0x7d: {  	_ =	shalt  }
0x7e: {  	_ =	shalt  }
0x7f: {  	_ =	shalt  }
0x80: {  	_ =	shalt  }
0x81: {  	_ =	shalt  }
0x82: {  	_ =	shalt  }
0x83: {  	_ =	shalt  }
0x84: {  	_ =	shalt  }
0x85: {  	_ =	shalt  }
0x86: {  	_ =	shalt  }
0x87: {  	_ =	shalt  }
.Lfunc_end0:
.L_simem_size_0:
called_computation.2_lowered:
.L_overlay_start_0:
0x88: {  	s2 =	sld [smem:$0x3FD9]  }
0x89: {  	s3 =	sld [smem:$0x3FFE];
	_ =	sdelay $0x1  }
0x8a: {  	s1 =	srdreg.scid  }
0x8b: {  	s0 =	sand.u32 $0x1, s1  }
0x8c: {  	s15 =	sshll.u32 s0, $0xA;
	s2 =	sadd.s32 s3, s2  }
0x8d: {  	s2 =	sadd.s32 s2, s15  }
0x8e: {  	[smem:$0x3FBB] =	sst s2  }
0x8f: {  	_ = 	snop  }
0x90: {  	s2 =	sld [smem:$0x3FD0];
	_ =	sdelay $0x2  }
0x91: {  	s16 =	simm.s32 $0xD;
	s4 =	simm.s32 $0x10  }
0x92: {  	[smem:s4], [sflag:s16] =	dma.local [hbm:s2], $0x1  }
0x93: {  	_ =	swait.eq [sflag:s16], $0x1  }
0x94: {  	[sflag:s16] =	ssyncset.done $0x0  }
0x95: {  	s17 =	sld [smem:$0x10];
	[sflag:s16] =	ssyncadd.s32 $0xFFFFFFFF  }
0x96: {  	s18 =	sld [smem:$0x11];
	(tm) =	ssettm $0x1  }
0x97: {  	s19 =	sld [smem:$0x3FFB];
	_ =	sdelay $0x3  }
0x98: {  	_ =	strace s19  }
0x99: {  	s2 =	sld [smem:$0x3FFC];
	_ =	sdelay $0x3  }
0x9a: {  	_ =	strace s2  }
0x9b: {  	s2 =	sld [smem:$0x3FFD];
	_ =	sdelay $0x3  }
0x9c: {  	_ =	strace s2  }
0x9d: {  	_ =	strace $0x8FFFFFFF  }
0x9e: {  	s20 =	sld [smem:$0x3FDB];
	_ =	sdelay $0x1  }
0x9f: {  	s5 =	simm.s32 $_scs_section_size  }
0xa0: {  	s6 =	simm.s32 $_size__tile_overlayer_lowered;
	s7 =	simm.s32 $_tile_overlayer_lowered  }
0xa1: {  	s8 =	simm.s32 $0x1BFF;
	s21 =	sshll.u32 s7, $0x1;
	s5 =	sadd.s32 s5, s20  }
0xa2: {  	s22 =	simm.s32 $0x0;
	s6 =	sshll.u32 s6, $0x1;
	s7 =	sadd.s32 s21, s5  }
0xa3: {  	[timem:s22], [sflag:s8] =	dma.local [hbm:s7], s6  }
0xa4: {  	_ =	swait.ge [sflag:s8], s6  }
0xa5: {  	s6 =	ssub.s32 $0x0, s6;
	[sflag:s8] =	ssyncset.done $0x0  }
0xa6: {  	[sflag:s8] =	ssyncadd.s32 s6;
	_ =	sdelay $0x1  }
0xa7: {  	s23 =	simm.s32 $0x1B8B  }
0xa8: {  	_ =	swait.ge [sflag:s23], $0x1  }
0xa9: {  	[sflag:s23] =	ssyncset.done $0x0  }
0xaa: {  	[sflag:s23] =	ssyncadd.s32 $0xFFFFFFFF  }
0xab: {  	s6 =	sld [smem:$0x0]  }
0xac: {  	s7 =	sand.u32 $0xFFFFFFFE, s1  }
0xad: {  	p0 =	sne.s32 s1, s7  }
0xae: {  	s7 =	sshll.u32 @p0 s7, $0xE  }
0xaf: {  	s7 =	sadd.s32 @p0 $0x11B8D, s7;
	s8 =	sshll.u32 @p0 s6, $0x11  }
0xb0: {  	s7 =	sor.u32 @p0 s8, s7  }
0xb1: {  	[sflag:s7] =	ssyncadd.remote.s32 @p0 $0x1;
	_ =	sdelay $0x1  }
0xb2: {  	s7 =	simm.s32 @p0 $0x1B8D  }
0xb3: {  	_ =	swait.eq @p0 [sflag:s7], $0x1  }
0xb4: {  	[sflag:s7] =	ssyncadd.s32 @p0 $0xFFFFFFFF  }
0xb5: {  	s8 =	sshll.u32 @!p0 s1, $0xE  }
0xb6: {  	s8 =	sor.u32 @!p0 $0x4000, s8;
	s7 =	simm.s32 @!p0 $0x1B8D  }
0xb7: {  	s6 =	sshll.u32 @!p0 s6, $0x11;
	s8 =	sadd.s32 @!p0 $0x11B8D, s8;
	_ =	swait.eq @!p0 [sflag:s7], $0x1  }
0xb8: {  	s6 =	sor.u32 @!p0 s6, s8;
	[sflag:s7] =	ssyncadd.s32 @!p0 $0xFFFFFFFF  }
0xb9: {  	s25 =	simm.s32 $0x1B8E;
	s24 =	sld [smem:$0x3FFE];
	[sflag:s6] =	ssyncadd.remote.s32 @!p0 $0x1  }
0xba: {  	s26 =	simm.s32 $execute0_lowered;
	[smem:$0x3FD2] =	sst s25  }
0xbb: {  	s7 =	sshll.u32 s26, $0x1;
	_ =	strace $0x8000004C;
	[dreg:$0x1] =	wrdreg $0xFFFFFFFF  }
0xbc: {  	s28 =	simm.s32 $_size_execute0_lowered;
	s5 =	sadd.s32 s5, s7;
	[dreg:$0x0] =	wrdreg $0x0  }
0xbd: {  	s7 =	sshll.u32 s28, $0x1;
	[dreg:$0x2] =	wrdreg s5  }
0xbe: {  	[dreg:$0x3] =	wrdreg s7  }
0xbf: {  	[dreg:$0x4] =	wrdreg $0xC0  }
0xc0: {  	_ =	task [dreg:s22], $0x5FFFF  }
0xc1: {  	[dreg:$0x1] =	wrdreg $0xFFFFFFFF  }
0xc2: {  	[dreg:$0x0] =	wrdreg $0x60  }
0xc3: {  	[dreg:$0x2] =	wrdreg s17  }
0xc4: {  	[dreg:$0x3] =	wrdreg s24  }
0xc5: {  	[dreg:$0x4] =	wrdreg s18  }
0xc6: {  	[dreg:$0x5] =	wrdreg $0xB  }
0xc7: {  	_ =	task.clear_ibuf [dreg:s22], $0x6FFFF;
	_ =	strace $0x9000004C  }
0xc8: {  	s29 =	simm.s32 $0xB;
	_ =	strace $0x8000004E  }
0xc9: {  	_ =	swait.ge [sflag:s29], $0x1  }
0xca: {  	[sflag:s29] =	ssyncadd.s32 $0xFFFFFFFF  }
0xcb: {  	_ =	strace $0x9000004E  }
0xcc: {  	_ =	sfence  }
0xcd: {  	s30 =	sld [smem:$0x0];
	_ =	sdelay $0x2  }
0xce: {  	s31 =	sshll.u32 s1, $0xD;
	s1 =	sshrl.u32 s1, $0x2  }
0xcf: {  	s4 =	sand.u32 $0x4000, s31;
	s1 =	sadd.s32 s1, s30  }
0xd0: {  	s0 =	sor.u32 s4, s0;
	s1 =	sshll.u32 s1, $0x11  }
0xd1: {  	s0 =	sor.u32 s1, s0  }
0xd2: {  	s0 =	sadd.s32 $0x8F2B, s0  }
0xd3: {  	[sflag:s0] =	ssyncadd.remote.s32 $0x1  }
0xd4: {  	_ =	sfence.sel $0xFFFF  }
0xd5: {  	[dreg:$0x0] =	wrdreg $0xFFFFFFFF;
	(pc) =	sbr.abs _section_cstart, $3  }
0xd6: {  	[dreg:$0x1] =	wrdreg $0xFFFFFFFF  }
0xd7: {  	_ =	task.clear_ibuf [dreg:s22], $0x2FFFF;
	_ =	strace $0x9FFFFFFF  }
0xd8: {  	(tm) =	ssettm $0x7FFFFFFF  }
0xd9: {  	_ =	shalt  }
tec
execute0_lowered:
.L_overlay_start_1:
0x0: {  	(tag) =	ssettag $0x1  }
0x1: {  	s1 =	srdreg.scid;
	s0 =	stileid.u32  }
0x2: {  	s4 =	sand.u32 $0x1, s1;
	s31 =	sshll.u32 s0, $0x1  }
0x3: {  	s1 =	sor.u32 s4, s31  }
0x4: {  	s6 =	smul.u32 $0x271, s1;
	_ =	sdelay $0x1  }
0x5: {  	s7 =	sadd.s32 $0x271, s6  }
0x6: {  	s10 =	sshrl.u32 s6, $0x5;
	s8 =	sshrl.u32 s7, $0x5  }
0x7: {  	p0 =	sle.u32 s8, s10  }
.Ltmp0:
0x8: {  	s2 =	rddreg [dreg:$0x0];
	(pc) =	sbr.rel @p0 .LBB2_8-.Ltmp0, $4  }
0x9: {  	s5 =	rddreg [dreg:$0x1]  }
0xa: {  	s9 =	rddreg [dreg:$0x2];
	s3 =	simm.s32 $0x0  }
0xb: {  	[smem:$0x7FF] =	sst s3  }
0xc: {  	s1 =	rddreg [dreg:$0x3];
	_ =	strace $0x8000004D  }
0xd: {  	s6 =	ssub.s32 $0x2, s4  }
0xe: {  	s4 =	sadd.s32 $0x3800, s5;
	s5 =	sadd.s32 $0xD600, s5;
	s30 =	sshll.u32 s10, $0x7  }
0xf: {  	s8 =	ssub.s32 s8, s10;
	s31 =	sshll.u32 s10, $0xB;
	s10 =	simm.s32 $0x3  }
0x10: {  	s11 =	simm.s32 $0x80;
	s12 =	simm.s32 $0x100;
	s13 =	simm.s32 $0x2100  }
0x11: {  	s14 =	simm.s32 $0x1;
	s15 =	simm.s32 $0x2;
	s7 =	sshrl.u32 s6, $0x1  }
0x12: {  	s16 =	simm.s32 $0x40;
	s17 =	simm.s32 $0x0;
	s6 =	ssub.s32 s6, s7  }
0x13: {  	s9 =	sadd.s32 s31, s9;
	s7 =	sadd.s32 $0x13880, s30;
	s6 =	smax.u32 s6, $0x1  }
.LBB2_2:
0x14: {  	p1 =	sne.s32 s8, $0x1  }
.Ltmp1:
0x15: {  	_ = 	snop;
	(pc) =	sbr.rel @!p1 .LBB2_3-.Ltmp1, $2  }
0x16: {  	_ =	sdelay $0x2  }
0x17: {  	s18 =	sadd.s32 $0xFFFFFFFF, s8;
	s21 =	sshrl.u32 s7, $0x3;
	p0 =	por $0x0, $0x0  }
0x18: {  	s19 =	sadd.s32 s4, s21  }
0x19: {  	[tilespmem:s3], [sflag:$0x3] =	stream.linear.gather [hbm4b:s19+s3], $0x80, $0x38;
	[tilespmem:$0x4100] =	vst v63  }
0x1a: {  	_ =	swait.ge [sflag:s10], $0x80  }
0x1b: {  	[sflag:s10] =	ssyncset.done $0x0  }
0x1c: {  	s30 =	sadd.s32 s5, s21;
	[sflag:s10] =	ssyncadd.s32 $0xFFFFFF80  }
0x1d: {  	[tilespmem:s11], [sflag:$0x3] =	stream.linear.gather [hbm4b:s30+s3], $0x80, $0x38;
	[tilespmem:$0x4100] =	vst v63  }
0x1e: {  	_ =	swait.ge [sflag:s10], $0x80  }
0x1f: {  	[sflag:s10] =	ssyncset.done $0x0  }
0x20: {  	[sflag:s10] =	ssyncadd.s32 $0xFFFFFF80  }
0x21: {  	[tilespmem:s12], [sflag:$0x1] =	stream.indirect.gather [hbm4b:s2+s11], $0x40, s3, s11, $0xb8;
	[tilespmem:$0x4100] =	vst v63  }
0x22: {  	_ = 	snop  }
0x23: {  	[tilespmem:s13], [sflag:$0x2] =	stream.indirect.gather [hbm4b:s2+s11], $0x40, s11, s11, $0xb8;
	[tilespmem:$0x4100] =	vst v63  }
0x24: {  	_ =	swait.ge [sflag:s14], $0x2000  }
0x25: {  	[sflag:s14] =	ssyncset.done $0x0  }
0x26: {  	[sflag:s14] =	ssyncadd.s32 $0xFFFFE000  }
0x27: {  	_ =	swait.ge [sflag:s15], $0x2000  }
0x28: {  	[sflag:s15] =	ssyncset.done $0x0  }
0x29: {  	[sflag:s15] =	ssyncadd.s32 $0xFFFFE000  }
0x2a: {  	[hbm4b:s9+s16] =	stream.strided.scatter [tilespmem:s12], [sflag:$0x3], $0x2000, s11, s16, $0x38;
	[tilespmem:$0x4100] =	vst v63  }
0x2b: {  	p1 =	sne.s32 s18, $0x1;
	_ =	swait.ge [sflag:s10], $0x2000  }
.Ltmp2:
0x2c: {  	[sflag:s10] =	ssyncset.done $0x0;
	(pc) =	sbr.rel @!p1 .LBB2_5-.Ltmp2, $4  }
0x2d: {  	s31 =	sadd.s32 $0x8, s9;
	s20 =	sadd.s32 $0x80, s7;
	[sflag:s10] =	ssyncadd.s32 $0xFFFFE000  }
0x2e: {  	[hbm4b:s31+s16] =	stream.strided.scatter [tilespmem:s13], [sflag:$0x3], $0x2000, s11, s16, $0x38;
	[tilespmem:$0x4100] =	vst v63  }
0x2f: {  	p0 =	por $0x1, $0x1;
	s19 =	sadd.s32 $0xFFFFFFFF, s18;
	_ =	swait.ge [sflag:s10], $0x2000  }
0x30: {  	s21 =	sshrl.u32 s20, $0x3;
	s18 =	smov.u32 s9;
	[sflag:s10] =	ssyncset.done $0x0  }
.LBB2_6:
0x31: {  	s22 =	sadd.s32 s4, s21;
	[sflag:s10] =	ssyncadd.s32 $0xFFFFE000;
	s18 =	sadd.s32 $0x800, s18  }
0x32: {  	[tilespmem:s3], [sflag:$0x3] =	stream.linear.gather [hbm4b:s22+s3], $0x80, $0x38;
	[tilespmem:$0x4100] =	vst v63  }
0x33: {  	p1 =	sne.s32 s19, $0x1;
	s19 =	sadd.s32 $0xFFFFFFFF, s19;
	_ =	swait.ge [sflag:s10], $0x80  }
0x34: {  	[sflag:s10] =	ssyncset.done $0x0  }
0x35: {  	s21 =	sadd.s32 s5, s21;
	[sflag:s10] =	ssyncadd.s32 $0xFFFFFF80  }
0x36: {  	[tilespmem:s11], [sflag:$0x3] =	stream.linear.gather [hbm4b:s21+s3], $0x80, $0x38;
	[tilespmem:$0x4100] =	vst v63  }
0x37: {  	_ =	swait.ge [sflag:s10], $0x80  }
0x38: {  	[sflag:s10] =	ssyncset.done $0x0  }
0x39: {  	[sflag:s10] =	ssyncadd.s32 $0xFFFFFF80  }
0x3a: {  	[tilespmem:s12], [sflag:$0x1] =	stream.indirect.gather [hbm4b:s2+s11], $0x40, s3, s11, $0xb8;
	[tilespmem:$0x4100] =	vst v63  }
0x3b: {  	_ = 	snop  }
0x3c: {  	[tilespmem:s13], [sflag:$0x2] =	stream.indirect.gather [hbm4b:s2+s11], $0x40, s11, s11, $0xb8;
	[tilespmem:$0x4100] =	vst v63  }
0x3d: {  	_ =	swait.ge [sflag:s14], $0x2000  }
0x3e: {  	[sflag:s14] =	ssyncset.done $0x0  }
0x3f: {  	[sflag:s14] =	ssyncadd.s32 $0xFFFFE000  }
0x40: {  	_ =	swait.ge [sflag:s15], $0x2000  }
0x41: {  	[sflag:s15] =	ssyncset.done $0x0  }
0x42: {  	[sflag:s15] =	ssyncadd.s32 $0xFFFFE000  }
0x43: {  	[hbm4b:s18+s16] =	stream.strided.scatter [tilespmem:s12], [sflag:$0x3], $0x2000, s11, s16, $0x38;
	[tilespmem:$0x4100] =	vst v63  }
0x44: {  	_ =	swait.ge [sflag:s10], $0x2000  }
.Ltmp3:
0x45: {  	[sflag:s10] =	ssyncset.done $0x0;
	(pc) =	sbr.rel @p1 .LBB2_6-.Ltmp3, $4  }
0x46: {  	s21 =	sadd.s32 $0x8, s18;
	[sflag:s10] =	ssyncadd.s32 $0xFFFFE000  }
0x47: {  	[hbm4b:s21+s16] =	stream.strided.scatter [tilespmem:s13], [sflag:$0x3], $0x2000, s11, s16, $0x38;
	[tilespmem:$0x4100] =	vst v63  }
0x48: {  	s20 =	sadd.s32 $0x80, s20;
	_ =	swait.ge [sflag:s10], $0x2000  }
0x49: {  	s21 =	sshrl.u32 s20, $0x3;
	[sflag:s10] =	ssyncset.done $0x0  }
.LBB2_7:
0x4a: {  	s19 =	sadd.s32 s4, s21;
	[sflag:s10] =	ssyncadd.s32 @p0 $0xFFFFE000  }
0x4b: {  	[tilespmem:s3], [sflag:$0x3] =	stream.linear.gather [hbm4b:s19+s3], $0x80, $0x38;
	[tilespmem:$0x4100] =	vst v63  }
0x4c: {  	_ =	swait.ge [sflag:s10], $0x80  }
0x4d: {  	[sflag:s10] =	ssyncset.done $0x0  }
0x4e: {  	s31 =	sadd.s32 s5, s21;
	[sflag:s10] =	ssyncadd.s32 $0xFFFFFF80  }
0x4f: {  	[tilespmem:s11], [sflag:$0x3] =	stream.linear.gather [hbm4b:s31+s3], $0x80, $0x38;
	[tilespmem:$0x4100] =	vst v63  }
0x50: {  	_ =	swait.ge [sflag:s10], $0x80  }
0x51: {  	[sflag:s10] =	ssyncset.done $0x0  }
0x52: {  	[sflag:s10] =	ssyncadd.s32 $0xFFFFFF80  }
0x53: {  	[tilespmem:s12], [sflag:$0x1] =	stream.indirect.gather [hbm4b:s2+s11], $0x40, s3, s11, $0xb8;
	[tilespmem:$0x4100] =	vst v63  }
0x54: {  	_ = 	snop  }
0x55: {  	[tilespmem:s13], [sflag:$0x2] =	stream.indirect.gather [hbm4b:s2+s11], $0x40, s11, s11, $0xb8;
	[tilespmem:$0x4100] =	vst v63  }
0x56: {  	_ =	swait.ge [sflag:s14], $0x2000  }
0x57: {  	[sflag:s14] =	ssyncset.done $0x0  }
0x58: {  	[sflag:s14] =	ssyncadd.s32 $0xFFFFE000  }
0x59: {  	_ =	swait.ge [sflag:s15], $0x2000  }
0x5a: {  	s18 =	sadd.s32 @p0 $0x800, s18;
	s19 =	smov.u32 s9;
	[sflag:s15] =	ssyncset.done $0x0  }
0x5b: {  	s19 =	smov.u32 @p0 s18;
	[sflag:s15] =	ssyncadd.s32 $0xFFFFE000  }
0x5c: {  	[hbm4b:s19+s16] =	stream.strided.scatter [tilespmem:s12], [sflag:$0x3], $0x2000, s11, s16, $0x38;
	[tilespmem:$0x4100] =	vst v63  }
0x5d: {  	_ =	swait.ge [sflag:s10], $0x2000  }
0x5e: {  	s17 =	sadd.s32 $0x1, s17;
	[sflag:s10] =	ssyncset.done $0x0  }
0x5f: {  	p0 =	sne.s32 s17, s6;
	s18 =	sadd.s32 $0x8, s19;
	[sflag:s10] =	ssyncadd.s32 $0xFFFFE000  }
0x60: {  	[hbm4b:s18+s16] =	stream.strided.scatter [tilespmem:s13], [sflag:$0x3], $0x2000, s11, s16, $0x38;
	[tilespmem:$0x4100] =	vst v63  }
.Ltmp4:
0x61: {  	_ = 	snop;
	(pc) =	sbr.rel @p0 .LBB2_2-.Ltmp4, $4  }
.Ltmp5:
0x62: {  	_ = 	snop;
	(pc) =	sbr.rel @!p0 .LBB2_8-.Ltmp5, $4  }
0x63: {  	_ =	swait.ge [sflag:s10], $0x2000  }
0x64: {  	[sflag:s10] =	ssyncset.done $0x0  }
0x65: {  	[sflag:s10] =	ssyncadd.s32 $0xFFFFE000  }
0x66: {  	_ = 	snop  }
.LBB2_3:
.Ltmp6:
0x67: {  	(pc) =	sbr.rel .LBB2_7-.Ltmp6, $2  }
0x68: {  	_ =	sdelay $0x2  }
0x69: {  	s18 =	smov.u32 s9  }
.LBB2_5:
.Ltmp7:
0x6a: {  	(pc) =	sbr.rel .LBB2_7-.Ltmp7, $2  }
0x6b: {  	_ =	sdelay $0x2  }
0x6c: {  	s18 =	smov.u32 s9  }
.LBB2_8:
0x6d: {  	_ =	sfence.sel $0x180000  }
0x6e: {  	[bflag:$0x0] =	sbarrier.arrive $0xFFFF  }
0x6f: {  	p0 =	sne.s32 s0, $0x0;
	_ =	strace $0x9000004D  }
0x70: {  	s0 =	sadd.s32 @!p0 $0x100000, s1;
	[bflag:$0x2] =	sbarrier.arrive $0xFFFF  }
0x71: {  	[sflag:s0] =	ssyncadd.tile.s32 @!p0 $0x1;
	_ =	shalt  }
.Lfunc_end2:
_tile_overlayer_lowered:
.L_overlay_start_2:
0x72: {  	(tag) =	ssettag $0x2  }
0x73: {  	s0 =	rddreg [dreg:$0x0];
	s2 =	stileid.u32  }
0x74: {  	s1 =	rddreg [dreg:$0x1];
	p0 =	sne.s32 s2, $0x0  }
0x75: {  	s3 =	rddreg [dreg:$0x2];
	[bflag:$0x3] =	sbarrier.arrive $0xFFFF;
	s2 =	simm.s32 @!p0 $0x1C03  }
0x76: {  	[timem:s3], [sflag:s2] =	dma.local @!p0 [hbm:s0], s1  }
0x77: {  	s0 =	simm.s32 @!p0 $0x3  }
0x78: {  	_ =	swait.ge @!p0 [sflag:s0], s1  }
0x79: {  	s1 =	ssub.s32 @!p0 $0x0, s1;
	[sflag:s0] =	ssyncset.done @!p0 $0x0  }
0x7a: {  	[sflag:s0] =	ssyncadd.s32 @!p0 s1  }
0x7b: {  	[bflag:$0x3] =	sbarrier.arrive $0xFFFF  }
0x7c: {  	_ =	shalt  }

// kernel: kernel.24.cloned.1.call-start
scs
__scs_entry_jumppad:
0x0: {  	(pc) =	sbr.rel $0x88, $3  }
0x1: {  	(tag) =	ssettag $0x0;
	lr =	simm.s32 $0x1  }
0x2: {  	[smem:$0x3F94] =	sst lr;
	_ =	strace $0xD0000000  }
0x3: {  	_ = 	snop  }
0x4: {  	_ = 	snop  }
0x5: {  	_ = 	snop  }
0x6: {  	_ = 	snop  }
0x7: {  	_ = 	snop  }
__scs_overlays_trampoline_lowered:
0x8: {  	[smem:$0x3FA3] =	sst s0  }
0x9: {  	[smem:$0x3FA4] =	sst s1  }
0xa: {  	[smem:$0x3FA5] =	sst s2  }
0xb: {  	[smem:$0x3FA6] =	sst s3  }
0xc: {  	[smem:$0x3FA7] =	sst s4  }
0xd: {  	[smem:$0x3FA8] =	sst s5  }
0xe: {  	[smem:$0x3FA9] =	sst s6  }
0xf: {  	[smem:$0x3FAA] =	sst s7  }
0x10: {  	[smem:$0x3FAB] =	sst s8  }
0x11: {  	[smem:$0x3FAC] =	sst s9;
	s0 =	simm.s32 @!p0 $0x0  }
0x12: {  	s1 =	sld [smem:$0x3F92];
	s0 =	simm.s32 @p0 $0x1  }
0x13: {  	[smem:$0x3FAD] =	sst s0;
	s0 =	simm.s32 @!p1 $0x0  }
0x14: {  	s2 =	sld [smem:$0x3F91];
	s0 =	simm.s32 @p1 $0x1  }
0x15: {  	[smem:$0x3FAE] =	sst s0;
	s0 =	simm.s32 @!p2 $0x0  }
0x16: {  	s3 =	sld [smem:$0x3FDB];
	s0 =	simm.s32 @p2 $0x1  }
0x17: {  	s4 =	simm.s32 $0x1BF5;
	[smem:$0x3FB0] =	sst s0  }
0x18: {  	s0 =	sld [smem:$0x3F93];
	_ =	swait.ge [sflag:s4], $0x0  }
0x19: {  	s7 =	sld [smem:$0x3F94]  }
0x1a: {  	s8 =	sadd.s32 $0xFFFFE003, lr  }
0x1b: {  	s9 =	sadd.s32 $0xFFFFFEF7, lr;
	s5 =	simm.s32 $0xFFFFFFFF;
	p2 =	slt.u32 s8, $0xFFFFF086  }
0x1c: {  	p1 =	slt.u32 s9, $0xF7A;
	s5 =	simm.s32 @!p2 $0x0  }
0x1d: {  	s5 =	simm.s32 @p1 $0x1;
	p0 =	seq.s32 s7, s2  }
0x1e: {  	s7 =	smul.u32 @!p0 $0xF7A, s2;
	p2 =	seq.s32 @!p0 s5, $0x0  }
0x1f: {  	s9 =	smul.u32 $0xF7A, s1;
	s8 =	simm.s32 @!p0 $0x1BF5;
	p2 =	por !p2, p0  }
0x20: {  	[sflag:s8] =	ssyncset.s32 @!p0 $0xFFFFF086;
	s6 =	sadd.s32 @!p0 s3, s7;
	s7 =	simm.s32 @!p0 $0x108  }
0x21: {  	s3 =	sadd.s32 s3, s9;
	s6 =	sadd.s32 @!p0 $0x88, s6;
	s7 =	simm.s32 @p2 $0x1082  }
0x22: {  	[simem:s7], [sflag:s8] =	dma.local @!p0 [hbm:s6], $0xF7A  }
0x23: {  	s9 =	sor.u32 $0xD0000000, s2;
	s6 =	simm.s32 $0x108;
	_ =	swait.ge @!p0 [sflag:s8], $0x0  }
0x24: {  	s3 =	sadd.s32 $0x88, s3;
	s6 =	simm.s32 @!p1 $0x1082;
	[sflag:s4] =	ssyncset.s32 $0xFFFFF086  }
0x25: {  	[simem:s6], [sflag:s4] =	dma.local [hbm:s3], $0xF7A  }
0x26: {  	[smem:$0x3F94] =	sst s1;
	(tag) =	ssettag s2;
	_ =	strace s9  }
0x27: {  	s1 =	sld [smem:$0x3FA4]  }
0x28: {  	s2 =	sld [smem:$0x3FA5]  }
0x29: {  	s4 =	sld [smem:$0x3FA7]  }
0x2a: {  	p0 =	seq.s32 s5, $0x0;
	s5 =	sld [smem:$0x3FA8]  }
0x2b: {  	s6 =	sld [smem:$0x3FA9]  }
0x2c: {  	s7 =	sld [smem:$0x3FAA]  }
0x2d: {  	s3 =	simm.s32 $0x108;
	s8 =	sld [smem:$0x3FAB]  }
0x2e: {  	s3 =	simm.s32 @!p0 $0x1082;
	s9 =	sld [smem:$0x3FAC]  }
0x2f: {  	lr =	sadd.s32 s0, s3;
	s0 =	sld [smem:$0x3FA3]  }
0x30: {  	s3 =	sld [smem:$0x3FA6]  }
0x31: {  	[smem:$0x3FAF] =	sst s10  }
0x32: {  	s10 =	sld [smem:$0x3FAD];
	_ =	sdelay $0x3  }
0x33: {  	p0 =	seq.s32 s10, $0x1;
	s10 =	sld [smem:$0x3FAF];
	_ =	sdelay $0x3  }
0x34: {  	[smem:$0x3FAF] =	sst s10  }
0x35: {  	s10 =	sld [smem:$0x3FAE];
	_ =	sdelay $0x3  }
0x36: {  	p1 =	seq.s32 s10, $0x1;
	s10 =	sld [smem:$0x3FAF];
	_ =	sdelay $0x3  }
0x37: {  	[smem:$0x3FAF] =	sst s10  }
0x38: {  	s10 =	sld [smem:$0x3FB0]  }
0x39: {  	_ = 	snop;
	(pc) =	sbr.ind lr, $3  }
0x3a: {  	_ = 	snop  }
0x3b: {  	_ = 	snop  }
0x3c: {  	p2 =	seq.s32 s10, $0x1;
	s10 =	sld [smem:$0x3FAF]  }
0x3d: {  	_ =	shalt  }
0x3e: {  	_ =	shalt  }
0x3f: {  	_ =	shalt  }
0x40: {  	_ =	shalt  }
0x41: {  	_ =	shalt  }
0x42: {  	_ =	shalt  }
0x43: {  	_ =	shalt  }
0x44: {  	_ =	shalt  }
0x45: {  	_ =	shalt  }
0x46: {  	_ =	shalt  }
0x47: {  	_ =	shalt  }
0x48: {  	_ =	shalt  }
0x49: {  	_ =	shalt  }
0x4a: {  	_ =	shalt  }
0x4b: {  	_ =	shalt  }
0x4c: {  	_ =	shalt  }
0x4d: {  	_ =	shalt  }
0x4e: {  	_ =	shalt  }
0x4f: {  	_ =	shalt  }
0x50: {  	_ =	shalt  }
0x51: {  	_ =	shalt  }
0x52: {  	_ =	shalt  }
0x53: {  	_ =	shalt  }
0x54: {  	_ =	shalt  }
0x55: {  	_ =	shalt  }
0x56: {  	_ =	shalt  }
0x57: {  	_ =	shalt  }
0x58: {  	_ =	shalt  }
0x59: {  	_ =	shalt  }
0x5a: {  	_ =	shalt  }
0x5b: {  	_ =	shalt  }
0x5c: {  	_ =	shalt  }
0x5d: {  	_ =	shalt  }
0x5e: {  	_ =	shalt  }
0x5f: {  	_ =	shalt  }
0x60: {  	_ =	shalt  }
0x61: {  	_ =	shalt  }
0x62: {  	_ =	shalt  }
0x63: {  	_ =	shalt  }
0x64: {  	_ =	shalt  }
0x65: {  	_ =	shalt  }
0x66: {  	_ =	shalt  }
0x67: {  	_ =	shalt  }
0x68: {  	_ =	shalt  }
0x69: {  	_ =	shalt  }
0x6a: {  	_ =	shalt  }
0x6b: {  	_ =	shalt  }
0x6c: {  	_ =	shalt  }
0x6d: {  	_ =	shalt  }
0x6e: {  	_ =	shalt  }
0x6f: {  	_ =	shalt  }
0x70: {  	_ =	shalt  }
0x71: {  	_ =	shalt  }
0x72: {  	_ =	shalt  }
0x73: {  	_ =	shalt  }
0x74: {  	_ =	shalt  }
0x75: {  	_ =	shalt  }
0x76: {  	_ =	shalt  }
0x77: {  	_ =	shalt  }
0x78: {  	_ =	shalt  }
0x79: {  	_ =	shalt  }
0x7a: {  	_ =	shalt  }
0x7b: {  	_ =	shalt  }
0x7c: {  	_ =	shalt  }
0x7d: {  	_ =	shalt  }
0x7e: {  	_ =	shalt  }
0x7f: {  	_ =	shalt  }
0x80: {  	_ =	shalt  }
0x81: {  	_ =	shalt  }
0x82: {  	_ =	shalt  }
0x83: {  	_ =	shalt  }
0x84: {  	_ =	shalt  }
0x85: {  	_ =	shalt  }
0x86: {  	_ =	shalt  }
0x87: {  	_ =	shalt  }
.Lfunc_end0:
.L_simem_size_0:
called_computation.3_lowered:
.L_overlay_start_0:
0x88: {  	s2 =	sld [smem:$0x3FD9]  }
0x89: {  	s3 =	sld [smem:$0x3FFE];
	_ =	sdelay $0x1  }
0x8a: {  	s1 =	srdreg.scid  }
0x8b: {  	s0 =	sand.u32 $0x1, s1  }
0x8c: {  	s17 =	sshll.u32 s0, $0xA;
	s2 =	sadd.s32 s3, s2  }
0x8d: {  	s2 =	sadd.s32 s2, s17  }
0x8e: {  	[smem:$0x3FBB] =	sst s2  }
0x8f: {  	_ = 	snop  }
0x90: {  	(tm) =	ssettm $0x1  }
0x91: {  	s18 =	sld [smem:$0x3FFB];
	_ =	sdelay $0x3  }
0x92: {  	_ =	strace s18  }
0x93: {  	s2 =	sld [smem:$0x3FFC];
	_ =	sdelay $0x3  }
0x94: {  	_ =	strace s2  }
0x95: {  	s2 =	sld [smem:$0x3FFD];
	_ =	sdelay $0x3  }
0x96: {  	_ =	strace s2  }
0x97: {  	_ =	strace $0x8FFFFFFF  }
0x98: {  	s19 =	sld [smem:$0x3FDB];
	_ =	sdelay $0x1  }
0x99: {  	s20 =	simm.s32 $_scs_section_size  }
0x9a: {  	s4 =	simm.s32 $_size__tile_overlayer_lowered;
	s5 =	simm.s32 $_tile_overlayer_lowered  }
0x9b: {  	s6 =	simm.s32 $0x1BFF;
	s21 =	sshll.u32 s5, $0x1;
	s3 =	sadd.s32 s20, s19  }
0x9c: {  	s22 =	simm.s32 $0x0;
	s4 =	sshll.u32 s4, $0x1;
	s5 =	sadd.s32 s21, s3  }
0x9d: {  	[timem:s22], [sflag:s6] =	dma.local [hbm:s5], s4  }
0x9e: {  	_ =	swait.ge [sflag:s6], s4  }
0x9f: {  	s4 =	ssub.s32 $0x0, s4;
	[sflag:s6] =	ssyncset.done $0x0  }
0xa0: {  	[sflag:s6] =	ssyncadd.s32 s4;
	_ =	sdelay $0x1  }
0xa1: {  	s23 =	simm.s32 $0x1B8B  }
0xa2: {  	_ =	swait.ge [sflag:s23], $0x1  }
0xa3: {  	[sflag:s23] =	ssyncset.done $0x0  }
0xa4: {  	[sflag:s23] =	ssyncadd.s32 $0xFFFFFFFF  }
0xa5: {  	s4 =	sld [smem:$0x0]  }
0xa6: {  	s5 =	sand.u32 $0xFFFFFFFE, s1  }
0xa7: {  	p0 =	sne.s32 s1, s5  }
0xa8: {  	s5 =	sshll.u32 @p0 s5, $0xE  }
0xa9: {  	s5 =	sadd.s32 @p0 $0x11B8D, s5;
	s6 =	sshll.u32 @p0 s4, $0x11  }
0xaa: {  	s5 =	sor.u32 @p0 s6, s5  }
0xab: {  	[sflag:s5] =	ssyncadd.remote.s32 @p0 $0x1;
	_ =	sdelay $0x1  }
0xac: {  	s5 =	simm.s32 @p0 $0x1B8D  }
0xad: {  	_ =	swait.eq @p0 [sflag:s5], $0x1  }
0xae: {  	[sflag:s5] =	ssyncadd.s32 @p0 $0xFFFFFFFF  }
0xaf: {  	s6 =	sshll.u32 @!p0 s1, $0xE  }
0xb0: {  	s6 =	sor.u32 @!p0 $0x4000, s6;
	s5 =	simm.s32 @!p0 $0x1B8D  }
0xb1: {  	s4 =	sshll.u32 @!p0 s4, $0x11;
	s6 =	sadd.s32 @!p0 $0x11B8D, s6;
	_ =	swait.eq @!p0 [sflag:s5], $0x1  }
0xb2: {  	s4 =	sor.u32 @!p0 s4, s6;
	[sflag:s5] =	ssyncadd.s32 @!p0 $0xFFFFFFFF  }
0xb3: {  	s25 =	simm.s32 $0x1B8E;
	s24 =	sld [smem:$0x3FFE];
	[sflag:s4] =	ssyncadd.remote.s32 @!p0 $0x1  }
0xb4: {  	s26 =	simm.s32 $execute0_lowered;
	[smem:$0x3FD2] =	sst s25  }
0xb5: {  	s5 =	sshll.u32 s26, $0x1;
	_ =	strace $0x80000058;
	[dreg:$0x1] =	wrdreg $0xFFFFFFFF  }
0xb6: {  	s28 =	simm.s32 $_size_execute0_lowered;
	s3 =	sadd.s32 s3, s5;
	[dreg:$0x0] =	wrdreg $0x0  }
0xb7: {  	s5 =	sshll.u32 s28, $0x1;
	[dreg:$0x2] =	wrdreg s3  }
0xb8: {  	[dreg:$0x3] =	wrdreg s5  }
0xb9: {  	[dreg:$0x4] =	wrdreg $0xC0  }
0xba: {  	_ =	task [dreg:s22], $0x5FFFF  }
0xbb: {  	[dreg:$0x1] =	wrdreg $0xFFFFFFFF  }
0xbc: {  	[dreg:$0x0] =	wrdreg $0x60  }
0xbd: {  	[dreg:$0x2] =	wrdreg s24  }
0xbe: {  	[dreg:$0x3] =	wrdreg $0x0  }
0xbf: {  	[dreg:$0x4] =	wrdreg $0xB  }
0xc0: {  	_ =	task.clear_ibuf [dreg:s22], $0x5FFFF;
	_ =	strace $0x90000058  }
0xc1: {  	s29 =	simm.s32 $0xB;
	_ =	strace $0x8000005A  }
0xc2: {  	_ =	swait.ge [sflag:s29], $0x1  }
0xc3: {  	[sflag:s29] =	ssyncadd.s32 $0xFFFFFFFF  }
0xc4: {  	_ =	strace $0x9000005A  }
0xc5: {  	_ =	sfence  }
0xc6: {  	s30 =	sld [smem:$0x0];
	_ =	sdelay $0x2  }
0xc7: {  	s31 =	sshll.u32 s1, $0xD;
	s1 =	sshrl.u32 s1, $0x2  }
0xc8: {  	s4 =	sand.u32 $0x4000, s31;
	s1 =	sadd.s32 s1, s30  }
0xc9: {  	s0 =	sor.u32 s4, s0;
	s1 =	sshll.u32 s1, $0x11  }
0xca: {  	s0 =	sor.u32 s1, s0  }
0xcb: {  	s0 =	sadd.s32 $0x8F2B, s0  }
0xcc: {  	[sflag:s0] =	ssyncadd.remote.s32 $0x1  }
0xcd: {  	_ =	sfence.sel $0xFFFF  }
0xce: {  	[dreg:$0x0] =	wrdreg $0xFFFFFFFF;
	(pc) =	sbr.abs _section_cstart, $3  }
0xcf: {  	[dreg:$0x1] =	wrdreg $0xFFFFFFFF  }
0xd0: {  	_ =	task.clear_ibuf [dreg:s22], $0x2FFFF;
	_ =	strace $0x9FFFFFFF  }
0xd1: {  	(tm) =	ssettm $0x7FFFFFFF  }
tec
execute0_lowered:
.L_overlay_start_1:
0x0: {  	(tag) =	ssettag $0x1  }
0x1: {  	s1 =	srdreg.scid  }
0x2: {  	s0 =	stileid.u32;
	s4 =	rddreg [dreg:$0x0]  }
0x3: {  	s2 =	rddreg [dreg:$0x1];
	s3 =	simm.s32 $0x0;
	s6 =	smul.u32 $0x4E2, s0  }
0x4: {  	s15 =	simm.s32 $0x13C80;
	s16 =	simm.s32 $0x80;
	s23 =	smul.u32 $0x13C00, s0  }
0x5: {  	s5 =	sand.u32 $0x1, s1;
	s1 =	rddreg [dreg:$0x2];
	s28 =	smul.u32 $0x4F000, s0  }
0x6: {  	s17 =	simm.s32 $0x0;
	[smem:$0x7FF] =	sst s3;
	s7 =	smul.u32 $0x271, s5  }
0x7: {  	s10 =	sshll.u32 s0, $0x1;
	s31 =	sshll.u32 s0, $0x6;
	s9 =	smul.u32 $0x13C000, s5  }
0x8: {  	_ =	strace $0x80000059;
	s24 =	sor.u32 s5, s10;
	s29 =	ssub.s32 $0x2, s5  }
0x9: {  	s5 =	sshrl.u32 s29, $0x1;
	s6 =	sadd.s32 s7, s6;
	s26 =	sadd.s32 s23, s9  }
0xa: {  	s7 =	sshrl.u32 s23, $0x3;
	s9 =	sshrl.u32 s28, $0x2;
	s13 =	ssub.s32 s29, s5  }
0xb: {  	s6 =	sshrl.u32 s6, $0x5;
	s7 =	sadd.s32 s7, s4;
	s14 =	sadd.s32 s9, s2  }
0xc: {  	s9 =	smax.u32 s13, $0x1;
	s13 =	simm.s32 $0x1;
	s8 =	sshll.u32 s6, $0xB  }
0xd: {  	s6 =	sshll.u32 s6, $0x4;
	s11 =	sadd.s32 s8, s4;
	s8 =	smul.u32 $0x271, s24  }
.Ltmp0:
0xe: {  	s25 =	sadd.s32 s6, s4;
	s6 =	sshrl.u32 s26, $0x3;
	(pc) =	sbr.rel .LBB2_1-.Ltmp0, $4  }
0xf: {  	s12 =	sadd.s32 s6, s4;
	s6 =	sadd.s32 $0x17400, s7;
	s7 =	sor.u32 $0x1C01, s31  }
0x10: {  	s10 =	sadd.s32 $0xFD10, s25;
	s11 =	sadd.s32 $0xDCC00, s11;
	s30 =	sadd.s32 $0x271, s8  }
0x11: {  	s5 =	sshrl.u32 s8, $0x5;
	s8 =	sadd.s32 $0x215400, s12;
	s4 =	sshrl.u32 s30, $0x5  }
0x12: {  	s12 =	sshrl.u32 s14, $0x3;
	s14 =	simm.s32 $0x13C00;
	p0 =	sge.u32 s5, s4  }
.LBB2_4:
0x13: {  	[sflag:s13] =	ssyncadd.s32 $0xFFFFC000  }
.LBB2_5:
0x14: {  	s17 =	sadd.s32 $0x1, s17  }
0x15: {  	p1 =	sne.s32 s17, s9  }
.Ltmp1:
0x16: {  	[bflag:$0x0] =	sbarrier.arrive $0xFFFF;
	(pc) =	sbr.rel @!p1 .LBB2_6-.Ltmp1, $4  }
0x17: {  	[hbm:s8], [sflag:s7] =	dma.local [spmem:s12], $0x2780  }
0x18: {  	_ =	swait.ge [sflag:s13], $0x2780  }
0x19: {  	[sflag:s13] =	ssyncset.done $0x0  }
0x1a: {  	[sflag:s13] =	ssyncadd.s32 $0xFFFFD880  }
.LBB2_1:
0x1b: {  	[spmem:s12], [sflag:s7] =	dma.local [hbm:s6], $0x2780  }
.Ltmp2:
0x1c: {  	_ =	swait.ge [sflag:s13], $0x2780;
	(pc) =	sbr.rel @p0 .LBB2_5-.Ltmp2, $3  }
0x1d: {  	[sflag:s13] =	ssyncset.done $0x0  }
0x1e: {  	[sflag:s13] =	ssyncadd.s32 $0xFFFFD880  }
0x1f: {  	[bflag:$0x0] =	sbarrier.arrive $0xFFFF;
	_ =	sdelay $0x1  }
0x20: {  	[tilespmem:s14], [sflag:$0x1] =	stream.linear.gather [hbm4b:s10+s3], $0x80, $0x38;
	[tilespmem:$0x17C80] =	vst v63  }
0x21: {  	_ =	swait.ge [sflag:s13], $0x80  }
0x22: {  	[sflag:s13] =	ssyncset.done $0x0  }
0x23: {  	s18 =	sadd.s32 $0x1, s5;
	[sflag:s13] =	ssyncadd.s32 $0xFFFFFF80  }
0x24: {  	[tilespmem:s15], [sflag:$0x1] =	stream.linear.gather [hbm4b:s11+s3], $0x4000, $0x38;
	[tilespmem:$0x17C80] =	vst v63  }
0x25: {  	p1 =	slt.u32 s18, s4;
	_ =	swait.ge [sflag:s13], $0x4000  }
.Ltmp3:
0x26: {  	[sflag:s13] =	ssyncset.done $0x0;
	(pc) =	sbr.rel @!p1 .LBB2_4-.Ltmp3, $4  }
0x27: {  	[sflag:s13] =	ssyncadd.s32 $0xFFFFC000  }
0x28: {  	[spmem:s2] =	stream.indirect.scatter.add.f32 [tilespmem:s15], [sflag:$0x1], $0x80, s14, s16, $0xb8;
	[tilespmem:$0x17C80] =	vst v63  }
0x29: {  	_ =	swait.ge [sflag:s13], $0x4000  }
0x2a: {  	s19 =	sadd.s32 $0x800, s11;
	s20 =	smov.u32 s10;
	[sflag:s13] =	ssyncset.done $0x0  }
.LBB2_3:
0x2b: {  	s18 =	sadd.s32 $0x1, s18;
	[sflag:s13] =	ssyncadd.s32 $0xFFFFC000;
	s20 =	sadd.s32 $0x10, s20  }
0x2c: {  	[tilespmem:s14], [sflag:$0x1] =	stream.linear.gather [hbm4b:s20+s3], $0x80, $0x38;
	[tilespmem:$0x17C80] =	vst v63  }
0x2d: {  	p1 =	slt.u32 s18, s4;
	_ =	swait.ge [sflag:s13], $0x80  }
0x2e: {  	[sflag:s13] =	ssyncset.done $0x0  }
0x2f: {  	[sflag:s13] =	ssyncadd.s32 $0xFFFFFF80  }
0x30: {  	[tilespmem:s15], [sflag:$0x1] =	stream.linear.gather [hbm4b:s19+s3], $0x4000, $0x38;
	[tilespmem:$0x17C80] =	vst v63  }
0x31: {  	_ =	swait.ge [sflag:s13], $0x4000  }
.Ltmp4:
0x32: {  	[sflag:s13] =	ssyncset.done $0x0;
	(pc) =	sbr.rel @p1 .LBB2_3-.Ltmp4, $4  }
0x33: {  	[sflag:s13] =	ssyncadd.s32 $0xFFFFC000  }
0x34: {  	[spmem:s2] =	stream.indirect.scatter.add.f32 [tilespmem:s15], [sflag:$0x1], $0x80, s14, s16, $0xb8;
	[tilespmem:$0x17C80] =	vst v63  }
0x35: {  	_ =	swait.ge [sflag:s13], $0x4000  }
0x36: {  	s19 =	sadd.s32 $0x800, s19;
	[sflag:s13] =	ssyncset.done $0x0  }
.Ltmp5:
0x37: {  	_ = 	snop;
	(pc) =	sbr.rel .LBB2_4-.Ltmp5, $1  }
0x38: {  	_ =	sdelay $0x3  }
.LBB2_6:
0x39: {  	_ =	sfence.sel $0x180000  }
0x3a: {  	[bflag:$0x0] =	sbarrier.arrive $0xFFFF  }
0x3b: {  	p0 =	sne.s32 s0, $0x0;
	_ =	strace $0x90000059  }
0x3c: {  	s0 =	sadd.s32 @!p0 $0x100000, s1;
	[bflag:$0x2] =	sbarrier.arrive $0xFFFF  }
0x3d: {  	[sflag:s0] =	ssyncadd.tile.s32 @!p0 $0x1;
	_ =	shalt  }
.Lfunc_end2:
_tile_overlayer_lowered:
.L_overlay_start_2:
0x3e: {  	(tag) =	ssettag $0x2  }
0x3f: {  	s0 =	rddreg [dreg:$0x0];
	s2 =	stileid.u32  }
0x40: {  	s1 =	rddreg [dreg:$0x1];
	p0 =	sne.s32 s2, $0x0  }
0x41: {  	s3 =	rddreg [dreg:$0x2];
	[bflag:$0x3] =	sbarrier.arrive $0xFFFF;
	s2 =	simm.s32 @!p0 $0x1C01  }
0x42: {  	[timem:s3], [sflag:s2] =	dma.local @!p0 [hbm:s0], s1  }
0x43: {  	s0 =	simm.s32 @!p0 $0x1  }
0x44: {  	_ =	swait.ge @!p0 [sflag:s0], s1  }
0x45: {  	s1 =	ssub.s32 @!p0 $0x0, s1;
	[sflag:s0] =	ssyncset.done @!p0 $0x0  }
0x46: {  	[sflag:s0] =	ssyncadd.s32 @!p0 s1  }
0x47: {  	[bflag:$0x3] =	sbarrier.arrive $0xFFFF  }
0x48: {  	_ =	shalt  }

// kernel: kernel.27.cloned.1.call-start
scs
__scs_entry_jumppad:
0x0: {  	(pc) =	sbr.rel $0x88, $3  }
0x1: {  	(tag) =	ssettag $0x0;
	lr =	simm.s32 $0x1  }
0x2: {  	[smem:$0x3F94] =	sst lr;
	_ =	strace $0xD0000000  }
0x3: {  	_ = 	snop  }
0x4: {  	_ = 	snop  }
0x5: {  	_ = 	snop  }
0x6: {  	_ = 	snop  }
0x7: {  	_ = 	snop  }
__scs_overlays_trampoline_lowered:
0x8: {  	[smem:$0x3FA3] =	sst s0  }
0x9: {  	[smem:$0x3FA4] =	sst s1  }
0xa: {  	[smem:$0x3FA5] =	sst s2  }
0xb: {  	[smem:$0x3FA6] =	sst s3  }
0xc: {  	[smem:$0x3FA7] =	sst s4  }
0xd: {  	[smem:$0x3FA8] =	sst s5  }
0xe: {  	[smem:$0x3FA9] =	sst s6  }
0xf: {  	[smem:$0x3FAA] =	sst s7  }
0x10: {  	[smem:$0x3FAB] =	sst s8  }
0x11: {  	[smem:$0x3FAC] =	sst s9;
	s0 =	simm.s32 @!p0 $0x0  }
0x12: {  	s1 =	sld [smem:$0x3F92];
	s0 =	simm.s32 @p0 $0x1  }
0x13: {  	[smem:$0x3FAD] =	sst s0;
	s0 =	simm.s32 @!p1 $0x0  }
0x14: {  	s2 =	sld [smem:$0x3F91];
	s0 =	simm.s32 @p1 $0x1  }
0x15: {  	[smem:$0x3FAE] =	sst s0;
	s0 =	simm.s32 @!p2 $0x0  }
0x16: {  	s3 =	sld [smem:$0x3FDB];
	s0 =	simm.s32 @p2 $0x1  }
0x17: {  	s4 =	simm.s32 $0x1BF5;
	[smem:$0x3FB0] =	sst s0  }
0x18: {  	s0 =	sld [smem:$0x3F93];
	_ =	swait.ge [sflag:s4], $0x0  }
0x19: {  	s7 =	sld [smem:$0x3F94]  }
0x1a: {  	s8 =	sadd.s32 $0xFFFFE003, lr  }
0x1b: {  	s9 =	sadd.s32 $0xFFFFFEF7, lr;
	s5 =	simm.s32 $0xFFFFFFFF;
	p2 =	slt.u32 s8, $0xFFFFF086  }
0x1c: {  	p1 =	slt.u32 s9, $0xF7A;
	s5 =	simm.s32 @!p2 $0x0  }
0x1d: {  	s5 =	simm.s32 @p1 $0x1;
	p0 =	seq.s32 s7, s2  }
0x1e: {  	s7 =	smul.u32 @!p0 $0xF7A, s2;
	p2 =	seq.s32 @!p0 s5, $0x0  }
0x1f: {  	s9 =	smul.u32 $0xF7A, s1;
	s8 =	simm.s32 @!p0 $0x1BF5;
	p2 =	por !p2, p0  }
0x20: {  	[sflag:s8] =	ssyncset.s32 @!p0 $0xFFFFF086;
	s6 =	sadd.s32 @!p0 s3, s7;
	s7 =	simm.s32 @!p0 $0x108  }
0x21: {  	s3 =	sadd.s32 s3, s9;
	s6 =	sadd.s32 @!p0 $0x88, s6;
	s7 =	simm.s32 @p2 $0x1082  }
0x22: {  	[simem:s7], [sflag:s8] =	dma.local @!p0 [hbm:s6], $0xF7A  }
0x23: {  	s9 =	sor.u32 $0xD0000000, s2;
	s6 =	simm.s32 $0x108;
	_ =	swait.ge @!p0 [sflag:s8], $0x0  }
0x24: {  	s3 =	sadd.s32 $0x88, s3;
	s6 =	simm.s32 @!p1 $0x1082;
	[sflag:s4] =	ssyncset.s32 $0xFFFFF086  }
0x25: {  	[simem:s6], [sflag:s4] =	dma.local [hbm:s3], $0xF7A  }
0x26: {  	[smem:$0x3F94] =	sst s1;
	(tag) =	ssettag s2;
	_ =	strace s9  }
0x27: {  	s1 =	sld [smem:$0x3FA4]  }
0x28: {  	s2 =	sld [smem:$0x3FA5]  }
0x29: {  	s4 =	sld [smem:$0x3FA7]  }
0x2a: {  	p0 =	seq.s32 s5, $0x0;
	s5 =	sld [smem:$0x3FA8]  }
0x2b: {  	s6 =	sld [smem:$0x3FA9]  }
0x2c: {  	s7 =	sld [smem:$0x3FAA]  }
0x2d: {  	s3 =	simm.s32 $0x108;
	s8 =	sld [smem:$0x3FAB]  }
0x2e: {  	s3 =	simm.s32 @!p0 $0x1082;
	s9 =	sld [smem:$0x3FAC]  }
0x2f: {  	lr =	sadd.s32 s0, s3;
	s0 =	sld [smem:$0x3FA3]  }
0x30: {  	s3 =	sld [smem:$0x3FA6]  }
0x31: {  	[smem:$0x3FAF] =	sst s10  }
0x32: {  	s10 =	sld [smem:$0x3FAD];
	_ =	sdelay $0x3  }
0x33: {  	p0 =	seq.s32 s10, $0x1;
	s10 =	sld [smem:$0x3FAF];
	_ =	sdelay $0x3  }
0x34: {  	[smem:$0x3FAF] =	sst s10  }
0x35: {  	s10 =	sld [smem:$0x3FAE];
	_ =	sdelay $0x3  }
0x36: {  	p1 =	seq.s32 s10, $0x1;
	s10 =	sld [smem:$0x3FAF];
	_ =	sdelay $0x3  }
0x37: {  	[smem:$0x3FAF] =	sst s10  }
0x38: {  	s10 =	sld [smem:$0x3FB0]  }
0x39: {  	_ = 	snop;
	(pc) =	sbr.ind lr, $3  }
0x3a: {  	_ = 	snop  }
0x3b: {  	_ = 	snop  }
0x3c: {  	p2 =	seq.s32 s10, $0x1;
	s10 =	sld [smem:$0x3FAF]  }
0x3d: {  	_ =	shalt  }
0x3e: {  	_ =	shalt  }
0x3f: {  	_ =	shalt  }
0x40: {  	_ =	shalt  }
0x41: {  	_ =	shalt  }
0x42: {  	_ =	shalt  }
0x43: {  	_ =	shalt  }
0x44: {  	_ =	shalt  }
0x45: {  	_ =	shalt  }
0x46: {  	_ =	shalt  }
0x47: {  	_ =	shalt  }
0x48: {  	_ =	shalt  }
0x49: {  	_ =	shalt  }
0x4a: {  	_ =	shalt  }
0x4b: {  	_ =	shalt  }
0x4c: {  	_ =	shalt  }
0x4d: {  	_ =	shalt  }
0x4e: {  	_ =	shalt  }
0x4f: {  	_ =	shalt  }
0x50: {  	_ =	shalt  }
0x51: {  	_ =	shalt  }
0x52: {  	_ =	shalt  }
0x53: {  	_ =	shalt  }
0x54: {  	_ =	shalt  }
0x55: {  	_ =	shalt  }
0x56: {  	_ =	shalt  }
0x57: {  	_ =	shalt  }
0x58: {  	_ =	shalt  }
0x59: {  	_ =	shalt  }
0x5a: {  	_ =	shalt  }
0x5b: {  	_ =	shalt  }
0x5c: {  	_ =	shalt  }
0x5d: {  	_ =	shalt  }
0x5e: {  	_ =	shalt  }
0x5f: {  	_ =	shalt  }
0x60: {  	_ =	shalt  }
0x61: {  	_ =	shalt  }
0x62: {  	_ =	shalt  }
0x63: {  	_ =	shalt  }
0x64: {  	_ =	shalt  }
0x65: {  	_ =	shalt  }
0x66: {  	_ =	shalt  }
0x67: {  	_ =	shalt  }
0x68: {  	_ =	shalt  }
0x69: {  	_ =	shalt  }
0x6a: {  	_ =	shalt  }
0x6b: {  	_ =	shalt  }
0x6c: {  	_ =	shalt  }
0x6d: {  	_ =	shalt  }
0x6e: {  	_ =	shalt  }
0x6f: {  	_ =	shalt  }
0x70: {  	_ =	shalt  }
0x71: {  	_ =	shalt  }
0x72: {  	_ =	shalt  }
0x73: {  	_ =	shalt  }
0x74: {  	_ =	shalt  }
0x75: {  	_ =	shalt  }
0x76: {  	_ =	shalt  }
0x77: {  	_ =	shalt  }
0x78: {  	_ =	shalt  }
0x79: {  	_ =	shalt  }
0x7a: {  	_ =	shalt  }
0x7b: {  	_ =	shalt  }
0x7c: {  	_ =	shalt  }
0x7d: {  	_ =	shalt  }
0x7e: {  	_ =	shalt  }
0x7f: {  	_ =	shalt  }
0x80: {  	_ =	shalt  }
0x81: {  	_ =	shalt  }
0x82: {  	_ =	shalt  }
0x83: {  	_ =	shalt  }
0x84: {  	_ =	shalt  }
0x85: {  	_ =	shalt  }
0x86: {  	_ =	shalt  }
0x87: {  	_ =	shalt  }
.Lfunc_end0:
.L_simem_size_0:
called_computation.4_lowered:
.L_overlay_start_0:
0x88: {  	s2 =	sld [smem:$0x3FD9]  }
0x89: {  	s3 =	sld [smem:$0x3FFE];
	_ =	sdelay $0x1  }
0x8a: {  	s1 =	srdreg.scid  }
0x8b: {  	s0 =	sand.u32 $0x1, s1  }
0x8c: {  	s15 =	sshll.u32 s0, $0xA;
	s2 =	sadd.s32 s3, s2  }
0x8d: {  	s2 =	sadd.s32 s2, s15  }
0x8e: {  	[smem:$0x3FBB] =	sst s2  }
0x8f: {  	_ = 	snop  }
0x90: {  	s2 =	sld [smem:$0x3FD0];
	_ =	sdelay $0x2  }
0x91: {  	s16 =	simm.s32 $0xD;
	s4 =	simm.s32 $0x10  }
0x92: {  	[smem:s4], [sflag:s16] =	dma.local [hbm:s2], $0x1  }
0x93: {  	_ =	swait.eq [sflag:s16], $0x1  }
0x94: {  	[sflag:s16] =	ssyncset.done $0x0  }
0x95: {  	[sflag:s16] =	ssyncadd.s32 $0xFFFFFFFF  }
0x96: {  	s17 =	sld [smem:$0x10];
	(tm) =	ssettm $0x1  }
0x97: {  	s18 =	sld [smem:$0x3FFB];
	_ =	sdelay $0x3  }
0x98: {  	_ =	strace s18  }
0x99: {  	s2 =	sld [smem:$0x3FFC];
	_ =	sdelay $0x3  }
0x9a: {  	_ =	strace s2  }
0x9b: {  	s2 =	sld [smem:$0x3FFD];
	_ =	sdelay $0x3  }
0x9c: {  	_ =	strace s2  }
0x9d: {  	_ =	strace $0x8FFFFFFF  }
0x9e: {  	s19 =	sld [smem:$0x3FDB];
	_ =	sdelay $0x1  }
0x9f: {  	s20 =	simm.s32 $_scs_section_size  }
0xa0: {  	s5 =	simm.s32 $_size__tile_overlayer_lowered;
	s6 =	simm.s32 $_tile_overlayer_lowered  }
0xa1: {  	s7 =	simm.s32 $0x1BFF;
	s21 =	sshll.u32 s6, $0x1;
	s4 =	sadd.s32 s20, s19  }
0xa2: {  	s22 =	simm.s32 $0x0;
	s5 =	sshll.u32 s5, $0x1;
	s6 =	sadd.s32 s21, s4  }
0xa3: {  	[timem:s22], [sflag:s7] =	dma.local [hbm:s6], s5  }
0xa4: {  	_ =	swait.ge [sflag:s7], s5  }
0xa5: {  	s5 =	ssub.s32 $0x0, s5;
	[sflag:s7] =	ssyncset.done $0x0  }
0xa6: {  	[sflag:s7] =	ssyncadd.s32 s5;
	_ =	sdelay $0x1  }
0xa7: {  	s23 =	simm.s32 $0x1B8B  }
0xa8: {  	_ =	swait.ge [sflag:s23], $0x1  }
0xa9: {  	[sflag:s23] =	ssyncset.done $0x0  }
0xaa: {  	[sflag:s23] =	ssyncadd.s32 $0xFFFFFFFF  }
0xab: {  	s5 =	sld [smem:$0x0]  }
0xac: {  	s6 =	sand.u32 $0xFFFFFFFE, s1  }
0xad: {  	p0 =	sne.s32 s1, s6  }
0xae: {  	s6 =	sshll.u32 @p0 s6, $0xE  }
0xaf: {  	s6 =	sadd.s32 @p0 $0x11B8D, s6;
	s7 =	sshll.u32 @p0 s5, $0x11  }
0xb0: {  	s6 =	sor.u32 @p0 s7, s6  }
0xb1: {  	[sflag:s6] =	ssyncadd.remote.s32 @p0 $0x1;
	_ =	sdelay $0x1  }
0xb2: {  	s6 =	simm.s32 @p0 $0x1B8D  }
0xb3: {  	_ =	swait.eq @p0 [sflag:s6], $0x1  }
0xb4: {  	[sflag:s6] =	ssyncadd.s32 @p0 $0xFFFFFFFF  }
0xb5: {  	s7 =	sshll.u32 @!p0 s1, $0xE  }
0xb6: {  	s7 =	sor.u32 @!p0 $0x4000, s7;
	s6 =	simm.s32 @!p0 $0x1B8D  }
0xb7: {  	s5 =	sshll.u32 @!p0 s5, $0x11;
	s7 =	sadd.s32 @!p0 $0x11B8D, s7;
	_ =	swait.eq @!p0 [sflag:s6], $0x1  }
0xb8: {  	s5 =	sor.u32 @!p0 s5, s7;
	[sflag:s6] =	ssyncadd.s32 @!p0 $0xFFFFFFFF  }
0xb9: {  	s25 =	simm.s32 $0x1B8E;
	s24 =	sld [smem:$0x3FFE];
	[sflag:s5] =	ssyncadd.remote.s32 @!p0 $0x1  }
0xba: {  	s26 =	simm.s32 $execute0_lowered;
	[smem:$0x3FD2] =	sst s25  }
0xbb: {  	s6 =	sshll.u32 s26, $0x1;
	_ =	strace $0x80000049;
	[dreg:$0x1] =	wrdreg $0xFFFFFFFF  }
0xbc: {  	s28 =	simm.s32 $_size_execute0_lowered;
	s4 =	sadd.s32 s4, s6;
	[dreg:$0x0] =	wrdreg $0x0  }
0xbd: {  	s6 =	sshll.u32 s28, $0x1;
	[dreg:$0x2] =	wrdreg s4  }
0xbe: {  	[dreg:$0x3] =	wrdreg s6  }
0xbf: {  	[dreg:$0x4] =	wrdreg $0xC0  }
0xc0: {  	_ =	task [dreg:s22], $0x5FFFF  }
0xc1: {  	[dreg:$0x1] =	wrdreg $0xFFFFFFFF  }
0xc2: {  	[dreg:$0x0] =	wrdreg $0x60  }
0xc3: {  	[dreg:$0x2] =	wrdreg s17  }
0xc4: {  	[dreg:$0x3] =	wrdreg s24  }
0xc5: {  	[dreg:$0x4] =	wrdreg $0xC  }
0xc6: {  	_ =	task.clear_ibuf [dreg:s22], $0x5FFFF;
	_ =	strace $0x90000049  }
0xc7: {  	s29 =	simm.s32 $0xC;
	_ =	strace $0x8000004B  }
0xc8: {  	_ =	swait.ge [sflag:s29], $0x1  }
0xc9: {  	[sflag:s29] =	ssyncadd.s32 $0xFFFFFFFF  }
0xca: {  	_ =	strace $0x9000004B  }
0xcb: {  	_ =	sfence  }
0xcc: {  	s30 =	sld [smem:$0x0];
	_ =	sdelay $0x2  }
0xcd: {  	s31 =	sshll.u32 s1, $0xD;
	s1 =	sshrl.u32 s1, $0x2  }
0xce: {  	s4 =	sand.u32 $0x4000, s31;
	s1 =	sadd.s32 s1, s30  }
0xcf: {  	s0 =	sor.u32 s4, s0;
	s1 =	sshll.u32 s1, $0x11  }
0xd0: {  	s0 =	sor.u32 s1, s0  }
0xd1: {  	s0 =	sadd.s32 $0x8F2B, s0  }
0xd2: {  	[sflag:s0] =	ssyncadd.remote.s32 $0x1  }
0xd3: {  	_ =	sfence.sel $0xFFFF  }
0xd4: {  	[dreg:$0x0] =	wrdreg $0xFFFFFFFF;
	(pc) =	sbr.abs _section_cstart, $3  }
0xd5: {  	[dreg:$0x1] =	wrdreg $0xFFFFFFFF  }
0xd6: {  	_ =	task.clear_ibuf [dreg:s22], $0x2FFFF;
	_ =	strace $0x9FFFFFFF  }
0xd7: {  	(tm) =	ssettm $0x7FFFFFFF  }
tec
execute0_lowered:
.L_overlay_start_1:
0x0: {  	(tag) =	ssettag $0x1  }
0x1: {  	s1 =	srdreg.scid;
	s0 =	stileid.u32  }
0x2: {  	s4 =	sand.u32 $0x1, s1;
	s31 =	sshll.u32 s0, $0x1  }
0x3: {  	s1 =	sor.u32 s4, s31  }
0x4: {  	s5 =	smul.u32 $0x271, s1;
	_ =	sdelay $0x1  }
0x5: {  	s7 =	sadd.s32 $0x271, s5  }
0x6: {  	s9 =	sshrl.u32 s5, $0x5;
	s8 =	sshrl.u32 s7, $0x5  }
0x7: {  	p0 =	sle.u32 s8, s9  }
.Ltmp0:
0x8: {  	_ = 	snop;
	(pc) =	sbr.rel @p0 .LBB2_8-.Ltmp0, $4  }
0x9: {  	s2 =	rddreg [dreg:$0x0]  }
0xa: {  	s6 =	rddreg [dreg:$0x1];
	s3 =	simm.s32 $0x0  }
0xb: {  	[smem:$0x7FF] =	sst s3  }
0xc: {  	s1 =	rddreg [dreg:$0x2];
	_ =	strace $0x8000004A  }
0xd: {  	s7 =	ssub.s32 $0x2, s4;
	s4 =	sadd.s32 $0x3800, s6  }
0xe: {  	s5 =	sadd.s32 $0xD600, s6;
	s29 =	sadd.s32 $0x14FC00, s6;
	s30 =	sshll.u32 s9, $0x7  }
0xf: {  	s8 =	ssub.s32 s8, s9;
	s31 =	sshll.u32 s9, $0xB;
	s11 =	simm.s32 $0x80  }
0x10: {  	s12 =	simm.s32 $0x100;
	s13 =	simm.s32 $0x2100;
	s14 =	simm.s32 $0x1  }
0x11: {  	s15 =	simm.s32 $0x2;
	s16 =	simm.s32 $0x40;
	s10 =	sshrl.u32 s7, $0x1  }
0x12: {  	s17 =	simm.s32 $0x0;
	s9 =	sadd.s32 s31, s29;
	s7 =	ssub.s32 s7, s10  }
0x13: {  	s10 =	simm.s32 $0x3;
	s6 =	smax.u32 s7, $0x1;
	s7 =	sadd.s32 $0x27100, s30  }
.LBB2_2:
0x14: {  	p1 =	sne.s32 s8, $0x1  }
.Ltmp1:
0x15: {  	_ = 	snop;
	(pc) =	sbr.rel @!p1 .LBB2_3-.Ltmp1, $2  }
0x16: {  	_ =	sdelay $0x2  }
0x17: {  	s18 =	sadd.s32 $0xFFFFFFFF, s8;
	s21 =	sshrl.u32 s7, $0x3;
	p0 =	por $0x0, $0x0  }
0x18: {  	s19 =	sadd.s32 s4, s21  }
0x19: {  	[tilespmem:s3], [sflag:$0x3] =	stream.linear.gather [hbm4b:s19+s3], $0x80, $0x38;
	[tilespmem:$0x4100] =	vst v63  }
0x1a: {  	_ =	swait.ge [sflag:s10], $0x80  }
0x1b: {  	[sflag:s10] =	ssyncset.done $0x0  }
0x1c: {  	s30 =	sadd.s32 s5, s21;
	[sflag:s10] =	ssyncadd.s32 $0xFFFFFF80  }
0x1d: {  	[tilespmem:s11], [sflag:$0x3] =	stream.linear.gather [hbm4b:s30+s3], $0x80, $0x38;
	[tilespmem:$0x4100] =	vst v63  }
0x1e: {  	_ =	swait.ge [sflag:s10], $0x80  }
0x1f: {  	[sflag:s10] =	ssyncset.done $0x0  }
0x20: {  	[sflag:s10] =	ssyncadd.s32 $0xFFFFFF80  }
0x21: {  	[tilespmem:s12], [sflag:$0x1] =	stream.indirect.gather [hbm4b:s2+s11], $0x40, s3, s11, $0xb8;
	[tilespmem:$0x4100] =	vst v63  }
0x22: {  	_ = 	snop  }
0x23: {  	[tilespmem:s13], [sflag:$0x2] =	stream.indirect.gather [hbm4b:s2+s11], $0x40, s11, s11, $0xb8;
	[tilespmem:$0x4100] =	vst v63  }
0x24: {  	_ =	swait.ge [sflag:s14], $0x2000  }
0x25: {  	[sflag:s14] =	ssyncset.done $0x0  }
0x26: {  	[sflag:s14] =	ssyncadd.s32 $0xFFFFE000  }
0x27: {  	_ =	swait.ge [sflag:s15], $0x2000  }
0x28: {  	[sflag:s15] =	ssyncset.done $0x0  }
0x29: {  	[sflag:s15] =	ssyncadd.s32 $0xFFFFE000  }
0x2a: {  	[hbm4b:s9+s16] =	stream.strided.scatter [tilespmem:s12], [sflag:$0x3], $0x2000, s11, s16, $0x38;
	[tilespmem:$0x4100] =	vst v63  }
0x2b: {  	p1 =	sne.s32 s18, $0x1;
	_ =	swait.ge [sflag:s10], $0x2000  }
.Ltmp2:
0x2c: {  	[sflag:s10] =	ssyncset.done $0x0;
	(pc) =	sbr.rel @!p1 .LBB2_5-.Ltmp2, $4  }
0x2d: {  	s31 =	sadd.s32 $0x8, s9;
	s20 =	sadd.s32 $0x80, s7;
	[sflag:s10] =	ssyncadd.s32 $0xFFFFE000  }
0x2e: {  	[hbm4b:s31+s16] =	stream.strided.scatter [tilespmem:s13], [sflag:$0x3], $0x2000, s11, s16, $0x38;
	[tilespmem:$0x4100] =	vst v63  }
0x2f: {  	p0 =	por $0x1, $0x1;
	s19 =	sadd.s32 $0xFFFFFFFF, s18;
	_ =	swait.ge [sflag:s10], $0x2000  }
0x30: {  	s21 =	sshrl.u32 s20, $0x3;
	s18 =	smov.u32 s9;
	[sflag:s10] =	ssyncset.done $0x0  }
.LBB2_6:
0x31: {  	s22 =	sadd.s32 s4, s21;
	[sflag:s10] =	ssyncadd.s32 $0xFFFFE000;
	s18 =	sadd.s32 $0x800, s18  }
0x32: {  	[tilespmem:s3], [sflag:$0x3] =	stream.linear.gather [hbm4b:s22+s3], $0x80, $0x38;
	[tilespmem:$0x4100] =	vst v63  }
0x33: {  	p1 =	sne.s32 s19, $0x1;
	s19 =	sadd.s32 $0xFFFFFFFF, s19;
	_ =	swait.ge [sflag:s10], $0x80  }
0x34: {  	[sflag:s10] =	ssyncset.done $0x0  }
0x35: {  	s21 =	sadd.s32 s5, s21;
	[sflag:s10] =	ssyncadd.s32 $0xFFFFFF80  }
0x36: {  	[tilespmem:s11], [sflag:$0x3] =	stream.linear.gather [hbm4b:s21+s3], $0x80, $0x38;
	[tilespmem:$0x4100] =	vst v63  }
0x37: {  	_ =	swait.ge [sflag:s10], $0x80  }
0x38: {  	[sflag:s10] =	ssyncset.done $0x0  }
0x39: {  	[sflag:s10] =	ssyncadd.s32 $0xFFFFFF80  }
0x3a: {  	[tilespmem:s12], [sflag:$0x1] =	stream.indirect.gather [hbm4b:s2+s11], $0x40, s3, s11, $0xb8;
	[tilespmem:$0x4100] =	vst v63  }
0x3b: {  	_ = 	snop  }
0x3c: {  	[tilespmem:s13], [sflag:$0x2] =	stream.indirect.gather [hbm4b:s2+s11], $0x40, s11, s11, $0xb8;
	[tilespmem:$0x4100] =	vst v63  }
0x3d: {  	_ =	swait.ge [sflag:s14], $0x2000  }
0x3e: {  	[sflag:s14] =	ssyncset.done $0x0  }
0x3f: {  	[sflag:s14] =	ssyncadd.s32 $0xFFFFE000  }
0x40: {  	_ =	swait.ge [sflag:s15], $0x2000  }
0x41: {  	[sflag:s15] =	ssyncset.done $0x0  }
0x42: {  	[sflag:s15] =	ssyncadd.s32 $0xFFFFE000  }
0x43: {  	[hbm4b:s18+s16] =	stream.strided.scatter [tilespmem:s12], [sflag:$0x3], $0x2000, s11, s16, $0x38;
	[tilespmem:$0x4100] =	vst v63  }
0x44: {  	_ =	swait.ge [sflag:s10], $0x2000  }
.Ltmp3:
0x45: {  	[sflag:s10] =	ssyncset.done $0x0;
	(pc) =	sbr.rel @p1 .LBB2_6-.Ltmp3, $4  }
0x46: {  	s21 =	sadd.s32 $0x8, s18;
	[sflag:s10] =	ssyncadd.s32 $0xFFFFE000  }
0x47: {  	[hbm4b:s21+s16] =	stream.strided.scatter [tilespmem:s13], [sflag:$0x3], $0x2000, s11, s16, $0x38;
	[tilespmem:$0x4100] =	vst v63  }
0x48: {  	s20 =	sadd.s32 $0x80, s20;
	_ =	swait.ge [sflag:s10], $0x2000  }
0x49: {  	s21 =	sshrl.u32 s20, $0x3;
	[sflag:s10] =	ssyncset.done $0x0  }
.LBB2_7:
0x4a: {  	s19 =	sadd.s32 s4, s21;
	[sflag:s10] =	ssyncadd.s32 @p0 $0xFFFFE000  }
0x4b: {  	[tilespmem:s3], [sflag:$0x3] =	stream.linear.gather [hbm4b:s19+s3], $0x80, $0x38;
	[tilespmem:$0x4100] =	vst v63  }
0x4c: {  	_ =	swait.ge [sflag:s10], $0x80  }
0x4d: {  	[sflag:s10] =	ssyncset.done $0x0  }
0x4e: {  	s31 =	sadd.s32 s5, s21;
	[sflag:s10] =	ssyncadd.s32 $0xFFFFFF80  }
0x4f: {  	[tilespmem:s11], [sflag:$0x3] =	stream.linear.gather [hbm4b:s31+s3], $0x80, $0x38;
	[tilespmem:$0x4100] =	vst v63  }
0x50: {  	_ =	swait.ge [sflag:s10], $0x80  }
0x51: {  	[sflag:s10] =	ssyncset.done $0x0  }
0x52: {  	[sflag:s10] =	ssyncadd.s32 $0xFFFFFF80  }
0x53: {  	[tilespmem:s12], [sflag:$0x1] =	stream.indirect.gather [hbm4b:s2+s11], $0x40, s3, s11, $0xb8;
	[tilespmem:$0x4100] =	vst v63  }
0x54: {  	_ = 	snop  }
0x55: {  	[tilespmem:s13], [sflag:$0x2] =	stream.indirect.gather [hbm4b:s2+s11], $0x40, s11, s11, $0xb8;
	[tilespmem:$0x4100] =	vst v63  }
0x56: {  	_ =	swait.ge [sflag:s14], $0x2000  }
0x57: {  	[sflag:s14] =	ssyncset.done $0x0  }
0x58: {  	[sflag:s14] =	ssyncadd.s32 $0xFFFFE000  }
0x59: {  	_ =	swait.ge [sflag:s15], $0x2000  }
0x5a: {  	s18 =	sadd.s32 @p0 $0x800, s18;
	s19 =	smov.u32 s9;
	[sflag:s15] =	ssyncset.done $0x0  }
0x5b: {  	s19 =	smov.u32 @p0 s18;
	[sflag:s15] =	ssyncadd.s32 $0xFFFFE000  }
0x5c: {  	[hbm4b:s19+s16] =	stream.strided.scatter [tilespmem:s12], [sflag:$0x3], $0x2000, s11, s16, $0x38;
	[tilespmem:$0x4100] =	vst v63  }
0x5d: {  	_ =	swait.ge [sflag:s10], $0x2000  }
0x5e: {  	s17 =	sadd.s32 $0x1, s17;
	[sflag:s10] =	ssyncset.done $0x0  }
0x5f: {  	p0 =	sne.s32 s17, s6;
	s18 =	sadd.s32 $0x8, s19;
	[sflag:s10] =	ssyncadd.s32 $0xFFFFE000  }
0x60: {  	[hbm4b:s18+s16] =	stream.strided.scatter [tilespmem:s13], [sflag:$0x3], $0x2000, s11, s16, $0x38;
	[tilespmem:$0x4100] =	vst v63  }
.Ltmp4:
0x61: {  	_ = 	snop;
	(pc) =	sbr.rel @p0 .LBB2_2-.Ltmp4, $4  }
.Ltmp5:
0x62: {  	_ = 	snop;
	(pc) =	sbr.rel @!p0 .LBB2_8-.Ltmp5, $4  }
0x63: {  	_ =	swait.ge [sflag:s10], $0x2000  }
0x64: {  	[sflag:s10] =	ssyncset.done $0x0  }
0x65: {  	[sflag:s10] =	ssyncadd.s32 $0xFFFFE000  }
0x66: {  	_ = 	snop  }
.LBB2_3:
.Ltmp6:
0x67: {  	(pc) =	sbr.rel .LBB2_7-.Ltmp6, $2  }
0x68: {  	_ =	sdelay $0x2  }
0x69: {  	s18 =	smov.u32 s9  }
.LBB2_5:
.Ltmp7:
0x6a: {  	(pc) =	sbr.rel .LBB2_7-.Ltmp7, $2  }
0x6b: {  	_ =	sdelay $0x2  }
0x6c: {  	s18 =	smov.u32 s9  }
.LBB2_8:
0x6d: {  	_ =	sfence.sel $0x180000  }
0x6e: {  	[bflag:$0x0] =	sbarrier.arrive $0xFFFF  }
0x6f: {  	p0 =	sne.s32 s0, $0x0;
	_ =	strace $0x9000004A  }
0x70: {  	s0 =	sadd.s32 @!p0 $0x100000, s1;
	[bflag:$0x2] =	sbarrier.arrive $0xFFFF  }
0x71: {  	[sflag:s0] =	ssyncadd.tile.s32 @!p0 $0x1;
	_ =	shalt  }
.Lfunc_end2:
_tile_overlayer_lowered:
.L_overlay_start_2:
0x72: {  	(tag) =	ssettag $0x2  }
0x73: {  	s0 =	rddreg [dreg:$0x0];
	s2 =	stileid.u32  }
0x74: {  	s1 =	rddreg [dreg:$0x1];
	p0 =	sne.s32 s2, $0x0  }
0x75: {  	s3 =	rddreg [dreg:$0x2];
	[bflag:$0x3] =	sbarrier.arrive $0xFFFF;
	s2 =	simm.s32 @!p0 $0x1C03  }
0x76: {  	[timem:s3], [sflag:s2] =	dma.local @!p0 [hbm:s0], s1  }
0x77: {  	s0 =	simm.s32 @!p0 $0x3  }
0x78: {  	_ =	swait.ge @!p0 [sflag:s0], s1  }
0x79: {  	s1 =	ssub.s32 @!p0 $0x0, s1;
	[sflag:s0] =	ssyncset.done @!p0 $0x0  }
0x7a: {  	[sflag:s0] =	ssyncadd.s32 @!p0 s1  }
0x7b: {  	[bflag:$0x3] =	sbarrier.arrive $0xFFFF  }
0x7c: {  	_ =	shalt  }

// kernel: kernel.30.cloned.1.call-start
scs
__scs_entry_jumppad:
0x0: {  	(pc) =	sbr.rel $0x88, $3  }
0x1: {  	(tag) =	ssettag $0x0;
	lr =	simm.s32 $0x1  }
0x2: {  	[smem:$0x3F94] =	sst lr;
	_ =	strace $0xD0000000  }
0x3: {  	_ = 	snop  }
0x4: {  	_ = 	snop  }
0x5: {  	_ = 	snop  }
0x6: {  	_ = 	snop  }
0x7: {  	_ = 	snop  }
__scs_overlays_trampoline_lowered:
0x8: {  	[smem:$0x3FA3] =	sst s0  }
0x9: {  	[smem:$0x3FA4] =	sst s1  }
0xa: {  	[smem:$0x3FA5] =	sst s2  }
0xb: {  	[smem:$0x3FA6] =	sst s3  }
0xc: {  	[smem:$0x3FA7] =	sst s4  }
0xd: {  	[smem:$0x3FA8] =	sst s5  }
0xe: {  	[smem:$0x3FA9] =	sst s6  }
0xf: {  	[smem:$0x3FAA] =	sst s7  }
0x10: {  	[smem:$0x3FAB] =	sst s8  }
0x11: {  	[smem:$0x3FAC] =	sst s9;
	s0 =	simm.s32 @!p0 $0x0  }
0x12: {  	s1 =	sld [smem:$0x3F92];
	s0 =	simm.s32 @p0 $0x1  }
0x13: {  	[smem:$0x3FAD] =	sst s0;
	s0 =	simm.s32 @!p1 $0x0  }
0x14: {  	s2 =	sld [smem:$0x3F91];
	s0 =	simm.s32 @p1 $0x1  }
0x15: {  	[smem:$0x3FAE] =	sst s0;
	s0 =	simm.s32 @!p2 $0x0  }
0x16: {  	s3 =	sld [smem:$0x3FDB];
	s0 =	simm.s32 @p2 $0x1  }
0x17: {  	s4 =	simm.s32 $0x1BF5;
	[smem:$0x3FB0] =	sst s0  }
0x18: {  	s0 =	sld [smem:$0x3F93];
	_ =	swait.ge [sflag:s4], $0x0  }
0x19: {  	s7 =	sld [smem:$0x3F94]  }
0x1a: {  	s8 =	sadd.s32 $0xFFFFE003, lr  }
0x1b: {  	s9 =	sadd.s32 $0xFFFFFEF7, lr;
	s5 =	simm.s32 $0xFFFFFFFF;
	p2 =	slt.u32 s8, $0xFFFFF086  }
0x1c: {  	p1 =	slt.u32 s9, $0xF7A;
	s5 =	simm.s32 @!p2 $0x0  }
0x1d: {  	s5 =	simm.s32 @p1 $0x1;
	p0 =	seq.s32 s7, s2  }
0x1e: {  	s7 =	smul.u32 @!p0 $0xF7A, s2;
	p2 =	seq.s32 @!p0 s5, $0x0  }
0x1f: {  	s9 =	smul.u32 $0xF7A, s1;
	s8 =	simm.s32 @!p0 $0x1BF5;
	p2 =	por !p2, p0  }
0x20: {  	[sflag:s8] =	ssyncset.s32 @!p0 $0xFFFFF086;
	s6 =	sadd.s32 @!p0 s3, s7;
	s7 =	simm.s32 @!p0 $0x108  }
0x21: {  	s3 =	sadd.s32 s3, s9;
	s6 =	sadd.s32 @!p0 $0x88, s6;
	s7 =	simm.s32 @p2 $0x1082  }
0x22: {  	[simem:s7], [sflag:s8] =	dma.local @!p0 [hbm:s6], $0xF7A  }
0x23: {  	s9 =	sor.u32 $0xD0000000, s2;
	s6 =	simm.s32 $0x108;
	_ =	swait.ge @!p0 [sflag:s8], $0x0  }
0x24: {  	s3 =	sadd.s32 $0x88, s3;
	s6 =	simm.s32 @!p1 $0x1082;
	[sflag:s4] =	ssyncset.s32 $0xFFFFF086  }
0x25: {  	[simem:s6], [sflag:s4] =	dma.local [hbm:s3], $0xF7A  }
0x26: {  	[smem:$0x3F94] =	sst s1;
	(tag) =	ssettag s2;
	_ =	strace s9  }
0x27: {  	s1 =	sld [smem:$0x3FA4]  }
0x28: {  	s2 =	sld [smem:$0x3FA5]  }
0x29: {  	s4 =	sld [smem:$0x3FA7]  }
0x2a: {  	p0 =	seq.s32 s5, $0x0;
	s5 =	sld [smem:$0x3FA8]  }
0x2b: {  	s6 =	sld [smem:$0x3FA9]  }
0x2c: {  	s7 =	sld [smem:$0x3FAA]  }
0x2d: {  	s3 =	simm.s32 $0x108;
	s8 =	sld [smem:$0x3FAB]  }
0x2e: {  	s3 =	simm.s32 @!p0 $0x1082;
	s9 =	sld [smem:$0x3FAC]  }
0x2f: {  	lr =	sadd.s32 s0, s3;
	s0 =	sld [smem:$0x3FA3]  }
0x30: {  	s3 =	sld [smem:$0x3FA6]  }
0x31: {  	[smem:$0x3FAF] =	sst s10  }
0x32: {  	s10 =	sld [smem:$0x3FAD];
	_ =	sdelay $0x3  }
0x33: {  	p0 =	seq.s32 s10, $0x1;
	s10 =	sld [smem:$0x3FAF];
	_ =	sdelay $0x3  }
0x34: {  	[smem:$0x3FAF] =	sst s10  }
0x35: {  	s10 =	sld [smem:$0x3FAE];
	_ =	sdelay $0x3  }
0x36: {  	p1 =	seq.s32 s10, $0x1;
	s10 =	sld [smem:$0x3FAF];
	_ =	sdelay $0x3  }
0x37: {  	[smem:$0x3FAF] =	sst s10  }
0x38: {  	s10 =	sld [smem:$0x3FB0]  }
0x39: {  	_ = 	snop;
	(pc) =	sbr.ind lr, $3  }
0x3a: {  	_ = 	snop  }
0x3b: {  	_ = 	snop  }
0x3c: {  	p2 =	seq.s32 s10, $0x1;
	s10 =	sld [smem:$0x3FAF]  }
0x3d: {  	_ =	shalt  }
0x3e: {  	_ =	shalt  }
0x3f: {  	_ =	shalt  }
0x40: {  	_ =	shalt  }
0x41: {  	_ =	shalt  }
0x42: {  	_ =	shalt  }
0x43: {  	_ =	shalt  }
0x44: {  	_ =	shalt  }
0x45: {  	_ =	shalt  }
0x46: {  	_ =	shalt  }
0x47: {  	_ =	shalt  }
0x48: {  	_ =	shalt  }
0x49: {  	_ =	shalt  }
0x4a: {  	_ =	shalt  }
0x4b: {  	_ =	shalt  }
0x4c: {  	_ =	shalt  }
0x4d: {  	_ =	shalt  }
0x4e: {  	_ =	shalt  }
0x4f: {  	_ =	shalt  }
0x50: {  	_ =	shalt  }
0x51: {  	_ =	shalt  }
0x52: {  	_ =	shalt  }
0x53: {  	_ =	shalt  }
0x54: {  	_ =	shalt  }
0x55: {  	_ =	shalt  }
0x56: {  	_ =	shalt  }
0x57: {  	_ =	shalt  }
0x58: {  	_ =	shalt  }
0x59: {  	_ =	shalt  }
0x5a: {  	_ =	shalt  }
0x5b: {  	_ =	shalt  }
0x5c: {  	_ =	shalt  }
0x5d: {  	_ =	shalt  }
0x5e: {  	_ =	shalt  }
0x5f: {  	_ =	shalt  }
0x60: {  	_ =	shalt  }
0x61: {  	_ =	shalt  }
0x62: {  	_ =	shalt  }
0x63: {  	_ =	shalt  }
0x64: {  	_ =	shalt  }
0x65: {  	_ =	shalt  }
0x66: {  	_ =	shalt  }
0x67: {  	_ =	shalt  }
0x68: {  	_ =	shalt  }
0x69: {  	_ =	shalt  }
0x6a: {  	_ =	shalt  }
0x6b: {  	_ =	shalt  }
0x6c: {  	_ =	shalt  }
0x6d: {  	_ =	shalt  }
0x6e: {  	_ =	shalt  }
0x6f: {  	_ =	shalt  }
0x70: {  	_ =	shalt  }
0x71: {  	_ =	shalt  }
0x72: {  	_ =	shalt  }
0x73: {  	_ =	shalt  }
0x74: {  	_ =	shalt  }
0x75: {  	_ =	shalt  }
0x76: {  	_ =	shalt  }
0x77: {  	_ =	shalt  }
0x78: {  	_ =	shalt  }
0x79: {  	_ =	shalt  }
0x7a: {  	_ =	shalt  }
0x7b: {  	_ =	shalt  }
0x7c: {  	_ =	shalt  }
0x7d: {  	_ =	shalt  }
0x7e: {  	_ =	shalt  }
0x7f: {  	_ =	shalt  }
0x80: {  	_ =	shalt  }
0x81: {  	_ =	shalt  }
0x82: {  	_ =	shalt  }
0x83: {  	_ =	shalt  }
0x84: {  	_ =	shalt  }
0x85: {  	_ =	shalt  }
0x86: {  	_ =	shalt  }
0x87: {  	_ =	shalt  }
.Lfunc_end0:
.L_simem_size_0:
called_computation.5_lowered:
.L_overlay_start_0:
0x88: {  	s2 =	sld [smem:$0x3FD9]  }
0x89: {  	s3 =	sld [smem:$0x3FFE];
	_ =	sdelay $0x1  }
0x8a: {  	s1 =	srdreg.scid  }
0x8b: {  	s0 =	sand.u32 $0x1, s1  }
0x8c: {  	s17 =	sshll.u32 s0, $0xA;
	s2 =	sadd.s32 s3, s2  }
0x8d: {  	s2 =	sadd.s32 s2, s17  }
0x8e: {  	[smem:$0x3FBB] =	sst s2  }
0x8f: {  	_ = 	snop  }
0x90: {  	(tm) =	ssettm $0x1  }
0x91: {  	s18 =	sld [smem:$0x3FFB];
	_ =	sdelay $0x3  }
0x92: {  	_ =	strace s18  }
0x93: {  	s2 =	sld [smem:$0x3FFC];
	_ =	sdelay $0x3  }
0x94: {  	_ =	strace s2  }
0x95: {  	s2 =	sld [smem:$0x3FFD];
	_ =	sdelay $0x3  }
0x96: {  	_ =	strace s2  }
0x97: {  	_ =	strace $0x8FFFFFFF  }
0x98: {  	s19 =	sld [smem:$0x3FDB];
	_ =	sdelay $0x1  }
0x99: {  	s20 =	simm.s32 $_scs_section_size  }
0x9a: {  	s4 =	simm.s32 $_size__tile_overlayer_lowered;
	s5 =	simm.s32 $_tile_overlayer_lowered  }
0x9b: {  	s6 =	simm.s32 $0x1BFF;
	s21 =	sshll.u32 s5, $0x1;
	s3 =	sadd.s32 s20, s19  }
0x9c: {  	s22 =	simm.s32 $0x0;
	s4 =	sshll.u32 s4, $0x1;
	s5 =	sadd.s32 s21, s3  }
0x9d: {  	[timem:s22], [sflag:s6] =	dma.local [hbm:s5], s4  }
0x9e: {  	_ =	swait.ge [sflag:s6], s4  }
0x9f: {  	s4 =	ssub.s32 $0x0, s4;
	[sflag:s6] =	ssyncset.done $0x0  }
0xa0: {  	[sflag:s6] =	ssyncadd.s32 s4;
	_ =	sdelay $0x1  }
0xa1: {  	s23 =	simm.s32 $0x1B8B  }
0xa2: {  	_ =	swait.ge [sflag:s23], $0x1  }
0xa3: {  	[sflag:s23] =	ssyncset.done $0x0  }
0xa4: {  	[sflag:s23] =	ssyncadd.s32 $0xFFFFFFFF  }
0xa5: {  	s4 =	sld [smem:$0x0]  }
0xa6: {  	s5 =	sand.u32 $0xFFFFFFFE, s1  }
0xa7: {  	p0 =	sne.s32 s1, s5  }
0xa8: {  	s5 =	sshll.u32 @p0 s5, $0xE  }
0xa9: {  	s5 =	sadd.s32 @p0 $0x11B8D, s5;
	s6 =	sshll.u32 @p0 s4, $0x11  }
0xaa: {  	s5 =	sor.u32 @p0 s6, s5  }
0xab: {  	[sflag:s5] =	ssyncadd.remote.s32 @p0 $0x1;
	_ =	sdelay $0x1  }
0xac: {  	s5 =	simm.s32 @p0 $0x1B8D  }
0xad: {  	_ =	swait.eq @p0 [sflag:s5], $0x1  }
0xae: {  	[sflag:s5] =	ssyncadd.s32 @p0 $0xFFFFFFFF  }
0xaf: {  	s6 =	sshll.u32 @!p0 s1, $0xE  }
0xb0: {  	s6 =	sor.u32 @!p0 $0x4000, s6;
	s5 =	simm.s32 @!p0 $0x1B8D  }
0xb1: {  	s4 =	sshll.u32 @!p0 s4, $0x11;
	s6 =	sadd.s32 @!p0 $0x11B8D, s6;
	_ =	swait.eq @!p0 [sflag:s5], $0x1  }
0xb2: {  	s4 =	sor.u32 @!p0 s4, s6;
	[sflag:s5] =	ssyncadd.s32 @!p0 $0xFFFFFFFF  }
0xb3: {  	s25 =	simm.s32 $0x1B8E;
	s24 =	sld [smem:$0x3FFE];
	[sflag:s4] =	ssyncadd.remote.s32 @!p0 $0x1  }
0xb4: {  	s26 =	simm.s32 $execute0_lowered;
	[smem:$0x3FD2] =	sst s25  }
0xb5: {  	s5 =	sshll.u32 s26, $0x1;
	_ =	strace $0x80000055;
	[dreg:$0x1] =	wrdreg $0xFFFFFFFF  }
0xb6: {  	s28 =	simm.s32 $_size_execute0_lowered;
	s3 =	sadd.s32 s3, s5;
	[dreg:$0x0] =	wrdreg $0x0  }
0xb7: {  	s5 =	sshll.u32 s28, $0x1;
	[dreg:$0x2] =	wrdreg s3  }
0xb8: {  	[dreg:$0x3] =	wrdreg s5  }
0xb9: {  	[dreg:$0x4] =	wrdreg $0xC0  }
0xba: {  	_ =	task [dreg:s22], $0x5FFFF  }
0xbb: {  	[dreg:$0x1] =	wrdreg $0xFFFFFFFF  }
0xbc: {  	[dreg:$0x0] =	wrdreg $0x60  }
0xbd: {  	[dreg:$0x2] =	wrdreg s24  }
0xbe: {  	[dreg:$0x3] =	wrdreg $0x0  }
0xbf: {  	[dreg:$0x4] =	wrdreg $0xC  }
0xc0: {  	_ =	task.clear_ibuf [dreg:s22], $0x5FFFF;
	_ =	strace $0x90000055  }
0xc1: {  	s29 =	simm.s32 $0xC;
	_ =	strace $0x80000057  }
0xc2: {  	_ =	swait.ge [sflag:s29], $0x1  }
0xc3: {  	[sflag:s29] =	ssyncadd.s32 $0xFFFFFFFF  }
0xc4: {  	_ =	strace $0x90000057  }
0xc5: {  	_ =	sfence  }
0xc6: {  	s30 =	sld [smem:$0x0];
	_ =	sdelay $0x2  }
0xc7: {  	s31 =	sshll.u32 s1, $0xD;
	s1 =	sshrl.u32 s1, $0x2  }
0xc8: {  	s4 =	sand.u32 $0x4000, s31;
	s1 =	sadd.s32 s1, s30  }
0xc9: {  	s0 =	sor.u32 s4, s0;
	s1 =	sshll.u32 s1, $0x11  }
0xca: {  	s0 =	sor.u32 s1, s0  }
0xcb: {  	s0 =	sadd.s32 $0x8F2B, s0  }
0xcc: {  	[sflag:s0] =	ssyncadd.remote.s32 $0x1  }
0xcd: {  	_ =	sfence.sel $0xFFFF  }
0xce: {  	[dreg:$0x0] =	wrdreg $0xFFFFFFFF;
	(pc) =	sbr.abs _section_cstart, $3  }
0xcf: {  	[dreg:$0x1] =	wrdreg $0xFFFFFFFF  }
0xd0: {  	_ =	task.clear_ibuf [dreg:s22], $0x2FFFF;
	_ =	strace $0x9FFFFFFF  }
0xd1: {  	(tm) =	ssettm $0x7FFFFFFF  }
tec
execute0_lowered:
.L_overlay_start_1:
0x0: {  	(tag) =	ssettag $0x1  }
0x1: {  	s1 =	srdreg.scid  }
0x2: {  	s0 =	stileid.u32;
	s4 =	rddreg [dreg:$0x0]  }
0x3: {  	s2 =	rddreg [dreg:$0x1];
	s3 =	simm.s32 $0x0;
	s6 =	smul.u32 $0x4E2, s0  }
0x4: {  	s15 =	simm.s32 $0x13C80;
	s16 =	simm.s32 $0x80;
	s23 =	smul.u32 $0x13C00, s0  }
0x5: {  	s5 =	sand.u32 $0x1, s1;
	s1 =	rddreg [dreg:$0x2];
	s28 =	smul.u32 $0x4F000, s0  }
0x6: {  	s17 =	simm.s32 $0x0;
	[smem:$0x7FF] =	sst s3;
	s7 =	smul.u32 $0x271, s5  }
0x7: {  	s10 =	sshll.u32 s0, $0x1;
	s31 =	sshll.u32 s0, $0x6;
	s9 =	smul.u32 $0x13C000, s5  }
0x8: {  	_ =	strace $0x80000056;
	s24 =	sor.u32 s5, s10;
	s29 =	ssub.s32 $0x2, s5  }
0x9: {  	s5 =	sshrl.u32 s29, $0x1;
	s6 =	sadd.s32 s7, s6;
	s26 =	sadd.s32 s23, s9  }
0xa: {  	s7 =	sshrl.u32 s23, $0x3;
	s9 =	sshrl.u32 s28, $0x2;
	s13 =	ssub.s32 s29, s5  }
0xb: {  	s6 =	sshrl.u32 s6, $0x5;
	s7 =	sadd.s32 s7, s4;
	s14 =	sadd.s32 s9, s2  }
0xc: {  	s9 =	smax.u32 s13, $0x1;
	s13 =	simm.s32 $0x1;
	s8 =	sshll.u32 s6, $0xB  }
0xd: {  	s6 =	sshll.u32 s6, $0x4;
	s11 =	sadd.s32 s8, s4;
	s8 =	smul.u32 $0x271, s24  }
.Ltmp0:
0xe: {  	s25 =	sadd.s32 s6, s4;
	s6 =	sshrl.u32 s26, $0x3;
	(pc) =	sbr.rel .LBB2_1-.Ltmp0, $4  }
0xf: {  	s12 =	sadd.s32 s6, s4;
	s6 =	sadd.s32 $0x17400, s7;
	s7 =	sor.u32 $0x1C01, s31  }
0x10: {  	s10 =	sadd.s32 $0x12420, s25;
	s11 =	sadd.s32 $0x4F9600, s11;
	s30 =	sadd.s32 $0x271, s8  }
0x11: {  	s5 =	sshrl.u32 s8, $0x5;
	s8 =	sadd.s32 $0x8DC00, s12;
	s4 =	sshrl.u32 s30, $0x5  }
0x12: {  	s12 =	sshrl.u32 s14, $0x3;
	s14 =	simm.s32 $0x13C00;
	p0 =	sge.u32 s5, s4  }
.LBB2_4:
0x13: {  	[sflag:s13] =	ssyncadd.s32 $0xFFFFC000  }
.LBB2_5:
0x14: {  	s17 =	sadd.s32 $0x1, s17  }
0x15: {  	p1 =	sne.s32 s17, s9  }
.Ltmp1:
0x16: {  	[bflag:$0x0] =	sbarrier.arrive $0xFFFF;
	(pc) =	sbr.rel @!p1 .LBB2_6-.Ltmp1, $4  }
0x17: {  	[hbm:s8], [sflag:s7] =	dma.local [spmem:s12], $0x2780  }
0x18: {  	_ =	swait.ge [sflag:s13], $0x2780  }
0x19: {  	[sflag:s13] =	ssyncset.done $0x0  }
0x1a: {  	[sflag:s13] =	ssyncadd.s32 $0xFFFFD880  }
.LBB2_1:
0x1b: {  	[spmem:s12], [sflag:s7] =	dma.local [hbm:s6], $0x2780  }
.Ltmp2:
0x1c: {  	_ =	swait.ge [sflag:s13], $0x2780;
	(pc) =	sbr.rel @p0 .LBB2_5-.Ltmp2, $3  }
0x1d: {  	[sflag:s13] =	ssyncset.done $0x0  }
0x1e: {  	[sflag:s13] =	ssyncadd.s32 $0xFFFFD880  }
0x1f: {  	[bflag:$0x0] =	sbarrier.arrive $0xFFFF;
	_ =	sdelay $0x1  }
0x20: {  	[tilespmem:s14], [sflag:$0x1] =	stream.linear.gather [hbm4b:s10+s3], $0x80, $0x38;
	[tilespmem:$0x17C80] =	vst v63  }
0x21: {  	_ =	swait.ge [sflag:s13], $0x80  }
0x22: {  	[sflag:s13] =	ssyncset.done $0x0  }
0x23: {  	s18 =	sadd.s32 $0x1, s5;
	[sflag:s13] =	ssyncadd.s32 $0xFFFFFF80  }
0x24: {  	[tilespmem:s15], [sflag:$0x1] =	stream.linear.gather [hbm4b:s11+s3], $0x4000, $0x38;
	[tilespmem:$0x17C80] =	vst v63  }
0x25: {  	p1 =	slt.u32 s18, s4;
	_ =	swait.ge [sflag:s13], $0x4000  }
.Ltmp3:
0x26: {  	[sflag:s13] =	ssyncset.done $0x0;
	(pc) =	sbr.rel @!p1 .LBB2_4-.Ltmp3, $4  }
0x27: {  	[sflag:s13] =	ssyncadd.s32 $0xFFFFC000  }
0x28: {  	[spmem:s2] =	stream.indirect.scatter.add.f32 [tilespmem:s15], [sflag:$0x1], $0x80, s14, s16, $0xb8;
	[tilespmem:$0x17C80] =	vst v63  }
0x29: {  	_ =	swait.ge [sflag:s13], $0x4000  }
0x2a: {  	s19 =	sadd.s32 $0x800, s11;
	s20 =	smov.u32 s10;
	[sflag:s13] =	ssyncset.done $0x0  }
.LBB2_3:
0x2b: {  	s18 =	sadd.s32 $0x1, s18;
	[sflag:s13] =	ssyncadd.s32 $0xFFFFC000;
	s20 =	sadd.s32 $0x10, s20  }
0x2c: {  	[tilespmem:s14], [sflag:$0x1] =	stream.linear.gather [hbm4b:s20+s3], $0x80, $0x38;
	[tilespmem:$0x17C80] =	vst v63  }
0x2d: {  	p1 =	slt.u32 s18, s4;
	_ =	swait.ge [sflag:s13], $0x80  }
0x2e: {  	[sflag:s13] =	ssyncset.done $0x0  }
0x2f: {  	[sflag:s13] =	ssyncadd.s32 $0xFFFFFF80  }
0x30: {  	[tilespmem:s15], [sflag:$0x1] =	stream.linear.gather [hbm4b:s19+s3], $0x4000, $0x38;
	[tilespmem:$0x17C80] =	vst v63  }
0x31: {  	_ =	swait.ge [sflag:s13], $0x4000  }
.Ltmp4:
0x32: {  	[sflag:s13] =	ssyncset.done $0x0;
	(pc) =	sbr.rel @p1 .LBB2_3-.Ltmp4, $4  }
0x33: {  	[sflag:s13] =	ssyncadd.s32 $0xFFFFC000  }
0x34: {  	[spmem:s2] =	stream.indirect.scatter.add.f32 [tilespmem:s15], [sflag:$0x1], $0x80, s14, s16, $0xb8;
	[tilespmem:$0x17C80] =	vst v63  }
0x35: {  	_ =	swait.ge [sflag:s13], $0x4000  }
0x36: {  	s19 =	sadd.s32 $0x800, s19;
	[sflag:s13] =	ssyncset.done $0x0  }
.Ltmp5:
0x37: {  	_ = 	snop;
	(pc) =	sbr.rel .LBB2_4-.Ltmp5, $1  }
0x38: {  	_ =	sdelay $0x3  }
.LBB2_6:
0x39: {  	_ =	sfence.sel $0x180000  }
0x3a: {  	[bflag:$0x0] =	sbarrier.arrive $0xFFFF  }
0x3b: {  	p0 =	sne.s32 s0, $0x0;
	_ =	strace $0x90000056  }
0x3c: {  	s0 =	sadd.s32 @!p0 $0x100000, s1;
	[bflag:$0x2] =	sbarrier.arrive $0xFFFF  }
0x3d: {  	[sflag:s0] =	ssyncadd.tile.s32 @!p0 $0x1;
	_ =	shalt  }
.Lfunc_end2:
_tile_overlayer_lowered:
.L_overlay_start_2:
0x3e: {  	(tag) =	ssettag $0x2  }
0x3f: {  	s0 =	rddreg [dreg:$0x0];
	s2 =	stileid.u32  }
0x40: {  	s1 =	rddreg [dreg:$0x1];
	p0 =	sne.s32 s2, $0x0  }
0x41: {  	s3 =	rddreg [dreg:$0x2];
	[bflag:$0x3] =	sbarrier.arrive $0xFFFF;
	s2 =	simm.s32 @!p0 $0x1C01  }
0x42: {  	[timem:s3], [sflag:s2] =	dma.local @!p0 [hbm:s0], s1  }
0x43: {  	s0 =	simm.s32 @!p0 $0x1  }
0x44: {  	_ =	swait.ge @!p0 [sflag:s0], s1  }
0x45: {  	s1 =	ssub.s32 @!p0 $0x0, s1;
	[sflag:s0] =	ssyncset.done @!p0 $0x0  }
0x46: {  	[sflag:s0] =	ssyncadd.s32 @!p0 s1  }
0x47: {  	[bflag:$0x3] =	sbarrier.arrive $0xFFFF  }
0x48: {  	_ =	shalt  }

// kernel: kernel.33.cloned.1.call-start
scs
__scs_entry_jumppad:
0x0: {  	(pc) =	sbr.rel $0x88, $3  }
0x1: {  	(tag) =	ssettag $0x0;
	lr =	simm.s32 $0x1  }
0x2: {  	[smem:$0x3F94] =	sst lr;
	_ =	strace $0xD0000000  }
0x3: {  	_ = 	snop  }
0x4: {  	_ = 	snop  }
0x5: {  	_ = 	snop  }
0x6: {  	_ = 	snop  }
0x7: {  	_ = 	snop  }
__scs_overlays_trampoline_lowered:
0x8: {  	[smem:$0x3FA3] =	sst s0  }
0x9: {  	[smem:$0x3FA4] =	sst s1  }
0xa: {  	[smem:$0x3FA5] =	sst s2  }
0xb: {  	[smem:$0x3FA6] =	sst s3  }
0xc: {  	[smem:$0x3FA7] =	sst s4  }
0xd: {  	[smem:$0x3FA8] =	sst s5  }
0xe: {  	[smem:$0x3FA9] =	sst s6  }
0xf: {  	[smem:$0x3FAA] =	sst s7  }
0x10: {  	[smem:$0x3FAB] =	sst s8  }
0x11: {  	[smem:$0x3FAC] =	sst s9;
	s0 =	simm.s32 @!p0 $0x0  }
0x12: {  	s1 =	sld [smem:$0x3F92];
	s0 =	simm.s32 @p0 $0x1  }
0x13: {  	[smem:$0x3FAD] =	sst s0;
	s0 =	simm.s32 @!p1 $0x0  }
0x14: {  	s2 =	sld [smem:$0x3F91];
	s0 =	simm.s32 @p1 $0x1  }
0x15: {  	[smem:$0x3FAE] =	sst s0;
	s0 =	simm.s32 @!p2 $0x0  }
0x16: {  	s3 =	sld [smem:$0x3FDB];
	s0 =	simm.s32 @p2 $0x1  }
0x17: {  	s4 =	simm.s32 $0x1BF5;
	[smem:$0x3FB0] =	sst s0  }
0x18: {  	s0 =	sld [smem:$0x3F93];
	_ =	swait.ge [sflag:s4], $0x0  }
0x19: {  	s7 =	sld [smem:$0x3F94]  }
0x1a: {  	s8 =	sadd.s32 $0xFFFFE003, lr  }
0x1b: {  	s9 =	sadd.s32 $0xFFFFFEF7, lr;
	s5 =	simm.s32 $0xFFFFFFFF;
	p2 =	slt.u32 s8, $0xFFFFF086  }
0x1c: {  	p1 =	slt.u32 s9, $0xF7A;
	s5 =	simm.s32 @!p2 $0x0  }
0x1d: {  	s5 =	simm.s32 @p1 $0x1;
	p0 =	seq.s32 s7, s2  }
0x1e: {  	s7 =	smul.u32 @!p0 $0xF7A, s2;
	p2 =	seq.s32 @!p0 s5, $0x0  }
0x1f: {  	s9 =	smul.u32 $0xF7A, s1;
	s8 =	simm.s32 @!p0 $0x1BF5;
	p2 =	por !p2, p0  }
0x20: {  	[sflag:s8] =	ssyncset.s32 @!p0 $0xFFFFF086;
	s6 =	sadd.s32 @!p0 s3, s7;
	s7 =	simm.s32 @!p0 $0x108  }
0x21: {  	s3 =	sadd.s32 s3, s9;
	s6 =	sadd.s32 @!p0 $0x88, s6;
	s7 =	simm.s32 @p2 $0x1082  }
0x22: {  	[simem:s7], [sflag:s8] =	dma.local @!p0 [hbm:s6], $0xF7A  }
0x23: {  	s9 =	sor.u32 $0xD0000000, s2;
	s6 =	simm.s32 $0x108;
	_ =	swait.ge @!p0 [sflag:s8], $0x0  }
0x24: {  	s3 =	sadd.s32 $0x88, s3;
	s6 =	simm.s32 @!p1 $0x1082;
	[sflag:s4] =	ssyncset.s32 $0xFFFFF086  }
0x25: {  	[simem:s6], [sflag:s4] =	dma.local [hbm:s3], $0xF7A  }
0x26: {  	[smem:$0x3F94] =	sst s1;
	(tag) =	ssettag s2;
	_ =	strace s9  }
0x27: {  	s1 =	sld [smem:$0x3FA4]  }
0x28: {  	s2 =	sld [smem:$0x3FA5]  }
0x29: {  	s4 =	sld [smem:$0x3FA7]  }
0x2a: {  	p0 =	seq.s32 s5, $0x0;
	s5 =	sld [smem:$0x3FA8]  }
0x2b: {  	s6 =	sld [smem:$0x3FA9]  }
0x2c: {  	s7 =	sld [smem:$0x3FAA]  }
0x2d: {  	s3 =	simm.s32 $0x108;
	s8 =	sld [smem:$0x3FAB]  }
0x2e: {  	s3 =	simm.s32 @!p0 $0x1082;
	s9 =	sld [smem:$0x3FAC]  }
0x2f: {  	lr =	sadd.s32 s0, s3;
	s0 =	sld [smem:$0x3FA3]  }
0x30: {  	s3 =	sld [smem:$0x3FA6]  }
0x31: {  	[smem:$0x3FAF] =	sst s10  }
0x32: {  	s10 =	sld [smem:$0x3FAD];
	_ =	sdelay $0x3  }
0x33: {  	p0 =	seq.s32 s10, $0x1;
	s10 =	sld [smem:$0x3FAF];
	_ =	sdelay $0x3  }
0x34: {  	[smem:$0x3FAF] =	sst s10  }
0x35: {  	s10 =	sld [smem:$0x3FAE];
	_ =	sdelay $0x3  }
0x36: {  	p1 =	seq.s32 s10, $0x1;
	s10 =	sld [smem:$0x3FAF];
	_ =	sdelay $0x3  }
0x37: {  	[smem:$0x3FAF] =	sst s10  }
0x38: {  	s10 =	sld [smem:$0x3FB0]  }
0x39: {  	_ = 	snop;
	(pc) =	sbr.ind lr, $3  }
0x3a: {  	_ = 	snop  }
0x3b: {  	_ = 	snop  }
0x3c: {  	p2 =	seq.s32 s10, $0x1;
	s10 =	sld [smem:$0x3FAF]  }
0x3d: {  	_ =	shalt  }
0x3e: {  	_ =	shalt  }
0x3f: {  	_ =	shalt  }
0x40: {  	_ =	shalt  }
0x41: {  	_ =	shalt  }
0x42: {  	_ =	shalt  }
0x43: {  	_ =	shalt  }
0x44: {  	_ =	shalt  }
0x45: {  	_ =	shalt  }
0x46: {  	_ =	shalt  }
0x47: {  	_ =	shalt  }
0x48: {  	_ =	shalt  }
0x49: {  	_ =	shalt  }
0x4a: {  	_ =	shalt  }
0x4b: {  	_ =	shalt  }
0x4c: {  	_ =	shalt  }
0x4d: {  	_ =	shalt  }
0x4e: {  	_ =	shalt  }
0x4f: {  	_ =	shalt  }
0x50: {  	_ =	shalt  }
0x51: {  	_ =	shalt  }
0x52: {  	_ =	shalt  }
0x53: {  	_ =	shalt  }
0x54: {  	_ =	shalt  }
0x55: {  	_ =	shalt  }
0x56: {  	_ =	shalt  }
0x57: {  	_ =	shalt  }
0x58: {  	_ =	shalt  }
0x59: {  	_ =	shalt  }
0x5a: {  	_ =	shalt  }
0x5b: {  	_ =	shalt  }
0x5c: {  	_ =	shalt  }
0x5d: {  	_ =	shalt  }
0x5e: {  	_ =	shalt  }
0x5f: {  	_ =	shalt  }
0x60: {  	_ =	shalt  }
0x61: {  	_ =	shalt  }
0x62: {  	_ =	shalt  }
0x63: {  	_ =	shalt  }
0x64: {  	_ =	shalt  }
0x65: {  	_ =	shalt  }
0x66: {  	_ =	shalt  }
0x67: {  	_ =	shalt  }
0x68: {  	_ =	shalt  }
0x69: {  	_ =	shalt  }
0x6a: {  	_ =	shalt  }
0x6b: {  	_ =	shalt  }
0x6c: {  	_ =	shalt  }
0x6d: {  	_ =	shalt  }
0x6e: {  	_ =	shalt  }
0x6f: {  	_ =	shalt  }
0x70: {  	_ =	shalt  }
0x71: {  	_ =	shalt  }
0x72: {  	_ =	shalt  }
0x73: {  	_ =	shalt  }
0x74: {  	_ =	shalt  }
0x75: {  	_ =	shalt  }
0x76: {  	_ =	shalt  }
0x77: {  	_ =	shalt  }
0x78: {  	_ =	shalt  }
0x79: {  	_ =	shalt  }
0x7a: {  	_ =	shalt  }
0x7b: {  	_ =	shalt  }
0x7c: {  	_ =	shalt  }
0x7d: {  	_ =	shalt  }
0x7e: {  	_ =	shalt  }
0x7f: {  	_ =	shalt  }
0x80: {  	_ =	shalt  }
0x81: {  	_ =	shalt  }
0x82: {  	_ =	shalt  }
0x83: {  	_ =	shalt  }
0x84: {  	_ =	shalt  }
0x85: {  	_ =	shalt  }
0x86: {  	_ =	shalt  }
0x87: {  	_ =	shalt  }
.Lfunc_end0:
.L_simem_size_0:
called_computation.6_lowered:
.L_overlay_start_0:
0x88: {  	s2 =	sld [smem:$0x3FD9]  }
0x89: {  	s3 =	sld [smem:$0x3FFE];
	_ =	sdelay $0x1  }
0x8a: {  	s1 =	srdreg.scid  }
0x8b: {  	s0 =	sand.u32 $0x1, s1  }
0x8c: {  	s14 =	sshll.u32 s0, $0xA;
	s2 =	sadd.s32 s3, s2  }
0x8d: {  	s2 =	sadd.s32 s2, s14  }
0x8e: {  	[smem:$0x3FBB] =	sst s2  }
0x8f: {  	_ = 	snop  }
0x90: {  	s2 =	sld [smem:$0x3FD0];
	_ =	sdelay $0x2  }
0x91: {  	s15 =	simm.s32 $0xD;
	s4 =	simm.s32 $0x10  }
0x92: {  	[smem:s4], [sflag:s15] =	dma.local [hbm:s2], $0x1  }
0x93: {  	_ =	swait.eq [sflag:s15], $0x1  }
0x94: {  	[sflag:s15] =	ssyncset.done $0x0  }
0x95: {  	[sflag:s15] =	ssyncadd.s32 $0xFFFFFFFF  }
0x96: {  	s16 =	sld [smem:$0x10];
	(tm) =	ssettm $0x1  }
0x97: {  	s17 =	sld [smem:$0x3FFB];
	_ =	sdelay $0x3  }
0x98: {  	_ =	strace s17  }
0x99: {  	s3 =	sld [smem:$0x3FFC];
	_ =	sdelay $0x3  }
0x9a: {  	_ =	strace s3  }
0x9b: {  	s3 =	sld [smem:$0x3FFD];
	_ =	sdelay $0x3  }
0x9c: {  	_ =	strace s3  }
0x9d: {  	_ =	strace $0x8FFFFFFF  }
0x9e: {  	s18 =	sld [smem:$0x3FDB];
	_ =	sdelay $0x1  }
0x9f: {  	s19 =	simm.s32 $_scs_section_size  }
0xa0: {  	s5 =	simm.s32 $_size__tile_overlayer_lowered;
	s6 =	simm.s32 $_tile_overlayer_lowered  }
0xa1: {  	s22 =	simm.s32 $0x1BFF;
	s21 =	sshll.u32 s6, $0x1;
	s3 =	sadd.s32 s19, s18  }
0xa2: {  	s7 =	simm.s32 $0x0;
	s20 =	sshll.u32 s5, $0x1;
	s5 =	sadd.s32 s21, s3  }
0xa3: {  	[timem:s7], [sflag:s22] =	dma.local [hbm:s5], s20  }
0xa4: {  	_ =	swait.ge [sflag:s22], s20  }
0xa5: {  	s4 =	ssub.s32 $0x0, s20;
	[sflag:s22] =	ssyncset.done $0x0  }
0xa6: {  	[sflag:s22] =	ssyncadd.s32 s4;
	_ =	sdelay $0x1  }
0xa7: {  	s23 =	simm.s32 $0x1B8B  }
0xa8: {  	_ =	swait.ge [sflag:s23], $0x1  }
0xa9: {  	[sflag:s23] =	ssyncset.done $0x0  }
0xaa: {  	s25 =	simm.s32 $0x1B8E;
	s24 =	sld [smem:$0x3FFE];
	[sflag:s23] =	ssyncadd.s32 $0xFFFFFFFF  }
0xab: {  	s26 =	simm.s32 $execute0_lowered;
	[smem:$0x3FD2] =	sst s25  }
0xac: {  	s5 =	sshll.u32 s26, $0x1;
	_ =	strace $0x80000046;
	[dreg:$0x1] =	wrdreg $0xFFFFFFFF  }
0xad: {  	s28 =	simm.s32 $_size_execute0_lowered;
	s3 =	sadd.s32 s3, s5;
	[dreg:$0x0] =	wrdreg $0x0  }
0xae: {  	s5 =	sshll.u32 s28, $0x1;
	[dreg:$0x2] =	wrdreg s3  }
0xaf: {  	[dreg:$0x3] =	wrdreg s5  }
0xb0: {  	[dreg:$0x4] =	wrdreg $0xC0  }
0xb1: {  	_ =	task [dreg:s7], $0x5FFFF  }
0xb2: {  	[dreg:$0x1] =	wrdreg $0xFFFFFFFF  }
0xb3: {  	[dreg:$0x0] =	wrdreg $0x60  }
0xb4: {  	[dreg:$0x2] =	wrdreg s16  }
0xb5: {  	[dreg:$0x3] =	wrdreg s24  }
0xb6: {  	[dreg:$0x4] =	wrdreg $0xA  }
0xb7: {  	_ =	task.clear_ibuf [dreg:s7], $0x5FFFF;
	_ =	strace $0x90000046  }
0xb8: {  	s29 =	simm.s32 $0xA;
	_ =	strace $0x80000048  }
0xb9: {  	_ =	swait.ge [sflag:s29], $0x1  }
0xba: {  	[sflag:s29] =	ssyncadd.s32 $0xFFFFFFFF  }
0xbb: {  	_ =	strace $0x90000048  }
0xbc: {  	_ =	sfence  }
0xbd: {  	s30 =	sld [smem:$0x0];
	_ =	sdelay $0x2  }
0xbe: {  	s31 =	sshll.u32 s1, $0xD;
	s1 =	sshrl.u32 s1, $0x2  }
0xbf: {  	s3 =	sand.u32 $0x4000, s31;
	s1 =	sadd.s32 s1, s30  }
0xc0: {  	s0 =	sor.u32 s3, s0;
	s1 =	sshll.u32 s1, $0x11  }
0xc1: {  	s0 =	sor.u32 s1, s0  }
0xc2: {  	s0 =	sadd.s32 $0x8F2B, s0  }
0xc3: {  	[sflag:s0] =	ssyncadd.remote.s32 $0x1  }
0xc4: {  	_ =	sfence.sel $0xFFFF  }
0xc5: {  	[dreg:$0x0] =	wrdreg $0xFFFFFFFF;
	(pc) =	sbr.abs _section_cstart, $3  }
0xc6: {  	[dreg:$0x1] =	wrdreg $0xFFFFFFFF  }
0xc7: {  	_ =	task.clear_ibuf [dreg:s7], $0x2FFFF;
	_ =	strace $0x9FFFFFFF  }
0xc8: {  	(tm) =	ssettm $0x7FFFFFFF  }
0xc9: {  	_ =	shalt  }
tec
execute0_lowered:
.L_overlay_start_1:
0x0: {  	(tag) =	ssettag $0x1  }
0x1: {  	s1 =	srdreg.scid;
	s0 =	stileid.u32  }
0x2: {  	s4 =	sand.u32 $0x1, s1;
	s31 =	sshll.u32 s0, $0x1  }
0x3: {  	s1 =	sor.u32 s4, s31  }
0x4: {  	s5 =	smul.u32 $0x271, s1;
	_ =	sdelay $0x1  }
0x5: {  	s7 =	sadd.s32 $0x271, s5  }
0x6: {  	s9 =	sshrl.u32 s5, $0x5;
	s8 =	sshrl.u32 s7, $0x5  }
0x7: {  	p0 =	sle.u32 s8, s9  }
.Ltmp0:
0x8: {  	_ = 	snop;
	(pc) =	sbr.rel @p0 .LBB2_8-.Ltmp0, $4  }
0x9: {  	s2 =	rddreg [dreg:$0x0]  }
0xa: {  	s6 =	rddreg [dreg:$0x1];
	s3 =	simm.s32 $0x0  }
0xb: {  	[smem:$0x7FF] =	sst s3  }
0xc: {  	s1 =	rddreg [dreg:$0x2];
	_ =	strace $0x80000047  }
0xd: {  	s7 =	ssub.s32 $0x2, s4;
	s4 =	sadd.s32 $0x3800, s6  }
0xe: {  	s5 =	sadd.s32 $0xD600, s6;
	s29 =	sadd.s32 $0x17400, s6;
	s30 =	sshll.u32 s9, $0x7  }
0xf: {  	s8 =	ssub.s32 s8, s9;
	s31 =	sshll.u32 s9, $0xB;
	s11 =	simm.s32 $0x80  }
0x10: {  	s12 =	simm.s32 $0x100;
	s13 =	simm.s32 $0x2100;
	s14 =	simm.s32 $0x1  }
0x11: {  	s15 =	simm.s32 $0x2;
	s16 =	simm.s32 $0x40;
	s10 =	sshrl.u32 s7, $0x1  }
0x12: {  	s17 =	simm.s32 $0x0;
	s9 =	sadd.s32 s31, s29;
	s7 =	ssub.s32 s7, s10  }
0x13: {  	s10 =	simm.s32 $0x3;
	s6 =	smax.u32 s7, $0x1;
	s7 =	sadd.s32 $0x3A980, s30  }
.LBB2_2:
0x14: {  	p1 =	sne.s32 s8, $0x1  }
.Ltmp1:
0x15: {  	_ = 	snop;
	(pc) =	sbr.rel @!p1 .LBB2_3-.Ltmp1, $2  }
0x16: {  	_ =	sdelay $0x2  }
0x17: {  	s18 =	sadd.s32 $0xFFFFFFFF, s8;
	s21 =	sshrl.u32 s7, $0x3;
	p0 =	por $0x0, $0x0  }
0x18: {  	s19 =	sadd.s32 s4, s21  }
0x19: {  	[tilespmem:s3], [sflag:$0x3] =	stream.linear.gather [hbm4b:s19+s3], $0x80, $0x38;
	[tilespmem:$0x4100] =	vst v63  }
0x1a: {  	_ =	swait.ge [sflag:s10], $0x80  }
0x1b: {  	[sflag:s10] =	ssyncset.done $0x0  }
0x1c: {  	s30 =	sadd.s32 s5, s21;
	[sflag:s10] =	ssyncadd.s32 $0xFFFFFF80  }
0x1d: {  	[tilespmem:s11], [sflag:$0x3] =	stream.linear.gather [hbm4b:s30+s3], $0x80, $0x38;
	[tilespmem:$0x4100] =	vst v63  }
0x1e: {  	_ =	swait.ge [sflag:s10], $0x80  }
0x1f: {  	[sflag:s10] =	ssyncset.done $0x0  }
0x20: {  	[sflag:s10] =	ssyncadd.s32 $0xFFFFFF80  }
0x21: {  	[tilespmem:s12], [sflag:$0x1] =	stream.indirect.gather [hbm4b:s2+s11], $0x40, s3, s11, $0xb8;
	[tilespmem:$0x4100] =	vst v63  }
0x22: {  	_ = 	snop  }
0x23: {  	[tilespmem:s13], [sflag:$0x2] =	stream.indirect.gather [hbm4b:s2+s11], $0x40, s11, s11, $0xb8;
	[tilespmem:$0x4100] =	vst v63  }
0x24: {  	_ =	swait.ge [sflag:s14], $0x2000  }
0x25: {  	[sflag:s14] =	ssyncset.done $0x0  }
0x26: {  	[sflag:s14] =	ssyncadd.s32 $0xFFFFE000  }
0x27: {  	_ =	swait.ge [sflag:s15], $0x2000  }
0x28: {  	[sflag:s15] =	ssyncset.done $0x0  }
0x29: {  	[sflag:s15] =	ssyncadd.s32 $0xFFFFE000  }
0x2a: {  	[hbm4b:s9+s16] =	stream.strided.scatter [tilespmem:s12], [sflag:$0x3], $0x2000, s11, s16, $0x38;
	[tilespmem:$0x4100] =	vst v63  }
0x2b: {  	p1 =	sne.s32 s18, $0x1;
	_ =	swait.ge [sflag:s10], $0x2000  }
.Ltmp2:
0x2c: {  	[sflag:s10] =	ssyncset.done $0x0;
	(pc) =	sbr.rel @!p1 .LBB2_5-.Ltmp2, $4  }
0x2d: {  	s31 =	sadd.s32 $0x8, s9;
	s20 =	sadd.s32 $0x80, s7;
	[sflag:s10] =	ssyncadd.s32 $0xFFFFE000  }
0x2e: {  	[hbm4b:s31+s16] =	stream.strided.scatter [tilespmem:s13], [sflag:$0x3], $0x2000, s11, s16, $0x38;
	[tilespmem:$0x4100] =	vst v63  }
0x2f: {  	p0 =	por $0x1, $0x1;
	s19 =	sadd.s32 $0xFFFFFFFF, s18;
	_ =	swait.ge [sflag:s10], $0x2000  }
0x30: {  	s21 =	sshrl.u32 s20, $0x3;
	s18 =	smov.u32 s9;
	[sflag:s10] =	ssyncset.done $0x0  }
.LBB2_6:
0x31: {  	s22 =	sadd.s32 s4, s21;
	[sflag:s10] =	ssyncadd.s32 $0xFFFFE000;
	s18 =	sadd.s32 $0x800, s18  }
0x32: {  	[tilespmem:s3], [sflag:$0x3] =	stream.linear.gather [hbm4b:s22+s3], $0x80, $0x38;
	[tilespmem:$0x4100] =	vst v63  }
0x33: {  	p1 =	sne.s32 s19, $0x1;
	s19 =	sadd.s32 $0xFFFFFFFF, s19;
	_ =	swait.ge [sflag:s10], $0x80  }
0x34: {  	[sflag:s10] =	ssyncset.done $0x0  }
0x35: {  	s21 =	sadd.s32 s5, s21;
	[sflag:s10] =	ssyncadd.s32 $0xFFFFFF80  }
0x36: {  	[tilespmem:s11], [sflag:$0x3] =	stream.linear.gather [hbm4b:s21+s3], $0x80, $0x38;
	[tilespmem:$0x4100] =	vst v63  }
0x37: {  	_ =	swait.ge [sflag:s10], $0x80  }
0x38: {  	[sflag:s10] =	ssyncset.done $0x0  }
0x39: {  	[sflag:s10] =	ssyncadd.s32 $0xFFFFFF80  }
0x3a: {  	[tilespmem:s12], [sflag:$0x1] =	stream.indirect.gather [hbm4b:s2+s11], $0x40, s3, s11, $0xb8;
	[tilespmem:$0x4100] =	vst v63  }
0x3b: {  	_ = 	snop  }
0x3c: {  	[tilespmem:s13], [sflag:$0x2] =	stream.indirect.gather [hbm4b:s2+s11], $0x40, s11, s11, $0xb8;
	[tilespmem:$0x4100] =	vst v63  }
0x3d: {  	_ =	swait.ge [sflag:s14], $0x2000  }
0x3e: {  	[sflag:s14] =	ssyncset.done $0x0  }
0x3f: {  	[sflag:s14] =	ssyncadd.s32 $0xFFFFE000  }
0x40: {  	_ =	swait.ge [sflag:s15], $0x2000  }
0x41: {  	[sflag:s15] =	ssyncset.done $0x0  }
0x42: {  	[sflag:s15] =	ssyncadd.s32 $0xFFFFE000  }
0x43: {  	[hbm4b:s18+s16] =	stream.strided.scatter [tilespmem:s12], [sflag:$0x3], $0x2000, s11, s16, $0x38;
	[tilespmem:$0x4100] =	vst v63  }
0x44: {  	_ =	swait.ge [sflag:s10], $0x2000  }
.Ltmp3:
0x45: {  	[sflag:s10] =	ssyncset.done $0x0;
	(pc) =	sbr.rel @p1 .LBB2_6-.Ltmp3, $4  }
0x46: {  	s21 =	sadd.s32 $0x8, s18;
	[sflag:s10] =	ssyncadd.s32 $0xFFFFE000  }
0x47: {  	[hbm4b:s21+s16] =	stream.strided.scatter [tilespmem:s13], [sflag:$0x3], $0x2000, s11, s16, $0x38;
	[tilespmem:$0x4100] =	vst v63  }
0x48: {  	s20 =	sadd.s32 $0x80, s20;
	_ =	swait.ge [sflag:s10], $0x2000  }
0x49: {  	s21 =	sshrl.u32 s20, $0x3;
	[sflag:s10] =	ssyncset.done $0x0  }
.LBB2_7:
0x4a: {  	s19 =	sadd.s32 s4, s21;
	[sflag:s10] =	ssyncadd.s32 @p0 $0xFFFFE000  }
0x4b: {  	[tilespmem:s3], [sflag:$0x3] =	stream.linear.gather [hbm4b:s19+s3], $0x80, $0x38;
	[tilespmem:$0x4100] =	vst v63  }
0x4c: {  	_ =	swait.ge [sflag:s10], $0x80  }
0x4d: {  	[sflag:s10] =	ssyncset.done $0x0  }
0x4e: {  	s31 =	sadd.s32 s5, s21;
	[sflag:s10] =	ssyncadd.s32 $0xFFFFFF80  }
0x4f: {  	[tilespmem:s11], [sflag:$0x3] =	stream.linear.gather [hbm4b:s31+s3], $0x80, $0x38;
	[tilespmem:$0x4100] =	vst v63  }
0x50: {  	_ =	swait.ge [sflag:s10], $0x80  }
0x51: {  	[sflag:s10] =	ssyncset.done $0x0  }
0x52: {  	[sflag:s10] =	ssyncadd.s32 $0xFFFFFF80  }
0x53: {  	[tilespmem:s12], [sflag:$0x1] =	stream.indirect.gather [hbm4b:s2+s11], $0x40, s3, s11, $0xb8;
	[tilespmem:$0x4100] =	vst v63  }
0x54: {  	_ = 	snop  }
0x55: {  	[tilespmem:s13], [sflag:$0x2] =	stream.indirect.gather [hbm4b:s2+s11], $0x40, s11, s11, $0xb8;
	[tilespmem:$0x4100] =	vst v63  }
0x56: {  	_ =	swait.ge [sflag:s14], $0x2000  }
0x57: {  	[sflag:s14] =	ssyncset.done $0x0  }
0x58: {  	[sflag:s14] =	ssyncadd.s32 $0xFFFFE000  }
0x59: {  	_ =	swait.ge [sflag:s15], $0x2000  }
0x5a: {  	s18 =	sadd.s32 @p0 $0x800, s18;
	s19 =	smov.u32 s9;
	[sflag:s15] =	ssyncset.done $0x0  }
0x5b: {  	s19 =	smov.u32 @p0 s18;
	[sflag:s15] =	ssyncadd.s32 $0xFFFFE000  }
0x5c: {  	[hbm4b:s19+s16] =	stream.strided.scatter [tilespmem:s12], [sflag:$0x3], $0x2000, s11, s16, $0x38;
	[tilespmem:$0x4100] =	vst v63  }
0x5d: {  	_ =	swait.ge [sflag:s10], $0x2000  }
0x5e: {  	s17 =	sadd.s32 $0x1, s17;
	[sflag:s10] =	ssyncset.done $0x0  }
0x5f: {  	p0 =	sne.s32 s17, s6;
	s18 =	sadd.s32 $0x8, s19;
	[sflag:s10] =	ssyncadd.s32 $0xFFFFE000  }
0x60: {  	[hbm4b:s18+s16] =	stream.strided.scatter [tilespmem:s13], [sflag:$0x3], $0x2000, s11, s16, $0x38;
	[tilespmem:$0x4100] =	vst v63  }
.Ltmp4:
0x61: {  	_ = 	snop;
	(pc) =	sbr.rel @p0 .LBB2_2-.Ltmp4, $4  }
.Ltmp5:
0x62: {  	_ = 	snop;
	(pc) =	sbr.rel @!p0 .LBB2_8-.Ltmp5, $4  }
0x63: {  	_ =	swait.ge [sflag:s10], $0x2000  }
0x64: {  	[sflag:s10] =	ssyncset.done $0x0  }
0x65: {  	[sflag:s10] =	ssyncadd.s32 $0xFFFFE000  }
0x66: {  	_ = 	snop  }
.LBB2_3:
.Ltmp6:
0x67: {  	(pc) =	sbr.rel .LBB2_7-.Ltmp6, $2  }
0x68: {  	_ =	sdelay $0x2  }
0x69: {  	s18 =	smov.u32 s9  }
.LBB2_5:
.Ltmp7:
0x6a: {  	(pc) =	sbr.rel .LBB2_7-.Ltmp7, $2  }
0x6b: {  	_ =	sdelay $0x2  }
0x6c: {  	s18 =	smov.u32 s9  }
.LBB2_8:
0x6d: {  	_ =	sfence.sel $0x180000  }
0x6e: {  	[bflag:$0x0] =	sbarrier.arrive $0xFFFF  }
0x6f: {  	p0 =	sne.s32 s0, $0x0;
	_ =	strace $0x90000047  }
0x70: {  	s0 =	sadd.s32 @!p0 $0x100000, s1;
	[bflag:$0x2] =	sbarrier.arrive $0xFFFF  }
0x71: {  	[sflag:s0] =	ssyncadd.tile.s32 @!p0 $0x1;
	_ =	shalt  }
.Lfunc_end2:
_tile_overlayer_lowered:
.L_overlay_start_2:
0x72: {  	(tag) =	ssettag $0x2  }
0x73: {  	s0 =	rddreg [dreg:$0x0];
	s2 =	stileid.u32  }
0x74: {  	s1 =	rddreg [dreg:$0x1];
	p0 =	sne.s32 s2, $0x0  }
0x75: {  	s3 =	rddreg [dreg:$0x2];
	[bflag:$0x3] =	sbarrier.arrive $0xFFFF;
	s2 =	simm.s32 @!p0 $0x1C03  }
0x76: {  	[timem:s3], [sflag:s2] =	dma.local @!p0 [hbm:s0], s1  }
0x77: {  	s0 =	simm.s32 @!p0 $0x3  }
0x78: {  	_ =	swait.ge @!p0 [sflag:s0], s1  }
0x79: {  	s1 =	ssub.s32 @!p0 $0x0, s1;
	[sflag:s0] =	ssyncset.done @!p0 $0x0  }
0x7a: {  	[sflag:s0] =	ssyncadd.s32 @!p0 s1  }
0x7b: {  	[bflag:$0x3] =	sbarrier.arrive $0xFFFF  }
0x7c: {  	_ =	shalt  }

// kernel: kernel.36.cloned.1.call-start
scs
__scs_entry_jumppad:
0x0: {  	(pc) =	sbr.rel $0x88, $3  }
0x1: {  	(tag) =	ssettag $0x0;
	lr =	simm.s32 $0x1  }
0x2: {  	[smem:$0x3F94] =	sst lr;
	_ =	strace $0xD0000000  }
0x3: {  	_ = 	snop  }
0x4: {  	_ = 	snop  }
0x5: {  	_ = 	snop  }
0x6: {  	_ = 	snop  }
0x7: {  	_ = 	snop  }
__scs_overlays_trampoline_lowered:
0x8: {  	[smem:$0x3FA3] =	sst s0  }
0x9: {  	[smem:$0x3FA4] =	sst s1  }
0xa: {  	[smem:$0x3FA5] =	sst s2  }
0xb: {  	[smem:$0x3FA6] =	sst s3  }
0xc: {  	[smem:$0x3FA7] =	sst s4  }
0xd: {  	[smem:$0x3FA8] =	sst s5  }
0xe: {  	[smem:$0x3FA9] =	sst s6  }
0xf: {  	[smem:$0x3FAA] =	sst s7  }
0x10: {  	[smem:$0x3FAB] =	sst s8  }
0x11: {  	[smem:$0x3FAC] =	sst s9;
	s0 =	simm.s32 @!p0 $0x0  }
0x12: {  	s1 =	sld [smem:$0x3F92];
	s0 =	simm.s32 @p0 $0x1  }
0x13: {  	[smem:$0x3FAD] =	sst s0;
	s0 =	simm.s32 @!p1 $0x0  }
0x14: {  	s2 =	sld [smem:$0x3F91];
	s0 =	simm.s32 @p1 $0x1  }
0x15: {  	[smem:$0x3FAE] =	sst s0;
	s0 =	simm.s32 @!p2 $0x0  }
0x16: {  	s3 =	sld [smem:$0x3FDB];
	s0 =	simm.s32 @p2 $0x1  }
0x17: {  	s4 =	simm.s32 $0x1BF5;
	[smem:$0x3FB0] =	sst s0  }
0x18: {  	s0 =	sld [smem:$0x3F93];
	_ =	swait.ge [sflag:s4], $0x0  }
0x19: {  	s7 =	sld [smem:$0x3F94]  }
0x1a: {  	s8 =	sadd.s32 $0xFFFFE003, lr  }
0x1b: {  	s9 =	sadd.s32 $0xFFFFFEF7, lr;
	s5 =	simm.s32 $0xFFFFFFFF;
	p2 =	slt.u32 s8, $0xFFFFF086  }
0x1c: {  	p1 =	slt.u32 s9, $0xF7A;
	s5 =	simm.s32 @!p2 $0x0  }
0x1d: {  	s5 =	simm.s32 @p1 $0x1;
	p0 =	seq.s32 s7, s2  }
0x1e: {  	s7 =	smul.u32 @!p0 $0xF7A, s2;
	p2 =	seq.s32 @!p0 s5, $0x0  }
0x1f: {  	s9 =	smul.u32 $0xF7A, s1;
	s8 =	simm.s32 @!p0 $0x1BF5;
	p2 =	por !p2, p0  }
0x20: {  	[sflag:s8] =	ssyncset.s32 @!p0 $0xFFFFF086;
	s6 =	sadd.s32 @!p0 s3, s7;
	s7 =	simm.s32 @!p0 $0x108  }
0x21: {  	s3 =	sadd.s32 s3, s9;
	s6 =	sadd.s32 @!p0 $0x88, s6;
	s7 =	simm.s32 @p2 $0x1082  }
0x22: {  	[simem:s7], [sflag:s8] =	dma.local @!p0 [hbm:s6], $0xF7A  }
0x23: {  	s9 =	sor.u32 $0xD0000000, s2;
	s6 =	simm.s32 $0x108;
	_ =	swait.ge @!p0 [sflag:s8], $0x0  }
0x24: {  	s3 =	sadd.s32 $0x88, s3;
	s6 =	simm.s32 @!p1 $0x1082;
	[sflag:s4] =	ssyncset.s32 $0xFFFFF086  }
0x25: {  	[simem:s6], [sflag:s4] =	dma.local [hbm:s3], $0xF7A  }
0x26: {  	[smem:$0x3F94] =	sst s1;
	(tag) =	ssettag s2;
	_ =	strace s9  }
0x27: {  	s1 =	sld [smem:$0x3FA4]  }
0x28: {  	s2 =	sld [smem:$0x3FA5]  }
0x29: {  	s4 =	sld [smem:$0x3FA7]  }
0x2a: {  	p0 =	seq.s32 s5, $0x0;
	s5 =	sld [smem:$0x3FA8]  }
0x2b: {  	s6 =	sld [smem:$0x3FA9]  }
0x2c: {  	s7 =	sld [smem:$0x3FAA]  }
0x2d: {  	s3 =	simm.s32 $0x108;
	s8 =	sld [smem:$0x3FAB]  }
0x2e: {  	s3 =	simm.s32 @!p0 $0x1082;
	s9 =	sld [smem:$0x3FAC]  }
0x2f: {  	lr =	sadd.s32 s0, s3;
	s0 =	sld [smem:$0x3FA3]  }
0x30: {  	s3 =	sld [smem:$0x3FA6]  }
0x31: {  	[smem:$0x3FAF] =	sst s10  }
0x32: {  	s10 =	sld [smem:$0x3FAD];
	_ =	sdelay $0x3  }
0x33: {  	p0 =	seq.s32 s10, $0x1;
	s10 =	sld [smem:$0x3FAF];
	_ =	sdelay $0x3  }
0x34: {  	[smem:$0x3FAF] =	sst s10  }
0x35: {  	s10 =	sld [smem:$0x3FAE];
	_ =	sdelay $0x3  }
0x36: {  	p1 =	seq.s32 s10, $0x1;
	s10 =	sld [smem:$0x3FAF];
	_ =	sdelay $0x3  }
0x37: {  	[smem:$0x3FAF] =	sst s10  }
0x38: {  	s10 =	sld [smem:$0x3FB0]  }
0x39: {  	_ = 	snop;
	(pc) =	sbr.ind lr, $3  }
0x3a: {  	_ = 	snop  }
0x3b: {  	_ = 	snop  }
0x3c: {  	p2 =	seq.s32 s10, $0x1;
	s10 =	sld [smem:$0x3FAF]  }
0x3d: {  	_ =	shalt  }
0x3e: {  	_ =	shalt  }
0x3f: {  	_ =	shalt  }
0x40: {  	_ =	shalt  }
0x41: {  	_ =	shalt  }
0x42: {  	_ =	shalt  }
0x43: {  	_ =	shalt  }
0x44: {  	_ =	shalt  }
0x45: {  	_ =	shalt  }
0x46: {  	_ =	shalt  }
0x47: {  	_ =	shalt  }
0x48: {  	_ =	shalt  }
0x49: {  	_ =	shalt  }
0x4a: {  	_ =	shalt  }
0x4b: {  	_ =	shalt  }
0x4c: {  	_ =	shalt  }
0x4d: {  	_ =	shalt  }
0x4e: {  	_ =	shalt  }
0x4f: {  	_ =	shalt  }
0x50: {  	_ =	shalt  }
0x51: {  	_ =	shalt  }
0x52: {  	_ =	shalt  }
0x53: {  	_ =	shalt  }
0x54: {  	_ =	shalt  }
0x55: {  	_ =	shalt  }
0x56: {  	_ =	shalt  }
0x57: {  	_ =	shalt  }
0x58: {  	_ =	shalt  }
0x59: {  	_ =	shalt  }
0x5a: {  	_ =	shalt  }
0x5b: {  	_ =	shalt  }
0x5c: {  	_ =	shalt  }
0x5d: {  	_ =	shalt  }
0x5e: {  	_ =	shalt  }
0x5f: {  	_ =	shalt  }
0x60: {  	_ =	shalt  }
0x61: {  	_ =	shalt  }
0x62: {  	_ =	shalt  }
0x63: {  	_ =	shalt  }
0x64: {  	_ =	shalt  }
0x65: {  	_ =	shalt  }
0x66: {  	_ =	shalt  }
0x67: {  	_ =	shalt  }
0x68: {  	_ =	shalt  }
0x69: {  	_ =	shalt  }
0x6a: {  	_ =	shalt  }
0x6b: {  	_ =	shalt  }
0x6c: {  	_ =	shalt  }
0x6d: {  	_ =	shalt  }
0x6e: {  	_ =	shalt  }
0x6f: {  	_ =	shalt  }
0x70: {  	_ =	shalt  }
0x71: {  	_ =	shalt  }
0x72: {  	_ =	shalt  }
0x73: {  	_ =	shalt  }
0x74: {  	_ =	shalt  }
0x75: {  	_ =	shalt  }
0x76: {  	_ =	shalt  }
0x77: {  	_ =	shalt  }
0x78: {  	_ =	shalt  }
0x79: {  	_ =	shalt  }
0x7a: {  	_ =	shalt  }
0x7b: {  	_ =	shalt  }
0x7c: {  	_ =	shalt  }
0x7d: {  	_ =	shalt  }
0x7e: {  	_ =	shalt  }
0x7f: {  	_ =	shalt  }
0x80: {  	_ =	shalt  }
0x81: {  	_ =	shalt  }
0x82: {  	_ =	shalt  }
0x83: {  	_ =	shalt  }
0x84: {  	_ =	shalt  }
0x85: {  	_ =	shalt  }
0x86: {  	_ =	shalt  }
0x87: {  	_ =	shalt  }
.Lfunc_end0:
.L_simem_size_0:
called_computation.7_lowered:
.L_overlay_start_0:
0x88: {  	s2 =	sld [smem:$0x3FD9]  }
0x89: {  	s3 =	sld [smem:$0x3FFE];
	_ =	sdelay $0x1  }
0x8a: {  	s1 =	srdreg.scid  }
0x8b: {  	s0 =	sand.u32 $0x1, s1  }
0x8c: {  	s17 =	sshll.u32 s0, $0xA;
	s2 =	sadd.s32 s3, s2  }
0x8d: {  	s2 =	sadd.s32 s2, s17  }
0x8e: {  	[smem:$0x3FBB] =	sst s2  }
0x8f: {  	_ = 	snop  }
0x90: {  	(tm) =	ssettm $0x1  }
0x91: {  	s18 =	sld [smem:$0x3FFB];
	_ =	sdelay $0x3  }
0x92: {  	_ =	strace s18  }
0x93: {  	s2 =	sld [smem:$0x3FFC];
	_ =	sdelay $0x3  }
0x94: {  	_ =	strace s2  }
0x95: {  	s2 =	sld [smem:$0x3FFD];
	_ =	sdelay $0x3  }
0x96: {  	_ =	strace s2  }
0x97: {  	_ =	strace $0x8FFFFFFF  }
0x98: {  	s19 =	sld [smem:$0x3FDB];
	_ =	sdelay $0x1  }
0x99: {  	s20 =	simm.s32 $_scs_section_size  }
0x9a: {  	s4 =	simm.s32 $_size__tile_overlayer_lowered;
	s5 =	simm.s32 $_tile_overlayer_lowered  }
0x9b: {  	s6 =	simm.s32 $0x1BFF;
	s21 =	sshll.u32 s5, $0x1;
	s3 =	sadd.s32 s20, s19  }
0x9c: {  	s22 =	simm.s32 $0x0;
	s4 =	sshll.u32 s4, $0x1;
	s5 =	sadd.s32 s21, s3  }
0x9d: {  	[timem:s22], [sflag:s6] =	dma.local [hbm:s5], s4  }
0x9e: {  	_ =	swait.ge [sflag:s6], s4  }
0x9f: {  	s4 =	ssub.s32 $0x0, s4;
	[sflag:s6] =	ssyncset.done $0x0  }
0xa0: {  	[sflag:s6] =	ssyncadd.s32 s4;
	_ =	sdelay $0x1  }
0xa1: {  	s23 =	simm.s32 $0x1B8B  }
0xa2: {  	_ =	swait.ge [sflag:s23], $0x1  }
0xa3: {  	[sflag:s23] =	ssyncset.done $0x0  }
0xa4: {  	[sflag:s23] =	ssyncadd.s32 $0xFFFFFFFF  }
0xa5: {  	s4 =	sld [smem:$0x0]  }
0xa6: {  	s5 =	sand.u32 $0xFFFFFFFE, s1  }
0xa7: {  	p0 =	sne.s32 s1, s5  }
0xa8: {  	s5 =	sshll.u32 @p0 s5, $0xE  }
0xa9: {  	s5 =	sadd.s32 @p0 $0x11B8D, s5;
	s6 =	sshll.u32 @p0 s4, $0x11  }
0xaa: {  	s5 =	sor.u32 @p0 s6, s5  }
0xab: {  	[sflag:s5] =	ssyncadd.remote.s32 @p0 $0x1;
	_ =	sdelay $0x1  }
0xac: {  	s5 =	simm.s32 @p0 $0x1B8D  }
0xad: {  	_ =	swait.eq @p0 [sflag:s5], $0x1  }
0xae: {  	[sflag:s5] =	ssyncadd.s32 @p0 $0xFFFFFFFF  }
0xaf: {  	s6 =	sshll.u32 @!p0 s1, $0xE  }
0xb0: {  	s6 =	sor.u32 @!p0 $0x4000, s6;
	s5 =	simm.s32 @!p0 $0x1B8D  }
0xb1: {  	s4 =	sshll.u32 @!p0 s4, $0x11;
	s6 =	sadd.s32 @!p0 $0x11B8D, s6;
	_ =	swait.eq @!p0 [sflag:s5], $0x1  }
0xb2: {  	s4 =	sor.u32 @!p0 s4, s6;
	[sflag:s5] =	ssyncadd.s32 @!p0 $0xFFFFFFFF  }
0xb3: {  	s25 =	simm.s32 $0x1B8E;
	s24 =	sld [smem:$0x3FFE];
	[sflag:s4] =	ssyncadd.remote.s32 @!p0 $0x1  }
0xb4: {  	s26 =	simm.s32 $execute0_lowered;
	[smem:$0x3FD2] =	sst s25  }
0xb5: {  	s5 =	sshll.u32 s26, $0x1;
	_ =	strace $0x80000052;
	[dreg:$0x1] =	wrdreg $0xFFFFFFFF  }
0xb6: {  	s28 =	simm.s32 $_size_execute0_lowered;
	s3 =	sadd.s32 s3, s5;
	[dreg:$0x0] =	wrdreg $0x0  }
0xb7: {  	s5 =	sshll.u32 s28, $0x1;
	[dreg:$0x2] =	wrdreg s3  }
0xb8: {  	[dreg:$0x3] =	wrdreg s5  }
0xb9: {  	[dreg:$0x4] =	wrdreg $0xC0  }
0xba: {  	_ =	task [dreg:s22], $0x5FFFF  }
0xbb: {  	[dreg:$0x1] =	wrdreg $0xFFFFFFFF  }
0xbc: {  	[dreg:$0x0] =	wrdreg $0x60  }
0xbd: {  	[dreg:$0x2] =	wrdreg s24  }
0xbe: {  	[dreg:$0x3] =	wrdreg $0x0  }
0xbf: {  	[dreg:$0x4] =	wrdreg $0xA  }
0xc0: {  	_ =	task.clear_ibuf [dreg:s22], $0x5FFFF;
	_ =	strace $0x90000052  }
0xc1: {  	s29 =	simm.s32 $0xA;
	_ =	strace $0x80000054  }
0xc2: {  	_ =	swait.ge [sflag:s29], $0x1  }
0xc3: {  	[sflag:s29] =	ssyncadd.s32 $0xFFFFFFFF  }
0xc4: {  	_ =	strace $0x90000054  }
0xc5: {  	_ =	sfence  }
0xc6: {  	s30 =	sld [smem:$0x0];
	_ =	sdelay $0x2  }
0xc7: {  	s31 =	sshll.u32 s1, $0xD;
	s1 =	sshrl.u32 s1, $0x2  }
0xc8: {  	s4 =	sand.u32 $0x4000, s31;
	s1 =	sadd.s32 s1, s30  }
0xc9: {  	s0 =	sor.u32 s4, s0;
	s1 =	sshll.u32 s1, $0x11  }
0xca: {  	s0 =	sor.u32 s1, s0  }
0xcb: {  	s0 =	sadd.s32 $0x8F2B, s0  }
0xcc: {  	[sflag:s0] =	ssyncadd.remote.s32 $0x1  }
0xcd: {  	_ =	sfence.sel $0xFFFF  }
0xce: {  	[dreg:$0x0] =	wrdreg $0xFFFFFFFF;
	(pc) =	sbr.abs _section_cstart, $3  }
0xcf: {  	[dreg:$0x1] =	wrdreg $0xFFFFFFFF  }
0xd0: {  	_ =	task.clear_ibuf [dreg:s22], $0x2FFFF;
	_ =	strace $0x9FFFFFFF  }
0xd1: {  	(tm) =	ssettm $0x7FFFFFFF  }
tec
execute0_lowered:
.L_overlay_start_1:
0x0: {  	(tag) =	ssettag $0x1  }
0x1: {  	s1 =	srdreg.scid  }
0x2: {  	s0 =	stileid.u32;
	s4 =	rddreg [dreg:$0x0]  }
0x3: {  	s2 =	rddreg [dreg:$0x1];
	s3 =	simm.s32 $0x0;
	s6 =	smul.u32 $0x4E2, s0  }
0x4: {  	s15 =	simm.s32 $0x13C80;
	s16 =	simm.s32 $0x80;
	s23 =	smul.u32 $0x13C00, s0  }
0x5: {  	s5 =	sand.u32 $0x1, s1;
	s1 =	rddreg [dreg:$0x2];
	s28 =	smul.u32 $0x4F000, s0  }
0x6: {  	s17 =	simm.s32 $0x0;
	[smem:$0x7FF] =	sst s3;
	s7 =	smul.u32 $0x271, s5  }
0x7: {  	s10 =	sshll.u32 s0, $0x1;
	s31 =	sshll.u32 s0, $0x6;
	s9 =	smul.u32 $0x13C000, s5  }
0x8: {  	_ =	strace $0x80000053;
	s24 =	sor.u32 s5, s10;
	s29 =	ssub.s32 $0x2, s5  }
0x9: {  	s5 =	sshrl.u32 s29, $0x1;
	s6 =	sadd.s32 s7, s6;
	s26 =	sadd.s32 s23, s9  }
0xa: {  	s7 =	sshrl.u32 s23, $0x3;
	s9 =	sshrl.u32 s28, $0x2;
	s13 =	ssub.s32 s29, s5  }
0xb: {  	s6 =	sshrl.u32 s6, $0x5;
	s7 =	sadd.s32 s7, s4;
	s14 =	sadd.s32 s9, s2  }
0xc: {  	s9 =	smax.u32 s13, $0x1;
	s13 =	simm.s32 $0x1;
	s8 =	sshll.u32 s6, $0xB  }
0xd: {  	s6 =	sshll.u32 s6, $0x4;
	s11 =	sadd.s32 s8, s4;
	s8 =	smul.u32 $0x271, s24  }
.Ltmp0:
0xe: {  	s25 =	sadd.s32 s6, s4;
	s6 =	sshrl.u32 s26, $0x3;
	(pc) =	sbr.rel .LBB2_1-.Ltmp0, $4  }
0xf: {  	s12 =	sadd.s32 s6, s4;
	s6 =	sadd.s32 $0x17400, s7;
	s7 =	sor.u32 $0x1C01, s31  }
0x10: {  	s10 =	sadd.s32 $0x14B30, s25;
	s11 =	sadd.s32 $0x3C0E00, s11;
	s30 =	sadd.s32 $0x271, s8  }
0x11: {  	s5 =	sshrl.u32 s8, $0x5;
	s8 =	sadd.s32 $0x3EC00, s12;
	s4 =	sshrl.u32 s30, $0x5  }
0x12: {  	s12 =	sshrl.u32 s14, $0x3;
	s14 =	simm.s32 $0x13C00;
	p0 =	sge.u32 s5, s4  }
.LBB2_4:
0x13: {  	[sflag:s13] =	ssyncadd.s32 $0xFFFFC000  }
.LBB2_5:
0x14: {  	s17 =	sadd.s32 $0x1, s17  }
0x15: {  	p1 =	sne.s32 s17, s9  }
.Ltmp1:
0x16: {  	[bflag:$0x0] =	sbarrier.arrive $0xFFFF;
	(pc) =	sbr.rel @!p1 .LBB2_6-.Ltmp1, $4  }
0x17: {  	[hbm:s8], [sflag:s7] =	dma.local [spmem:s12], $0x2780  }
0x18: {  	_ =	swait.ge [sflag:s13], $0x2780  }
0x19: {  	[sflag:s13] =	ssyncset.done $0x0  }
0x1a: {  	[sflag:s13] =	ssyncadd.s32 $0xFFFFD880  }
.LBB2_1:
0x1b: {  	[spmem:s12], [sflag:s7] =	dma.local [hbm:s6], $0x2780  }
.Ltmp2:
0x1c: {  	_ =	swait.ge [sflag:s13], $0x2780;
	(pc) =	sbr.rel @p0 .LBB2_5-.Ltmp2, $3  }
0x1d: {  	[sflag:s13] =	ssyncset.done $0x0  }
0x1e: {  	[sflag:s13] =	ssyncadd.s32 $0xFFFFD880  }
0x1f: {  	[bflag:$0x0] =	sbarrier.arrive $0xFFFF;
	_ =	sdelay $0x1  }
0x20: {  	[tilespmem:s14], [sflag:$0x1] =	stream.linear.gather [hbm4b:s10+s3], $0x80, $0x38;
	[tilespmem:$0x17C80] =	vst v63  }
0x21: {  	_ =	swait.ge [sflag:s13], $0x80  }
0x22: {  	[sflag:s13] =	ssyncset.done $0x0  }
0x23: {  	s18 =	sadd.s32 $0x1, s5;
	[sflag:s13] =	ssyncadd.s32 $0xFFFFFF80  }
0x24: {  	[tilespmem:s15], [sflag:$0x1] =	stream.linear.gather [hbm4b:s11+s3], $0x4000, $0x38;
	[tilespmem:$0x17C80] =	vst v63  }
0x25: {  	p1 =	slt.u32 s18, s4;
	_ =	swait.ge [sflag:s13], $0x4000  }
.Ltmp3:
0x26: {  	[sflag:s13] =	ssyncset.done $0x0;
	(pc) =	sbr.rel @!p1 .LBB2_4-.Ltmp3, $4  }
0x27: {  	[sflag:s13] =	ssyncadd.s32 $0xFFFFC000  }
0x28: {  	[spmem:s2] =	stream.indirect.scatter.add.f32 [tilespmem:s15], [sflag:$0x1], $0x80, s14, s16, $0xb8;
	[tilespmem:$0x17C80] =	vst v63  }
0x29: {  	_ =	swait.ge [sflag:s13], $0x4000  }
0x2a: {  	s19 =	sadd.s32 $0x800, s11;
	s20 =	smov.u32 s10;
	[sflag:s13] =	ssyncset.done $0x0  }
.LBB2_3:
0x2b: {  	s18 =	sadd.s32 $0x1, s18;
	[sflag:s13] =	ssyncadd.s32 $0xFFFFC000;
	s20 =	sadd.s32 $0x10, s20  }
0x2c: {  	[tilespmem:s14], [sflag:$0x1] =	stream.linear.gather [hbm4b:s20+s3], $0x80, $0x38;
	[tilespmem:$0x17C80] =	vst v63  }
0x2d: {  	p1 =	slt.u32 s18, s4;
	_ =	swait.ge [sflag:s13], $0x80  }
0x2e: {  	[sflag:s13] =	ssyncset.done $0x0  }
0x2f: {  	[sflag:s13] =	ssyncadd.s32 $0xFFFFFF80  }
0x30: {  	[tilespmem:s15], [sflag:$0x1] =	stream.linear.gather [hbm4b:s19+s3], $0x4000, $0x38;
	[tilespmem:$0x17C80] =	vst v63  }
0x31: {  	_ =	swait.ge [sflag:s13], $0x4000  }
.Ltmp4:
0x32: {  	[sflag:s13] =	ssyncset.done $0x0;
	(pc) =	sbr.rel @p1 .LBB2_3-.Ltmp4, $4  }
0x33: {  	[sflag:s13] =	ssyncadd.s32 $0xFFFFC000  }
0x34: {  	[spmem:s2] =	stream.indirect.scatter.add.f32 [tilespmem:s15], [sflag:$0x1], $0x80, s14, s16, $0xb8;
	[tilespmem:$0x17C80] =	vst v63  }
0x35: {  	_ =	swait.ge [sflag:s13], $0x4000  }
0x36: {  	s19 =	sadd.s32 $0x800, s19;
	[sflag:s13] =	ssyncset.done $0x0  }
.Ltmp5:
0x37: {  	_ = 	snop;
	(pc) =	sbr.rel .LBB2_4-.Ltmp5, $1  }
0x38: {  	_ =	sdelay $0x3  }
.LBB2_6:
0x39: {  	_ =	sfence.sel $0x180000  }
0x3a: {  	[bflag:$0x0] =	sbarrier.arrive $0xFFFF  }
0x3b: {  	p0 =	sne.s32 s0, $0x0;
	_ =	strace $0x90000053  }
0x3c: {  	s0 =	sadd.s32 @!p0 $0x100000, s1;
	[bflag:$0x2] =	sbarrier.arrive $0xFFFF  }
0x3d: {  	[sflag:s0] =	ssyncadd.tile.s32 @!p0 $0x1;
	_ =	shalt  }
.Lfunc_end2:
_tile_overlayer_lowered:
.L_overlay_start_2:
0x3e: {  	(tag) =	ssettag $0x2  }
0x3f: {  	s0 =	rddreg [dreg:$0x0];
	s2 =	stileid.u32  }
0x40: {  	s1 =	rddreg [dreg:$0x1];
	p0 =	sne.s32 s2, $0x0  }
0x41: {  	s3 =	rddreg [dreg:$0x2];
	[bflag:$0x3] =	sbarrier.arrive $0xFFFF;
	s2 =	simm.s32 @!p0 $0x1C01  }
0x42: {  	[timem:s3], [sflag:s2] =	dma.local @!p0 [hbm:s0], s1  }
0x43: {  	s0 =	simm.s32 @!p0 $0x1  }
0x44: {  	_ =	swait.ge @!p0 [sflag:s0], s1  }
0x45: {  	s1 =	ssub.s32 @!p0 $0x0, s1;
	[sflag:s0] =	ssyncset.done @!p0 $0x0  }
0x46: {  	[sflag:s0] =	ssyncadd.s32 @!p0 s1  }
0x47: {  	[bflag:$0x3] =	sbarrier.arrive $0xFFFF  }
0x48: {  	_ =	shalt  }

</sc_bundles>
